<compile_context>
chip_gen: v7x
topology: tpu7x:2x2x1
jax: 0.10.2.dev20260603
libtpu: 0.0.44.dev20260713+nightly
codegen_flags: <defaults>
</compile_context>

<pallas_src>
import functools

import jax
import jax.numpy as jnp
from jax import lax
from jax.experimental import pallas as pl
from jax.experimental.pallas import tpu as pltpu
from jax.experimental.pallas import tpu_sc as plsc

LANES = 128
NC, NS = 2, 16
NW = NC * NS


def _mesh():
    return plsc.VectorSubcoreMesh(core_axis_name="c", subcore_axis_name="s")


def _degree_kernel(n_pad, n_batches):
    @functools.partial(
        pl.kernel,
        mesh=_mesh(),
        out_type=jax.ShapeDtypeStruct((NC, n_pad), jnp.float32),
        scratch_types=[
            pltpu.VMEM((n_batches, LANES), jnp.int32),
            pltpu.VMEM((LANES,), jnp.float32),
            pltpu.VMEM_SHARED((n_pad,), jnp.float32),
        ],
    )
    def k(dst_hbm, zero1_hbm, out_hbm, dst_v, ones_v, acc):
        cid = lax.axis_index("c")
        sid = lax.axis_index("s")
        wid = sid * NC + cid

        @pl.when(sid == 0)
        def _():
            pltpu.sync_copy(zero1_hbm, acc)

        for i in range(LANES // 16):
            ones_v[pl.ds(16 * i, 16)] = jnp.ones((16,), jnp.float32)
        pltpu.sync_copy(dst_hbm.at[wid], dst_v)
        plsc.subcore_barrier()

        def body(b, carry):
            pltpu.sync_copy(ones_v, acc.at[dst_v.at[b]], add=True)
            return carry

        lax.fori_loop(0, n_batches, body, 0)
        plsc.subcore_barrier()

        @pl.when(sid == 0)
        def _():
            pltpu.sync_copy(acc, out_hbm.at[cid])

    return k


CHUNK = 16
NBUF = 4


def _spmm_kernel(n_pad, f, nc0, nc1, batch):
    rows_per = n_pad // NS

    @functools.partial(
        pl.kernel,
        mesh=_mesh(),
        out_type=jax.ShapeDtypeStruct((NC, n_pad, f), jnp.float32),
        scratch_types=[
            pltpu.VMEM((CHUNK, batch), jnp.int32),
            pltpu.VMEM((CHUNK, batch), jnp.int32),
        ] + [pltpu.VMEM((batch, f), jnp.float32) for _ in range(NBUF)]
          + [
            pltpu.VMEM_SHARED((n_pad, f), jnp.float32),
        ] + [pltpu.SemaphoreType.DMA for _ in range(NBUF)],
    )
    def k(src_hbm, dst_hbm, u_hbm, zero_hbm, out_hbm, src_v, dst_v, *rest):
        bufs = rest[:NBUF]
        acc = rest[NBUF]
        sems = rest[NBUF + 1:]
        cid = lax.axis_index("c")
        sid = lax.axis_index("s")
        wid = sid * NC + cid
        sl = pl.ds(sid * rows_per, rows_per)
        n_local = jnp.where(cid == 0, nc0, nc1)

        pltpu.sync_copy(zero_hbm.at[sl], acc.at[sl])
        plsc.subcore_barrier()

        def chunk_body(ci, carry):
            pltpu.sync_copy(src_hbm.at[wid, ci], src_v)
            pltpu.sync_copy(dst_hbm.at[wid, ci], dst_v)
            for j in range(NBUF):
                pltpu.async_copy(u_hbm.at[src_v.at[j]], bufs[j], sems[j])
            for g in range(0, CHUNK, NBUF):
                for j in range(NBUF):
                    b = g + j
                    pltpu.make_async_copy(
                        u_hbm.at[src_v.at[b]], bufs[j], sems[j]).wait()
                    pltpu.sync_copy(bufs[j], acc.at[dst_v.at[b]], add=True)
                    if b + NBUF < CHUNK:
                        pltpu.async_copy(
                            u_hbm.at[src_v.at[b + NBUF]], bufs[j], sems[j])
            return carry

        lax.fori_loop(0, n_local, chunk_body, 0)
        plsc.subcore_barrier()
        pltpu.sync_copy(acc.at[sl], out_hbm.at[cid, sl])

    return k


def _k2_body(x_ref, w_ref, deg_ref, xw_ref, u1_ref, dis_ref):
    xw = jnp.dot(x_ref[...], w_ref[...], preferred_element_type=jnp.float32)
    d = deg_ref[0] + deg_ref[1] + 1.0
    dis = lax.rsqrt(d)
    xw_ref[...] = xw
    u1_ref[...] = xw * dis
    dis_ref[...] = dis


def _k4_body(t_ref, xw_ref, dis_ref, b_ref, h1_ref, u2_ref):
    t = t_ref[0] + t_ref[1]
    dis = dis_ref[...]
    agg = dis * t + (dis * dis) * xw_ref[...]
    h1 = jnp.maximum(agg + b_ref[...], 0.0)
    h1_ref[...] = h1
    u2_ref[...] = dis * h1


def _k6_body(t_ref, h_ref, dis_ref, w_ref, b_ref, o_ref):
    t = t_ref[0] + t_ref[1]
    dis = dis_ref[...]
    agg = dis * t + (dis * dis) * h_ref[...]
    o_ref[...] = (
        jnp.dot(agg, w_ref[...], preferred_element_type=jnp.float32) + b_ref[...]
    )


def kernel(x, edge_index, W1, b1, W2, b2):
    n, f = x.shape
    e = edge_index.shape[1]
    o = W2.shape[1]

    n_pad = 10240
    batch_sp = 64
    e_chunk = CHUNK * batch_sp
    n_chunks = -(-e // (NW * e_chunk))
    e_pad = NW * e_chunk * n_chunks
    per_tile_batches = e_pad // (NW * LANES)

    src = edge_index[0].astype(jnp.int32)
    dst = edge_index[1].astype(jnp.int32)
    fill = n + jnp.arange(e_pad - e, dtype=jnp.int32) % (n_pad - n)
    src_f = jnp.concatenate([src, fill])
    dst_f = jnp.concatenate([dst, fill])
    src_r = src_f.reshape(NW, per_tile_batches, LANES)
    dst_r = dst_f.reshape(NW, per_tile_batches, LANES)

    nc0, nc1 = 10, 10
    assert NS * (nc0 + nc1) * e_chunk >= e
    ncmax = max(nc0, nc1)
    q0, q1 = nc0 * e_chunk, nc1 * e_chunk
    f0 = NS * q0

    def _split(flat):
        parts = []
        pad1 = jnp.zeros((ncmax * e_chunk - q1,), jnp.int32)
        for w in range(NW):
            k = w // NC
            if w % NC == 0:
                parts.append(lax.dynamic_slice(flat, (k * q0,), (q0,)))
            else:
                parts.append(jnp.concatenate(
                    [lax.dynamic_slice(flat, (f0 + k * q1,), (q1,)), pad1]))
        return jnp.stack(parts).reshape(NW, ncmax, CHUNK, batch_sp)

    src_c = _split(src_f)
    dst_c = _split(dst_f)

    x_pad = jnp.pad(x, ((0, n_pad - n), (0, 0)))
    zero1 = jnp.zeros((n_pad,), jnp.float32)
    zero2 = jnp.zeros((n_pad, f), jnp.float32)

    deg_p = _degree_kernel(n_pad, per_tile_batches)(dst_r, zero1)
    deg3 = deg_p.reshape(NC, n_pad, 1)

    nb = 4
    blk = n_pad // nb
    xw, u1, dis = pl.pallas_call(
        _k2_body,
        grid=(nb,),
        in_specs=[
            pl.BlockSpec((blk, f), lambda i: (i, 0)),
            pl.BlockSpec((f, f), lambda i: (0, 0)),
            pl.BlockSpec((NC, blk, 1), lambda i: (0, i, 0)),
        ],
        out_specs=[
            pl.BlockSpec((blk, f), lambda i: (i, 0)),
            pl.BlockSpec((blk, f), lambda i: (i, 0)),
            pl.BlockSpec((blk, 1), lambda i: (i, 0)),
        ],
        out_shape=[
            jax.ShapeDtypeStruct((n_pad, f), jnp.float32),
            jax.ShapeDtypeStruct((n_pad, f), jnp.float32),
            jax.ShapeDtypeStruct((n_pad, 1), jnp.float32),
        ],
    )(x_pad, W1, deg3)

    tmp1 = _spmm_kernel(n_pad, f, nc0, nc1, batch_sp)(src_c, dst_c, u1, zero2)

    h1, u2 = pl.pallas_call(
        _k4_body,
        grid=(nb,),
        in_specs=[
            pl.BlockSpec((NC, blk, f), lambda i: (0, i, 0)),
            pl.BlockSpec((blk, f), lambda i: (i, 0)),
            pl.BlockSpec((blk, 1), lambda i: (i, 0)),
            pl.BlockSpec((1, f), lambda i: (0, 0)),
        ],
        out_specs=[
            pl.BlockSpec((blk, f), lambda i: (i, 0)),
            pl.BlockSpec((blk, f), lambda i: (i, 0)),
        ],
        out_shape=[
            jax.ShapeDtypeStruct((n_pad, f), jnp.float32),
            jax.ShapeDtypeStruct((n_pad, f), jnp.float32),
        ],
    )(tmp1, xw, dis, b1.reshape(1, f))

    tmp2 = _spmm_kernel(n_pad, f, nc0, nc1, batch_sp)(src_c, dst_c, u2, zero2)

    ob = 2000
    og = n // ob
    out = pl.pallas_call(
        _k6_body,
        grid=(og,),
        in_specs=[
            pl.BlockSpec((NC, ob, f), lambda i: (0, i, 0)),
            pl.BlockSpec((ob, f), lambda i: (i, 0)),
            pl.BlockSpec((ob, 1), lambda i: (i, 0)),
            pl.BlockSpec((f, o), lambda i: (0, 0)),
            pl.BlockSpec((1, o), lambda i: (0, 0)),
        ],
        out_specs=pl.BlockSpec((ob, o), lambda i: (i, 0)),
        out_shape=jax.ShapeDtypeStruct((n, o), jnp.float32),
    )(tmp2, h1, dis, W2, b2.reshape(1, o))

    return out

# --- scband reference (transcript-rebuilt; emitter-appended) ---
"""Pipeline reference for scband-gcn-11441792876681 (READ-ONLY COPY).

The authoritative reference and input builder live on the scoring server;
editing this copy changes nothing except your own understanding.
"""

import jax, jax.numpy as jnp
import numpy as np


def gcn_conv(x, edge_index, W, b):
    # Faithful PyG GCNConv: add self-loops, symmetric normalization D^-1/2 A D^-1/2, linear transform, scatter-add aggregation, bias.
    n = x.shape[0]
    loop = jnp.arange(n, dtype=edge_index.dtype)
    src = jnp.concatenate([edge_index[0], loop])
    dst = jnp.concatenate([edge_index[1], loop])
    deg = jnp.zeros((n,), dtype=x.dtype).at[dst].add(1.0)
    dis = jnp.where(deg > 0, jax.lax.rsqrt(jnp.maximum(deg, 1e-12)), 0.0)
    norm = dis[src] * dis[dst]
    h = x @ W
    msg = h[src] * norm[:, None]
    out = jnp.zeros((n, W.shape[1]), dtype=x.dtype).at[dst].add(msg)
    return out + b


def setup_inputs(seed: int = 0) -> dict:
    key = jax.random.key(seed)
    k1, k2, k3, k4, k5, k6 = jax.random.split(key, 6)
    num_features, hidden_channels, num_items = 128, 128, 1000
    n_nodes, n_edges = 10000, 320000
    x = jax.random.normal(k1, (n_nodes, num_features), dtype=jnp.float32)
    edge_index = jax.random.randint(k2, (2, n_edges), 0, n_nodes)
    s1 = 1.0 / np.sqrt(num_features)
    s2 = 1.0 / np.sqrt(hidden_channels)
    W1 = jax.random.uniform(k3, (num_features, hidden_channels), dtype=jnp.float32, minval=-s1, maxval=s1)
    b1 = jnp.zeros((hidden_channels,), dtype=jnp.float32)
    W2 = jax.random.uniform(k4, (hidden_channels, num_items), dtype=jnp.float32, minval=-s2, maxval=s2)
    b2 = jnp.zeros((num_items,), dtype=jnp.float32)
    return {"x": x, "edge_index": edge_index, "W1": W1, "b1": b1, "W2": W2, "b2": b2}


def reference(x, edge_index, W1, b1, W2, b2):
    h = jax.nn.relu(gcn_conv(x, edge_index, W1, b1))
    # dropout is identity in eval / deterministic reference
    out = gcn_conv(h, edge_index, W2, b2)
    return out

if __name__ == "__main__":
    import jax
    _d = setup_inputs()
    print(jax.jit(kernel)(*tuple(_d.values())))

</pallas_src>

<mosaic_0001>
#map = affine_map<(d0, d1) -> (0, 0, 0)>
#map1 = affine_map<(d0, d1) -> (0)>
#map2 = affine_map<(d0, d1) -> (0, 0)>
module attributes {stable_mosaic.version = 14 : i64} {
  func.func @k(%arg0: i32, %arg1: i32, %arg2: memref<32x80x128xi32, #tpu.memory_space<hbm>>, %arg3: memref<10240xf32, #tpu.memory_space<hbm>>, %arg4: memref<2x10240xf32, #tpu.memory_space<hbm>>, %arg5: memref<80x128xi32, #tpu.memory_space<vmem>>, %arg6: memref<128xf32, #tpu.memory_space<vmem>>, %arg7: memref<10240xf32, #tpu.memory_space<vmem_shared>>) attributes {dimension_semantics = [#tpu.dimension_semantics<core_parallel>, #tpu.dimension_semantics<subcore_parallel>], iteration_bounds = array<i64: 2, 16>, scalar_prefetch = 0 : i64, scratch_operands = 3 : i64, tpu.core_type = #tpu.core_type<sc_vector_subcore>, window_params = [{transform_indices = #map}, {transform_indices = #map1}, {transform_indices = #map2}]} {
    %mul3A = arith.constant 2 : i32
    %mul3A_0 = arith.muli %arg1, %mul3A : i32
    %add3A = arith.addi %mul3A_0, %arg0 : i32
    %eq3A = arith.constant 0 : i32
    %eq3A_1 = arith.cmpi eq, %arg1, %eq3A : i32
    %convert_element_type3A = arith.extui %eq3A_1 : i1 to i32
    %cond3A = arith.constant 0 : i32
    %cond3A_2 = arith.cmpi ne, %convert_element_type3A, %cond3A : i32
    scf.if %cond3A_2 {
      "tpu.region"() ({
        %run_scoped3A = tpu.sem_alloc : memref<!tpu.dma_semaphore, #tpu.memory_space<semaphore_mem>>
        tpu.enqueue_dma source(%arg3 : memref<10240xf32, #tpu.memory_space<hbm>>) target(%arg7 : memref<10240xf32, #tpu.memory_space<vmem_shared>>) target_semaphore(%run_scoped3A : memref<!tpu.dma_semaphore, #tpu.memory_space<semaphore_mem>>)
        tpu.wait_dma2 semaphore(%run_scoped3A : memref<!tpu.dma_semaphore, #tpu.memory_space<semaphore_mem>>) src(%arg3 : memref<10240xf32, #tpu.memory_space<hbm>>) dst(%arg7 : memref<10240xf32, #tpu.memory_space<vmem_shared>>)
        tpu.yield
      }) : () -> ()
    } else {
    }
    %broadcast_in_dim3A = arith.constant 1.000000e+00 : f32
    %broadcast_in_dim3A_3 = vector.broadcast %broadcast_in_dim3A : f32 to vector<16xf32>
    %swap3A = arith.constant 0 : index
    %swap3A_4 = tpu.vector_load %arg6[%swap3A] {strides = array<i32>} : memref<128xf32, #tpu.memory_space<vmem>>, vector<16xf32>,
    %swap3A_5 = vector.shape_cast %swap3A_4 : vector<16xf32> to vector<16xf32>
    %swap3A_6 = vector.shape_cast %broadcast_in_dim3A_3 : vector<16xf32> to vector<16xf32>
    tpu.vector_store %arg6[%swap3A], %swap3A_6 {strides = array<i32>} : memref<128xf32, #tpu.memory_space<vmem>>, vector<16xf32>,
    %broadcast_in_dim3A_7 = arith.constant 1.000000e+00 : f32
    %broadcast_in_dim3A_8 = vector.broadcast %broadcast_in_dim3A_7 : f32 to vector<16xf32>
    %swap3A_9 = arith.constant 16 : index
    %swap3A_10 = tpu.vector_load %arg6[%swap3A_9] {strides = array<i32>} : memref<128xf32, #tpu.memory_space<vmem>>, vector<16xf32>,
    %swap3A_11 = vector.shape_cast %swap3A_10 : vector<16xf32> to vector<16xf32>
    %swap3A_12 = vector.shape_cast %broadcast_in_dim3A_8 : vector<16xf32> to vector<16xf32>
    tpu.vector_store %arg6[%swap3A_9], %swap3A_12 {strides = array<i32>} : memref<128xf32, #tpu.memory_space<vmem>>, vector<16xf32>,
    %broadcast_in_dim3A_13 = arith.constant 1.000000e+00 : f32
    %broadcast_in_dim3A_14 = vector.broadcast %broadcast_in_dim3A_13 : f32 to vector<16xf32>
    %swap3A_15 = arith.constant 32 : index
    %swap3A_16 = tpu.vector_load %arg6[%swap3A_15] {strides = array<i32>} : memref<128xf32, #tpu.memory_space<vmem>>, vector<16xf32>,
    %swap3A_17 = vector.shape_cast %swap3A_16 : vector<16xf32> to vector<16xf32>
    %swap3A_18 = vector.shape_cast %broadcast_in_dim3A_14 : vector<16xf32> to vector<16xf32>
    tpu.vector_store %arg6[%swap3A_15], %swap3A_18 {strides = array<i32>} : memref<128xf32, #tpu.memory_space<vmem>>, vector<16xf32>,
    %broadcast_in_dim3A_19 = arith.constant 1.000000e+00 : f32
    %broadcast_in_dim3A_20 = vector.broadcast %broadcast_in_dim3A_19 : f32 to vector<16xf32>
    %swap3A_21 = arith.constant 48 : index
    %swap3A_22 = tpu.vector_load %arg6[%swap3A_21] {strides = array<i32>} : memref<128xf32, #tpu.memory_space<vmem>>, vector<16xf32>,
    %swap3A_23 = vector.shape_cast %swap3A_22 : vector<16xf32> to vector<16xf32>
    %swap3A_24 = vector.shape_cast %broadcast_in_dim3A_20 : vector<16xf32> to vector<16xf32>
    tpu.vector_store %arg6[%swap3A_21], %swap3A_24 {strides = array<i32>} : memref<128xf32, #tpu.memory_space<vmem>>, vector<16xf32>,
    %broadcast_in_dim3A_25 = arith.constant 1.000000e+00 : f32
    %broadcast_in_dim3A_26 = vector.broadcast %broadcast_in_dim3A_25 : f32 to vector<16xf32>
    %swap3A_27 = arith.constant 64 : index
    %swap3A_28 = tpu.vector_load %arg6[%swap3A_27] {strides = array<i32>} : memref<128xf32, #tpu.memory_space<vmem>>, vector<16xf32>,
    %swap3A_29 = vector.shape_cast %swap3A_28 : vector<16xf32> to vector<16xf32>
    %swap3A_30 = vector.shape_cast %broadcast_in_dim3A_26 : vector<16xf32> to vector<16xf32>
    tpu.vector_store %arg6[%swap3A_27], %swap3A_30 {strides = array<i32>} : memref<128xf32, #tpu.memory_space<vmem>>, vector<16xf32>,
    %broadcast_in_dim3A_31 = arith.constant 1.000000e+00 : f32
    %broadcast_in_dim3A_32 = vector.broadcast %broadcast_in_dim3A_31 : f32 to vector<16xf32>
    %swap3A_33 = arith.constant 80 : index
    %swap3A_34 = tpu.vector_load %arg6[%swap3A_33] {strides = array<i32>} : memref<128xf32, #tpu.memory_space<vmem>>, vector<16xf32>,
    %swap3A_35 = vector.shape_cast %swap3A_34 : vector<16xf32> to vector<16xf32>
    %swap3A_36 = vector.shape_cast %broadcast_in_dim3A_32 : vector<16xf32> to vector<16xf32>
    tpu.vector_store %arg6[%swap3A_33], %swap3A_36 {strides = array<i32>} : memref<128xf32, #tpu.memory_space<vmem>>, vector<16xf32>,
    %broadcast_in_dim3A_37 = arith.constant 1.000000e+00 : f32
    %broadcast_in_dim3A_38 = vector.broadcast %broadcast_in_dim3A_37 : f32 to vector<16xf32>
    %swap3A_39 = arith.constant 96 : index
    %swap3A_40 = tpu.vector_load %arg6[%swap3A_39] {strides = array<i32>} : memref<128xf32, #tpu.memory_space<vmem>>, vector<16xf32>,
    %swap3A_41 = vector.shape_cast %swap3A_40 : vector<16xf32> to vector<16xf32>
    %swap3A_42 = vector.shape_cast %broadcast_in_dim3A_38 : vector<16xf32> to vector<16xf32>
    tpu.vector_store %arg6[%swap3A_39], %swap3A_42 {strides = array<i32>} : memref<128xf32, #tpu.memory_space<vmem>>, vector<16xf32>,
    %broadcast_in_dim3A_43 = arith.constant 1.000000e+00 : f32
    %broadcast_in_dim3A_44 = vector.broadcast %broadcast_in_dim3A_43 : f32 to vector<16xf32>
    %swap3A_45 = arith.constant 112 : index
    %swap3A_46 = tpu.vector_load %arg6[%swap3A_45] {strides = array<i32>} : memref<128xf32, #tpu.memory_space<vmem>>, vector<16xf32>,
    %swap3A_47 = vector.shape_cast %swap3A_46 : vector<16xf32> to vector<16xf32>
    %swap3A_48 = vector.shape_cast %broadcast_in_dim3A_44 : vector<16xf32> to vector<16xf32>
    tpu.vector_store %arg6[%swap3A_45], %swap3A_48 {strides = array<i32>} : memref<128xf32, #tpu.memory_space<vmem>>, vector<16xf32>,
    "tpu.region"() ({
      %run_scoped3A = tpu.sem_alloc : memref<!tpu.dma_semaphore, #tpu.memory_space<semaphore_mem>>
      %dma_start3A = arith.constant 0 : i32
      %dma_start3A_60 = arith.constant 0 : i32
      %dma_start3A_61 = tpu.memref_slice %arg2[%add3A, %dma_start3A, %dma_start3A_60] : memref<32x80x128xi32, #tpu.memory_space<hbm>> -> memref<1x80x128xi32, #tpu.memory_space<hbm>>
      %dma_start3A_62 = tpu.memref_squeeze %dma_start3A_61 : memref<1x80x128xi32, #tpu.memory_space<hbm>> -> memref<80x128xi32, #tpu.memory_space<hbm>>
      %dma_start3A_63 = arith.constant 0 : i32
      %dma_start3A_64 = arith.constant 0 : i32
      %dma_start3A_65 = tpu.memref_slice %arg2[%add3A, %dma_start3A_63, %dma_start3A_64] : memref<32x80x128xi32, #tpu.memory_space<hbm>> -> memref<1x80x128xi32, #tpu.memory_space<hbm>>
      %dma_start3A_66 = tpu.memref_squeeze %dma_start3A_65 : memref<1x80x128xi32, #tpu.memory_space<hbm>> -> memref<80x128xi32, #tpu.memory_space<hbm>>
      tpu.enqueue_dma source(%dma_start3A_66 : memref<80x128xi32, #tpu.memory_space<hbm>>) target(%arg5 : memref<80x128xi32, #tpu.memory_space<vmem>>) target_semaphore(%run_scoped3A : memref<!tpu.dma_semaphore, #tpu.memory_space<semaphore_mem>>)
      %dma_wait3A = arith.constant 0 : i32
      %dma_wait3A_67 = arith.constant 0 : i32
      %dma_wait3A_68 = tpu.memref_slice %arg2[%add3A, %dma_wait3A, %dma_wait3A_67] : memref<32x80x128xi32, #tpu.memory_space<hbm>> -> memref<1x80x128xi32, #tpu.memory_space<hbm>>
      %dma_wait3A_69 = tpu.memref_squeeze %dma_wait3A_68 : memref<1x80x128xi32, #tpu.memory_space<hbm>> -> memref<80x128xi32, #tpu.memory_space<hbm>>
      %dma_wait3A_70 = arith.constant 0 : i32
      %dma_wait3A_71 = arith.constant 0 : i32
      %dma_wait3A_72 = tpu.memref_slice %arg2[%add3A, %dma_wait3A_70, %dma_wait3A_71] : memref<32x80x128xi32, #tpu.memory_space<hbm>> -> memref<1x80x128xi32, #tpu.memory_space<hbm>>
      %dma_wait3A_73 = tpu.memref_squeeze %dma_wait3A_72 : memref<1x80x128xi32, #tpu.memory_space<hbm>> -> memref<80x128xi32, #tpu.memory_space<hbm>>
      tpu.wait_dma2 semaphore(%run_scoped3A : memref<!tpu.dma_semaphore, #tpu.memory_space<semaphore_mem>>) src(%dma_wait3A_73 : memref<80x128xi32, #tpu.memory_space<hbm>>) dst(%arg5 : memref<80x128xi32, #tpu.memory_space<vmem>>)
      tpu.yield
    }) : () -> ()
    %barrier3A = arith.constant 0 : index
    tpu.barrier barrier_id(%barrier3A)
    %scan3A = arith.constant 0 : i32
    %scan3A_49 = arith.constant 0 : i32
    %scan3A_50 = arith.constant 80 : i32
    %scan3A_51 = arith.addi %scan3A_49, %scan3A_50 : i32
    %scan3A_52 = arith.constant 1 : i32
    scf.for %scan3A_60 = %scan3A_49 to %scan3A_51 step %scan3A_52  : i32 {
      "tpu.region"() ({
        %run_scoped3A = tpu.sem_alloc : memref<!tpu.dma_semaphore, #tpu.memory_space<semaphore_mem>>
        %dma_start3A = arith.constant 0 : i32
        %dma_start3A_61 = tpu.memref_slice %arg5[%scan3A_60, %dma_start3A] : memref<80x128xi32, #tpu.memory_space<vmem>> -> memref<1x128xi32, #tpu.memory_space<vmem>>
        %dma_start3A_62 = tpu.memref_squeeze %dma_start3A_61 : memref<1x128xi32, #tpu.memory_space<vmem>> -> memref<128xi32, #tpu.memory_space<vmem>>
        %dma_start3A_63 = arith.constant 0 : i32
        %dma_start3A_64 = tpu.memref_slice %arg7[%dma_start3A_63] : memref<10240xf32, #tpu.memory_space<vmem_shared>> -> memref<10240xf32, #tpu.memory_space<vmem_shared>>
        tpu.enqueue_indirect_dma source(%arg6 : memref<128xf32, #tpu.memory_space<vmem>>) target(%dma_start3A_64 : memref<10240xf32, #tpu.memory_space<vmem_shared>>) offsets(%dma_start3A_62 : memref<128xi32, #tpu.memory_space<vmem>>) semaphore(%run_scoped3A : memref<!tpu.dma_semaphore, #tpu.memory_space<semaphore_mem>>) {add = true}
        %dma_wait3A = arith.constant 0 : i32
        %dma_wait3A_65 = tpu.memref_slice %arg5[%scan3A_60, %dma_wait3A] : memref<80x128xi32, #tpu.memory_space<vmem>> -> memref<1x128xi32, #tpu.memory_space<vmem>>
        %dma_wait3A_66 = tpu.memref_squeeze %dma_wait3A_65 : memref<1x128xi32, #tpu.memory_space<vmem>> -> memref<128xi32, #tpu.memory_space<vmem>>
        %dma_wait3A_67 = arith.constant 0 : i32
        %dma_wait3A_68 = tpu.memref_slice %arg7[%dma_wait3A_67] : memref<10240xf32, #tpu.memory_space<vmem_shared>> -> memref<10240xf32, #tpu.memory_space<vmem_shared>>
        tpu.wait_indirect_dma semaphore(%run_scoped3A : memref<!tpu.dma_semaphore, #tpu.memory_space<semaphore_mem>>) src(%arg6 : memref<128xf32, #tpu.memory_space<vmem>>) dst(%dma_wait3A_68 : memref<10240xf32, #tpu.memory_space<vmem_shared>>)
        tpu.yield
      }) : () -> ()
    }
    %scan3A_53 = arith.constant 80 : i32
    %barrier3A_54 = arith.constant 0 : index
    tpu.barrier barrier_id(%barrier3A_54)
    %eq3A_55 = arith.constant 0 : i32
    %eq3A_56 = arith.cmpi eq, %arg1, %eq3A_55 : i32
    %convert_element_type3A_57 = arith.extui %eq3A_56 : i1 to i32
    %cond3A_58 = arith.constant 0 : i32
    %cond3A_59 = arith.cmpi ne, %convert_element_type3A_57, %cond3A_58 : i32
    scf.if %cond3A_59 {
      "tpu.region"() ({
        %run_scoped3A = tpu.sem_alloc : memref<!tpu.dma_semaphore, #tpu.memory_space<semaphore_mem>>
        %dma_start3A = arith.constant 0 : i32
        %dma_start3A_60 = tpu.memref_slice %arg4[%arg0, %dma_start3A] : memref<2x10240xf32, #tpu.memory_space<hbm>> -> memref<1x10240xf32, #tpu.memory_space<hbm>>
        %dma_start3A_61 = tpu.memref_squeeze %dma_start3A_60 : memref<1x10240xf32, #tpu.memory_space<hbm>> -> memref<10240xf32, #tpu.memory_space<hbm>>
        tpu.enqueue_dma source(%arg7 : memref<10240xf32, #tpu.memory_space<vmem_shared>>) target(%dma_start3A_61 : memref<10240xf32, #tpu.memory_space<hbm>>) target_semaphore(%run_scoped3A : memref<!tpu.dma_semaphore, #tpu.memory_space<semaphore_mem>>)
        %dma_wait3A = arith.constant 0 : i32
        %dma_wait3A_62 = tpu.memref_slice %arg4[%arg0, %dma_wait3A] : memref<2x10240xf32, #tpu.memory_space<hbm>> -> memref<1x10240xf32, #tpu.memory_space<hbm>>
        %dma_wait3A_63 = tpu.memref_squeeze %dma_wait3A_62 : memref<1x10240xf32, #tpu.memory_space<hbm>> -> memref<10240xf32, #tpu.memory_space<hbm>>
        tpu.wait_dma2 semaphore(%run_scoped3A : memref<!tpu.dma_semaphore, #tpu.memory_space<semaphore_mem>>) src(%arg7 : memref<10240xf32, #tpu.memory_space<vmem_shared>>) dst(%dma_wait3A_63 : memref<10240xf32, #tpu.memory_space<hbm>>)
        tpu.yield
      }) : () -> ()
    } else {
    }
    return
  }
}

#map = affine_map<(d0, d1) -> (0, 0, 0, 0)>
#map1 = affine_map<(d0, d1) -> (0, 0)>
#map2 = affine_map<(d0, d1) -> (0, 0, 0)>
module attributes {stable_mosaic.version = 14 : i64} {
  func.func @k(%arg0: i32, %arg1: i32, %arg2: memref<32x10x16x64xi32, #tpu.memory_space<hbm>>, %arg3: memref<32x10x16x64xi32, #tpu.memory_space<hbm>>, %arg4: memref<10240x128xf32, #tpu.memory_space<hbm>>, %arg5: memref<10240x128xf32, #tpu.memory_space<hbm>>, %arg6: memref<2x10240x128xf32, #tpu.memory_space<hbm>>, %arg7: memref<16x64xi32, #tpu.memory_space<vmem>>, %arg8: memref<16x64xi32, #tpu.memory_space<vmem>>, %arg9: memref<64x128xf32, #tpu.memory_space<vmem>>, %arg10: memref<64x128xf32, #tpu.memory_space<vmem>>, %arg11: memref<64x128xf32, #tpu.memory_space<vmem>>, %arg12: memref<64x128xf32, #tpu.memory_space<vmem>>, %arg13: memref<10240x128xf32, #tpu.memory_space<vmem_shared>>, %arg14: memref<!tpu.dma_semaphore, #tpu.memory_space<semaphore_mem>>, %arg15: memref<!tpu.dma_semaphore, #tpu.memory_space<semaphore_mem>>, %arg16: memref<!tpu.dma_semaphore, #tpu.memory_space<semaphore_mem>>, %arg17: memref<!tpu.dma_semaphore, #tpu.memory_space<semaphore_mem>>) attributes {dimension_semantics = [#tpu.dimension_semantics<core_parallel>, #tpu.dimension_semantics<subcore_parallel>], iteration_bounds = array<i64: 2, 16>, scalar_prefetch = 0 : i64, scratch_operands = 11 : i64, tpu.core_type = #tpu.core_type<sc_vector_subcore>, window_params = [{transform_indices = #map}, {transform_indices = #map}, {transform_indices = #map1}, {transform_indices = #map1}, {transform_indices = #map2}]} {
    %mul3A = arith.constant 2 : i32
    %mul3A_0 = arith.muli %arg1, %mul3A : i32
    %add3A = arith.addi %mul3A_0, %arg0 : i32
    %mul3A_1 = arith.constant 640 : i32
    %mul3A_2 = arith.muli %arg1, %mul3A_1 : i32
    %eq3A = arith.constant 0 : i32
    %eq3A_3 = arith.cmpi eq, %arg0, %eq3A : i32
    %jit3A = arith.constant 10 : i32
    %jit3A_4 = arith.constant 10 : i32
    %select_n3A = arith.select %eq3A_3, %jit3A, %jit3A_4 : i32
    "tpu.region"() ({
      %run_scoped3A = tpu.sem_alloc : memref<!tpu.dma_semaphore, #tpu.memory_space<semaphore_mem>>
      %dma_start3A = arith.constant 0 : i32
      %dma_start3A_15 = tpu.memref_slice %arg13[%mul3A_2, %dma_start3A] : memref<10240x128xf32, #tpu.memory_space<vmem_shared>> -> memref<640x128xf32, #tpu.memory_space<vmem_shared>>
      %dma_start3A_16 = arith.constant 0 : i32
      %dma_start3A_17 = tpu.memref_slice %arg5[%mul3A_2, %dma_start3A_16] : memref<10240x128xf32, #tpu.memory_space<hbm>> -> memref<640x128xf32, #tpu.memory_space<hbm>>
      tpu.enqueue_dma source(%dma_start3A_17 : memref<640x128xf32, #tpu.memory_space<hbm>>) target(%dma_start3A_15 : memref<640x128xf32, #tpu.memory_space<vmem_shared>>) target_semaphore(%run_scoped3A : memref<!tpu.dma_semaphore, #tpu.memory_space<semaphore_mem>>)
      %dma_wait3A = arith.constant 0 : i32
      %dma_wait3A_18 = tpu.memref_slice %arg13[%mul3A_2, %dma_wait3A] : memref<10240x128xf32, #tpu.memory_space<vmem_shared>> -> memref<640x128xf32, #tpu.memory_space<vmem_shared>>
      %dma_wait3A_19 = arith.constant 0 : i32
      %dma_wait3A_20 = tpu.memref_slice %arg5[%mul3A_2, %dma_wait3A_19] : memref<10240x128xf32, #tpu.memory_space<hbm>> -> memref<640x128xf32, #tpu.memory_space<hbm>>
      tpu.wait_dma2 semaphore(%run_scoped3A : memref<!tpu.dma_semaphore, #tpu.memory_space<semaphore_mem>>) src(%dma_wait3A_20 : memref<640x128xf32, #tpu.memory_space<hbm>>) dst(%dma_wait3A_18 : memref<640x128xf32, #tpu.memory_space<vmem_shared>>)
      tpu.yield
    }) : () -> ()
    %barrier3A = arith.constant 0 : index
    tpu.barrier barrier_id(%barrier3A)
    %while3A = arith.constant 0 : i32
    %while3A_5 = arith.constant 0 : i32
    %while3A_6 = arith.subi %select_n3A, %while3A_5 : i32
    %while3A_7 = arith.addi %while3A_5, %while3A_6 : i32
    %while3A_8 = arith.constant 1 : i32
    %while3A_9 = arith.divsi %while3A_6, %while3A_8 : i32
    %while3A_10 = arith.muli %while3A_9, %while3A_8 : i32
    %while3A_11 = arith.addi %while3A_5, %while3A_10 : i32
    %while3A_12 = arith.constant 1 : i32
    scf.for %while3A_15 = %while3A_5 to %while3A_11 step %while3A_12  : i32 {
      "tpu.region"() ({
        %run_scoped3A_253 = tpu.sem_alloc : memref<!tpu.dma_semaphore, #tpu.memory_space<semaphore_mem>>
        %dma_start3A_254 = arith.constant 0 : i32
        %dma_start3A_255 = arith.constant 0 : i32
        %dma_start3A_256 = tpu.memref_slice %arg2[%add3A, %while3A_15, %dma_start3A_254, %dma_start3A_255] : memref<32x10x16x64xi32, #tpu.memory_space<hbm>> -> memref<1x1x16x64xi32, #tpu.memory_space<hbm>>
        %dma_start3A_257 = tpu.memref_squeeze %dma_start3A_256 : memref<1x1x16x64xi32, #tpu.memory_space<hbm>> -> memref<16x64xi32, #tpu.memory_space<hbm>>
        %dma_start3A_258 = arith.constant 0 : i32
        %dma_start3A_259 = arith.constant 0 : i32
        %dma_start3A_260 = tpu.memref_slice %arg2[%add3A, %while3A_15, %dma_start3A_258, %dma_start3A_259] : memref<32x10x16x64xi32, #tpu.memory_space<hbm>> -> memref<1x1x16x64xi32, #tpu.memory_space<hbm>>
        %dma_start3A_261 = tpu.memref_squeeze %dma_start3A_260 : memref<1x1x16x64xi32, #tpu.memory_space<hbm>> -> memref<16x64xi32, #tpu.memory_space<hbm>>
        tpu.enqueue_dma source(%dma_start3A_261 : memref<16x64xi32, #tpu.memory_space<hbm>>) target(%arg7 : memref<16x64xi32, #tpu.memory_space<vmem>>) target_semaphore(%run_scoped3A_253 : memref<!tpu.dma_semaphore, #tpu.memory_space<semaphore_mem>>)
        %dma_wait3A_262 = arith.constant 0 : i32
        %dma_wait3A_263 = arith.constant 0 : i32
        %dma_wait3A_264 = tpu.memref_slice %arg2[%add3A, %while3A_15, %dma_wait3A_262, %dma_wait3A_263] : memref<32x10x16x64xi32, #tpu.memory_space<hbm>> -> memref<1x1x16x64xi32, #tpu.memory_space<hbm>>
        %dma_wait3A_265 = tpu.memref_squeeze %dma_wait3A_264 : memref<1x1x16x64xi32, #tpu.memory_space<hbm>> -> memref<16x64xi32, #tpu.memory_space<hbm>>
        %dma_wait3A_266 = arith.constant 0 : i32
        %dma_wait3A_267 = arith.constant 0 : i32
        %dma_wait3A_268 = tpu.memref_slice %arg2[%add3A, %while3A_15, %dma_wait3A_266, %dma_wait3A_267] : memref<32x10x16x64xi32, #tpu.memory_space<hbm>> -> memref<1x1x16x64xi32, #tpu.memory_space<hbm>>
        %dma_wait3A_269 = tpu.memref_squeeze %dma_wait3A_268 : memref<1x1x16x64xi32, #tpu.memory_space<hbm>> -> memref<16x64xi32, #tpu.memory_space<hbm>>
        tpu.wait_dma2 semaphore(%run_scoped3A_253 : memref<!tpu.dma_semaphore, #tpu.memory_space<semaphore_mem>>) src(%dma_wait3A_269 : memref<16x64xi32, #tpu.memory_space<hbm>>) dst(%arg7 : memref<16x64xi32, #tpu.memory_space<vmem>>)
        tpu.yield
      }) : () -> ()
      "tpu.region"() ({
        %run_scoped3A_253 = tpu.sem_alloc : memref<!tpu.dma_semaphore, #tpu.memory_space<semaphore_mem>>
        %dma_start3A_254 = arith.constant 0 : i32
        %dma_start3A_255 = arith.constant 0 : i32
        %dma_start3A_256 = tpu.memref_slice %arg3[%add3A, %while3A_15, %dma_start3A_254, %dma_start3A_255] : memref<32x10x16x64xi32, #tpu.memory_space<hbm>> -> memref<1x1x16x64xi32, #tpu.memory_space<hbm>>
        %dma_start3A_257 = tpu.memref_squeeze %dma_start3A_256 : memref<1x1x16x64xi32, #tpu.memory_space<hbm>> -> memref<16x64xi32, #tpu.memory_space<hbm>>
        %dma_start3A_258 = arith.constant 0 : i32
        %dma_start3A_259 = arith.constant 0 : i32
        %dma_start3A_260 = tpu.memref_slice %arg3[%add3A, %while3A_15, %dma_start3A_258, %dma_start3A_259] : memref<32x10x16x64xi32, #tpu.memory_space<hbm>> -> memref<1x1x16x64xi32, #tpu.memory_space<hbm>>
        %dma_start3A_261 = tpu.memref_squeeze %dma_start3A_260 : memref<1x1x16x64xi32, #tpu.memory_space<hbm>> -> memref<16x64xi32, #tpu.memory_space<hbm>>
        tpu.enqueue_dma source(%dma_start3A_261 : memref<16x64xi32, #tpu.memory_space<hbm>>) target(%arg8 : memref<16x64xi32, #tpu.memory_space<vmem>>) target_semaphore(%run_scoped3A_253 : memref<!tpu.dma_semaphore, #tpu.memory_space<semaphore_mem>>)
        %dma_wait3A_262 = arith.constant 0 : i32
        %dma_wait3A_263 = arith.constant 0 : i32
        %dma_wait3A_264 = tpu.memref_slice %arg3[%add3A, %while3A_15, %dma_wait3A_262, %dma_wait3A_263] : memref<32x10x16x64xi32, #tpu.memory_space<hbm>> -> memref<1x1x16x64xi32, #tpu.memory_space<hbm>>
        %dma_wait3A_265 = tpu.memref_squeeze %dma_wait3A_264 : memref<1x1x16x64xi32, #tpu.memory_space<hbm>> -> memref<16x64xi32, #tpu.memory_space<hbm>>
        %dma_wait3A_266 = arith.constant 0 : i32
        %dma_wait3A_267 = arith.constant 0 : i32
        %dma_wait3A_268 = tpu.memref_slice %arg3[%add3A, %while3A_15, %dma_wait3A_266, %dma_wait3A_267] : memref<32x10x16x64xi32, #tpu.memory_space<hbm>> -> memref<1x1x16x64xi32, #tpu.memory_space<hbm>>
        %dma_wait3A_269 = tpu.memref_squeeze %dma_wait3A_268 : memref<1x1x16x64xi32, #tpu.memory_space<hbm>> -> memref<16x64xi32, #tpu.memory_space<hbm>>
        tpu.wait_dma2 semaphore(%run_scoped3A_253 : memref<!tpu.dma_semaphore, #tpu.memory_space<semaphore_mem>>) src(%dma_wait3A_269 : memref<16x64xi32, #tpu.memory_space<hbm>>) dst(%arg8 : memref<16x64xi32, #tpu.memory_space<vmem>>)
        tpu.yield
      }) : () -> ()
      %dma_start3A = arith.constant 0 : i32
      %dma_start3A_16 = arith.constant 0 : i32
      %dma_start3A_17 = tpu.memref_slice %arg7[%dma_start3A, %dma_start3A_16] : memref<16x64xi32, #tpu.memory_space<vmem>> -> memref<1x64xi32, #tpu.memory_space<vmem>>
      %dma_start3A_18 = tpu.memref_squeeze %dma_start3A_17 : memref<1x64xi32, #tpu.memory_space<vmem>> -> memref<64xi32, #tpu.memory_space<vmem>>
      %dma_start3A_19 = arith.constant 0 : i32
      %dma_start3A_20 = arith.constant 0 : i32
      %dma_start3A_21 = tpu.memref_slice %arg4[%dma_start3A_19, %dma_start3A_20] : memref<10240x128xf32, #tpu.memory_space<hbm>> -> memref<10240x128xf32, #tpu.memory_space<hbm>>
      tpu.enqueue_indirect_dma source(%dma_start3A_21 : memref<10240x128xf32, #tpu.memory_space<hbm>>) target(%arg9 : memref<64x128xf32, #tpu.memory_space<vmem>>) offsets(%dma_start3A_18 : memref<64xi32, #tpu.memory_space<vmem>>) semaphore(%arg14 : memref<!tpu.dma_semaphore, #tpu.memory_space<semaphore_mem>>)
      %dma_start3A_22 = arith.constant 1 : i32
      %dma_start3A_23 = arith.constant 0 : i32
      %dma_start3A_24 = tpu.memref_slice %arg7[%dma_start3A_22, %dma_start3A_23] : memref<16x64xi32, #tpu.memory_space<vmem>> -> memref<1x64xi32, #tpu.memory_space<vmem>>
      %dma_start3A_25 = tpu.memref_squeeze %dma_start3A_24 : memref<1x64xi32, #tpu.memory_space<vmem>> -> memref<64xi32, #tpu.memory_space<vmem>>
      %dma_start3A_26 = arith.constant 0 : i32
      %dma_start3A_27 = arith.constant 0 : i32
      %dma_start3A_28 = tpu.memref_slice %arg4[%dma_start3A_26, %dma_start3A_27] : memref<10240x128xf32, #tpu.memory_space<hbm>> -> memref<10240x128xf32, #tpu.memory_space<hbm>>
      tpu.enqueue_indirect_dma source(%dma_start3A_28 : memref<10240x128xf32, #tpu.memory_space<hbm>>) target(%arg10 : memref<64x128xf32, #tpu.memory_space<vmem>>) offsets(%dma_start3A_25 : memref<64xi32, #tpu.memory_space<vmem>>) semaphore(%arg15 : memref<!tpu.dma_semaphore, #tpu.memory_space<semaphore_mem>>)
      %dma_start3A_29 = arith.constant 2 : i32
      %dma_start3A_30 = arith.constant 0 : i32
      %dma_start3A_31 = tpu.memref_slice %arg7[%dma_start3A_29, %dma_start3A_30] : memref<16x64xi32, #tpu.memory_space<vmem>> -> memref<1x64xi32, #tpu.memory_space<vmem>>
      %dma_start3A_32 = tpu.memref_squeeze %dma_start3A_31 : memref<1x64xi32, #tpu.memory_space<vmem>> -> memref<64xi32, #tpu.memory_space<vmem>>
      %dma_start3A_33 = arith.constant 0 : i32
      %dma_start3A_34 = arith.constant 0 : i32
      %dma_start3A_35 = tpu.memref_slice %arg4[%dma_start3A_33, %dma_start3A_34] : memref<10240x128xf32, #tpu.memory_space<hbm>> -> memref<10240x128xf32, #tpu.memory_space<hbm>>
      tpu.enqueue_indirect_dma source(%dma_start3A_35 : memref<10240x128xf32, #tpu.memory_space<hbm>>) target(%arg11 : memref<64x128xf32, #tpu.memory_space<vmem>>) offsets(%dma_start3A_32 : memref<64xi32, #tpu.memory_space<vmem>>) semaphore(%arg16 : memref<!tpu.dma_semaphore, #tpu.memory_space<semaphore_mem>>)
      %dma_start3A_36 = arith.constant 3 : i32
      %dma_start3A_37 = arith.constant 0 : i32
      %dma_start3A_38 = tpu.memref_slice %arg7[%dma_start3A_36, %dma_start3A_37] : memref<16x64xi32, #tpu.memory_space<vmem>> -> memref<1x64xi32, #tpu.memory_space<vmem>>
      %dma_start3A_39 = tpu.memref_squeeze %dma_start3A_38 : memref<1x64xi32, #tpu.memory_space<vmem>> -> memref<64xi32, #tpu.memory_space<vmem>>
      %dma_start3A_40 = arith.constant 0 : i32
      %dma_start3A_41 = arith.constant 0 : i32
      %dma_start3A_42 = tpu.memref_slice %arg4[%dma_start3A_40, %dma_start3A_41] : memref<10240x128xf32, #tpu.memory_space<hbm>> -> memref<10240x128xf32, #tpu.memory_space<hbm>>
      tpu.enqueue_indirect_dma source(%dma_start3A_42 : memref<10240x128xf32, #tpu.memory_space<hbm>>) target(%arg12 : memref<64x128xf32, #tpu.memory_space<vmem>>) offsets(%dma_start3A_39 : memref<64xi32, #tpu.memory_space<vmem>>) semaphore(%arg17 : memref<!tpu.dma_semaphore, #tpu.memory_space<semaphore_mem>>)
      %dma_wait3A = arith.constant 0 : i32
      %dma_wait3A_43 = arith.constant 0 : i32
      %dma_wait3A_44 = tpu.memref_slice %arg7[%dma_wait3A, %dma_wait3A_43] : memref<16x64xi32, #tpu.memory_space<vmem>> -> memref<1x64xi32, #tpu.memory_space<vmem>>
      %dma_wait3A_45 = tpu.memref_squeeze %dma_wait3A_44 : memref<1x64xi32, #tpu.memory_space<vmem>> -> memref<64xi32, #tpu.memory_space<vmem>>
      %dma_wait3A_46 = arith.constant 0 : i32
      %dma_wait3A_47 = arith.constant 0 : i32
      %dma_wait3A_48 = tpu.memref_slice %arg4[%dma_wait3A_46, %dma_wait3A_47] : memref<10240x128xf32, #tpu.memory_space<hbm>> -> memref<10240x128xf32, #tpu.memory_space<hbm>>
      tpu.wait_indirect_dma semaphore(%arg14 : memref<!tpu.dma_semaphore, #tpu.memory_space<semaphore_mem>>) src(%dma_wait3A_48 : memref<10240x128xf32, #tpu.memory_space<hbm>>) dst(%arg9 : memref<64x128xf32, #tpu.memory_space<vmem>>)
      %run_scoped3A = arith.constant 0 : i32
      "tpu.region"() ({
        %run_scoped3A_253 = tpu.sem_alloc : memref<!tpu.dma_semaphore, #tpu.memory_space<semaphore_mem>>
        %dma_start3A_254 = arith.constant 0 : i32
        %dma_start3A_255 = tpu.memref_slice %arg8[%run_scoped3A, %dma_start3A_254] : memref<16x64xi32, #tpu.memory_space<vmem>> -> memref<1x64xi32, #tpu.memory_space<vmem>>
        %dma_start3A_256 = tpu.memref_squeeze %dma_start3A_255 : memref<1x64xi32, #tpu.memory_space<vmem>> -> memref<64xi32, #tpu.memory_space<vmem>>
        %dma_start3A_257 = arith.constant 0 : i32
        %dma_start3A_258 = arith.constant 0 : i32
        %dma_start3A_259 = tpu.memref_slice %arg13[%dma_start3A_257, %dma_start3A_258] : memref<10240x128xf32, #tpu.memory_space<vmem_shared>> -> memref<10240x128xf32, #tpu.memory_space<vmem_shared>>
        tpu.enqueue_indirect_dma source(%arg9 : memref<64x128xf32, #tpu.memory_space<vmem>>) target(%dma_start3A_259 : memref<10240x128xf32, #tpu.memory_space<vmem_shared>>) offsets(%dma_start3A_256 : memref<64xi32, #tpu.memory_space<vmem>>) semaphore(%run_scoped3A_253 : memref<!tpu.dma_semaphore, #tpu.memory_space<semaphore_mem>>) {add = true}
        %dma_wait3A_260 = arith.constant 0 : i32
        %dma_wait3A_261 = tpu.memref_slice %arg8[%run_scoped3A, %dma_wait3A_260] : memref<16x64xi32, #tpu.memory_space<vmem>> -> memref<1x64xi32, #tpu.memory_space<vmem>>
        %dma_wait3A_262 = tpu.memref_squeeze %dma_wait3A_261 : memref<1x64xi32, #tpu.memory_space<vmem>> -> memref<64xi32, #tpu.memory_space<vmem>>
        %dma_wait3A_263 = arith.constant 0 : i32
        %dma_wait3A_264 = arith.constant 0 : i32
        %dma_wait3A_265 = tpu.memref_slice %arg13[%dma_wait3A_263, %dma_wait3A_264] : memref<10240x128xf32, #tpu.memory_space<vmem_shared>> -> memref<10240x128xf32, #tpu.memory_space<vmem_shared>>
        tpu.wait_indirect_dma semaphore(%run_scoped3A_253 : memref<!tpu.dma_semaphore, #tpu.memory_space<semaphore_mem>>) src(%arg9 : memref<64x128xf32, #tpu.memory_space<vmem>>) dst(%dma_wait3A_265 : memref<10240x128xf32, #tpu.memory_space<vmem_shared>>)
        tpu.yield
      }) : () -> ()
      %dma_start3A_49 = arith.constant 4 : i32
      %dma_start3A_50 = arith.constant 0 : i32
      %dma_start3A_51 = tpu.memref_slice %arg7[%dma_start3A_49, %dma_start3A_50] : memref<16x64xi32, #tpu.memory_space<vmem>> -> memref<1x64xi32, #tpu.memory_space<vmem>>
      %dma_start3A_52 = tpu.memref_squeeze %dma_start3A_51 : memref<1x64xi32, #tpu.memory_space<vmem>> -> memref<64xi32, #tpu.memory_space<vmem>>
      %dma_start3A_53 = arith.constant 0 : i32
      %dma_start3A_54 = arith.constant 0 : i32
      %dma_start3A_55 = tpu.memref_slice %arg4[%dma_start3A_53, %dma_start3A_54] : memref<10240x128xf32, #tpu.memory_space<hbm>> -> memref<10240x128xf32, #tpu.memory_space<hbm>>
      tpu.enqueue_indirect_dma source(%dma_start3A_55 : memref<10240x128xf32, #tpu.memory_space<hbm>>) target(%arg9 : memref<64x128xf32, #tpu.memory_space<vmem>>) offsets(%dma_start3A_52 : memref<64xi32, #tpu.memory_space<vmem>>) semaphore(%arg14 : memref<!tpu.dma_semaphore, #tpu.memory_space<semaphore_mem>>)
      %dma_wait3A_56 = arith.constant 1 : i32
      %dma_wait3A_57 = arith.constant 0 : i32
      %dma_wait3A_58 = tpu.memref_slice %arg7[%dma_wait3A_56, %dma_wait3A_57] : memref<16x64xi32, #tpu.memory_space<vmem>> -> memref<1x64xi32, #tpu.memory_space<vmem>>
      %dma_wait3A_59 = tpu.memref_squeeze %dma_wait3A_58 : memref<1x64xi32, #tpu.memory_space<vmem>> -> memref<64xi32, #tpu.memory_space<vmem>>
      %dma_wait3A_60 = arith.constant 0 : i32
      %dma_wait3A_61 = arith.constant 0 : i32
      %dma_wait3A_62 = tpu.memref_slice %arg4[%dma_wait3A_60, %dma_wait3A_61] : memref<10240x128xf32, #tpu.memory_space<hbm>> -> memref<10240x128xf32, #tpu.memory_space<hbm>>
      tpu.wait_indirect_dma semaphore(%arg15 : memref<!tpu.dma_semaphore, #tpu.memory_space<semaphore_mem>>) src(%dma_wait3A_62 : memref<10240x128xf32, #tpu.memory_space<hbm>>) dst(%arg10 : memref<64x128xf32, #tpu.memory_space<vmem>>)
      %run_scoped3A_63 = arith.constant 1 : i32
      "tpu.region"() ({
        %run_scoped3A_253 = tpu.sem_alloc : memref<!tpu.dma_semaphore, #tpu.memory_space<semaphore_mem>>
        %dma_start3A_254 = arith.constant 0 : i32
        %dma_start3A_255 = tpu.memref_slice %arg8[%run_scoped3A_63, %dma_start3A_254] : memref<16x64xi32, #tpu.memory_space<vmem>> -> memref<1x64xi32, #tpu.memory_space<vmem>>
        %dma_start3A_256 = tpu.memref_squeeze %dma_start3A_255 : memref<1x64xi32, #tpu.memory_space<vmem>> -> memref<64xi32, #tpu.memory_space<vmem>>
        %dma_start3A_257 = arith.constant 0 : i32
        %dma_start3A_258 = arith.constant 0 : i32
        %dma_start3A_259 = tpu.memref_slice %arg13[%dma_start3A_257, %dma_start3A_258] : memref<10240x128xf32, #tpu.memory_space<vmem_shared>> -> memref<10240x128xf32, #tpu.memory_space<vmem_shared>>
        tpu.enqueue_indirect_dma source(%arg10 : memref<64x128xf32, #tpu.memory_space<vmem>>) target(%dma_start3A_259 : memref<10240x128xf32, #tpu.memory_space<vmem_shared>>) offsets(%dma_start3A_256 : memref<64xi32, #tpu.memory_space<vmem>>) semaphore(%run_scoped3A_253 : memref<!tpu.dma_semaphore, #tpu.memory_space<semaphore_mem>>) {add = true}
        %dma_wait3A_260 = arith.constant 0 : i32
        %dma_wait3A_261 = tpu.memref_slice %arg8[%run_scoped3A_63, %dma_wait3A_260] : memref<16x64xi32, #tpu.memory_space<vmem>> -> memref<1x64xi32, #tpu.memory_space<vmem>>
        %dma_wait3A_262 = tpu.memref_squeeze %dma_wait3A_261 : memref<1x64xi32, #tpu.memory_space<vmem>> -> memref<64xi32, #tpu.memory_space<vmem>>
        %dma_wait3A_263 = arith.constant 0 : i32
        %dma_wait3A_264 = arith.constant 0 : i32
        %dma_wait3A_265 = tpu.memref_slice %arg13[%dma_wait3A_263, %dma_wait3A_264] : memref<10240x128xf32, #tpu.memory_space<vmem_shared>> -> memref<10240x128xf32, #tpu.memory_space<vmem_shared>>
        tpu.wait_indirect_dma semaphore(%run_scoped3A_253 : memref<!tpu.dma_semaphore, #tpu.memory_space<semaphore_mem>>) src(%arg10 : memref<64x128xf32, #tpu.memory_space<vmem>>) dst(%dma_wait3A_265 : memref<10240x128xf32, #tpu.memory_space<vmem_shared>>)
        tpu.yield
      }) : () -> ()
      %dma_start3A_64 = arith.constant 5 : i32
      %dma_start3A_65 = arith.constant 0 : i32
      %dma_start3A_66 = tpu.memref_slice %arg7[%dma_start3A_64, %dma_start3A_65] : memref<16x64xi32, #tpu.memory_space<vmem>> -> memref<1x64xi32, #tpu.memory_space<vmem>>
      %dma_start3A_67 = tpu.memref_squeeze %dma_start3A_66 : memref<1x64xi32, #tpu.memory_space<vmem>> -> memref<64xi32, #tpu.memory_space<vmem>>
      %dma_start3A_68 = arith.constant 0 : i32
      %dma_start3A_69 = arith.constant 0 : i32
      %dma_start3A_70 = tpu.memref_slice %arg4[%dma_start3A_68, %dma_start3A_69] : memref<10240x128xf32, #tpu.memory_space<hbm>> -> memref<10240x128xf32, #tpu.memory_space<hbm>>
      tpu.enqueue_indirect_dma source(%dma_start3A_70 : memref<10240x128xf32, #tpu.memory_space<hbm>>) target(%arg10 : memref<64x128xf32, #tpu.memory_space<vmem>>) offsets(%dma_start3A_67 : memref<64xi32, #tpu.memory_space<vmem>>) semaphore(%arg15 : memref<!tpu.dma_semaphore, #tpu.memory_space<semaphore_mem>>)
      %dma_wait3A_71 = arith.constant 2 : i32
      %dma_wait3A_72 = arith.constant 0 : i32
      %dma_wait3A_73 = tpu.memref_slice %arg7[%dma_wait3A_71, %dma_wait3A_72] : memref<16x64xi32, #tpu.memory_space<vmem>> -> memref<1x64xi32, #tpu.memory_space<vmem>>
      %dma_wait3A_74 = tpu.memref_squeeze %dma_wait3A_73 : memref<1x64xi32, #tpu.memory_space<vmem>> -> memref<64xi32, #tpu.memory_space<vmem>>
      %dma_wait3A_75 = arith.constant 0 : i32
      %dma_wait3A_76 = arith.constant 0 : i32
      %dma_wait3A_77 = tpu.memref_slice %arg4[%dma_wait3A_75, %dma_wait3A_76] : memref<10240x128xf32, #tpu.memory_space<hbm>> -> memref<10240x128xf32, #tpu.memory_space<hbm>>
      tpu.wait_indirect_dma semaphore(%arg16 : memref<!tpu.dma_semaphore, #tpu.memory_space<semaphore_mem>>) src(%dma_wait3A_77 : memref<10240x128xf32, #tpu.memory_space<hbm>>) dst(%arg11 : memref<64x128xf32, #tpu.memory_space<vmem>>)
      %run_scoped3A_78 = arith.constant 2 : i32
      "tpu.region"() ({
        %run_scoped3A_253 = tpu.sem_alloc : memref<!tpu.dma_semaphore, #tpu.memory_space<semaphore_mem>>
        %dma_start3A_254 = arith.constant 0 : i32
        %dma_start3A_255 = tpu.memref_slice %arg8[%run_scoped3A_78, %dma_start3A_254] : memref<16x64xi32, #tpu.memory_space<vmem>> -> memref<1x64xi32, #tpu.memory_space<vmem>>
        %dma_start3A_256 = tpu.memref_squeeze %dma_start3A_255 : memref<1x64xi32, #tpu.memory_space<vmem>> -> memref<64xi32, #tpu.memory_space<vmem>>
        %dma_start3A_257 = arith.constant 0 : i32
        %dma_start3A_258 = arith.constant 0 : i32
        %dma_start3A_259 = tpu.memref_slice %arg13[%dma_start3A_257, %dma_start3A_258] : memref<10240x128xf32, #tpu.memory_space<vmem_shared>> -> memref<10240x128xf32, #tpu.memory_space<vmem_shared>>
        tpu.enqueue_indirect_dma source(%arg11 : memref<64x128xf32, #tpu.memory_space<vmem>>) target(%dma_start3A_259 : memref<10240x128xf32, #tpu.memory_space<vmem_shared>>) offsets(%dma_start3A_256 : memref<64xi32, #tpu.memory_space<vmem>>) semaphore(%run_scoped3A_253 : memref<!tpu.dma_semaphore, #tpu.memory_space<semaphore_mem>>) {add = true}
        %dma_wait3A_260 = arith.constant 0 : i32
        %dma_wait3A_261 = tpu.memref_slice %arg8[%run_scoped3A_78, %dma_wait3A_260] : memref<16x64xi32, #tpu.memory_space<vmem>> -> memref<1x64xi32, #tpu.memory_space<vmem>>
        %dma_wait3A_262 = tpu.memref_squeeze %dma_wait3A_261 : memref<1x64xi32, #tpu.memory_space<vmem>> -> memref<64xi32, #tpu.memory_space<vmem>>
        %dma_wait3A_263 = arith.constant 0 : i32
        %dma_wait3A_264 = arith.constant 0 : i32
        %dma_wait3A_265 = tpu.memref_slice %arg13[%dma_wait3A_263, %dma_wait3A_264] : memref<10240x128xf32, #tpu.memory_space<vmem_shared>> -> memref<10240x128xf32, #tpu.memory_space<vmem_shared>>
        tpu.wait_indirect_dma semaphore(%run_scoped3A_253 : memref<!tpu.dma_semaphore, #tpu.memory_space<semaphore_mem>>) src(%arg11 : memref<64x128xf32, #tpu.memory_space<vmem>>) dst(%dma_wait3A_265 : memref<10240x128xf32, #tpu.memory_space<vmem_shared>>)
        tpu.yield
      }) : () -> ()
      %dma_start3A_79 = arith.constant 6 : i32
      %dma_start3A_80 = arith.constant 0 : i32
      %dma_start3A_81 = tpu.memref_slice %arg7[%dma_start3A_79, %dma_start3A_80] : memref<16x64xi32, #tpu.memory_space<vmem>> -> memref<1x64xi32, #tpu.memory_space<vmem>>
      %dma_start3A_82 = tpu.memref_squeeze %dma_start3A_81 : memref<1x64xi32, #tpu.memory_space<vmem>> -> memref<64xi32, #tpu.memory_space<vmem>>
      %dma_start3A_83 = arith.constant 0 : i32
      %dma_start3A_84 = arith.constant 0 : i32
      %dma_start3A_85 = tpu.memref_slice %arg4[%dma_start3A_83, %dma_start3A_84] : memref<10240x128xf32, #tpu.memory_space<hbm>> -> memref<10240x128xf32, #tpu.memory_space<hbm>>
      tpu.enqueue_indirect_dma source(%dma_start3A_85 : memref<10240x128xf32, #tpu.memory_space<hbm>>) target(%arg11 : memref<64x128xf32, #tpu.memory_space<vmem>>) offsets(%dma_start3A_82 : memref<64xi32, #tpu.memory_space<vmem>>) semaphore(%arg16 : memref<!tpu.dma_semaphore, #tpu.memory_space<semaphore_mem>>)
      %dma_wait3A_86 = arith.constant 3 : i32
      %dma_wait3A_87 = arith.constant 0 : i32
      %dma_wait3A_88 = tpu.memref_slice %arg7[%dma_wait3A_86, %dma_wait3A_87] : memref<16x64xi32, #tpu.memory_space<vmem>> -> memref<1x64xi32, #tpu.memory_space<vmem>>
      %dma_wait3A_89 = tpu.memref_squeeze %dma_wait3A_88 : memref<1x64xi32, #tpu.memory_space<vmem>> -> memref<64xi32, #tpu.memory_space<vmem>>
      %dma_wait3A_90 = arith.constant 0 : i32
      %dma_wait3A_91 = arith.constant 0 : i32
      %dma_wait3A_92 = tpu.memref_slice %arg4[%dma_wait3A_90, %dma_wait3A_91] : memref<10240x128xf32, #tpu.memory_space<hbm>> -> memref<10240x128xf32, #tpu.memory_space<hbm>>
      tpu.wait_indirect_dma semaphore(%arg17 : memref<!tpu.dma_semaphore, #tpu.memory_space<semaphore_mem>>) src(%dma_wait3A_92 : memref<10240x128xf32, #tpu.memory_space<hbm>>) dst(%arg12 : memref<64x128xf32, #tpu.memory_space<vmem>>)
      %run_scoped3A_93 = arith.constant 3 : i32
      "tpu.region"() ({
        %run_scoped3A_253 = tpu.sem_alloc : memref<!tpu.dma_semaphore, #tpu.memory_space<semaphore_mem>>
        %dma_start3A_254 = arith.constant 0 : i32
        %dma_start3A_255 = tpu.memref_slice %arg8[%run_scoped3A_93, %dma_start3A_254] : memref<16x64xi32, #tpu.memory_space<vmem>> -> memref<1x64xi32, #tpu.memory_space<vmem>>
        %dma_start3A_256 = tpu.memref_squeeze %dma_start3A_255 : memref<1x64xi32, #tpu.memory_space<vmem>> -> memref<64xi32, #tpu.memory_space<vmem>>
        %dma_start3A_257 = arith.constant 0 : i32
        %dma_start3A_258 = arith.constant 0 : i32
        %dma_start3A_259 = tpu.memref_slice %arg13[%dma_start3A_257, %dma_start3A_258] : memref<10240x128xf32, #tpu.memory_space<vmem_shared>> -> memref<10240x128xf32, #tpu.memory_space<vmem_shared>>
        tpu.enqueue_indirect_dma source(%arg12 : memref<64x128xf32, #tpu.memory_space<vmem>>) target(%dma_start3A_259 : memref<10240x128xf32, #tpu.memory_space<vmem_shared>>) offsets(%dma_start3A_256 : memref<64xi32, #tpu.memory_space<vmem>>) semaphore(%run_scoped3A_253 : memref<!tpu.dma_semaphore, #tpu.memory_space<semaphore_mem>>) {add = true}
        %dma_wait3A_260 = arith.constant 0 : i32
        %dma_wait3A_261 = tpu.memref_slice %arg8[%run_scoped3A_93, %dma_wait3A_260] : memref<16x64xi32, #tpu.memory_space<vmem>> -> memref<1x64xi32, #tpu.memory_space<vmem>>
        %dma_wait3A_262 = tpu.memref_squeeze %dma_wait3A_261 : memref<1x64xi32, #tpu.memory_space<vmem>> -> memref<64xi32, #tpu.memory_space<vmem>>
        %dma_wait3A_263 = arith.constant 0 : i32
        %dma_wait3A_264 = arith.constant 0 : i32
        %dma_wait3A_265 = tpu.memref_slice %arg13[%dma_wait3A_263, %dma_wait3A_264] : memref<10240x128xf32, #tpu.memory_space<vmem_shared>> -> memref<10240x128xf32, #tpu.memory_space<vmem_shared>>
        tpu.wait_indirect_dma semaphore(%run_scoped3A_253 : memref<!tpu.dma_semaphore, #tpu.memory_space<semaphore_mem>>) src(%arg12 : memref<64x128xf32, #tpu.memory_space<vmem>>) dst(%dma_wait3A_265 : memref<10240x128xf32, #tpu.memory_space<vmem_shared>>)
        tpu.yield
      }) : () -> ()
      %dma_start3A_94 = arith.constant 7 : i32
      %dma_start3A_95 = arith.constant 0 : i32
      %dma_start3A_96 = tpu.memref_slice %arg7[%dma_start3A_94, %dma_start3A_95] : memref<16x64xi32, #tpu.memory_space<vmem>> -> memref<1x64xi32, #tpu.memory_space<vmem>>
      %dma_start3A_97 = tpu.memref_squeeze %dma_start3A_96 : memref<1x64xi32, #tpu.memory_space<vmem>> -> memref<64xi32, #tpu.memory_space<vmem>>
      %dma_start3A_98 = arith.constant 0 : i32
      %dma_start3A_99 = arith.constant 0 : i32
      %dma_start3A_100 = tpu.memref_slice %arg4[%dma_start3A_98, %dma_start3A_99] : memref<10240x128xf32, #tpu.memory_space<hbm>> -> memref<10240x128xf32, #tpu.memory_space<hbm>>
      tpu.enqueue_indirect_dma source(%dma_start3A_100 : memref<10240x128xf32, #tpu.memory_space<hbm>>) target(%arg12 : memref<64x128xf32, #tpu.memory_space<vmem>>) offsets(%dma_start3A_97 : memref<64xi32, #tpu.memory_space<vmem>>) semaphore(%arg17 : memref<!tpu.dma_semaphore, #tpu.memory_space<semaphore_mem>>)
      %dma_wait3A_101 = arith.constant 4 : i32
      %dma_wait3A_102 = arith.constant 0 : i32
      %dma_wait3A_103 = tpu.memref_slice %arg7[%dma_wait3A_101, %dma_wait3A_102] : memref<16x64xi32, #tpu.memory_space<vmem>> -> memref<1x64xi32, #tpu.memory_space<vmem>>
      %dma_wait3A_104 = tpu.memref_squeeze %dma_wait3A_103 : memref<1x64xi32, #tpu.memory_space<vmem>> -> memref<64xi32, #tpu.memory_space<vmem>>
      %dma_wait3A_105 = arith.constant 0 : i32
      %dma_wait3A_106 = arith.constant 0 : i32
      %dma_wait3A_107 = tpu.memref_slice %arg4[%dma_wait3A_105, %dma_wait3A_106] : memref<10240x128xf32, #tpu.memory_space<hbm>> -> memref<10240x128xf32, #tpu.memory_space<hbm>>
      tpu.wait_indirect_dma semaphore(%arg14 : memref<!tpu.dma_semaphore, #tpu.memory_space<semaphore_mem>>) src(%dma_wait3A_107 : memref<10240x128xf32, #tpu.memory_space<hbm>>) dst(%arg9 : memref<64x128xf32, #tpu.memory_space<vmem>>)
      %run_scoped3A_108 = arith.constant 4 : i32
      "tpu.region"() ({
        %run_scoped3A_253 = tpu.sem_alloc : memref<!tpu.dma_semaphore, #tpu.memory_space<semaphore_mem>>
        %dma_start3A_254 = arith.constant 0 : i32
        %dma_start3A_255 = tpu.memref_slice %arg8[%run_scoped3A_108, %dma_start3A_254] : memref<16x64xi32, #tpu.memory_space<vmem>> -> memref<1x64xi32, #tpu.memory_space<vmem>>
        %dma_start3A_256 = tpu.memref_squeeze %dma_start3A_255 : memref<1x64xi32, #tpu.memory_space<vmem>> -> memref<64xi32, #tpu.memory_space<vmem>>
        %dma_start3A_257 = arith.constant 0 : i32
        %dma_start3A_258 = arith.constant 0 : i32
        %dma_start3A_259 = tpu.memref_slice %arg13[%dma_start3A_257, %dma_start3A_258] : memref<10240x128xf32, #tpu.memory_space<vmem_shared>> -> memref<10240x128xf32, #tpu.memory_space<vmem_shared>>
        tpu.enqueue_indirect_dma source(%arg9 : memref<64x128xf32, #tpu.memory_space<vmem>>) target(%dma_start3A_259 : memref<10240x128xf32, #tpu.memory_space<vmem_shared>>) offsets(%dma_start3A_256 : memref<64xi32, #tpu.memory_space<vmem>>) semaphore(%run_scoped3A_253 : memref<!tpu.dma_semaphore, #tpu.memory_space<semaphore_mem>>) {add = true}
        %dma_wait3A_260 = arith.constant 0 : i32
        %dma_wait3A_261 = tpu.memref_slice %arg8[%run_scoped3A_108, %dma_wait3A_260] : memref<16x64xi32, #tpu.memory_space<vmem>> -> memref<1x64xi32, #tpu.memory_space<vmem>>
        %dma_wait3A_262 = tpu.memref_squeeze %dma_wait3A_261 : memref<1x64xi32, #tpu.memory_space<vmem>> -> memref<64xi32, #tpu.memory_space<vmem>>
        %dma_wait3A_263 = arith.constant 0 : i32
        %dma_wait3A_264 = arith.constant 0 : i32
        %dma_wait3A_265 = tpu.memref_slice %arg13[%dma_wait3A_263, %dma_wait3A_264] : memref<10240x128xf32, #tpu.memory_space<vmem_shared>> -> memref<10240x128xf32, #tpu.memory_space<vmem_shared>>
        tpu.wait_indirect_dma semaphore(%run_scoped3A_253 : memref<!tpu.dma_semaphore, #tpu.memory_space<semaphore_mem>>) src(%arg9 : memref<64x128xf32, #tpu.memory_space<vmem>>) dst(%dma_wait3A_265 : memref<10240x128xf32, #tpu.memory_space<vmem_shared>>)
        tpu.yield
      }) : () -> ()
      %dma_start3A_109 = arith.constant 8 : i32
      %dma_start3A_110 = arith.constant 0 : i32
      %dma_start3A_111 = tpu.memref_slice %arg7[%dma_start3A_109, %dma_start3A_110] : memref<16x64xi32, #tpu.memory_space<vmem>> -> memref<1x64xi32, #tpu.memory_space<vmem>>
      %dma_start3A_112 = tpu.memref_squeeze %dma_start3A_111 : memref<1x64xi32, #tpu.memory_space<vmem>> -> memref<64xi32, #tpu.memory_space<vmem>>
      %dma_start3A_113 = arith.constant 0 : i32
      %dma_start3A_114 = arith.constant 0 : i32
      %dma_start3A_115 = tpu.memref_slice %arg4[%dma_start3A_113, %dma_start3A_114] : memref<10240x128xf32, #tpu.memory_space<hbm>> -> memref<10240x128xf32, #tpu.memory_space<hbm>>
      tpu.enqueue_indirect_dma source(%dma_start3A_115 : memref<10240x128xf32, #tpu.memory_space<hbm>>) target(%arg9 : memref<64x128xf32, #tpu.memory_space<vmem>>) offsets(%dma_start3A_112 : memref<64xi32, #tpu.memory_space<vmem>>) semaphore(%arg14 : memref<!tpu.dma_semaphore, #tpu.memory_space<semaphore_mem>>)
      %dma_wait3A_116 = arith.constant 5 : i32
      %dma_wait3A_117 = arith.constant 0 : i32
      %dma_wait3A_118 = tpu.memref_slice %arg7[%dma_wait3A_116, %dma_wait3A_117] : memref<16x64xi32, #tpu.memory_space<vmem>> -> memref<1x64xi32, #tpu.memory_space<vmem>>
      %dma_wait3A_119 = tpu.memref_squeeze %dma_wait3A_118 : memref<1x64xi32, #tpu.memory_space<vmem>> -> memref<64xi32, #tpu.memory_space<vmem>>
      %dma_wait3A_120 = arith.constant 0 : i32
      %dma_wait3A_121 = arith.constant 0 : i32
      %dma_wait3A_122 = tpu.memref_slice %arg4[%dma_wait3A_120, %dma_wait3A_121] : memref<10240x128xf32, #tpu.memory_space<hbm>> -> memref<10240x128xf32, #tpu.memory_space<hbm>>
      tpu.wait_indirect_dma semaphore(%arg15 : memref<!tpu.dma_semaphore, #tpu.memory_space<semaphore_mem>>) src(%dma_wait3A_122 : memref<10240x128xf32, #tpu.memory_space<hbm>>) dst(%arg10 : memref<64x128xf32, #tpu.memory_space<vmem>>)
      %run_scoped3A_123 = arith.constant 5 : i32
      "tpu.region"() ({
        %run_scoped3A_253 = tpu.sem_alloc : memref<!tpu.dma_semaphore, #tpu.memory_space<semaphore_mem>>
        %dma_start3A_254 = arith.constant 0 : i32
        %dma_start3A_255 = tpu.memref_slice %arg8[%run_scoped3A_123, %dma_start3A_254] : memref<16x64xi32, #tpu.memory_space<vmem>> -> memref<1x64xi32, #tpu.memory_space<vmem>>
        %dma_start3A_256 = tpu.memref_squeeze %dma_start3A_255 : memref<1x64xi32, #tpu.memory_space<vmem>> -> memref<64xi32, #tpu.memory_space<vmem>>
        %dma_start3A_257 = arith.constant 0 : i32
        %dma_start3A_258 = arith.constant 0 : i32
        %dma_start3A_259 = tpu.memref_slice %arg13[%dma_start3A_257, %dma_start3A_258] : memref<10240x128xf32, #tpu.memory_space<vmem_shared>> -> memref<10240x128xf32, #tpu.memory_space<vmem_shared>>
        tpu.enqueue_indirect_dma source(%arg10 : memref<64x128xf32, #tpu.memory_space<vmem>>) target(%dma_start3A_259 : memref<10240x128xf32, #tpu.memory_space<vmem_shared>>) offsets(%dma_start3A_256 : memref<64xi32, #tpu.memory_space<vmem>>) semaphore(%run_scoped3A_253 : memref<!tpu.dma_semaphore, #tpu.memory_space<semaphore_mem>>) {add = true}
        %dma_wait3A_260 = arith.constant 0 : i32
        %dma_wait3A_261 = tpu.memref_slice %arg8[%run_scoped3A_123, %dma_wait3A_260] : memref<16x64xi32, #tpu.memory_space<vmem>> -> memref<1x64xi32, #tpu.memory_space<vmem>>
        %dma_wait3A_262 = tpu.memref_squeeze %dma_wait3A_261 : memref<1x64xi32, #tpu.memory_space<vmem>> -> memref<64xi32, #tpu.memory_space<vmem>>
        %dma_wait3A_263 = arith.constant 0 : i32
        %dma_wait3A_264 = arith.constant 0 : i32
        %dma_wait3A_265 = tpu.memref_slice %arg13[%dma_wait3A_263, %dma_wait3A_264] : memref<10240x128xf32, #tpu.memory_space<vmem_shared>> -> memref<10240x128xf32, #tpu.memory_space<vmem_shared>>
        tpu.wait_indirect_dma semaphore(%run_scoped3A_253 : memref<!tpu.dma_semaphore, #tpu.memory_space<semaphore_mem>>) src(%arg10 : memref<64x128xf32, #tpu.memory_space<vmem>>) dst(%dma_wait3A_265 : memref<10240x128xf32, #tpu.memory_space<vmem_shared>>)
        tpu.yield
      }) : () -> ()
      %dma_start3A_124 = arith.constant 9 : i32
      %dma_start3A_125 = arith.constant 0 : i32
      %dma_start3A_126 = tpu.memref_slice %arg7[%dma_start3A_124, %dma_start3A_125] : memref<16x64xi32, #tpu.memory_space<vmem>> -> memref<1x64xi32, #tpu.memory_space<vmem>>
      %dma_start3A_127 = tpu.memref_squeeze %dma_start3A_126 : memref<1x64xi32, #tpu.memory_space<vmem>> -> memref<64xi32, #tpu.memory_space<vmem>>
      %dma_start3A_128 = arith.constant 0 : i32
      %dma_start3A_129 = arith.constant 0 : i32
      %dma_start3A_130 = tpu.memref_slice %arg4[%dma_start3A_128, %dma_start3A_129] : memref<10240x128xf32, #tpu.memory_space<hbm>> -> memref<10240x128xf32, #tpu.memory_space<hbm>>
      tpu.enqueue_indirect_dma source(%dma_start3A_130 : memref<10240x128xf32, #tpu.memory_space<hbm>>) target(%arg10 : memref<64x128xf32, #tpu.memory_space<vmem>>) offsets(%dma_start3A_127 : memref<64xi32, #tpu.memory_space<vmem>>) semaphore(%arg15 : memref<!tpu.dma_semaphore, #tpu.memory_space<semaphore_mem>>)
      %dma_wait3A_131 = arith.constant 6 : i32
      %dma_wait3A_132 = arith.constant 0 : i32
      %dma_wait3A_133 = tpu.memref_slice %arg7[%dma_wait3A_131, %dma_wait3A_132] : memref<16x64xi32, #tpu.memory_space<vmem>> -> memref<1x64xi32, #tpu.memory_space<vmem>>
      %dma_wait3A_134 = tpu.memref_squeeze %dma_wait3A_133 : memref<1x64xi32, #tpu.memory_space<vmem>> -> memref<64xi32, #tpu.memory_space<vmem>>
      %dma_wait3A_135 = arith.constant 0 : i32
      %dma_wait3A_136 = arith.constant 0 : i32
      %dma_wait3A_137 = tpu.memref_slice %arg4[%dma_wait3A_135, %dma_wait3A_136] : memref<10240x128xf32, #tpu.memory_space<hbm>> -> memref<10240x128xf32, #tpu.memory_space<hbm>>
      tpu.wait_indirect_dma semaphore(%arg16 : memref<!tpu.dma_semaphore, #tpu.memory_space<semaphore_mem>>) src(%dma_wait3A_137 : memref<10240x128xf32, #tpu.memory_space<hbm>>) dst(%arg11 : memref<64x128xf32, #tpu.memory_space<vmem>>)
      %run_scoped3A_138 = arith.constant 6 : i32
      "tpu.region"() ({
        %run_scoped3A_253 = tpu.sem_alloc : memref<!tpu.dma_semaphore, #tpu.memory_space<semaphore_mem>>
        %dma_start3A_254 = arith.constant 0 : i32
        %dma_start3A_255 = tpu.memref_slice %arg8[%run_scoped3A_138, %dma_start3A_254] : memref<16x64xi32, #tpu.memory_space<vmem>> -> memref<1x64xi32, #tpu.memory_space<vmem>>
        %dma_start3A_256 = tpu.memref_squeeze %dma_start3A_255 : memref<1x64xi32, #tpu.memory_space<vmem>> -> memref<64xi32, #tpu.memory_space<vmem>>
        %dma_start3A_257 = arith.constant 0 : i32
        %dma_start3A_258 = arith.constant 0 : i32
        %dma_start3A_259 = tpu.memref_slice %arg13[%dma_start3A_257, %dma_start3A_258] : memref<10240x128xf32, #tpu.memory_space<vmem_shared>> -> memref<10240x128xf32, #tpu.memory_space<vmem_shared>>
        tpu.enqueue_indirect_dma source(%arg11 : memref<64x128xf32, #tpu.memory_space<vmem>>) target(%dma_start3A_259 : memref<10240x128xf32, #tpu.memory_space<vmem_shared>>) offsets(%dma_start3A_256 : memref<64xi32, #tpu.memory_space<vmem>>) semaphore(%run_scoped3A_253 : memref<!tpu.dma_semaphore, #tpu.memory_space<semaphore_mem>>) {add = true}
        %dma_wait3A_260 = arith.constant 0 : i32
        %dma_wait3A_261 = tpu.memref_slice %arg8[%run_scoped3A_138, %dma_wait3A_260] : memref<16x64xi32, #tpu.memory_space<vmem>> -> memref<1x64xi32, #tpu.memory_space<vmem>>
        %dma_wait3A_262 = tpu.memref_squeeze %dma_wait3A_261 : memref<1x64xi32, #tpu.memory_space<vmem>> -> memref<64xi32, #tpu.memory_space<vmem>>
        %dma_wait3A_263 = arith.constant 0 : i32
        %dma_wait3A_264 = arith.constant 0 : i32
        %dma_wait3A_265 = tpu.memref_slice %arg13[%dma_wait3A_263, %dma_wait3A_264] : memref<10240x128xf32, #tpu.memory_space<vmem_shared>> -> memref<10240x128xf32, #tpu.memory_space<vmem_shared>>
        tpu.wait_indirect_dma semaphore(%run_scoped3A_253 : memref<!tpu.dma_semaphore, #tpu.memory_space<semaphore_mem>>) src(%arg11 : memref<64x128xf32, #tpu.memory_space<vmem>>) dst(%dma_wait3A_265 : memref<10240x128xf32, #tpu.memory_space<vmem_shared>>)
        tpu.yield
      }) : () -> ()
      %dma_start3A_139 = arith.constant 10 : i32
      %dma_start3A_140 = arith.constant 0 : i32
      %dma_start3A_141 = tpu.memref_slice %arg7[%dma_start3A_139, %dma_start3A_140] : memref<16x64xi32, #tpu.memory_space<vmem>> -> memref<1x64xi32, #tpu.memory_space<vmem>>
      %dma_start3A_142 = tpu.memref_squeeze %dma_start3A_141 : memref<1x64xi32, #tpu.memory_space<vmem>> -> memref<64xi32, #tpu.memory_space<vmem>>
      %dma_start3A_143 = arith.constant 0 : i32
      %dma_start3A_144 = arith.constant 0 : i32
      %dma_start3A_145 = tpu.memref_slice %arg4[%dma_start3A_143, %dma_start3A_144] : memref<10240x128xf32, #tpu.memory_space<hbm>> -> memref<10240x128xf32, #tpu.memory_space<hbm>>
      tpu.enqueue_indirect_dma source(%dma_start3A_145 : memref<10240x128xf32, #tpu.memory_space<hbm>>) target(%arg11 : memref<64x128xf32, #tpu.memory_space<vmem>>) offsets(%dma_start3A_142 : memref<64xi32, #tpu.memory_space<vmem>>) semaphore(%arg16 : memref<!tpu.dma_semaphore, #tpu.memory_space<semaphore_mem>>)
      %dma_wait3A_146 = arith.constant 7 : i32
      %dma_wait3A_147 = arith.constant 0 : i32
      %dma_wait3A_148 = tpu.memref_slice %arg7[%dma_wait3A_146, %dma_wait3A_147] : memref<16x64xi32, #tpu.memory_space<vmem>> -> memref<1x64xi32, #tpu.memory_space<vmem>>
      %dma_wait3A_149 = tpu.memref_squeeze %dma_wait3A_148 : memref<1x64xi32, #tpu.memory_space<vmem>> -> memref<64xi32, #tpu.memory_space<vmem>>
      %dma_wait3A_150 = arith.constant 0 : i32
      %dma_wait3A_151 = arith.constant 0 : i32
      %dma_wait3A_152 = tpu.memref_slice %arg4[%dma_wait3A_150, %dma_wait3A_151] : memref<10240x128xf32, #tpu.memory_space<hbm>> -> memref<10240x128xf32, #tpu.memory_space<hbm>>
      tpu.wait_indirect_dma semaphore(%arg17 : memref<!tpu.dma_semaphore, #tpu.memory_space<semaphore_mem>>) src(%dma_wait3A_152 : memref<10240x128xf32, #tpu.memory_space<hbm>>) dst(%arg12 : memref<64x128xf32, #tpu.memory_space<vmem>>)
      %run_scoped3A_153 = arith.constant 7 : i32
      "tpu.region"() ({
        %run_scoped3A_253 = tpu.sem_alloc : memref<!tpu.dma_semaphore, #tpu.memory_space<semaphore_mem>>
        %dma_start3A_254 = arith.constant 0 : i32
        %dma_start3A_255 = tpu.memref_slice %arg8[%run_scoped3A_153, %dma_start3A_254] : memref<16x64xi32, #tpu.memory_space<vmem>> -> memref<1x64xi32, #tpu.memory_space<vmem>>
        %dma_start3A_256 = tpu.memref_squeeze %dma_start3A_255 : memref<1x64xi32, #tpu.memory_space<vmem>> -> memref<64xi32, #tpu.memory_space<vmem>>
        %dma_start3A_257 = arith.constant 0 : i32
        %dma_start3A_258 = arith.constant 0 : i32
        %dma_start3A_259 = tpu.memref_slice %arg13[%dma_start3A_257, %dma_start3A_258] : memref<10240x128xf32, #tpu.memory_space<vmem_shared>> -> memref<10240x128xf32, #tpu.memory_space<vmem_shared>>
        tpu.enqueue_indirect_dma source(%arg12 : memref<64x128xf32, #tpu.memory_space<vmem>>) target(%dma_start3A_259 : memref<10240x128xf32, #tpu.memory_space<vmem_shared>>) offsets(%dma_start3A_256 : memref<64xi32, #tpu.memory_space<vmem>>) semaphore(%run_scoped3A_253 : memref<!tpu.dma_semaphore, #tpu.memory_space<semaphore_mem>>) {add = true}
        %dma_wait3A_260 = arith.constant 0 : i32
        %dma_wait3A_261 = tpu.memref_slice %arg8[%run_scoped3A_153, %dma_wait3A_260] : memref<16x64xi32, #tpu.memory_space<vmem>> -> memref<1x64xi32, #tpu.memory_space<vmem>>
        %dma_wait3A_262 = tpu.memref_squeeze %dma_wait3A_261 : memref<1x64xi32, #tpu.memory_space<vmem>> -> memref<64xi32, #tpu.memory_space<vmem>>
        %dma_wait3A_263 = arith.constant 0 : i32
        %dma_wait3A_264 = arith.constant 0 : i32
        %dma_wait3A_265 = tpu.memref_slice %arg13[%dma_wait3A_263, %dma_wait3A_264] : memref<10240x128xf32, #tpu.memory_space<vmem_shared>> -> memref<10240x128xf32, #tpu.memory_space<vmem_shared>>
        tpu.wait_indirect_dma semaphore(%run_scoped3A_253 : memref<!tpu.dma_semaphore, #tpu.memory_space<semaphore_mem>>) src(%arg12 : memref<64x128xf32, #tpu.memory_space<vmem>>) dst(%dma_wait3A_265 : memref<10240x128xf32, #tpu.memory_space<vmem_shared>>)
        tpu.yield
      }) : () -> ()
      %dma_start3A_154 = arith.constant 11 : i32
      %dma_start3A_155 = arith.constant 0 : i32
      %dma_start3A_156 = tpu.memref_slice %arg7[%dma_start3A_154, %dma_start3A_155] : memref<16x64xi32, #tpu.memory_space<vmem>> -> memref<1x64xi32, #tpu.memory_space<vmem>>
      %dma_start3A_157 = tpu.memref_squeeze %dma_start3A_156 : memref<1x64xi32, #tpu.memory_space<vmem>> -> memref<64xi32, #tpu.memory_space<vmem>>
      %dma_start3A_158 = arith.constant 0 : i32
      %dma_start3A_159 = arith.constant 0 : i32
      %dma_start3A_160 = tpu.memref_slice %arg4[%dma_start3A_158, %dma_start3A_159] : memref<10240x128xf32, #tpu.memory_space<hbm>> -> memref<10240x128xf32, #tpu.memory_space<hbm>>
      tpu.enqueue_indirect_dma source(%dma_start3A_160 : memref<10240x128xf32, #tpu.memory_space<hbm>>) target(%arg12 : memref<64x128xf32, #tpu.memory_space<vmem>>) offsets(%dma_start3A_157 : memref<64xi32, #tpu.memory_space<vmem>>) semaphore(%arg17 : memref<!tpu.dma_semaphore, #tpu.memory_space<semaphore_mem>>)
      %dma_wait3A_161 = arith.constant 8 : i32
      %dma_wait3A_162 = arith.constant 0 : i32
      %dma_wait3A_163 = tpu.memref_slice %arg7[%dma_wait3A_161, %dma_wait3A_162] : memref<16x64xi32, #tpu.memory_space<vmem>> -> memref<1x64xi32, #tpu.memory_space<vmem>>
      %dma_wait3A_164 = tpu.memref_squeeze %dma_wait3A_163 : memref<1x64xi32, #tpu.memory_space<vmem>> -> memref<64xi32, #tpu.memory_space<vmem>>
      %dma_wait3A_165 = arith.constant 0 : i32
      %dma_wait3A_166 = arith.constant 0 : i32
      %dma_wait3A_167 = tpu.memref_slice %arg4[%dma_wait3A_165, %dma_wait3A_166] : memref<10240x128xf32, #tpu.memory_space<hbm>> -> memref<10240x128xf32, #tpu.memory_space<hbm>>
      tpu.wait_indirect_dma semaphore(%arg14 : memref<!tpu.dma_semaphore, #tpu.memory_space<semaphore_mem>>) src(%dma_wait3A_167 : memref<10240x128xf32, #tpu.memory_space<hbm>>) dst(%arg9 : memref<64x128xf32, #tpu.memory_space<vmem>>)
      %run_scoped3A_168 = arith.constant 8 : i32
      "tpu.region"() ({
        %run_scoped3A_253 = tpu.sem_alloc : memref<!tpu.dma_semaphore, #tpu.memory_space<semaphore_mem>>
        %dma_start3A_254 = arith.constant 0 : i32
        %dma_start3A_255 = tpu.memref_slice %arg8[%run_scoped3A_168, %dma_start3A_254] : memref<16x64xi32, #tpu.memory_space<vmem>> -> memref<1x64xi32, #tpu.memory_space<vmem>>
        %dma_start3A_256 = tpu.memref_squeeze %dma_start3A_255 : memref<1x64xi32, #tpu.memory_space<vmem>> -> memref<64xi32, #tpu.memory_space<vmem>>
        %dma_start3A_257 = arith.constant 0 : i32
        %dma_start3A_258 = arith.constant 0 : i32
        %dma_start3A_259 = tpu.memref_slice %arg13[%dma_start3A_257, %dma_start3A_258] : memref<10240x128xf32, #tpu.memory_space<vmem_shared>> -> memref<10240x128xf32, #tpu.memory_space<vmem_shared>>
        tpu.enqueue_indirect_dma source(%arg9 : memref<64x128xf32, #tpu.memory_space<vmem>>) target(%dma_start3A_259 : memref<10240x128xf32, #tpu.memory_space<vmem_shared>>) offsets(%dma_start3A_256 : memref<64xi32, #tpu.memory_space<vmem>>) semaphore(%run_scoped3A_253 : memref<!tpu.dma_semaphore, #tpu.memory_space<semaphore_mem>>) {add = true}
        %dma_wait3A_260 = arith.constant 0 : i32
        %dma_wait3A_261 = tpu.memref_slice %arg8[%run_scoped3A_168, %dma_wait3A_260] : memref<16x64xi32, #tpu.memory_space<vmem>> -> memref<1x64xi32, #tpu.memory_space<vmem>>
        %dma_wait3A_262 = tpu.memref_squeeze %dma_wait3A_261 : memref<1x64xi32, #tpu.memory_space<vmem>> -> memref<64xi32, #tpu.memory_space<vmem>>
        %dma_wait3A_263 = arith.constant 0 : i32
        %dma_wait3A_264 = arith.constant 0 : i32
        %dma_wait3A_265 = tpu.memref_slice %arg13[%dma_wait3A_263, %dma_wait3A_264] : memref<10240x128xf32, #tpu.memory_space<vmem_shared>> -> memref<10240x128xf32, #tpu.memory_space<vmem_shared>>
        tpu.wait_indirect_dma semaphore(%run_scoped3A_253 : memref<!tpu.dma_semaphore, #tpu.memory_space<semaphore_mem>>) src(%arg9 : memref<64x128xf32, #tpu.memory_space<vmem>>) dst(%dma_wait3A_265 : memref<10240x128xf32, #tpu.memory_space<vmem_shared>>)
        tpu.yield
      }) : () -> ()
      %dma_start3A_169 = arith.constant 12 : i32
      %dma_start3A_170 = arith.constant 0 : i32
      %dma_start3A_171 = tpu.memref_slice %arg7[%dma_start3A_169, %dma_start3A_170] : memref<16x64xi32, #tpu.memory_space<vmem>> -> memref<1x64xi32, #tpu.memory_space<vmem>>
      %dma_start3A_172 = tpu.memref_squeeze %dma_start3A_171 : memref<1x64xi32, #tpu.memory_space<vmem>> -> memref<64xi32, #tpu.memory_space<vmem>>
      %dma_start3A_173 = arith.constant 0 : i32
      %dma_start3A_174 = arith.constant 0 : i32
      %dma_start3A_175 = tpu.memref_slice %arg4[%dma_start3A_173, %dma_start3A_174] : memref<10240x128xf32, #tpu.memory_space<hbm>> -> memref<10240x128xf32, #tpu.memory_space<hbm>>
      tpu.enqueue_indirect_dma source(%dma_start3A_175 : memref<10240x128xf32, #tpu.memory_space<hbm>>) target(%arg9 : memref<64x128xf32, #tpu.memory_space<vmem>>) offsets(%dma_start3A_172 : memref<64xi32, #tpu.memory_space<vmem>>) semaphore(%arg14 : memref<!tpu.dma_semaphore, #tpu.memory_space<semaphore_mem>>)
      %dma_wait3A_176 = arith.constant 9 : i32
      %dma_wait3A_177 = arith.constant 0 : i32
      %dma_wait3A_178 = tpu.memref_slice %arg7[%dma_wait3A_176, %dma_wait3A_177] : memref<16x64xi32, #tpu.memory_space<vmem>> -> memref<1x64xi32, #tpu.memory_space<vmem>>
      %dma_wait3A_179 = tpu.memref_squeeze %dma_wait3A_178 : memref<1x64xi32, #tpu.memory_space<vmem>> -> memref<64xi32, #tpu.memory_space<vmem>>
      %dma_wait3A_180 = arith.constant 0 : i32
      %dma_wait3A_181 = arith.constant 0 : i32
      %dma_wait3A_182 = tpu.memref_slice %arg4[%dma_wait3A_180, %dma_wait3A_181] : memref<10240x128xf32, #tpu.memory_space<hbm>> -> memref<10240x128xf32, #tpu.memory_space<hbm>>
      tpu.wait_indirect_dma semaphore(%arg15 : memref<!tpu.dma_semaphore, #tpu.memory_space<semaphore_mem>>) src(%dma_wait3A_182 : memref<10240x128xf32, #tpu.memory_space<hbm>>) dst(%arg10 : memref<64x128xf32, #tpu.memory_space<vmem>>)
      %run_scoped3A_183 = arith.constant 9 : i32
      "tpu.region"() ({
        %run_scoped3A_253 = tpu.sem_alloc : memref<!tpu.dma_semaphore, #tpu.memory_space<semaphore_mem>>
        %dma_start3A_254 = arith.constant 0 : i32
        %dma_start3A_255 = tpu.memref_slice %arg8[%run_scoped3A_183, %dma_start3A_254] : memref<16x64xi32, #tpu.memory_space<vmem>> -> memref<1x64xi32, #tpu.memory_space<vmem>>
        %dma_start3A_256 = tpu.memref_squeeze %dma_start3A_255 : memref<1x64xi32, #tpu.memory_space<vmem>> -> memref<64xi32, #tpu.memory_space<vmem>>
        %dma_start3A_257 = arith.constant 0 : i32
        %dma_start3A_258 = arith.constant 0 : i32
        %dma_start3A_259 = tpu.memref_slice %arg13[%dma_start3A_257, %dma_start3A_258] : memref<10240x128xf32, #tpu.memory_space<vmem_shared>> -> memref<10240x128xf32, #tpu.memory_space<vmem_shared>>
        tpu.enqueue_indirect_dma source(%arg10 : memref<64x128xf32, #tpu.memory_space<vmem>>) target(%dma_start3A_259 : memref<10240x128xf32, #tpu.memory_space<vmem_shared>>) offsets(%dma_start3A_256 : memref<64xi32, #tpu.memory_space<vmem>>) semaphore(%run_scoped3A_253 : memref<!tpu.dma_semaphore, #tpu.memory_space<semaphore_mem>>) {add = true}
        %dma_wait3A_260 = arith.constant 0 : i32
        %dma_wait3A_261 = tpu.memref_slice %arg8[%run_scoped3A_183, %dma_wait3A_260] : memref<16x64xi32, #tpu.memory_space<vmem>> -> memref<1x64xi32, #tpu.memory_space<vmem>>
        %dma_wait3A_262 = tpu.memref_squeeze %dma_wait3A_261 : memref<1x64xi32, #tpu.memory_space<vmem>> -> memref<64xi32, #tpu.memory_space<vmem>>
        %dma_wait3A_263 = arith.constant 0 : i32
        %dma_wait3A_264 = arith.constant 0 : i32
        %dma_wait3A_265 = tpu.memref_slice %arg13[%dma_wait3A_263, %dma_wait3A_264] : memref<10240x128xf32, #tpu.memory_space<vmem_shared>> -> memref<10240x128xf32, #tpu.memory_space<vmem_shared>>
        tpu.wait_indirect_dma semaphore(%run_scoped3A_253 : memref<!tpu.dma_semaphore, #tpu.memory_space<semaphore_mem>>) src(%arg10 : memref<64x128xf32, #tpu.memory_space<vmem>>) dst(%dma_wait3A_265 : memref<10240x128xf32, #tpu.memory_space<vmem_shared>>)
        tpu.yield
      }) : () -> ()
      %dma_start3A_184 = arith.constant 13 : i32
      %dma_start3A_185 = arith.constant 0 : i32
      %dma_start3A_186 = tpu.memref_slice %arg7[%dma_start3A_184, %dma_start3A_185] : memref<16x64xi32, #tpu.memory_space<vmem>> -> memref<1x64xi32, #tpu.memory_space<vmem>>
      %dma_start3A_187 = tpu.memref_squeeze %dma_start3A_186 : memref<1x64xi32, #tpu.memory_space<vmem>> -> memref<64xi32, #tpu.memory_space<vmem>>
      %dma_start3A_188 = arith.constant 0 : i32
      %dma_start3A_189 = arith.constant 0 : i32
      %dma_start3A_190 = tpu.memref_slice %arg4[%dma_start3A_188, %dma_start3A_189] : memref<10240x128xf32, #tpu.memory_space<hbm>> -> memref<10240x128xf32, #tpu.memory_space<hbm>>
      tpu.enqueue_indirect_dma source(%dma_start3A_190 : memref<10240x128xf32, #tpu.memory_space<hbm>>) target(%arg10 : memref<64x128xf32, #tpu.memory_space<vmem>>) offsets(%dma_start3A_187 : memref<64xi32, #tpu.memory_space<vmem>>) semaphore(%arg15 : memref<!tpu.dma_semaphore, #tpu.memory_space<semaphore_mem>>)
      %dma_wait3A_191 = arith.constant 10 : i32
      %dma_wait3A_192 = arith.constant 0 : i32
      %dma_wait3A_193 = tpu.memref_slice %arg7[%dma_wait3A_191, %dma_wait3A_192] : memref<16x64xi32, #tpu.memory_space<vmem>> -> memref<1x64xi32, #tpu.memory_space<vmem>>
      %dma_wait3A_194 = tpu.memref_squeeze %dma_wait3A_193 : memref<1x64xi32, #tpu.memory_space<vmem>> -> memref<64xi32, #tpu.memory_space<vmem>>
      %dma_wait3A_195 = arith.constant 0 : i32
      %dma_wait3A_196 = arith.constant 0 : i32
      %dma_wait3A_197 = tpu.memref_slice %arg4[%dma_wait3A_195, %dma_wait3A_196] : memref<10240x128xf32, #tpu.memory_space<hbm>> -> memref<10240x128xf32, #tpu.memory_space<hbm>>
      tpu.wait_indirect_dma semaphore(%arg16 : memref<!tpu.dma_semaphore, #tpu.memory_space<semaphore_mem>>) src(%dma_wait3A_197 : memref<10240x128xf32, #tpu.memory_space<hbm>>) dst(%arg11 : memref<64x128xf32, #tpu.memory_space<vmem>>)
      %run_scoped3A_198 = arith.constant 10 : i32
      "tpu.region"() ({
        %run_scoped3A_253 = tpu.sem_alloc : memref<!tpu.dma_semaphore, #tpu.memory_space<semaphore_mem>>
        %dma_start3A_254 = arith.constant 0 : i32
        %dma_start3A_255 = tpu.memref_slice %arg8[%run_scoped3A_198, %dma_start3A_254] : memref<16x64xi32, #tpu.memory_space<vmem>> -> memref<1x64xi32, #tpu.memory_space<vmem>>
        %dma_start3A_256 = tpu.memref_squeeze %dma_start3A_255 : memref<1x64xi32, #tpu.memory_space<vmem>> -> memref<64xi32, #tpu.memory_space<vmem>>
        %dma_start3A_257 = arith.constant 0 : i32
        %dma_start3A_258 = arith.constant 0 : i32
        %dma_start3A_259 = tpu.memref_slice %arg13[%dma_start3A_257, %dma_start3A_258] : memref<10240x128xf32, #tpu.memory_space<vmem_shared>> -> memref<10240x128xf32, #tpu.memory_space<vmem_shared>>
        tpu.enqueue_indirect_dma source(%arg11 : memref<64x128xf32, #tpu.memory_space<vmem>>) target(%dma_start3A_259 : memref<10240x128xf32, #tpu.memory_space<vmem_shared>>) offsets(%dma_start3A_256 : memref<64xi32, #tpu.memory_space<vmem>>) semaphore(%run_scoped3A_253 : memref<!tpu.dma_semaphore, #tpu.memory_space<semaphore_mem>>) {add = true}
        %dma_wait3A_260 = arith.constant 0 : i32
        %dma_wait3A_261 = tpu.memref_slice %arg8[%run_scoped3A_198, %dma_wait3A_260] : memref<16x64xi32, #tpu.memory_space<vmem>> -> memref<1x64xi32, #tpu.memory_space<vmem>>
        %dma_wait3A_262 = tpu.memref_squeeze %dma_wait3A_261 : memref<1x64xi32, #tpu.memory_space<vmem>> -> memref<64xi32, #tpu.memory_space<vmem>>
        %dma_wait3A_263 = arith.constant 0 : i32
        %dma_wait3A_264 = arith.constant 0 : i32
        %dma_wait3A_265 = tpu.memref_slice %arg13[%dma_wait3A_263, %dma_wait3A_264] : memref<10240x128xf32, #tpu.memory_space<vmem_shared>> -> memref<10240x128xf32, #tpu.memory_space<vmem_shared>>
        tpu.wait_indirect_dma semaphore(%run_scoped3A_253 : memref<!tpu.dma_semaphore, #tpu.memory_space<semaphore_mem>>) src(%arg11 : memref<64x128xf32, #tpu.memory_space<vmem>>) dst(%dma_wait3A_265 : memref<10240x128xf32, #tpu.memory_space<vmem_shared>>)
        tpu.yield
      }) : () -> ()
      %dma_start3A_199 = arith.constant 14 : i32
      %dma_start3A_200 = arith.constant 0 : i32
      %dma_start3A_201 = tpu.memref_slice %arg7[%dma_start3A_199, %dma_start3A_200] : memref<16x64xi32, #tpu.memory_space<vmem>> -> memref<1x64xi32, #tpu.memory_space<vmem>>
      %dma_start3A_202 = tpu.memref_squeeze %dma_start3A_201 : memref<1x64xi32, #tpu.memory_space<vmem>> -> memref<64xi32, #tpu.memory_space<vmem>>
      %dma_start3A_203 = arith.constant 0 : i32
      %dma_start3A_204 = arith.constant 0 : i32
      %dma_start3A_205 = tpu.memref_slice %arg4[%dma_start3A_203, %dma_start3A_204] : memref<10240x128xf32, #tpu.memory_space<hbm>> -> memref<10240x128xf32, #tpu.memory_space<hbm>>
      tpu.enqueue_indirect_dma source(%dma_start3A_205 : memref<10240x128xf32, #tpu.memory_space<hbm>>) target(%arg11 : memref<64x128xf32, #tpu.memory_space<vmem>>) offsets(%dma_start3A_202 : memref<64xi32, #tpu.memory_space<vmem>>) semaphore(%arg16 : memref<!tpu.dma_semaphore, #tpu.memory_space<semaphore_mem>>)
      %dma_wait3A_206 = arith.constant 11 : i32
      %dma_wait3A_207 = arith.constant 0 : i32
      %dma_wait3A_208 = tpu.memref_slice %arg7[%dma_wait3A_206, %dma_wait3A_207] : memref<16x64xi32, #tpu.memory_space<vmem>> -> memref<1x64xi32, #tpu.memory_space<vmem>>
      %dma_wait3A_209 = tpu.memref_squeeze %dma_wait3A_208 : memref<1x64xi32, #tpu.memory_space<vmem>> -> memref<64xi32, #tpu.memory_space<vmem>>
      %dma_wait3A_210 = arith.constant 0 : i32
      %dma_wait3A_211 = arith.constant 0 : i32
      %dma_wait3A_212 = tpu.memref_slice %arg4[%dma_wait3A_210, %dma_wait3A_211] : memref<10240x128xf32, #tpu.memory_space<hbm>> -> memref<10240x128xf32, #tpu.memory_space<hbm>>
      tpu.wait_indirect_dma semaphore(%arg17 : memref<!tpu.dma_semaphore, #tpu.memory_space<semaphore_mem>>) src(%dma_wait3A_212 : memref<10240x128xf32, #tpu.memory_space<hbm>>) dst(%arg12 : memref<64x128xf32, #tpu.memory_space<vmem>>)
      %run_scoped3A_213 = arith.constant 11 : i32
      "tpu.region"() ({
        %run_scoped3A_253 = tpu.sem_alloc : memref<!tpu.dma_semaphore, #tpu.memory_space<semaphore_mem>>
        %dma_start3A_254 = arith.constant 0 : i32
        %dma_start3A_255 = tpu.memref_slice %arg8[%run_scoped3A_213, %dma_start3A_254] : memref<16x64xi32, #tpu.memory_space<vmem>> -> memref<1x64xi32, #tpu.memory_space<vmem>>
        %dma_start3A_256 = tpu.memref_squeeze %dma_start3A_255 : memref<1x64xi32, #tpu.memory_space<vmem>> -> memref<64xi32, #tpu.memory_space<vmem>>
        %dma_start3A_257 = arith.constant 0 : i32
        %dma_start3A_258 = arith.constant 0 : i32
        %dma_start3A_259 = tpu.memref_slice %arg13[%dma_start3A_257, %dma_start3A_258] : memref<10240x128xf32, #tpu.memory_space<vmem_shared>> -> memref<10240x128xf32, #tpu.memory_space<vmem_shared>>
        tpu.enqueue_indirect_dma source(%arg12 : memref<64x128xf32, #tpu.memory_space<vmem>>) target(%dma_start3A_259 : memref<10240x128xf32, #tpu.memory_space<vmem_shared>>) offsets(%dma_start3A_256 : memref<64xi32, #tpu.memory_space<vmem>>) semaphore(%run_scoped3A_253 : memref<!tpu.dma_semaphore, #tpu.memory_space<semaphore_mem>>) {add = true}
        %dma_wait3A_260 = arith.constant 0 : i32
        %dma_wait3A_261 = tpu.memref_slice %arg8[%run_scoped3A_213, %dma_wait3A_260] : memref<16x64xi32, #tpu.memory_space<vmem>> -> memref<1x64xi32, #tpu.memory_space<vmem>>
        %dma_wait3A_262 = tpu.memref_squeeze %dma_wait3A_261 : memref<1x64xi32, #tpu.memory_space<vmem>> -> memref<64xi32, #tpu.memory_space<vmem>>
        %dma_wait3A_263 = arith.constant 0 : i32
        %dma_wait3A_264 = arith.constant 0 : i32
        %dma_wait3A_265 = tpu.memref_slice %arg13[%dma_wait3A_263, %dma_wait3A_264] : memref<10240x128xf32, #tpu.memory_space<vmem_shared>> -> memref<10240x128xf32, #tpu.memory_space<vmem_shared>>
        tpu.wait_indirect_dma semaphore(%run_scoped3A_253 : memref<!tpu.dma_semaphore, #tpu.memory_space<semaphore_mem>>) src(%arg12 : memref<64x128xf32, #tpu.memory_space<vmem>>) dst(%dma_wait3A_265 : memref<10240x128xf32, #tpu.memory_space<vmem_shared>>)
        tpu.yield
      }) : () -> ()
      %dma_start3A_214 = arith.constant 15 : i32
      %dma_start3A_215 = arith.constant 0 : i32
      %dma_start3A_216 = tpu.memref_slice %arg7[%dma_start3A_214, %dma_start3A_215] : memref<16x64xi32, #tpu.memory_space<vmem>> -> memref<1x64xi32, #tpu.memory_space<vmem>>
      %dma_start3A_217 = tpu.memref_squeeze %dma_start3A_216 : memref<1x64xi32, #tpu.memory_space<vmem>> -> memref<64xi32, #tpu.memory_space<vmem>>
      %dma_start3A_218 = arith.constant 0 : i32
      %dma_start3A_219 = arith.constant 0 : i32
      %dma_start3A_220 = tpu.memref_slice %arg4[%dma_start3A_218, %dma_start3A_219] : memref<10240x128xf32, #tpu.memory_space<hbm>> -> memref<10240x128xf32, #tpu.memory_space<hbm>>
      tpu.enqueue_indirect_dma source(%dma_start3A_220 : memref<10240x128xf32, #tpu.memory_space<hbm>>) target(%arg12 : memref<64x128xf32, #tpu.memory_space<vmem>>) offsets(%dma_start3A_217 : memref<64xi32, #tpu.memory_space<vmem>>) semaphore(%arg17 : memref<!tpu.dma_semaphore, #tpu.memory_space<semaphore_mem>>)
      %dma_wait3A_221 = arith.constant 12 : i32
      %dma_wait3A_222 = arith.constant 0 : i32
      %dma_wait3A_223 = tpu.memref_slice %arg7[%dma_wait3A_221, %dma_wait3A_222] : memref<16x64xi32, #tpu.memory_space<vmem>> -> memref<1x64xi32, #tpu.memory_space<vmem>>
      %dma_wait3A_224 = tpu.memref_squeeze %dma_wait3A_223 : memref<1x64xi32, #tpu.memory_space<vmem>> -> memref<64xi32, #tpu.memory_space<vmem>>
      %dma_wait3A_225 = arith.constant 0 : i32
      %dma_wait3A_226 = arith.constant 0 : i32
      %dma_wait3A_227 = tpu.memref_slice %arg4[%dma_wait3A_225, %dma_wait3A_226] : memref<10240x128xf32, #tpu.memory_space<hbm>> -> memref<10240x128xf32, #tpu.memory_space<hbm>>
      tpu.wait_indirect_dma semaphore(%arg14 : memref<!tpu.dma_semaphore, #tpu.memory_space<semaphore_mem>>) src(%dma_wait3A_227 : memref<10240x128xf32, #tpu.memory_space<hbm>>) dst(%arg9 : memref<64x128xf32, #tpu.memory_space<vmem>>)
      %run_scoped3A_228 = arith.constant 12 : i32
      "tpu.region"() ({
        %run_scoped3A_253 = tpu.sem_alloc : memref<!tpu.dma_semaphore, #tpu.memory_space<semaphore_mem>>
        %dma_start3A_254 = arith.constant 0 : i32
        %dma_start3A_255 = tpu.memref_slice %arg8[%run_scoped3A_228, %dma_start3A_254] : memref<16x64xi32, #tpu.memory_space<vmem>> -> memref<1x64xi32, #tpu.memory_space<vmem>>
        %dma_start3A_256 = tpu.memref_squeeze %dma_start3A_255 : memref<1x64xi32, #tpu.memory_space<vmem>> -> memref<64xi32, #tpu.memory_space<vmem>>
        %dma_start3A_257 = arith.constant 0 : i32
        %dma_start3A_258 = arith.constant 0 : i32
        %dma_start3A_259 = tpu.memref_slice %arg13[%dma_start3A_257, %dma_start3A_258] : memref<10240x128xf32, #tpu.memory_space<vmem_shared>> -> memref<10240x128xf32, #tpu.memory_space<vmem_shared>>
        tpu.enqueue_indirect_dma source(%arg9 : memref<64x128xf32, #tpu.memory_space<vmem>>) target(%dma_start3A_259 : memref<10240x128xf32, #tpu.memory_space<vmem_shared>>) offsets(%dma_start3A_256 : memref<64xi32, #tpu.memory_space<vmem>>) semaphore(%run_scoped3A_253 : memref<!tpu.dma_semaphore, #tpu.memory_space<semaphore_mem>>) {add = true}
        %dma_wait3A_260 = arith.constant 0 : i32
        %dma_wait3A_261 = tpu.memref_slice %arg8[%run_scoped3A_228, %dma_wait3A_260] : memref<16x64xi32, #tpu.memory_space<vmem>> -> memref<1x64xi32, #tpu.memory_space<vmem>>
        %dma_wait3A_262 = tpu.memref_squeeze %dma_wait3A_261 : memref<1x64xi32, #tpu.memory_space<vmem>> -> memref<64xi32, #tpu.memory_space<vmem>>
        %dma_wait3A_263 = arith.constant 0 : i32
        %dma_wait3A_264 = arith.constant 0 : i32
        %dma_wait3A_265 = tpu.memref_slice %arg13[%dma_wait3A_263, %dma_wait3A_264] : memref<10240x128xf32, #tpu.memory_space<vmem_shared>> -> memref<10240x128xf32, #tpu.memory_space<vmem_shared>>
        tpu.wait_indirect_dma semaphore(%run_scoped3A_253 : memref<!tpu.dma_semaphore, #tpu.memory_space<semaphore_mem>>) src(%arg9 : memref<64x128xf32, #tpu.memory_space<vmem>>) dst(%dma_wait3A_265 : memref<10240x128xf32, #tpu.memory_space<vmem_shared>>)
        tpu.yield
      }) : () -> ()
      %dma_wait3A_229 = arith.constant 13 : i32
      %dma_wait3A_230 = arith.constant 0 : i32
      %dma_wait3A_231 = tpu.memref_slice %arg7[%dma_wait3A_229, %dma_wait3A_230] : memref<16x64xi32, #tpu.memory_space<vmem>> -> memref<1x64xi32, #tpu.memory_space<vmem>>
      %dma_wait3A_232 = tpu.memref_squeeze %dma_wait3A_231 : memref<1x64xi32, #tpu.memory_space<vmem>> -> memref<64xi32, #tpu.memory_space<vmem>>
      %dma_wait3A_233 = arith.constant 0 : i32
      %dma_wait3A_234 = arith.constant 0 : i32
      %dma_wait3A_235 = tpu.memref_slice %arg4[%dma_wait3A_233, %dma_wait3A_234] : memref<10240x128xf32, #tpu.memory_space<hbm>> -> memref<10240x128xf32, #tpu.memory_space<hbm>>
      tpu.wait_indirect_dma semaphore(%arg15 : memref<!tpu.dma_semaphore, #tpu.memory_space<semaphore_mem>>) src(%dma_wait3A_235 : memref<10240x128xf32, #tpu.memory_space<hbm>>) dst(%arg10 : memref<64x128xf32, #tpu.memory_space<vmem>>)
      %run_scoped3A_236 = arith.constant 13 : i32
      "tpu.region"() ({
        %run_scoped3A_253 = tpu.sem_alloc : memref<!tpu.dma_semaphore, #tpu.memory_space<semaphore_mem>>
        %dma_start3A_254 = arith.constant 0 : i32
        %dma_start3A_255 = tpu.memref_slice %arg8[%run_scoped3A_236, %dma_start3A_254] : memref<16x64xi32, #tpu.memory_space<vmem>> -> memref<1x64xi32, #tpu.memory_space<vmem>>
        %dma_start3A_256 = tpu.memref_squeeze %dma_start3A_255 : memref<1x64xi32, #tpu.memory_space<vmem>> -> memref<64xi32, #tpu.memory_space<vmem>>
        %dma_start3A_257 = arith.constant 0 : i32
        %dma_start3A_258 = arith.constant 0 : i32
        %dma_start3A_259 = tpu.memref_slice %arg13[%dma_start3A_257, %dma_start3A_258] : memref<10240x128xf32, #tpu.memory_space<vmem_shared>> -> memref<10240x128xf32, #tpu.memory_space<vmem_shared>>
        tpu.enqueue_indirect_dma source(%arg10 : memref<64x128xf32, #tpu.memory_space<vmem>>) target(%dma_start3A_259 : memref<10240x128xf32, #tpu.memory_space<vmem_shared>>) offsets(%dma_start3A_256 : memref<64xi32, #tpu.memory_space<vmem>>) semaphore(%run_scoped3A_253 : memref<!tpu.dma_semaphore, #tpu.memory_space<semaphore_mem>>) {add = true}
        %dma_wait3A_260 = arith.constant 0 : i32
        %dma_wait3A_261 = tpu.memref_slice %arg8[%run_scoped3A_236, %dma_wait3A_260] : memref<16x64xi32, #tpu.memory_space<vmem>> -> memref<1x64xi32, #tpu.memory_space<vmem>>
        %dma_wait3A_262 = tpu.memref_squeeze %dma_wait3A_261 : memref<1x64xi32, #tpu.memory_space<vmem>> -> memref<64xi32, #tpu.memory_space<vmem>>
        %dma_wait3A_263 = arith.constant 0 : i32
        %dma_wait3A_264 = arith.constant 0 : i32
        %dma_wait3A_265 = tpu.memref_slice %arg13[%dma_wait3A_263, %dma_wait3A_264] : memref<10240x128xf32, #tpu.memory_space<vmem_shared>> -> memref<10240x128xf32, #tpu.memory_space<vmem_shared>>
        tpu.wait_indirect_dma semaphore(%run_scoped3A_253 : memref<!tpu.dma_semaphore, #tpu.memory_space<semaphore_mem>>) src(%arg10 : memref<64x128xf32, #tpu.memory_space<vmem>>) dst(%dma_wait3A_265 : memref<10240x128xf32, #tpu.memory_space<vmem_shared>>)
        tpu.yield
      }) : () -> ()
      %dma_wait3A_237 = arith.constant 14 : i32
      %dma_wait3A_238 = arith.constant 0 : i32
      %dma_wait3A_239 = tpu.memref_slice %arg7[%dma_wait3A_237, %dma_wait3A_238] : memref<16x64xi32, #tpu.memory_space<vmem>> -> memref<1x64xi32, #tpu.memory_space<vmem>>
      %dma_wait3A_240 = tpu.memref_squeeze %dma_wait3A_239 : memref<1x64xi32, #tpu.memory_space<vmem>> -> memref<64xi32, #tpu.memory_space<vmem>>
      %dma_wait3A_241 = arith.constant 0 : i32
      %dma_wait3A_242 = arith.constant 0 : i32
      %dma_wait3A_243 = tpu.memref_slice %arg4[%dma_wait3A_241, %dma_wait3A_242] : memref<10240x128xf32, #tpu.memory_space<hbm>> -> memref<10240x128xf32, #tpu.memory_space<hbm>>
      tpu.wait_indirect_dma semaphore(%arg16 : memref<!tpu.dma_semaphore, #tpu.memory_space<semaphore_mem>>) src(%dma_wait3A_243 : memref<10240x128xf32, #tpu.memory_space<hbm>>) dst(%arg11 : memref<64x128xf32, #tpu.memory_space<vmem>>)
      %run_scoped3A_244 = arith.constant 14 : i32
      "tpu.region"() ({
        %run_scoped3A_253 = tpu.sem_alloc : memref<!tpu.dma_semaphore, #tpu.memory_space<semaphore_mem>>
        %dma_start3A_254 = arith.constant 0 : i32
        %dma_start3A_255 = tpu.memref_slice %arg8[%run_scoped3A_244, %dma_start3A_254] : memref<16x64xi32, #tpu.memory_space<vmem>> -> memref<1x64xi32, #tpu.memory_space<vmem>>
        %dma_start3A_256 = tpu.memref_squeeze %dma_start3A_255 : memref<1x64xi32, #tpu.memory_space<vmem>> -> memref<64xi32, #tpu.memory_space<vmem>>
        %dma_start3A_257 = arith.constant 0 : i32
        %dma_start3A_258 = arith.constant 0 : i32
        %dma_start3A_259 = tpu.memref_slice %arg13[%dma_start3A_257, %dma_start3A_258] : memref<10240x128xf32, #tpu.memory_space<vmem_shared>> -> memref<10240x128xf32, #tpu.memory_space<vmem_shared>>
        tpu.enqueue_indirect_dma source(%arg11 : memref<64x128xf32, #tpu.memory_space<vmem>>) target(%dma_start3A_259 : memref<10240x128xf32, #tpu.memory_space<vmem_shared>>) offsets(%dma_start3A_256 : memref<64xi32, #tpu.memory_space<vmem>>) semaphore(%run_scoped3A_253 : memref<!tpu.dma_semaphore, #tpu.memory_space<semaphore_mem>>) {add = true}
        %dma_wait3A_260 = arith.constant 0 : i32
        %dma_wait3A_261 = tpu.memref_slice %arg8[%run_scoped3A_244, %dma_wait3A_260] : memref<16x64xi32, #tpu.memory_space<vmem>> -> memref<1x64xi32, #tpu.memory_space<vmem>>
        %dma_wait3A_262 = tpu.memref_squeeze %dma_wait3A_261 : memref<1x64xi32, #tpu.memory_space<vmem>> -> memref<64xi32, #tpu.memory_space<vmem>>
        %dma_wait3A_263 = arith.constant 0 : i32
        %dma_wait3A_264 = arith.constant 0 : i32
        %dma_wait3A_265 = tpu.memref_slice %arg13[%dma_wait3A_263, %dma_wait3A_264] : memref<10240x128xf32, #tpu.memory_space<vmem_shared>> -> memref<10240x128xf32, #tpu.memory_space<vmem_shared>>
        tpu.wait_indirect_dma semaphore(%run_scoped3A_253 : memref<!tpu.dma_semaphore, #tpu.memory_space<semaphore_mem>>) src(%arg11 : memref<64x128xf32, #tpu.memory_space<vmem>>) dst(%dma_wait3A_265 : memref<10240x128xf32, #tpu.memory_space<vmem_shared>>)
        tpu.yield
      }) : () -> ()
      %dma_wait3A_245 = arith.constant 15 : i32
      %dma_wait3A_246 = arith.constant 0 : i32
      %dma_wait3A_247 = tpu.memref_slice %arg7[%dma_wait3A_245, %dma_wait3A_246] : memref<16x64xi32, #tpu.memory_space<vmem>> -> memref<1x64xi32, #tpu.memory_space<vmem>>
      %dma_wait3A_248 = tpu.memref_squeeze %dma_wait3A_247 : memref<1x64xi32, #tpu.memory_space<vmem>> -> memref<64xi32, #tpu.memory_space<vmem>>
      %dma_wait3A_249 = arith.constant 0 : i32
      %dma_wait3A_250 = arith.constant 0 : i32
      %dma_wait3A_251 = tpu.memref_slice %arg4[%dma_wait3A_249, %dma_wait3A_250] : memref<10240x128xf32, #tpu.memory_space<hbm>> -> memref<10240x128xf32, #tpu.memory_space<hbm>>
      tpu.wait_indirect_dma semaphore(%arg17 : memref<!tpu.dma_semaphore, #tpu.memory_space<semaphore_mem>>) src(%dma_wait3A_251 : memref<10240x128xf32, #tpu.memory_space<hbm>>) dst(%arg12 : memref<64x128xf32, #tpu.memory_space<vmem>>)
      %run_scoped3A_252 = arith.constant 15 : i32
      "tpu.region"() ({
        %run_scoped3A_253 = tpu.sem_alloc : memref<!tpu.dma_semaphore, #tpu.memory_space<semaphore_mem>>
        %dma_start3A_254 = arith.constant 0 : i32
        %dma_start3A_255 = tpu.memref_slice %arg8[%run_scoped3A_252, %dma_start3A_254] : memref<16x64xi32, #tpu.memory_space<vmem>> -> memref<1x64xi32, #tpu.memory_space<vmem>>
        %dma_start3A_256 = tpu.memref_squeeze %dma_start3A_255 : memref<1x64xi32, #tpu.memory_space<vmem>> -> memref<64xi32, #tpu.memory_space<vmem>>
        %dma_start3A_257 = arith.constant 0 : i32
        %dma_start3A_258 = arith.constant 0 : i32
        %dma_start3A_259 = tpu.memref_slice %arg13[%dma_start3A_257, %dma_start3A_258] : memref<10240x128xf32, #tpu.memory_space<vmem_shared>> -> memref<10240x128xf32, #tpu.memory_space<vmem_shared>>
        tpu.enqueue_indirect_dma source(%arg12 : memref<64x128xf32, #tpu.memory_space<vmem>>) target(%dma_start3A_259 : memref<10240x128xf32, #tpu.memory_space<vmem_shared>>) offsets(%dma_start3A_256 : memref<64xi32, #tpu.memory_space<vmem>>) semaphore(%run_scoped3A_253 : memref<!tpu.dma_semaphore, #tpu.memory_space<semaphore_mem>>) {add = true}
        %dma_wait3A_260 = arith.constant 0 : i32
        %dma_wait3A_261 = tpu.memref_slice %arg8[%run_scoped3A_252, %dma_wait3A_260] : memref<16x64xi32, #tpu.memory_space<vmem>> -> memref<1x64xi32, #tpu.memory_space<vmem>>
        %dma_wait3A_262 = tpu.memref_squeeze %dma_wait3A_261 : memref<1x64xi32, #tpu.memory_space<vmem>> -> memref<64xi32, #tpu.memory_space<vmem>>
        %dma_wait3A_263 = arith.constant 0 : i32
        %dma_wait3A_264 = arith.constant 0 : i32
        %dma_wait3A_265 = tpu.memref_slice %arg13[%dma_wait3A_263, %dma_wait3A_264] : memref<10240x128xf32, #tpu.memory_space<vmem_shared>> -> memref<10240x128xf32, #tpu.memory_space<vmem_shared>>
        tpu.wait_indirect_dma semaphore(%run_scoped3A_253 : memref<!tpu.dma_semaphore, #tpu.memory_space<semaphore_mem>>) src(%arg12 : memref<64x128xf32, #tpu.memory_space<vmem>>) dst(%dma_wait3A_265 : memref<10240x128xf32, #tpu.memory_space<vmem_shared>>)
        tpu.yield
      }) : () -> ()
    }
    %while3A_13 = arith.constant 1 : i32
    scf.for %while3A_15 = %while3A_11 to %while3A_7 step %while3A_13  : i32 {
      "tpu.region"() ({
        %run_scoped3A_253 = tpu.sem_alloc : memref<!tpu.dma_semaphore, #tpu.memory_space<semaphore_mem>>
        %dma_start3A_254 = arith.constant 0 : i32
        %dma_start3A_255 = arith.constant 0 : i32
        %dma_start3A_256 = tpu.memref_slice %arg2[%add3A, %while3A_15, %dma_start3A_254, %dma_start3A_255] : memref<32x10x16x64xi32, #tpu.memory_space<hbm>> -> memref<1x1x16x64xi32, #tpu.memory_space<hbm>>
        %dma_start3A_257 = tpu.memref_squeeze %dma_start3A_256 : memref<1x1x16x64xi32, #tpu.memory_space<hbm>> -> memref<16x64xi32, #tpu.memory_space<hbm>>
        %dma_start3A_258 = arith.constant 0 : i32
        %dma_start3A_259 = arith.constant 0 : i32
        %dma_start3A_260 = tpu.memref_slice %arg2[%add3A, %while3A_15, %dma_start3A_258, %dma_start3A_259] : memref<32x10x16x64xi32, #tpu.memory_space<hbm>> -> memref<1x1x16x64xi32, #tpu.memory_space<hbm>>
        %dma_start3A_261 = tpu.memref_squeeze %dma_start3A_260 : memref<1x1x16x64xi32, #tpu.memory_space<hbm>> -> memref<16x64xi32, #tpu.memory_space<hbm>>
        tpu.enqueue_dma source(%dma_start3A_261 : memref<16x64xi32, #tpu.memory_space<hbm>>) target(%arg7 : memref<16x64xi32, #tpu.memory_space<vmem>>) target_semaphore(%run_scoped3A_253 : memref<!tpu.dma_semaphore, #tpu.memory_space<semaphore_mem>>)
        %dma_wait3A_262 = arith.constant 0 : i32
        %dma_wait3A_263 = arith.constant 0 : i32
        %dma_wait3A_264 = tpu.memref_slice %arg2[%add3A, %while3A_15, %dma_wait3A_262, %dma_wait3A_263] : memref<32x10x16x64xi32, #tpu.memory_space<hbm>> -> memref<1x1x16x64xi32, #tpu.memory_space<hbm>>
        %dma_wait3A_265 = tpu.memref_squeeze %dma_wait3A_264 : memref<1x1x16x64xi32, #tpu.memory_space<hbm>> -> memref<16x64xi32, #tpu.memory_space<hbm>>
        %dma_wait3A_266 = arith.constant 0 : i32
        %dma_wait3A_267 = arith.constant 0 : i32
        %dma_wait3A_268 = tpu.memref_slice %arg2[%add3A, %while3A_15, %dma_wait3A_266, %dma_wait3A_267] : memref<32x10x16x64xi32, #tpu.memory_space<hbm>> -> memref<1x1x16x64xi32, #tpu.memory_space<hbm>>
        %dma_wait3A_269 = tpu.memref_squeeze %dma_wait3A_268 : memref<1x1x16x64xi32, #tpu.memory_space<hbm>> -> memref<16x64xi32, #tpu.memory_space<hbm>>
        tpu.wait_dma2 semaphore(%run_scoped3A_253 : memref<!tpu.dma_semaphore, #tpu.memory_space<semaphore_mem>>) src(%dma_wait3A_269 : memref<16x64xi32, #tpu.memory_space<hbm>>) dst(%arg7 : memref<16x64xi32, #tpu.memory_space<vmem>>)
        tpu.yield
      }) : () -> ()
      "tpu.region"() ({
        %run_scoped3A_253 = tpu.sem_alloc : memref<!tpu.dma_semaphore, #tpu.memory_space<semaphore_mem>>
        %dma_start3A_254 = arith.constant 0 : i32
        %dma_start3A_255 = arith.constant 0 : i32
        %dma_start3A_256 = tpu.memref_slice %arg3[%add3A, %while3A_15, %dma_start3A_254, %dma_start3A_255] : memref<32x10x16x64xi32, #tpu.memory_space<hbm>> -> memref<1x1x16x64xi32, #tpu.memory_space<hbm>>
        %dma_start3A_257 = tpu.memref_squeeze %dma_start3A_256 : memref<1x1x16x64xi32, #tpu.memory_space<hbm>> -> memref<16x64xi32, #tpu.memory_space<hbm>>
        %dma_start3A_258 = arith.constant 0 : i32
        %dma_start3A_259 = arith.constant 0 : i32
        %dma_start3A_260 = tpu.memref_slice %arg3[%add3A, %while3A_15, %dma_start3A_258, %dma_start3A_259] : memref<32x10x16x64xi32, #tpu.memory_space<hbm>> -> memref<1x1x16x64xi32, #tpu.memory_space<hbm>>
        %dma_start3A_261 = tpu.memref_squeeze %dma_start3A_260 : memref<1x1x16x64xi32, #tpu.memory_space<hbm>> -> memref<16x64xi32, #tpu.memory_space<hbm>>
        tpu.enqueue_dma source(%dma_start3A_261 : memref<16x64xi32, #tpu.memory_space<hbm>>) target(%arg8 : memref<16x64xi32, #tpu.memory_space<vmem>>) target_semaphore(%run_scoped3A_253 : memref<!tpu.dma_semaphore, #tpu.memory_space<semaphore_mem>>)
        %dma_wait3A_262 = arith.constant 0 : i32
        %dma_wait3A_263 = arith.constant 0 : i32
        %dma_wait3A_264 = tpu.memref_slice %arg3[%add3A, %while3A_15, %dma_wait3A_262, %dma_wait3A_263] : memref<32x10x16x64xi32, #tpu.memory_space<hbm>> -> memref<1x1x16x64xi32, #tpu.memory_space<hbm>>
        %dma_wait3A_265 = tpu.memref_squeeze %dma_wait3A_264 : memref<1x1x16x64xi32, #tpu.memory_space<hbm>> -> memref<16x64xi32, #tpu.memory_space<hbm>>
        %dma_wait3A_266 = arith.constant 0 : i32
        %dma_wait3A_267 = arith.constant 0 : i32
        %dma_wait3A_268 = tpu.memref_slice %arg3[%add3A, %while3A_15, %dma_wait3A_266, %dma_wait3A_267] : memref<32x10x16x64xi32, #tpu.memory_space<hbm>> -> memref<1x1x16x64xi32, #tpu.memory_space<hbm>>
        %dma_wait3A_269 = tpu.memref_squeeze %dma_wait3A_268 : memref<1x1x16x64xi32, #tpu.memory_space<hbm>> -> memref<16x64xi32, #tpu.memory_space<hbm>>
        tpu.wait_dma2 semaphore(%run_scoped3A_253 : memref<!tpu.dma_semaphore, #tpu.memory_space<semaphore_mem>>) src(%dma_wait3A_269 : memref<16x64xi32, #tpu.memory_space<hbm>>) dst(%arg8 : memref<16x64xi32, #tpu.memory_space<vmem>>)
        tpu.yield
      }) : () -> ()
      %dma_start3A = arith.constant 0 : i32
      %dma_start3A_16 = arith.constant 0 : i32
      %dma_start3A_17 = tpu.memref_slice %arg7[%dma_start3A, %dma_start3A_16] : memref<16x64xi32, #tpu.memory_space<vmem>> -> memref<1x64xi32, #tpu.memory_space<vmem>>
      %dma_start3A_18 = tpu.memref_squeeze %dma_start3A_17 : memref<1x64xi32, #tpu.memory_space<vmem>> -> memref<64xi32, #tpu.memory_space<vmem>>
      %dma_start3A_19 = arith.constant 0 : i32
      %dma_start3A_20 = arith.constant 0 : i32
      %dma_start3A_21 = tpu.memref_slice %arg4[%dma_start3A_19, %dma_start3A_20] : memref<10240x128xf32, #tpu.memory_space<hbm>> -> memref<10240x128xf32, #tpu.memory_space<hbm>>
      tpu.enqueue_indirect_dma source(%dma_start3A_21 : memref<10240x128xf32, #tpu.memory_space<hbm>>) target(%arg9 : memref<64x128xf32, #tpu.memory_space<vmem>>) offsets(%dma_start3A_18 : memref<64xi32, #tpu.memory_space<vmem>>) semaphore(%arg14 : memref<!tpu.dma_semaphore, #tpu.memory_space<semaphore_mem>>)
      %dma_start3A_22 = arith.constant 1 : i32
      %dma_start3A_23 = arith.constant 0 : i32
      %dma_start3A_24 = tpu.memref_slice %arg7[%dma_start3A_22, %dma_start3A_23] : memref<16x64xi32, #tpu.memory_space<vmem>> -> memref<1x64xi32, #tpu.memory_space<vmem>>
      %dma_start3A_25 = tpu.memref_squeeze %dma_start3A_24 : memref<1x64xi32, #tpu.memory_space<vmem>> -> memref<64xi32, #tpu.memory_space<vmem>>
      %dma_start3A_26 = arith.constant 0 : i32
      %dma_start3A_27 = arith.constant 0 : i32
      %dma_start3A_28 = tpu.memref_slice %arg4[%dma_start3A_26, %dma_start3A_27] : memref<10240x128xf32, #tpu.memory_space<hbm>> -> memref<10240x128xf32, #tpu.memory_space<hbm>>
      tpu.enqueue_indirect_dma source(%dma_start3A_28 : memref<10240x128xf32, #tpu.memory_space<hbm>>) target(%arg10 : memref<64x128xf32, #tpu.memory_space<vmem>>) offsets(%dma_start3A_25 : memref<64xi32, #tpu.memory_space<vmem>>) semaphore(%arg15 : memref<!tpu.dma_semaphore, #tpu.memory_space<semaphore_mem>>)
      %dma_start3A_29 = arith.constant 2 : i32
      %dma_start3A_30 = arith.constant 0 : i32
      %dma_start3A_31 = tpu.memref_slice %arg7[%dma_start3A_29, %dma_start3A_30] : memref<16x64xi32, #tpu.memory_space<vmem>> -> memref<1x64xi32, #tpu.memory_space<vmem>>
      %dma_start3A_32 = tpu.memref_squeeze %dma_start3A_31 : memref<1x64xi32, #tpu.memory_space<vmem>> -> memref<64xi32, #tpu.memory_space<vmem>>
      %dma_start3A_33 = arith.constant 0 : i32
      %dma_start3A_34 = arith.constant 0 : i32
      %dma_start3A_35 = tpu.memref_slice %arg4[%dma_start3A_33, %dma_start3A_34] : memref<10240x128xf32, #tpu.memory_space<hbm>> -> memref<10240x128xf32, #tpu.memory_space<hbm>>
      tpu.enqueue_indirect_dma source(%dma_start3A_35 : memref<10240x128xf32, #tpu.memory_space<hbm>>) target(%arg11 : memref<64x128xf32, #tpu.memory_space<vmem>>) offsets(%dma_start3A_32 : memref<64xi32, #tpu.memory_space<vmem>>) semaphore(%arg16 : memref<!tpu.dma_semaphore, #tpu.memory_space<semaphore_mem>>)
      %dma_start3A_36 = arith.constant 3 : i32
      %dma_start3A_37 = arith.constant 0 : i32
      %dma_start3A_38 = tpu.memref_slice %arg7[%dma_start3A_36, %dma_start3A_37] : memref<16x64xi32, #tpu.memory_space<vmem>> -> memref<1x64xi32, #tpu.memory_space<vmem>>
      %dma_start3A_39 = tpu.memref_squeeze %dma_start3A_38 : memref<1x64xi32, #tpu.memory_space<vmem>> -> memref<64xi32, #tpu.memory_space<vmem>>
      %dma_start3A_40 = arith.constant 0 : i32
      %dma_start3A_41 = arith.constant 0 : i32
      %dma_start3A_42 = tpu.memref_slice %arg4[%dma_start3A_40, %dma_start3A_41] : memref<10240x128xf32, #tpu.memory_space<hbm>> -> memref<10240x128xf32, #tpu.memory_space<hbm>>
      tpu.enqueue_indirect_dma source(%dma_start3A_42 : memref<10240x128xf32, #tpu.memory_space<hbm>>) target(%arg12 : memref<64x128xf32, #tpu.memory_space<vmem>>) offsets(%dma_start3A_39 : memref<64xi32, #tpu.memory_space<vmem>>) semaphore(%arg17 : memref<!tpu.dma_semaphore, #tpu.memory_space<semaphore_mem>>)
      %dma_wait3A = arith.constant 0 : i32
      %dma_wait3A_43 = arith.constant 0 : i32
      %dma_wait3A_44 = tpu.memref_slice %arg7[%dma_wait3A, %dma_wait3A_43] : memref<16x64xi32, #tpu.memory_space<vmem>> -> memref<1x64xi32, #tpu.memory_space<vmem>>
      %dma_wait3A_45 = tpu.memref_squeeze %dma_wait3A_44 : memref<1x64xi32, #tpu.memory_space<vmem>> -> memref<64xi32, #tpu.memory_space<vmem>>
      %dma_wait3A_46 = arith.constant 0 : i32
      %dma_wait3A_47 = arith.constant 0 : i32
      %dma_wait3A_48 = tpu.memref_slice %arg4[%dma_wait3A_46, %dma_wait3A_47] : memref<10240x128xf32, #tpu.memory_space<hbm>> -> memref<10240x128xf32, #tpu.memory_space<hbm>>
      tpu.wait_indirect_dma semaphore(%arg14 : memref<!tpu.dma_semaphore, #tpu.memory_space<semaphore_mem>>) src(%dma_wait3A_48 : memref<10240x128xf32, #tpu.memory_space<hbm>>) dst(%arg9 : memref<64x128xf32, #tpu.memory_space<vmem>>)
      %run_scoped3A = arith.constant 0 : i32
      "tpu.region"() ({
        %run_scoped3A_253 = tpu.sem_alloc : memref<!tpu.dma_semaphore, #tpu.memory_space<semaphore_mem>>
        %dma_start3A_254 = arith.constant 0 : i32
        %dma_start3A_255 = tpu.memref_slice %arg8[%run_scoped3A, %dma_start3A_254] : memref<16x64xi32, #tpu.memory_space<vmem>> -> memref<1x64xi32, #tpu.memory_space<vmem>>
        %dma_start3A_256 = tpu.memref_squeeze %dma_start3A_255 : memref<1x64xi32, #tpu.memory_space<vmem>> -> memref<64xi32, #tpu.memory_space<vmem>>
        %dma_start3A_257 = arith.constant 0 : i32
        %dma_start3A_258 = arith.constant 0 : i32
        %dma_start3A_259 = tpu.memref_slice %arg13[%dma_start3A_257, %dma_start3A_258] : memref<10240x128xf32, #tpu.memory_space<vmem_shared>> -> memref<10240x128xf32, #tpu.memory_space<vmem_shared>>
        tpu.enqueue_indirect_dma source(%arg9 : memref<64x128xf32, #tpu.memory_space<vmem>>) target(%dma_start3A_259 : memref<10240x128xf32, #tpu.memory_space<vmem_shared>>) offsets(%dma_start3A_256 : memref<64xi32, #tpu.memory_space<vmem>>) semaphore(%run_scoped3A_253 : memref<!tpu.dma_semaphore, #tpu.memory_space<semaphore_mem>>) {add = true}
        %dma_wait3A_260 = arith.constant 0 : i32
        %dma_wait3A_261 = tpu.memref_slice %arg8[%run_scoped3A, %dma_wait3A_260] : memref<16x64xi32, #tpu.memory_space<vmem>> -> memref<1x64xi32, #tpu.memory_space<vmem>>
        %dma_wait3A_262 = tpu.memref_squeeze %dma_wait3A_261 : memref<1x64xi32, #tpu.memory_space<vmem>> -> memref<64xi32, #tpu.memory_space<vmem>>
        %dma_wait3A_263 = arith.constant 0 : i32
        %dma_wait3A_264 = arith.constant 0 : i32
        %dma_wait3A_265 = tpu.memref_slice %arg13[%dma_wait3A_263, %dma_wait3A_264] : memref<10240x128xf32, #tpu.memory_space<vmem_shared>> -> memref<10240x128xf32, #tpu.memory_space<vmem_shared>>
        tpu.wait_indirect_dma semaphore(%run_scoped3A_253 : memref<!tpu.dma_semaphore, #tpu.memory_space<semaphore_mem>>) src(%arg9 : memref<64x128xf32, #tpu.memory_space<vmem>>) dst(%dma_wait3A_265 : memref<10240x128xf32, #tpu.memory_space<vmem_shared>>)
        tpu.yield
      }) : () -> ()
      %dma_start3A_49 = arith.constant 4 : i32
      %dma_start3A_50 = arith.constant 0 : i32
      %dma_start3A_51 = tpu.memref_slice %arg7[%dma_start3A_49, %dma_start3A_50] : memref<16x64xi32, #tpu.memory_space<vmem>> -> memref<1x64xi32, #tpu.memory_space<vmem>>
      %dma_start3A_52 = tpu.memref_squeeze %dma_start3A_51 : memref<1x64xi32, #tpu.memory_space<vmem>> -> memref<64xi32, #tpu.memory_space<vmem>>
      %dma_start3A_53 = arith.constant 0 : i32
      %dma_start3A_54 = arith.constant 0 : i32
      %dma_start3A_55 = tpu.memref_slice %arg4[%dma_start3A_53, %dma_start3A_54] : memref<10240x128xf32, #tpu.memory_space<hbm>> -> memref<10240x128xf32, #tpu.memory_space<hbm>>
      tpu.enqueue_indirect_dma source(%dma_start3A_55 : memref<10240x128xf32, #tpu.memory_space<hbm>>) target(%arg9 : memref<64x128xf32, #tpu.memory_space<vmem>>) offsets(%dma_start3A_52 : memref<64xi32, #tpu.memory_space<vmem>>) semaphore(%arg14 : memref<!tpu.dma_semaphore, #tpu.memory_space<semaphore_mem>>)
      %dma_wait3A_56 = arith.constant 1 : i32
      %dma_wait3A_57 = arith.constant 0 : i32
      %dma_wait3A_58 = tpu.memref_slice %arg7[%dma_wait3A_56, %dma_wait3A_57] : memref<16x64xi32, #tpu.memory_space<vmem>> -> memref<1x64xi32, #tpu.memory_space<vmem>>
      %dma_wait3A_59 = tpu.memref_squeeze %dma_wait3A_58 : memref<1x64xi32, #tpu.memory_space<vmem>> -> memref<64xi32, #tpu.memory_space<vmem>>
      %dma_wait3A_60 = arith.constant 0 : i32
      %dma_wait3A_61 = arith.constant 0 : i32
      %dma_wait3A_62 = tpu.memref_slice %arg4[%dma_wait3A_60, %dma_wait3A_61] : memref<10240x128xf32, #tpu.memory_space<hbm>> -> memref<10240x128xf32, #tpu.memory_space<hbm>>
      tpu.wait_indirect_dma semaphore(%arg15 : memref<!tpu.dma_semaphore, #tpu.memory_space<semaphore_mem>>) src(%dma_wait3A_62 : memref<10240x128xf32, #tpu.memory_space<hbm>>) dst(%arg10 : memref<64x128xf32, #tpu.memory_space<vmem>>)
      %run_scoped3A_63 = arith.constant 1 : i32
      "tpu.region"() ({
        %run_scoped3A_253 = tpu.sem_alloc : memref<!tpu.dma_semaphore, #tpu.memory_space<semaphore_mem>>
        %dma_start3A_254 = arith.constant 0 : i32
        %dma_start3A_255 = tpu.memref_slice %arg8[%run_scoped3A_63, %dma_start3A_254] : memref<16x64xi32, #tpu.memory_space<vmem>> -> memref<1x64xi32, #tpu.memory_space<vmem>>
        %dma_start3A_256 = tpu.memref_squeeze %dma_start3A_255 : memref<1x64xi32, #tpu.memory_space<vmem>> -> memref<64xi32, #tpu.memory_space<vmem>>
        %dma_start3A_257 = arith.constant 0 : i32
        %dma_start3A_258 = arith.constant 0 : i32
        %dma_start3A_259 = tpu.memref_slice %arg13[%dma_start3A_257, %dma_start3A_258] : memref<10240x128xf32, #tpu.memory_space<vmem_shared>> -> memref<10240x128xf32, #tpu.memory_space<vmem_shared>>
        tpu.enqueue_indirect_dma source(%arg10 : memref<64x128xf32, #tpu.memory_space<vmem>>) target(%dma_start3A_259 : memref<10240x128xf32, #tpu.memory_space<vmem_shared>>) offsets(%dma_start3A_256 : memref<64xi32, #tpu.memory_space<vmem>>) semaphore(%run_scoped3A_253 : memref<!tpu.dma_semaphore, #tpu.memory_space<semaphore_mem>>) {add = true}
        %dma_wait3A_260 = arith.constant 0 : i32
        %dma_wait3A_261 = tpu.memref_slice %arg8[%run_scoped3A_63, %dma_wait3A_260] : memref<16x64xi32, #tpu.memory_space<vmem>> -> memref<1x64xi32, #tpu.memory_space<vmem>>
        %dma_wait3A_262 = tpu.memref_squeeze %dma_wait3A_261 : memref<1x64xi32, #tpu.memory_space<vmem>> -> memref<64xi32, #tpu.memory_space<vmem>>
        %dma_wait3A_263 = arith.constant 0 : i32
        %dma_wait3A_264 = arith.constant 0 : i32
        %dma_wait3A_265 = tpu.memref_slice %arg13[%dma_wait3A_263, %dma_wait3A_264] : memref<10240x128xf32, #tpu.memory_space<vmem_shared>> -> memref<10240x128xf32, #tpu.memory_space<vmem_shared>>
        tpu.wait_indirect_dma semaphore(%run_scoped3A_253 : memref<!tpu.dma_semaphore, #tpu.memory_space<semaphore_mem>>) src(%arg10 : memref<64x128xf32, #tpu.memory_space<vmem>>) dst(%dma_wait3A_265 : memref<10240x128xf32, #tpu.memory_space<vmem_shared>>)
        tpu.yield
      }) : () -> ()
      %dma_start3A_64 = arith.constant 5 : i32
      %dma_start3A_65 = arith.constant 0 : i32
      %dma_start3A_66 = tpu.memref_slice %arg7[%dma_start3A_64, %dma_start3A_65] : memref<16x64xi32, #tpu.memory_space<vmem>> -> memref<1x64xi32, #tpu.memory_space<vmem>>
      %dma_start3A_67 = tpu.memref_squeeze %dma_start3A_66 : memref<1x64xi32, #tpu.memory_space<vmem>> -> memref<64xi32, #tpu.memory_space<vmem>>
      %dma_start3A_68 = arith.constant 0 : i32
      %dma_start3A_69 = arith.constant 0 : i32
      %dma_start3A_70 = tpu.memref_slice %arg4[%dma_start3A_68, %dma_start3A_69] : memref<10240x128xf32, #tpu.memory_space<hbm>> -> memref<10240x128xf32, #tpu.memory_space<hbm>>
      tpu.enqueue_indirect_dma source(%dma_start3A_70 : memref<10240x128xf32, #tpu.memory_space<hbm>>) target(%arg10 : memref<64x128xf32, #tpu.memory_space<vmem>>) offsets(%dma_start3A_67 : memref<64xi32, #tpu.memory_space<vmem>>) semaphore(%arg15 : memref<!tpu.dma_semaphore, #tpu.memory_space<semaphore_mem>>)
      %dma_wait3A_71 = arith.constant 2 : i32
      %dma_wait3A_72 = arith.constant 0 : i32
      %dma_wait3A_73 = tpu.memref_slice %arg7[%dma_wait3A_71, %dma_wait3A_72] : memref<16x64xi32, #tpu.memory_space<vmem>> -> memref<1x64xi32, #tpu.memory_space<vmem>>
      %dma_wait3A_74 = tpu.memref_squeeze %dma_wait3A_73 : memref<1x64xi32, #tpu.memory_space<vmem>> -> memref<64xi32, #tpu.memory_space<vmem>>
      %dma_wait3A_75 = arith.constant 0 : i32
      %dma_wait3A_76 = arith.constant 0 : i32
      %dma_wait3A_77 = tpu.memref_slice %arg4[%dma_wait3A_75, %dma_wait3A_76] : memref<10240x128xf32, #tpu.memory_space<hbm>> -> memref<10240x128xf32, #tpu.memory_space<hbm>>
      tpu.wait_indirect_dma semaphore(%arg16 : memref<!tpu.dma_semaphore, #tpu.memory_space<semaphore_mem>>) src(%dma_wait3A_77 : memref<10240x128xf32, #tpu.memory_space<hbm>>) dst(%arg11 : memref<64x128xf32, #tpu.memory_space<vmem>>)
      %run_scoped3A_78 = arith.constant 2 : i32
      "tpu.region"() ({
        %run_scoped3A_253 = tpu.sem_alloc : memref<!tpu.dma_semaphore, #tpu.memory_space<semaphore_mem>>
        %dma_start3A_254 = arith.constant 0 : i32
        %dma_start3A_255 = tpu.memref_slice %arg8[%run_scoped3A_78, %dma_start3A_254] : memref<16x64xi32, #tpu.memory_space<vmem>> -> memref<1x64xi32, #tpu.memory_space<vmem>>
        %dma_start3A_256 = tpu.memref_squeeze %dma_start3A_255 : memref<1x64xi32, #tpu.memory_space<vmem>> -> memref<64xi32, #tpu.memory_space<vmem>>
        %dma_start3A_257 = arith.constant 0 : i32
        %dma_start3A_258 = arith.constant 0 : i32
        %dma_start3A_259 = tpu.memref_slice %arg13[%dma_start3A_257, %dma_start3A_258] : memref<10240x128xf32, #tpu.memory_space<vmem_shared>> -> memref<10240x128xf32, #tpu.memory_space<vmem_shared>>
        tpu.enqueue_indirect_dma source(%arg11 : memref<64x128xf32, #tpu.memory_space<vmem>>) target(%dma_start3A_259 : memref<10240x128xf32, #tpu.memory_space<vmem_shared>>) offsets(%dma_start3A_256 : memref<64xi32, #tpu.memory_space<vmem>>) semaphore(%run_scoped3A_253 : memref<!tpu.dma_semaphore, #tpu.memory_space<semaphore_mem>>) {add = true}
        %dma_wait3A_260 = arith.constant 0 : i32
        %dma_wait3A_261 = tpu.memref_slice %arg8[%run_scoped3A_78, %dma_wait3A_260] : memref<16x64xi32, #tpu.memory_space<vmem>> -> memref<1x64xi32, #tpu.memory_space<vmem>>
        %dma_wait3A_262 = tpu.memref_squeeze %dma_wait3A_261 : memref<1x64xi32, #tpu.memory_space<vmem>> -> memref<64xi32, #tpu.memory_space<vmem>>
        %dma_wait3A_263 = arith.constant 0 : i32
        %dma_wait3A_264 = arith.constant 0 : i32
        %dma_wait3A_265 = tpu.memref_slice %arg13[%dma_wait3A_263, %dma_wait3A_264] : memref<10240x128xf32, #tpu.memory_space<vmem_shared>> -> memref<10240x128xf32, #tpu.memory_space<vmem_shared>>
        tpu.wait_indirect_dma semaphore(%run_scoped3A_253 : memref<!tpu.dma_semaphore, #tpu.memory_space<semaphore_mem>>) src(%arg11 : memref<64x128xf32, #tpu.memory_space<vmem>>) dst(%dma_wait3A_265 : memref<10240x128xf32, #tpu.memory_space<vmem_shared>>)
        tpu.yield
      }) : () -> ()
      %dma_start3A_79 = arith.constant 6 : i32
      %dma_start3A_80 = arith.constant 0 : i32
      %dma_start3A_81 = tpu.memref_slice %arg7[%dma_start3A_79, %dma_start3A_80] : memref<16x64xi32, #tpu.memory_space<vmem>> -> memref<1x64xi32, #tpu.memory_space<vmem>>
      %dma_start3A_82 = tpu.memref_squeeze %dma_start3A_81 : memref<1x64xi32, #tpu.memory_space<vmem>> -> memref<64xi32, #tpu.memory_space<vmem>>
      %dma_start3A_83 = arith.constant 0 : i32
      %dma_start3A_84 = arith.constant 0 : i32
      %dma_start3A_85 = tpu.memref_slice %arg4[%dma_start3A_83, %dma_start3A_84] : memref<10240x128xf32, #tpu.memory_space<hbm>> -> memref<10240x128xf32, #tpu.memory_space<hbm>>
      tpu.enqueue_indirect_dma source(%dma_start3A_85 : memref<10240x128xf32, #tpu.memory_space<hbm>>) target(%arg11 : memref<64x128xf32, #tpu.memory_space<vmem>>) offsets(%dma_start3A_82 : memref<64xi32, #tpu.memory_space<vmem>>) semaphore(%arg16 : memref<!tpu.dma_semaphore, #tpu.memory_space<semaphore_mem>>)
      %dma_wait3A_86 = arith.constant 3 : i32
      %dma_wait3A_87 = arith.constant 0 : i32
      %dma_wait3A_88 = tpu.memref_slice %arg7[%dma_wait3A_86, %dma_wait3A_87] : memref<16x64xi32, #tpu.memory_space<vmem>> -> memref<1x64xi32, #tpu.memory_space<vmem>>
      %dma_wait3A_89 = tpu.memref_squeeze %dma_wait3A_88 : memref<1x64xi32, #tpu.memory_space<vmem>> -> memref<64xi32, #tpu.memory_space<vmem>>
      %dma_wait3A_90 = arith.constant 0 : i32
      %dma_wait3A_91 = arith.constant 0 : i32
      %dma_wait3A_92 = tpu.memref_slice %arg4[%dma_wait3A_90, %dma_wait3A_91] : memref<10240x128xf32, #tpu.memory_space<hbm>> -> memref<10240x128xf32, #tpu.memory_space<hbm>>
      tpu.wait_indirect_dma semaphore(%arg17 : memref<!tpu.dma_semaphore, #tpu.memory_space<semaphore_mem>>) src(%dma_wait3A_92 : memref<10240x128xf32, #tpu.memory_space<hbm>>) dst(%arg12 : memref<64x128xf32, #tpu.memory_space<vmem>>)
      %run_scoped3A_93 = arith.constant 3 : i32
      "tpu.region"() ({
        %run_scoped3A_253 = tpu.sem_alloc : memref<!tpu.dma_semaphore, #tpu.memory_space<semaphore_mem>>
        %dma_start3A_254 = arith.constant 0 : i32
        %dma_start3A_255 = tpu.memref_slice %arg8[%run_scoped3A_93, %dma_start3A_254] : memref<16x64xi32, #tpu.memory_space<vmem>> -> memref<1x64xi32, #tpu.memory_space<vmem>>
        %dma_start3A_256 = tpu.memref_squeeze %dma_start3A_255 : memref<1x64xi32, #tpu.memory_space<vmem>> -> memref<64xi32, #tpu.memory_space<vmem>>
        %dma_start3A_257 = arith.constant 0 : i32
        %dma_start3A_258 = arith.constant 0 : i32
        %dma_start3A_259 = tpu.memref_slice %arg13[%dma_start3A_257, %dma_start3A_258] : memref<10240x128xf32, #tpu.memory_space<vmem_shared>> -> memref<10240x128xf32, #tpu.memory_space<vmem_shared>>
        tpu.enqueue_indirect_dma source(%arg12 : memref<64x128xf32, #tpu.memory_space<vmem>>) target(%dma_start3A_259 : memref<10240x128xf32, #tpu.memory_space<vmem_shared>>) offsets(%dma_start3A_256 : memref<64xi32, #tpu.memory_space<vmem>>) semaphore(%run_scoped3A_253 : memref<!tpu.dma_semaphore, #tpu.memory_space<semaphore_mem>>) {add = true}
        %dma_wait3A_260 = arith.constant 0 : i32
        %dma_wait3A_261 = tpu.memref_slice %arg8[%run_scoped3A_93, %dma_wait3A_260] : memref<16x64xi32, #tpu.memory_space<vmem>> -> memref<1x64xi32, #tpu.memory_space<vmem>>
        %dma_wait3A_262 = tpu.memref_squeeze %dma_wait3A_261 : memref<1x64xi32, #tpu.memory_space<vmem>> -> memref<64xi32, #tpu.memory_space<vmem>>
        %dma_wait3A_263 = arith.constant 0 : i32
        %dma_wait3A_264 = arith.constant 0 : i32
        %dma_wait3A_265 = tpu.memref_slice %arg13[%dma_wait3A_263, %dma_wait3A_264] : memref<10240x128xf32, #tpu.memory_space<vmem_shared>> -> memref<10240x128xf32, #tpu.memory_space<vmem_shared>>
        tpu.wait_indirect_dma semaphore(%run_scoped3A_253 : memref<!tpu.dma_semaphore, #tpu.memory_space<semaphore_mem>>) src(%arg12 : memref<64x128xf32, #tpu.memory_space<vmem>>) dst(%dma_wait3A_265 : memref<10240x128xf32, #tpu.memory_space<vmem_shared>>)
        tpu.yield
      }) : () -> ()
      %dma_start3A_94 = arith.constant 7 : i32
      %dma_start3A_95 = arith.constant 0 : i32
      %dma_start3A_96 = tpu.memref_slice %arg7[%dma_start3A_94, %dma_start3A_95] : memref<16x64xi32, #tpu.memory_space<vmem>> -> memref<1x64xi32, #tpu.memory_space<vmem>>
      %dma_start3A_97 = tpu.memref_squeeze %dma_start3A_96 : memref<1x64xi32, #tpu.memory_space<vmem>> -> memref<64xi32, #tpu.memory_space<vmem>>
      %dma_start3A_98 = arith.constant 0 : i32
      %dma_start3A_99 = arith.constant 0 : i32
      %dma_start3A_100 = tpu.memref_slice %arg4[%dma_start3A_98, %dma_start3A_99] : memref<10240x128xf32, #tpu.memory_space<hbm>> -> memref<10240x128xf32, #tpu.memory_space<hbm>>
      tpu.enqueue_indirect_dma source(%dma_start3A_100 : memref<10240x128xf32, #tpu.memory_space<hbm>>) target(%arg12 : memref<64x128xf32, #tpu.memory_space<vmem>>) offsets(%dma_start3A_97 : memref<64xi32, #tpu.memory_space<vmem>>) semaphore(%arg17 : memref<!tpu.dma_semaphore, #tpu.memory_space<semaphore_mem>>)
      %dma_wait3A_101 = arith.constant 4 : i32
      %dma_wait3A_102 = arith.constant 0 : i32
      %dma_wait3A_103 = tpu.memref_slice %arg7[%dma_wait3A_101, %dma_wait3A_102] : memref<16x64xi32, #tpu.memory_space<vmem>> -> memref<1x64xi32, #tpu.memory_space<vmem>>
      %dma_wait3A_104 = tpu.memref_squeeze %dma_wait3A_103 : memref<1x64xi32, #tpu.memory_space<vmem>> -> memref<64xi32, #tpu.memory_space<vmem>>
      %dma_wait3A_105 = arith.constant 0 : i32
      %dma_wait3A_106 = arith.constant 0 : i32
      %dma_wait3A_107 = tpu.memref_slice %arg4[%dma_wait3A_105, %dma_wait3A_106] : memref<10240x128xf32, #tpu.memory_space<hbm>> -> memref<10240x128xf32, #tpu.memory_space<hbm>>
      tpu.wait_indirect_dma semaphore(%arg14 : memref<!tpu.dma_semaphore, #tpu.memory_space<semaphore_mem>>) src(%dma_wait3A_107 : memref<10240x128xf32, #tpu.memory_space<hbm>>) dst(%arg9 : memref<64x128xf32, #tpu.memory_space<vmem>>)
      %run_scoped3A_108 = arith.constant 4 : i32
      "tpu.region"() ({
        %run_scoped3A_253 = tpu.sem_alloc : memref<!tpu.dma_semaphore, #tpu.memory_space<semaphore_mem>>
        %dma_start3A_254 = arith.constant 0 : i32
        %dma_start3A_255 = tpu.memref_slice %arg8[%run_scoped3A_108, %dma_start3A_254] : memref<16x64xi32, #tpu.memory_space<vmem>> -> memref<1x64xi32, #tpu.memory_space<vmem>>
        %dma_start3A_256 = tpu.memref_squeeze %dma_start3A_255 : memref<1x64xi32, #tpu.memory_space<vmem>> -> memref<64xi32, #tpu.memory_space<vmem>>
        %dma_start3A_257 = arith.constant 0 : i32
        %dma_start3A_258 = arith.constant 0 : i32
        %dma_start3A_259 = tpu.memref_slice %arg13[%dma_start3A_257, %dma_start3A_258] : memref<10240x128xf32, #tpu.memory_space<vmem_shared>> -> memref<10240x128xf32, #tpu.memory_space<vmem_shared>>
        tpu.enqueue_indirect_dma source(%arg9 : memref<64x128xf32, #tpu.memory_space<vmem>>) target(%dma_start3A_259 : memref<10240x128xf32, #tpu.memory_space<vmem_shared>>) offsets(%dma_start3A_256 : memref<64xi32, #tpu.memory_space<vmem>>) semaphore(%run_scoped3A_253 : memref<!tpu.dma_semaphore, #tpu.memory_space<semaphore_mem>>) {add = true}
        %dma_wait3A_260 = arith.constant 0 : i32
        %dma_wait3A_261 = tpu.memref_slice %arg8[%run_scoped3A_108, %dma_wait3A_260] : memref<16x64xi32, #tpu.memory_space<vmem>> -> memref<1x64xi32, #tpu.memory_space<vmem>>
        %dma_wait3A_262 = tpu.memref_squeeze %dma_wait3A_261 : memref<1x64xi32, #tpu.memory_space<vmem>> -> memref<64xi32, #tpu.memory_space<vmem>>
        %dma_wait3A_263 = arith.constant 0 : i32
        %dma_wait3A_264 = arith.constant 0 : i32
        %dma_wait3A_265 = tpu.memref_slice %arg13[%dma_wait3A_263, %dma_wait3A_264] : memref<10240x128xf32, #tpu.memory_space<vmem_shared>> -> memref<10240x128xf32, #tpu.memory_space<vmem_shared>>
        tpu.wait_indirect_dma semaphore(%run_scoped3A_253 : memref<!tpu.dma_semaphore, #tpu.memory_space<semaphore_mem>>) src(%arg9 : memref<64x128xf32, #tpu.memory_space<vmem>>) dst(%dma_wait3A_265 : memref<10240x128xf32, #tpu.memory_space<vmem_shared>>)
        tpu.yield
      }) : () -> ()
      %dma_start3A_109 = arith.constant 8 : i32
      %dma_start3A_110 = arith.constant 0 : i32
      %dma_start3A_111 = tpu.memref_slice %arg7[%dma_start3A_109, %dma_start3A_110] : memref<16x64xi32, #tpu.memory_space<vmem>> -> memref<1x64xi32, #tpu.memory_space<vmem>>
      %dma_start3A_112 = tpu.memref_squeeze %dma_start3A_111 : memref<1x64xi32, #tpu.memory_space<vmem>> -> memref<64xi32, #tpu.memory_space<vmem>>
      %dma_start3A_113 = arith.constant 0 : i32
      %dma_start3A_114 = arith.constant 0 : i32
      %dma_start3A_115 = tpu.memref_slice %arg4[%dma_start3A_113, %dma_start3A_114] : memref<10240x128xf32, #tpu.memory_space<hbm>> -> memref<10240x128xf32, #tpu.memory_space<hbm>>
      tpu.enqueue_indirect_dma source(%dma_start3A_115 : memref<10240x128xf32, #tpu.memory_space<hbm>>) target(%arg9 : memref<64x128xf32, #tpu.memory_space<vmem>>) offsets(%dma_start3A_112 : memref<64xi32, #tpu.memory_space<vmem>>) semaphore(%arg14 : memref<!tpu.dma_semaphore, #tpu.memory_space<semaphore_mem>>)
      %dma_wait3A_116 = arith.constant 5 : i32
      %dma_wait3A_117 = arith.constant 0 : i32
      %dma_wait3A_118 = tpu.memref_slice %arg7[%dma_wait3A_116, %dma_wait3A_117] : memref<16x64xi32, #tpu.memory_space<vmem>> -> memref<1x64xi32, #tpu.memory_space<vmem>>
      %dma_wait3A_119 = tpu.memref_squeeze %dma_wait3A_118 : memref<1x64xi32, #tpu.memory_space<vmem>> -> memref<64xi32, #tpu.memory_space<vmem>>
      %dma_wait3A_120 = arith.constant 0 : i32
      %dma_wait3A_121 = arith.constant 0 : i32
      %dma_wait3A_122 = tpu.memref_slice %arg4[%dma_wait3A_120, %dma_wait3A_121] : memref<10240x128xf32, #tpu.memory_space<hbm>> -> memref<10240x128xf32, #tpu.memory_space<hbm>>
      tpu.wait_indirect_dma semaphore(%arg15 : memref<!tpu.dma_semaphore, #tpu.memory_space<semaphore_mem>>) src(%dma_wait3A_122 : memref<10240x128xf32, #tpu.memory_space<hbm>>) dst(%arg10 : memref<64x128xf32, #tpu.memory_space<vmem>>)
      %run_scoped3A_123 = arith.constant 5 : i32
      "tpu.region"() ({
        %run_scoped3A_253 = tpu.sem_alloc : memref<!tpu.dma_semaphore, #tpu.memory_space<semaphore_mem>>
        %dma_start3A_254 = arith.constant 0 : i32
        %dma_start3A_255 = tpu.memref_slice %arg8[%run_scoped3A_123, %dma_start3A_254] : memref<16x64xi32, #tpu.memory_space<vmem>> -> memref<1x64xi32, #tpu.memory_space<vmem>>
        %dma_start3A_256 = tpu.memref_squeeze %dma_start3A_255 : memref<1x64xi32, #tpu.memory_space<vmem>> -> memref<64xi32, #tpu.memory_space<vmem>>
        %dma_start3A_257 = arith.constant 0 : i32
        %dma_start3A_258 = arith.constant 0 : i32
        %dma_start3A_259 = tpu.memref_slice %arg13[%dma_start3A_257, %dma_start3A_258] : memref<10240x128xf32, #tpu.memory_space<vmem_shared>> -> memref<10240x128xf32, #tpu.memory_space<vmem_shared>>
        tpu.enqueue_indirect_dma source(%arg10 : memref<64x128xf32, #tpu.memory_space<vmem>>) target(%dma_start3A_259 : memref<10240x128xf32, #tpu.memory_space<vmem_shared>>) offsets(%dma_start3A_256 : memref<64xi32, #tpu.memory_space<vmem>>) semaphore(%run_scoped3A_253 : memref<!tpu.dma_semaphore, #tpu.memory_space<semaphore_mem>>) {add = true}
        %dma_wait3A_260 = arith.constant 0 : i32
        %dma_wait3A_261 = tpu.memref_slice %arg8[%run_scoped3A_123, %dma_wait3A_260] : memref<16x64xi32, #tpu.memory_space<vmem>> -> memref<1x64xi32, #tpu.memory_space<vmem>>
        %dma_wait3A_262 = tpu.memref_squeeze %dma_wait3A_261 : memref<1x64xi32, #tpu.memory_space<vmem>> -> memref<64xi32, #tpu.memory_space<vmem>>
        %dma_wait3A_263 = arith.constant 0 : i32
        %dma_wait3A_264 = arith.constant 0 : i32
        %dma_wait3A_265 = tpu.memref_slice %arg13[%dma_wait3A_263, %dma_wait3A_264] : memref<10240x128xf32, #tpu.memory_space<vmem_shared>> -> memref<10240x128xf32, #tpu.memory_space<vmem_shared>>
        tpu.wait_indirect_dma semaphore(%run_scoped3A_253 : memref<!tpu.dma_semaphore, #tpu.memory_space<semaphore_mem>>) src(%arg10 : memref<64x128xf32, #tpu.memory_space<vmem>>) dst(%dma_wait3A_265 : memref<10240x128xf32, #tpu.memory_space<vmem_shared>>)
        tpu.yield
      }) : () -> ()
      %dma_start3A_124 = arith.constant 9 : i32
      %dma_start3A_125 = arith.constant 0 : i32
      %dma_start3A_126 = tpu.memref_slice %arg7[%dma_start3A_124, %dma_start3A_125] : memref<16x64xi32, #tpu.memory_space<vmem>> -> memref<1x64xi32, #tpu.memory_space<vmem>>
      %dma_start3A_127 = tpu.memref_squeeze %dma_start3A_126 : memref<1x64xi32, #tpu.memory_space<vmem>> -> memref<64xi32, #tpu.memory_space<vmem>>
      %dma_start3A_128 = arith.constant 0 : i32
      %dma_start3A_129 = arith.constant 0 : i32
      %dma_start3A_130 = tpu.memref_slice %arg4[%dma_start3A_128, %dma_start3A_129] : memref<10240x128xf32, #tpu.memory_space<hbm>> -> memref<10240x128xf32, #tpu.memory_space<hbm>>
      tpu.enqueue_indirect_dma source(%dma_start3A_130 : memref<10240x128xf32, #tpu.memory_space<hbm>>) target(%arg10 : memref<64x128xf32, #tpu.memory_space<vmem>>) offsets(%dma_start3A_127 : memref<64xi32, #tpu.memory_space<vmem>>) semaphore(%arg15 : memref<!tpu.dma_semaphore, #tpu.memory_space<semaphore_mem>>)
      %dma_wait3A_131 = arith.constant 6 : i32
      %dma_wait3A_132 = arith.constant 0 : i32
      %dma_wait3A_133 = tpu.memref_slice %arg7[%dma_wait3A_131, %dma_wait3A_132] : memref<16x64xi32, #tpu.memory_space<vmem>> -> memref<1x64xi32, #tpu.memory_space<vmem>>
      %dma_wait3A_134 = tpu.memref_squeeze %dma_wait3A_133 : memref<1x64xi32, #tpu.memory_space<vmem>> -> memref<64xi32, #tpu.memory_space<vmem>>
      %dma_wait3A_135 = arith.constant 0 : i32
      %dma_wait3A_136 = arith.constant 0 : i32
      %dma_wait3A_137 = tpu.memref_slice %arg4[%dma_wait3A_135, %dma_wait3A_136] : memref<10240x128xf32, #tpu.memory_space<hbm>> -> memref<10240x128xf32, #tpu.memory_space<hbm>>
      tpu.wait_indirect_dma semaphore(%arg16 : memref<!tpu.dma_semaphore, #tpu.memory_space<semaphore_mem>>) src(%dma_wait3A_137 : memref<10240x128xf32, #tpu.memory_space<hbm>>) dst(%arg11 : memref<64x128xf32, #tpu.memory_space<vmem>>)
      %run_scoped3A_138 = arith.constant 6 : i32
      "tpu.region"() ({
        %run_scoped3A_253 = tpu.sem_alloc : memref<!tpu.dma_semaphore, #tpu.memory_space<semaphore_mem>>
        %dma_start3A_254 = arith.constant 0 : i32
        %dma_start3A_255 = tpu.memref_slice %arg8[%run_scoped3A_138, %dma_start3A_254] : memref<16x64xi32, #tpu.memory_space<vmem>> -> memref<1x64xi32, #tpu.memory_space<vmem>>
        %dma_start3A_256 = tpu.memref_squeeze %dma_start3A_255 : memref<1x64xi32, #tpu.memory_space<vmem>> -> memref<64xi32, #tpu.memory_space<vmem>>
        %dma_start3A_257 = arith.constant 0 : i32
        %dma_start3A_258 = arith.constant 0 : i32
        %dma_start3A_259 = tpu.memref_slice %arg13[%dma_start3A_257, %dma_start3A_258] : memref<10240x128xf32, #tpu.memory_space<vmem_shared>> -> memref<10240x128xf32, #tpu.memory_space<vmem_shared>>
        tpu.enqueue_indirect_dma source(%arg11 : memref<64x128xf32, #tpu.memory_space<vmem>>) target(%dma_start3A_259 : memref<10240x128xf32, #tpu.memory_space<vmem_shared>>) offsets(%dma_start3A_256 : memref<64xi32, #tpu.memory_space<vmem>>) semaphore(%run_scoped3A_253 : memref<!tpu.dma_semaphore, #tpu.memory_space<semaphore_mem>>) {add = true}
        %dma_wait3A_260 = arith.constant 0 : i32
        %dma_wait3A_261 = tpu.memref_slice %arg8[%run_scoped3A_138, %dma_wait3A_260] : memref<16x64xi32, #tpu.memory_space<vmem>> -> memref<1x64xi32, #tpu.memory_space<vmem>>
        %dma_wait3A_262 = tpu.memref_squeeze %dma_wait3A_261 : memref<1x64xi32, #tpu.memory_space<vmem>> -> memref<64xi32, #tpu.memory_space<vmem>>
        %dma_wait3A_263 = arith.constant 0 : i32
        %dma_wait3A_264 = arith.constant 0 : i32
        %dma_wait3A_265 = tpu.memref_slice %arg13[%dma_wait3A_263, %dma_wait3A_264] : memref<10240x128xf32, #tpu.memory_space<vmem_shared>> -> memref<10240x128xf32, #tpu.memory_space<vmem_shared>>
        tpu.wait_indirect_dma semaphore(%run_scoped3A_253 : memref<!tpu.dma_semaphore, #tpu.memory_space<semaphore_mem>>) src(%arg11 : memref<64x128xf32, #tpu.memory_space<vmem>>) dst(%dma_wait3A_265 : memref<10240x128xf32, #tpu.memory_space<vmem_shared>>)
        tpu.yield
      }) : () -> ()
      %dma_start3A_139 = arith.constant 10 : i32
      %dma_start3A_140 = arith.constant 0 : i32
      %dma_start3A_141 = tpu.memref_slice %arg7[%dma_start3A_139, %dma_start3A_140] : memref<16x64xi32, #tpu.memory_space<vmem>> -> memref<1x64xi32, #tpu.memory_space<vmem>>
      %dma_start3A_142 = tpu.memref_squeeze %dma_start3A_141 : memref<1x64xi32, #tpu.memory_space<vmem>> -> memref<64xi32, #tpu.memory_space<vmem>>
      %dma_start3A_143 = arith.constant 0 : i32
      %dma_start3A_144 = arith.constant 0 : i32
      %dma_start3A_145 = tpu.memref_slice %arg4[%dma_start3A_143, %dma_start3A_144] : memref<10240x128xf32, #tpu.memory_space<hbm>> -> memref<10240x128xf32, #tpu.memory_space<hbm>>
      tpu.enqueue_indirect_dma source(%dma_start3A_145 : memref<10240x128xf32, #tpu.memory_space<hbm>>) target(%arg11 : memref<64x128xf32, #tpu.memory_space<vmem>>) offsets(%dma_start3A_142 : memref<64xi32, #tpu.memory_space<vmem>>) semaphore(%arg16 : memref<!tpu.dma_semaphore, #tpu.memory_space<semaphore_mem>>)
      %dma_wait3A_146 = arith.constant 7 : i32
      %dma_wait3A_147 = arith.constant 0 : i32
      %dma_wait3A_148 = tpu.memref_slice %arg7[%dma_wait3A_146, %dma_wait3A_147] : memref<16x64xi32, #tpu.memory_space<vmem>> -> memref<1x64xi32, #tpu.memory_space<vmem>>
      %dma_wait3A_149 = tpu.memref_squeeze %dma_wait3A_148 : memref<1x64xi32, #tpu.memory_space<vmem>> -> memref<64xi32, #tpu.memory_space<vmem>>
      %dma_wait3A_150 = arith.constant 0 : i32
      %dma_wait3A_151 = arith.constant 0 : i32
      %dma_wait3A_152 = tpu.memref_slice %arg4[%dma_wait3A_150, %dma_wait3A_151] : memref<10240x128xf32, #tpu.memory_space<hbm>> -> memref<10240x128xf32, #tpu.memory_space<hbm>>
      tpu.wait_indirect_dma semaphore(%arg17 : memref<!tpu.dma_semaphore, #tpu.memory_space<semaphore_mem>>) src(%dma_wait3A_152 : memref<10240x128xf32, #tpu.memory_space<hbm>>) dst(%arg12 : memref<64x128xf32, #tpu.memory_space<vmem>>)
      %run_scoped3A_153 = arith.constant 7 : i32
      "tpu.region"() ({
        %run_scoped3A_253 = tpu.sem_alloc : memref<!tpu.dma_semaphore, #tpu.memory_space<semaphore_mem>>
        %dma_start3A_254 = arith.constant 0 : i32
        %dma_start3A_255 = tpu.memref_slice %arg8[%run_scoped3A_153, %dma_start3A_254] : memref<16x64xi32, #tpu.memory_space<vmem>> -> memref<1x64xi32, #tpu.memory_space<vmem>>
        %dma_start3A_256 = tpu.memref_squeeze %dma_start3A_255 : memref<1x64xi32, #tpu.memory_space<vmem>> -> memref<64xi32, #tpu.memory_space<vmem>>
        %dma_start3A_257 = arith.constant 0 : i32
        %dma_start3A_258 = arith.constant 0 : i32
        %dma_start3A_259 = tpu.memref_slice %arg13[%dma_start3A_257, %dma_start3A_258] : memref<10240x128xf32, #tpu.memory_space<vmem_shared>> -> memref<10240x128xf32, #tpu.memory_space<vmem_shared>>
        tpu.enqueue_indirect_dma source(%arg12 : memref<64x128xf32, #tpu.memory_space<vmem>>) target(%dma_start3A_259 : memref<10240x128xf32, #tpu.memory_space<vmem_shared>>) offsets(%dma_start3A_256 : memref<64xi32, #tpu.memory_space<vmem>>) semaphore(%run_scoped3A_253 : memref<!tpu.dma_semaphore, #tpu.memory_space<semaphore_mem>>) {add = true}
        %dma_wait3A_260 = arith.constant 0 : i32
        %dma_wait3A_261 = tpu.memref_slice %arg8[%run_scoped3A_153, %dma_wait3A_260] : memref<16x64xi32, #tpu.memory_space<vmem>> -> memref<1x64xi32, #tpu.memory_space<vmem>>
        %dma_wait3A_262 = tpu.memref_squeeze %dma_wait3A_261 : memref<1x64xi32, #tpu.memory_space<vmem>> -> memref<64xi32, #tpu.memory_space<vmem>>
        %dma_wait3A_263 = arith.constant 0 : i32
        %dma_wait3A_264 = arith.constant 0 : i32
        %dma_wait3A_265 = tpu.memref_slice %arg13[%dma_wait3A_263, %dma_wait3A_264] : memref<10240x128xf32, #tpu.memory_space<vmem_shared>> -> memref<10240x128xf32, #tpu.memory_space<vmem_shared>>
        tpu.wait_indirect_dma semaphore(%run_scoped3A_253 : memref<!tpu.dma_semaphore, #tpu.memory_space<semaphore_mem>>) src(%arg12 : memref<64x128xf32, #tpu.memory_space<vmem>>) dst(%dma_wait3A_265 : memref<10240x128xf32, #tpu.memory_space<vmem_shared>>)
        tpu.yield
      }) : () -> ()
      %dma_start3A_154 = arith.constant 11 : i32
      %dma_start3A_155 = arith.constant 0 : i32
      %dma_start3A_156 = tpu.memref_slice %arg7[%dma_start3A_154, %dma_start3A_155] : memref<16x64xi32, #tpu.memory_space<vmem>> -> memref<1x64xi32, #tpu.memory_space<vmem>>
      %dma_start3A_157 = tpu.memref_squeeze %dma_start3A_156 : memref<1x64xi32, #tpu.memory_space<vmem>> -> memref<64xi32, #tpu.memory_space<vmem>>
      %dma_start3A_158 = arith.constant 0 : i32
      %dma_start3A_159 = arith.constant 0 : i32
      %dma_start3A_160 = tpu.memref_slice %arg4[%dma_start3A_158, %dma_start3A_159] : memref<10240x128xf32, #tpu.memory_space<hbm>> -> memref<10240x128xf32, #tpu.memory_space<hbm>>
      tpu.enqueue_indirect_dma source(%dma_start3A_160 : memref<10240x128xf32, #tpu.memory_space<hbm>>) target(%arg12 : memref<64x128xf32, #tpu.memory_space<vmem>>) offsets(%dma_start3A_157 : memref<64xi32, #tpu.memory_space<vmem>>) semaphore(%arg17 : memref<!tpu.dma_semaphore, #tpu.memory_space<semaphore_mem>>)
      %dma_wait3A_161 = arith.constant 8 : i32
      %dma_wait3A_162 = arith.constant 0 : i32
      %dma_wait3A_163 = tpu.memref_slice %arg7[%dma_wait3A_161, %dma_wait3A_162] : memref<16x64xi32, #tpu.memory_space<vmem>> -> memref<1x64xi32, #tpu.memory_space<vmem>>
      %dma_wait3A_164 = tpu.memref_squeeze %dma_wait3A_163 : memref<1x64xi32, #tpu.memory_space<vmem>> -> memref<64xi32, #tpu.memory_space<vmem>>
      %dma_wait3A_165 = arith.constant 0 : i32
      %dma_wait3A_166 = arith.constant 0 : i32
      %dma_wait3A_167 = tpu.memref_slice %arg4[%dma_wait3A_165, %dma_wait3A_166] : memref<10240x128xf32, #tpu.memory_space<hbm>> -> memref<10240x128xf32, #tpu.memory_space<hbm>>
      tpu.wait_indirect_dma semaphore(%arg14 : memref<!tpu.dma_semaphore, #tpu.memory_space<semaphore_mem>>) src(%dma_wait3A_167 : memref<10240x128xf32, #tpu.memory_space<hbm>>) dst(%arg9 : memref<64x128xf32, #tpu.memory_space<vmem>>)
      %run_scoped3A_168 = arith.constant 8 : i32
      "tpu.region"() ({
        %run_scoped3A_253 = tpu.sem_alloc : memref<!tpu.dma_semaphore, #tpu.memory_space<semaphore_mem>>
        %dma_start3A_254 = arith.constant 0 : i32
        %dma_start3A_255 = tpu.memref_slice %arg8[%run_scoped3A_168, %dma_start3A_254] : memref<16x64xi32, #tpu.memory_space<vmem>> -> memref<1x64xi32, #tpu.memory_space<vmem>>
        %dma_start3A_256 = tpu.memref_squeeze %dma_start3A_255 : memref<1x64xi32, #tpu.memory_space<vmem>> -> memref<64xi32, #tpu.memory_space<vmem>>
        %dma_start3A_257 = arith.constant 0 : i32
        %dma_start3A_258 = arith.constant 0 : i32
        %dma_start3A_259 = tpu.memref_slice %arg13[%dma_start3A_257, %dma_start3A_258] : memref<10240x128xf32, #tpu.memory_space<vmem_shared>> -> memref<10240x128xf32, #tpu.memory_space<vmem_shared>>
        tpu.enqueue_indirect_dma source(%arg9 : memref<64x128xf32, #tpu.memory_space<vmem>>) target(%dma_start3A_259 : memref<10240x128xf32, #tpu.memory_space<vmem_shared>>) offsets(%dma_start3A_256 : memref<64xi32, #tpu.memory_space<vmem>>) semaphore(%run_scoped3A_253 : memref<!tpu.dma_semaphore, #tpu.memory_space<semaphore_mem>>) {add = true}
        %dma_wait3A_260 = arith.constant 0 : i32
        %dma_wait3A_261 = tpu.memref_slice %arg8[%run_scoped3A_168, %dma_wait3A_260] : memref<16x64xi32, #tpu.memory_space<vmem>> -> memref<1x64xi32, #tpu.memory_space<vmem>>
        %dma_wait3A_262 = tpu.memref_squeeze %dma_wait3A_261 : memref<1x64xi32, #tpu.memory_space<vmem>> -> memref<64xi32, #tpu.memory_space<vmem>>
        %dma_wait3A_263 = arith.constant 0 : i32
        %dma_wait3A_264 = arith.constant 0 : i32
        %dma_wait3A_265 = tpu.memref_slice %arg13[%dma_wait3A_263, %dma_wait3A_264] : memref<10240x128xf32, #tpu.memory_space<vmem_shared>> -> memref<10240x128xf32, #tpu.memory_space<vmem_shared>>
        tpu.wait_indirect_dma semaphore(%run_scoped3A_253 : memref<!tpu.dma_semaphore, #tpu.memory_space<semaphore_mem>>) src(%arg9 : memref<64x128xf32, #tpu.memory_space<vmem>>) dst(%dma_wait3A_265 : memref<10240x128xf32, #tpu.memory_space<vmem_shared>>)
        tpu.yield
      }) : () -> ()
      %dma_start3A_169 = arith.constant 12 : i32
      %dma_start3A_170 = arith.constant 0 : i32
      %dma_start3A_171 = tpu.memref_slice %arg7[%dma_start3A_169, %dma_start3A_170] : memref<16x64xi32, #tpu.memory_space<vmem>> -> memref<1x64xi32, #tpu.memory_space<vmem>>
      %dma_start3A_172 = tpu.memref_squeeze %dma_start3A_171 : memref<1x64xi32, #tpu.memory_space<vmem>> -> memref<64xi32, #tpu.memory_space<vmem>>
      %dma_start3A_173 = arith.constant 0 : i32
      %dma_start3A_174 = arith.constant 0 : i32
      %dma_start3A_175 = tpu.memref_slice %arg4[%dma_start3A_173, %dma_start3A_174] : memref<10240x128xf32, #tpu.memory_space<hbm>> -> memref<10240x128xf32, #tpu.memory_space<hbm>>
      tpu.enqueue_indirect_dma source(%dma_start3A_175 : memref<10240x128xf32, #tpu.memory_space<hbm>>) target(%arg9 : memref<64x128xf32, #tpu.memory_space<vmem>>) offsets(%dma_start3A_172 : memref<64xi32, #tpu.memory_space<vmem>>) semaphore(%arg14 : memref<!tpu.dma_semaphore, #tpu.memory_space<semaphore_mem>>)
      %dma_wait3A_176 = arith.constant 9 : i32
      %dma_wait3A_177 = arith.constant 0 : i32
      %dma_wait3A_178 = tpu.memref_slice %arg7[%dma_wait3A_176, %dma_wait3A_177] : memref<16x64xi32, #tpu.memory_space<vmem>> -> memref<1x64xi32, #tpu.memory_space<vmem>>
      %dma_wait3A_179 = tpu.memref_squeeze %dma_wait3A_178 : memref<1x64xi32, #tpu.memory_space<vmem>> -> memref<64xi32, #tpu.memory_space<vmem>>
      %dma_wait3A_180 = arith.constant 0 : i32
      %dma_wait3A_181 = arith.constant 0 : i32
      %dma_wait3A_182 = tpu.memref_slice %arg4[%dma_wait3A_180, %dma_wait3A_181] : memref<10240x128xf32, #tpu.memory_space<hbm>> -> memref<10240x128xf32, #tpu.memory_space<hbm>>
      tpu.wait_indirect_dma semaphore(%arg15 : memref<!tpu.dma_semaphore, #tpu.memory_space<semaphore_mem>>) src(%dma_wait3A_182 : memref<10240x128xf32, #tpu.memory_space<hbm>>) dst(%arg10 : memref<64x128xf32, #tpu.memory_space<vmem>>)
      %run_scoped3A_183 = arith.constant 9 : i32
      "tpu.region"() ({
        %run_scoped3A_253 = tpu.sem_alloc : memref<!tpu.dma_semaphore, #tpu.memory_space<semaphore_mem>>
        %dma_start3A_254 = arith.constant 0 : i32
        %dma_start3A_255 = tpu.memref_slice %arg8[%run_scoped3A_183, %dma_start3A_254] : memref<16x64xi32, #tpu.memory_space<vmem>> -> memref<1x64xi32, #tpu.memory_space<vmem>>
        %dma_start3A_256 = tpu.memref_squeeze %dma_start3A_255 : memref<1x64xi32, #tpu.memory_space<vmem>> -> memref<64xi32, #tpu.memory_space<vmem>>
        %dma_start3A_257 = arith.constant 0 : i32
        %dma_start3A_258 = arith.constant 0 : i32
        %dma_start3A_259 = tpu.memref_slice %arg13[%dma_start3A_257, %dma_start3A_258] : memref<10240x128xf32, #tpu.memory_space<vmem_shared>> -> memref<10240x128xf32, #tpu.memory_space<vmem_shared>>
        tpu.enqueue_indirect_dma source(%arg10 : memref<64x128xf32, #tpu.memory_space<vmem>>) target(%dma_start3A_259 : memref<10240x128xf32, #tpu.memory_space<vmem_shared>>) offsets(%dma_start3A_256 : memref<64xi32, #tpu.memory_space<vmem>>) semaphore(%run_scoped3A_253 : memref<!tpu.dma_semaphore, #tpu.memory_space<semaphore_mem>>) {add = true}
        %dma_wait3A_260 = arith.constant 0 : i32
        %dma_wait3A_261 = tpu.memref_slice %arg8[%run_scoped3A_183, %dma_wait3A_260] : memref<16x64xi32, #tpu.memory_space<vmem>> -> memref<1x64xi32, #tpu.memory_space<vmem>>
        %dma_wait3A_262 = tpu.memref_squeeze %dma_wait3A_261 : memref<1x64xi32, #tpu.memory_space<vmem>> -> memref<64xi32, #tpu.memory_space<vmem>>
        %dma_wait3A_263 = arith.constant 0 : i32
        %dma_wait3A_264 = arith.constant 0 : i32
        %dma_wait3A_265 = tpu.memref_slice %arg13[%dma_wait3A_263, %dma_wait3A_264] : memref<10240x128xf32, #tpu.memory_space<vmem_shared>> -> memref<10240x128xf32, #tpu.memory_space<vmem_shared>>
        tpu.wait_indirect_dma semaphore(%run_scoped3A_253 : memref<!tpu.dma_semaphore, #tpu.memory_space<semaphore_mem>>) src(%arg10 : memref<64x128xf32, #tpu.memory_space<vmem>>) dst(%dma_wait3A_265 : memref<10240x128xf32, #tpu.memory_space<vmem_shared>>)
        tpu.yield
      }) : () -> ()
      %dma_start3A_184 = arith.constant 13 : i32
      %dma_start3A_185 = arith.constant 0 : i32
      %dma_start3A_186 = tpu.memref_slice %arg7[%dma_start3A_184, %dma_start3A_185] : memref<16x64xi32, #tpu.memory_space<vmem>> -> memref<1x64xi32, #tpu.memory_space<vmem>>
      %dma_start3A_187 = tpu.memref_squeeze %dma_start3A_186 : memref<1x64xi32, #tpu.memory_space<vmem>> -> memref<64xi32, #tpu.memory_space<vmem>>
      %dma_start3A_188 = arith.constant 0 : i32
      %dma_start3A_189 = arith.constant 0 : i32
      %dma_start3A_190 = tpu.memref_slice %arg4[%dma_start3A_188, %dma_start3A_189] : memref<10240x128xf32, #tpu.memory_space<hbm>> -> memref<10240x128xf32, #tpu.memory_space<hbm>>
      tpu.enqueue_indirect_dma source(%dma_start3A_190 : memref<10240x128xf32, #tpu.memory_space<hbm>>) target(%arg10 : memref<64x128xf32, #tpu.memory_space<vmem>>) offsets(%dma_start3A_187 : memref<64xi32, #tpu.memory_space<vmem>>) semaphore(%arg15 : memref<!tpu.dma_semaphore, #tpu.memory_space<semaphore_mem>>)
      %dma_wait3A_191 = arith.constant 10 : i32
      %dma_wait3A_192 = arith.constant 0 : i32
      %dma_wait3A_193 = tpu.memref_slice %arg7[%dma_wait3A_191, %dma_wait3A_192] : memref<16x64xi32, #tpu.memory_space<vmem>> -> memref<1x64xi32, #tpu.memory_space<vmem>>
      %dma_wait3A_194 = tpu.memref_squeeze %dma_wait3A_193 : memref<1x64xi32, #tpu.memory_space<vmem>> -> memref<64xi32, #tpu.memory_space<vmem>>
      %dma_wait3A_195 = arith.constant 0 : i32
      %dma_wait3A_196 = arith.constant 0 : i32
      %dma_wait3A_197 = tpu.memref_slice %arg4[%dma_wait3A_195, %dma_wait3A_196] : memref<10240x128xf32, #tpu.memory_space<hbm>> -> memref<10240x128xf32, #tpu.memory_space<hbm>>
      tpu.wait_indirect_dma semaphore(%arg16 : memref<!tpu.dma_semaphore, #tpu.memory_space<semaphore_mem>>) src(%dma_wait3A_197 : memref<10240x128xf32, #tpu.memory_space<hbm>>) dst(%arg11 : memref<64x128xf32, #tpu.memory_space<vmem>>)
      %run_scoped3A_198 = arith.constant 10 : i32
      "tpu.region"() ({
        %run_scoped3A_253 = tpu.sem_alloc : memref<!tpu.dma_semaphore, #tpu.memory_space<semaphore_mem>>
        %dma_start3A_254 = arith.constant 0 : i32
        %dma_start3A_255 = tpu.memref_slice %arg8[%run_scoped3A_198, %dma_start3A_254] : memref<16x64xi32, #tpu.memory_space<vmem>> -> memref<1x64xi32, #tpu.memory_space<vmem>>
        %dma_start3A_256 = tpu.memref_squeeze %dma_start3A_255 : memref<1x64xi32, #tpu.memory_space<vmem>> -> memref<64xi32, #tpu.memory_space<vmem>>
        %dma_start3A_257 = arith.constant 0 : i32
        %dma_start3A_258 = arith.constant 0 : i32
        %dma_start3A_259 = tpu.memref_slice %arg13[%dma_start3A_257, %dma_start3A_258] : memref<10240x128xf32, #tpu.memory_space<vmem_shared>> -> memref<10240x128xf32, #tpu.memory_space<vmem_shared>>
        tpu.enqueue_indirect_dma source(%arg11 : memref<64x128xf32, #tpu.memory_space<vmem>>) target(%dma_start3A_259 : memref<10240x128xf32, #tpu.memory_space<vmem_shared>>) offsets(%dma_start3A_256 : memref<64xi32, #tpu.memory_space<vmem>>) semaphore(%run_scoped3A_253 : memref<!tpu.dma_semaphore, #tpu.memory_space<semaphore_mem>>) {add = true}
        %dma_wait3A_260 = arith.constant 0 : i32
        %dma_wait3A_261 = tpu.memref_slice %arg8[%run_scoped3A_198, %dma_wait3A_260] : memref<16x64xi32, #tpu.memory_space<vmem>> -> memref<1x64xi32, #tpu.memory_space<vmem>>
        %dma_wait3A_262 = tpu.memref_squeeze %dma_wait3A_261 : memref<1x64xi32, #tpu.memory_space<vmem>> -> memref<64xi32, #tpu.memory_space<vmem>>
        %dma_wait3A_263 = arith.constant 0 : i32
        %dma_wait3A_264 = arith.constant 0 : i32
        %dma_wait3A_265 = tpu.memref_slice %arg13[%dma_wait3A_263, %dma_wait3A_264] : memref<10240x128xf32, #tpu.memory_space<vmem_shared>> -> memref<10240x128xf32, #tpu.memory_space<vmem_shared>>
        tpu.wait_indirect_dma semaphore(%run_scoped3A_253 : memref<!tpu.dma_semaphore, #tpu.memory_space<semaphore_mem>>) src(%arg11 : memref<64x128xf32, #tpu.memory_space<vmem>>) dst(%dma_wait3A_265 : memref<10240x128xf32, #tpu.memory_space<vmem_shared>>)
        tpu.yield
      }) : () -> ()
      %dma_start3A_199 = arith.constant 14 : i32
      %dma_start3A_200 = arith.constant 0 : i32
      %dma_start3A_201 = tpu.memref_slice %arg7[%dma_start3A_199, %dma_start3A_200] : memref<16x64xi32, #tpu.memory_space<vmem>> -> memref<1x64xi32, #tpu.memory_space<vmem>>
      %dma_start3A_202 = tpu.memref_squeeze %dma_start3A_201 : memref<1x64xi32, #tpu.memory_space<vmem>> -> memref<64xi32, #tpu.memory_space<vmem>>
      %dma_start3A_203 = arith.constant 0 : i32
      %dma_start3A_204 = arith.constant 0 : i32
      %dma_start3A_205 = tpu.memref_slice %arg4[%dma_start3A_203, %dma_start3A_204] : memref<10240x128xf32, #tpu.memory_space<hbm>> -> memref<10240x128xf32, #tpu.memory_space<hbm>>
      tpu.enqueue_indirect_dma source(%dma_start3A_205 : memref<10240x128xf32, #tpu.memory_space<hbm>>) target(%arg11 : memref<64x128xf32, #tpu.memory_space<vmem>>) offsets(%dma_start3A_202 : memref<64xi32, #tpu.memory_space<vmem>>) semaphore(%arg16 : memref<!tpu.dma_semaphore, #tpu.memory_space<semaphore_mem>>)
      %dma_wait3A_206 = arith.constant 11 : i32
      %dma_wait3A_207 = arith.constant 0 : i32
      %dma_wait3A_208 = tpu.memref_slice %arg7[%dma_wait3A_206, %dma_wait3A_207] : memref<16x64xi32, #tpu.memory_space<vmem>> -> memref<1x64xi32, #tpu.memory_space<vmem>>
      %dma_wait3A_209 = tpu.memref_squeeze %dma_wait3A_208 : memref<1x64xi32, #tpu.memory_space<vmem>> -> memref<64xi32, #tpu.memory_space<vmem>>
      %dma_wait3A_210 = arith.constant 0 : i32
      %dma_wait3A_211 = arith.constant 0 : i32
      %dma_wait3A_212 = tpu.memref_slice %arg4[%dma_wait3A_210, %dma_wait3A_211] : memref<10240x128xf32, #tpu.memory_space<hbm>> -> memref<10240x128xf32, #tpu.memory_space<hbm>>
      tpu.wait_indirect_dma semaphore(%arg17 : memref<!tpu.dma_semaphore, #tpu.memory_space<semaphore_mem>>) src(%dma_wait3A_212 : memref<10240x128xf32, #tpu.memory_space<hbm>>) dst(%arg12 : memref<64x128xf32, #tpu.memory_space<vmem>>)
      %run_scoped3A_213 = arith.constant 11 : i32
      "tpu.region"() ({
        %run_scoped3A_253 = tpu.sem_alloc : memref<!tpu.dma_semaphore, #tpu.memory_space<semaphore_mem>>
        %dma_start3A_254 = arith.constant 0 : i32
        %dma_start3A_255 = tpu.memref_slice %arg8[%run_scoped3A_213, %dma_start3A_254] : memref<16x64xi32, #tpu.memory_space<vmem>> -> memref<1x64xi32, #tpu.memory_space<vmem>>
        %dma_start3A_256 = tpu.memref_squeeze %dma_start3A_255 : memref<1x64xi32, #tpu.memory_space<vmem>> -> memref<64xi32, #tpu.memory_space<vmem>>
        %dma_start3A_257 = arith.constant 0 : i32
        %dma_start3A_258 = arith.constant 0 : i32
        %dma_start3A_259 = tpu.memref_slice %arg13[%dma_start3A_257, %dma_start3A_258] : memref<10240x128xf32, #tpu.memory_space<vmem_shared>> -> memref<10240x128xf32, #tpu.memory_space<vmem_shared>>
        tpu.enqueue_indirect_dma source(%arg12 : memref<64x128xf32, #tpu.memory_space<vmem>>) target(%dma_start3A_259 : memref<10240x128xf32, #tpu.memory_space<vmem_shared>>) offsets(%dma_start3A_256 : memref<64xi32, #tpu.memory_space<vmem>>) semaphore(%run_scoped3A_253 : memref<!tpu.dma_semaphore, #tpu.memory_space<semaphore_mem>>) {add = true}
        %dma_wait3A_260 = arith.constant 0 : i32
        %dma_wait3A_261 = tpu.memref_slice %arg8[%run_scoped3A_213, %dma_wait3A_260] : memref<16x64xi32, #tpu.memory_space<vmem>> -> memref<1x64xi32, #tpu.memory_space<vmem>>
        %dma_wait3A_262 = tpu.memref_squeeze %dma_wait3A_261 : memref<1x64xi32, #tpu.memory_space<vmem>> -> memref<64xi32, #tpu.memory_space<vmem>>
        %dma_wait3A_263 = arith.constant 0 : i32
        %dma_wait3A_264 = arith.constant 0 : i32
        %dma_wait3A_265 = tpu.memref_slice %arg13[%dma_wait3A_263, %dma_wait3A_264] : memref<10240x128xf32, #tpu.memory_space<vmem_shared>> -> memref<10240x128xf32, #tpu.memory_space<vmem_shared>>
        tpu.wait_indirect_dma semaphore(%run_scoped3A_253 : memref<!tpu.dma_semaphore, #tpu.memory_space<semaphore_mem>>) src(%arg12 : memref<64x128xf32, #tpu.memory_space<vmem>>) dst(%dma_wait3A_265 : memref<10240x128xf32, #tpu.memory_space<vmem_shared>>)
        tpu.yield
      }) : () -> ()
      %dma_start3A_214 = arith.constant 15 : i32
      %dma_start3A_215 = arith.constant 0 : i32
      %dma_start3A_216 = tpu.memref_slice %arg7[%dma_start3A_214, %dma_start3A_215] : memref<16x64xi32, #tpu.memory_space<vmem>> -> memref<1x64xi32, #tpu.memory_space<vmem>>
      %dma_start3A_217 = tpu.memref_squeeze %dma_start3A_216 : memref<1x64xi32, #tpu.memory_space<vmem>> -> memref<64xi32, #tpu.memory_space<vmem>>
      %dma_start3A_218 = arith.constant 0 : i32
      %dma_start3A_219 = arith.constant 0 : i32
      %dma_start3A_220 = tpu.memref_slice %arg4[%dma_start3A_218, %dma_start3A_219] : memref<10240x128xf32, #tpu.memory_space<hbm>> -> memref<10240x128xf32, #tpu.memory_space<hbm>>
      tpu.enqueue_indirect_dma source(%dma_start3A_220 : memref<10240x128xf32, #tpu.memory_space<hbm>>) target(%arg12 : memref<64x128xf32, #tpu.memory_space<vmem>>) offsets(%dma_start3A_217 : memref<64xi32, #tpu.memory_space<vmem>>) semaphore(%arg17 : memref<!tpu.dma_semaphore, #tpu.memory_space<semaphore_mem>>)
      %dma_wait3A_221 = arith.constant 12 : i32
      %dma_wait3A_222 = arith.constant 0 : i32
      %dma_wait3A_223 = tpu.memref_slice %arg7[%dma_wait3A_221, %dma_wait3A_222] : memref<16x64xi32, #tpu.memory_space<vmem>> -> memref<1x64xi32, #tpu.memory_space<vmem>>
      %dma_wait3A_224 = tpu.memref_squeeze %dma_wait3A_223 : memref<1x64xi32, #tpu.memory_space<vmem>> -> memref<64xi32, #tpu.memory_space<vmem>>
      %dma_wait3A_225 = arith.constant 0 : i32
      %dma_wait3A_226 = arith.constant 0 : i32
      %dma_wait3A_227 = tpu.memref_slice %arg4[%dma_wait3A_225, %dma_wait3A_226] : memref<10240x128xf32, #tpu.memory_space<hbm>> -> memref<10240x128xf32, #tpu.memory_space<hbm>>
      tpu.wait_indirect_dma semaphore(%arg14 : memref<!tpu.dma_semaphore, #tpu.memory_space<semaphore_mem>>) src(%dma_wait3A_227 : memref<10240x128xf32, #tpu.memory_space<hbm>>) dst(%arg9 : memref<64x128xf32, #tpu.memory_space<vmem>>)
      %run_scoped3A_228 = arith.constant 12 : i32
      "tpu.region"() ({
        %run_scoped3A_253 = tpu.sem_alloc : memref<!tpu.dma_semaphore, #tpu.memory_space<semaphore_mem>>
        %dma_start3A_254 = arith.constant 0 : i32
        %dma_start3A_255 = tpu.memref_slice %arg8[%run_scoped3A_228, %dma_start3A_254] : memref<16x64xi32, #tpu.memory_space<vmem>> -> memref<1x64xi32, #tpu.memory_space<vmem>>
        %dma_start3A_256 = tpu.memref_squeeze %dma_start3A_255 : memref<1x64xi32, #tpu.memory_space<vmem>> -> memref<64xi32, #tpu.memory_space<vmem>>
        %dma_start3A_257 = arith.constant 0 : i32
        %dma_start3A_258 = arith.constant 0 : i32
        %dma_start3A_259 = tpu.memref_slice %arg13[%dma_start3A_257, %dma_start3A_258] : memref<10240x128xf32, #tpu.memory_space<vmem_shared>> -> memref<10240x128xf32, #tpu.memory_space<vmem_shared>>
        tpu.enqueue_indirect_dma source(%arg9 : memref<64x128xf32, #tpu.memory_space<vmem>>) target(%dma_start3A_259 : memref<10240x128xf32, #tpu.memory_space<vmem_shared>>) offsets(%dma_start3A_256 : memref<64xi32, #tpu.memory_space<vmem>>) semaphore(%run_scoped3A_253 : memref<!tpu.dma_semaphore, #tpu.memory_space<semaphore_mem>>) {add = true}
        %dma_wait3A_260 = arith.constant 0 : i32
        %dma_wait3A_261 = tpu.memref_slice %arg8[%run_scoped3A_228, %dma_wait3A_260] : memref<16x64xi32, #tpu.memory_space<vmem>> -> memref<1x64xi32, #tpu.memory_space<vmem>>
        %dma_wait3A_262 = tpu.memref_squeeze %dma_wait3A_261 : memref<1x64xi32, #tpu.memory_space<vmem>> -> memref<64xi32, #tpu.memory_space<vmem>>
        %dma_wait3A_263 = arith.constant 0 : i32
        %dma_wait3A_264 = arith.constant 0 : i32
        %dma_wait3A_265 = tpu.memref_slice %arg13[%dma_wait3A_263, %dma_wait3A_264] : memref<10240x128xf32, #tpu.memory_space<vmem_shared>> -> memref<10240x128xf32, #tpu.memory_space<vmem_shared>>
        tpu.wait_indirect_dma semaphore(%run_scoped3A_253 : memref<!tpu.dma_semaphore, #tpu.memory_space<semaphore_mem>>) src(%arg9 : memref<64x128xf32, #tpu.memory_space<vmem>>) dst(%dma_wait3A_265 : memref<10240x128xf32, #tpu.memory_space<vmem_shared>>)
        tpu.yield
      }) : () -> ()
      %dma_wait3A_229 = arith.constant 13 : i32
      %dma_wait3A_230 = arith.constant 0 : i32
      %dma_wait3A_231 = tpu.memref_slice %arg7[%dma_wait3A_229, %dma_wait3A_230] : memref<16x64xi32, #tpu.memory_space<vmem>> -> memref<1x64xi32, #tpu.memory_space<vmem>>
      %dma_wait3A_232 = tpu.memref_squeeze %dma_wait3A_231 : memref<1x64xi32, #tpu.memory_space<vmem>> -> memref<64xi32, #tpu.memory_space<vmem>>
      %dma_wait3A_233 = arith.constant 0 : i32
      %dma_wait3A_234 = arith.constant 0 : i32
      %dma_wait3A_235 = tpu.memref_slice %arg4[%dma_wait3A_233, %dma_wait3A_234] : memref<10240x128xf32, #tpu.memory_space<hbm>> -> memref<10240x128xf32, #tpu.memory_space<hbm>>
      tpu.wait_indirect_dma semaphore(%arg15 : memref<!tpu.dma_semaphore, #tpu.memory_space<semaphore_mem>>) src(%dma_wait3A_235 : memref<10240x128xf32, #tpu.memory_space<hbm>>) dst(%arg10 : memref<64x128xf32, #tpu.memory_space<vmem>>)
      %run_scoped3A_236 = arith.constant 13 : i32
      "tpu.region"() ({
        %run_scoped3A_253 = tpu.sem_alloc : memref<!tpu.dma_semaphore, #tpu.memory_space<semaphore_mem>>
        %dma_start3A_254 = arith.constant 0 : i32
        %dma_start3A_255 = tpu.memref_slice %arg8[%run_scoped3A_236, %dma_start3A_254] : memref<16x64xi32, #tpu.memory_space<vmem>> -> memref<1x64xi32, #tpu.memory_space<vmem>>
        %dma_start3A_256 = tpu.memref_squeeze %dma_start3A_255 : memref<1x64xi32, #tpu.memory_space<vmem>> -> memref<64xi32, #tpu.memory_space<vmem>>
        %dma_start3A_257 = arith.constant 0 : i32
        %dma_start3A_258 = arith.constant 0 : i32
        %dma_start3A_259 = tpu.memref_slice %arg13[%dma_start3A_257, %dma_start3A_258] : memref<10240x128xf32, #tpu.memory_space<vmem_shared>> -> memref<10240x128xf32, #tpu.memory_space<vmem_shared>>
        tpu.enqueue_indirect_dma source(%arg10 : memref<64x128xf32, #tpu.memory_space<vmem>>) target(%dma_start3A_259 : memref<10240x128xf32, #tpu.memory_space<vmem_shared>>) offsets(%dma_start3A_256 : memref<64xi32, #tpu.memory_space<vmem>>) semaphore(%run_scoped3A_253 : memref<!tpu.dma_semaphore, #tpu.memory_space<semaphore_mem>>) {add = true}
        %dma_wait3A_260 = arith.constant 0 : i32
        %dma_wait3A_261 = tpu.memref_slice %arg8[%run_scoped3A_236, %dma_wait3A_260] : memref<16x64xi32, #tpu.memory_space<vmem>> -> memref<1x64xi32, #tpu.memory_space<vmem>>
        %dma_wait3A_262 = tpu.memref_squeeze %dma_wait3A_261 : memref<1x64xi32, #tpu.memory_space<vmem>> -> memref<64xi32, #tpu.memory_space<vmem>>
        %dma_wait3A_263 = arith.constant 0 : i32
        %dma_wait3A_264 = arith.constant 0 : i32
        %dma_wait3A_265 = tpu.memref_slice %arg13[%dma_wait3A_263, %dma_wait3A_264] : memref<10240x128xf32, #tpu.memory_space<vmem_shared>> -> memref<10240x128xf32, #tpu.memory_space<vmem_shared>>
        tpu.wait_indirect_dma semaphore(%run_scoped3A_253 : memref<!tpu.dma_semaphore, #tpu.memory_space<semaphore_mem>>) src(%arg10 : memref<64x128xf32, #tpu.memory_space<vmem>>) dst(%dma_wait3A_265 : memref<10240x128xf32, #tpu.memory_space<vmem_shared>>)
        tpu.yield
      }) : () -> ()
      %dma_wait3A_237 = arith.constant 14 : i32
      %dma_wait3A_238 = arith.constant 0 : i32
      %dma_wait3A_239 = tpu.memref_slice %arg7[%dma_wait3A_237, %dma_wait3A_238] : memref<16x64xi32, #tpu.memory_space<vmem>> -> memref<1x64xi32, #tpu.memory_space<vmem>>
      %dma_wait3A_240 = tpu.memref_squeeze %dma_wait3A_239 : memref<1x64xi32, #tpu.memory_space<vmem>> -> memref<64xi32, #tpu.memory_space<vmem>>
      %dma_wait3A_241 = arith.constant 0 : i32
      %dma_wait3A_242 = arith.constant 0 : i32
      %dma_wait3A_243 = tpu.memref_slice %arg4[%dma_wait3A_241, %dma_wait3A_242] : memref<10240x128xf32, #tpu.memory_space<hbm>> -> memref<10240x128xf32, #tpu.memory_space<hbm>>
      tpu.wait_indirect_dma semaphore(%arg16 : memref<!tpu.dma_semaphore, #tpu.memory_space<semaphore_mem>>) src(%dma_wait3A_243 : memref<10240x128xf32, #tpu.memory_space<hbm>>) dst(%arg11 : memref<64x128xf32, #tpu.memory_space<vmem>>)
      %run_scoped3A_244 = arith.constant 14 : i32
      "tpu.region"() ({
        %run_scoped3A_253 = tpu.sem_alloc : memref<!tpu.dma_semaphore, #tpu.memory_space<semaphore_mem>>
        %dma_start3A_254 = arith.constant 0 : i32
        %dma_start3A_255 = tpu.memref_slice %arg8[%run_scoped3A_244, %dma_start3A_254] : memref<16x64xi32, #tpu.memory_space<vmem>> -> memref<1x64xi32, #tpu.memory_space<vmem>>
        %dma_start3A_256 = tpu.memref_squeeze %dma_start3A_255 : memref<1x64xi32, #tpu.memory_space<vmem>> -> memref<64xi32, #tpu.memory_space<vmem>>
        %dma_start3A_257 = arith.constant 0 : i32
        %dma_start3A_258 = arith.constant 0 : i32
        %dma_start3A_259 = tpu.memref_slice %arg13[%dma_start3A_257, %dma_start3A_258] : memref<10240x128xf32, #tpu.memory_space<vmem_shared>> -> memref<10240x128xf32, #tpu.memory_space<vmem_shared>>
        tpu.enqueue_indirect_dma source(%arg11 : memref<64x128xf32, #tpu.memory_space<vmem>>) target(%dma_start3A_259 : memref<10240x128xf32, #tpu.memory_space<vmem_shared>>) offsets(%dma_start3A_256 : memref<64xi32, #tpu.memory_space<vmem>>) semaphore(%run_scoped3A_253 : memref<!tpu.dma_semaphore, #tpu.memory_space<semaphore_mem>>) {add = true}
        %dma_wait3A_260 = arith.constant 0 : i32
        %dma_wait3A_261 = tpu.memref_slice %arg8[%run_scoped3A_244, %dma_wait3A_260] : memref<16x64xi32, #tpu.memory_space<vmem>> -> memref<1x64xi32, #tpu.memory_space<vmem>>
        %dma_wait3A_262 = tpu.memref_squeeze %dma_wait3A_261 : memref<1x64xi32, #tpu.memory_space<vmem>> -> memref<64xi32, #tpu.memory_space<vmem>>
        %dma_wait3A_263 = arith.constant 0 : i32
        %dma_wait3A_264 = arith.constant 0 : i32
        %dma_wait3A_265 = tpu.memref_slice %arg13[%dma_wait3A_263, %dma_wait3A_264] : memref<10240x128xf32, #tpu.memory_space<vmem_shared>> -> memref<10240x128xf32, #tpu.memory_space<vmem_shared>>
        tpu.wait_indirect_dma semaphore(%run_scoped3A_253 : memref<!tpu.dma_semaphore, #tpu.memory_space<semaphore_mem>>) src(%arg11 : memref<64x128xf32, #tpu.memory_space<vmem>>) dst(%dma_wait3A_265 : memref<10240x128xf32, #tpu.memory_space<vmem_shared>>)
        tpu.yield
      }) : () -> ()
      %dma_wait3A_245 = arith.constant 15 : i32
      %dma_wait3A_246 = arith.constant 0 : i32
      %dma_wait3A_247 = tpu.memref_slice %arg7[%dma_wait3A_245, %dma_wait3A_246] : memref<16x64xi32, #tpu.memory_space<vmem>> -> memref<1x64xi32, #tpu.memory_space<vmem>>
      %dma_wait3A_248 = tpu.memref_squeeze %dma_wait3A_247 : memref<1x64xi32, #tpu.memory_space<vmem>> -> memref<64xi32, #tpu.memory_space<vmem>>
      %dma_wait3A_249 = arith.constant 0 : i32
      %dma_wait3A_250 = arith.constant 0 : i32
      %dma_wait3A_251 = tpu.memref_slice %arg4[%dma_wait3A_249, %dma_wait3A_250] : memref<10240x128xf32, #tpu.memory_space<hbm>> -> memref<10240x128xf32, #tpu.memory_space<hbm>>
      tpu.wait_indirect_dma semaphore(%arg17 : memref<!tpu.dma_semaphore, #tpu.memory_space<semaphore_mem>>) src(%dma_wait3A_251 : memref<10240x128xf32, #tpu.memory_space<hbm>>) dst(%arg12 : memref<64x128xf32, #tpu.memory_space<vmem>>)
      %run_scoped3A_252 = arith.constant 15 : i32
      "tpu.region"() ({
        %run_scoped3A_253 = tpu.sem_alloc : memref<!tpu.dma_semaphore, #tpu.memory_space<semaphore_mem>>
        %dma_start3A_254 = arith.constant 0 : i32
        %dma_start3A_255 = tpu.memref_slice %arg8[%run_scoped3A_252, %dma_start3A_254] : memref<16x64xi32, #tpu.memory_space<vmem>> -> memref<1x64xi32, #tpu.memory_space<vmem>>
        %dma_start3A_256 = tpu.memref_squeeze %dma_start3A_255 : memref<1x64xi32, #tpu.memory_space<vmem>> -> memref<64xi32, #tpu.memory_space<vmem>>
        %dma_start3A_257 = arith.constant 0 : i32
        %dma_start3A_258 = arith.constant 0 : i32
        %dma_start3A_259 = tpu.memref_slice %arg13[%dma_start3A_257, %dma_start3A_258] : memref<10240x128xf32, #tpu.memory_space<vmem_shared>> -> memref<10240x128xf32, #tpu.memory_space<vmem_shared>>
        tpu.enqueue_indirect_dma source(%arg12 : memref<64x128xf32, #tpu.memory_space<vmem>>) target(%dma_start3A_259 : memref<10240x128xf32, #tpu.memory_space<vmem_shared>>) offsets(%dma_start3A_256 : memref<64xi32, #tpu.memory_space<vmem>>) semaphore(%run_scoped3A_253 : memref<!tpu.dma_semaphore, #tpu.memory_space<semaphore_mem>>) {add = true}
        %dma_wait3A_260 = arith.constant 0 : i32
        %dma_wait3A_261 = tpu.memref_slice %arg8[%run_scoped3A_252, %dma_wait3A_260] : memref<16x64xi32, #tpu.memory_space<vmem>> -> memref<1x64xi32, #tpu.memory_space<vmem>>
        %dma_wait3A_262 = tpu.memref_squeeze %dma_wait3A_261 : memref<1x64xi32, #tpu.memory_space<vmem>> -> memref<64xi32, #tpu.memory_space<vmem>>
        %dma_wait3A_263 = arith.constant 0 : i32
        %dma_wait3A_264 = arith.constant 0 : i32
        %dma_wait3A_265 = tpu.memref_slice %arg13[%dma_wait3A_263, %dma_wait3A_264] : memref<10240x128xf32, #tpu.memory_space<vmem_shared>> -> memref<10240x128xf32, #tpu.memory_space<vmem_shared>>
        tpu.wait_indirect_dma semaphore(%run_scoped3A_253 : memref<!tpu.dma_semaphore, #tpu.memory_space<semaphore_mem>>) src(%arg12 : memref<64x128xf32, #tpu.memory_space<vmem>>) dst(%dma_wait3A_265 : memref<10240x128xf32, #tpu.memory_space<vmem_shared>>)
        tpu.yield
      }) : () -> ()
    }
    %barrier3A_14 = arith.constant 0 : index
    tpu.barrier barrier_id(%barrier3A_14)
    "tpu.region"() ({
      %run_scoped3A = tpu.sem_alloc : memref<!tpu.dma_semaphore, #tpu.memory_space<semaphore_mem>>
      %dma_start3A = arith.constant 0 : i32
      %dma_start3A_15 = tpu.memref_slice %arg6[%arg0, %mul3A_2, %dma_start3A] : memref<2x10240x128xf32, #tpu.memory_space<hbm>> -> memref<1x640x128xf32, #tpu.memory_space<hbm>>
      %dma_start3A_16 = tpu.memref_squeeze %dma_start3A_15 : memref<1x640x128xf32, #tpu.memory_space<hbm>> -> memref<640x128xf32, #tpu.memory_space<hbm>>
      %dma_start3A_17 = arith.constant 0 : i32
      %dma_start3A_18 = tpu.memref_slice %arg13[%mul3A_2, %dma_start3A_17] : memref<10240x128xf32, #tpu.memory_space<vmem_shared>> -> memref<640x128xf32, #tpu.memory_space<vmem_shared>>
      tpu.enqueue_dma source(%dma_start3A_18 : memref<640x128xf32, #tpu.memory_space<vmem_shared>>) target(%dma_start3A_16 : memref<640x128xf32, #tpu.memory_space<hbm>>) target_semaphore(%run_scoped3A : memref<!tpu.dma_semaphore, #tpu.memory_space<semaphore_mem>>)
      %dma_wait3A = arith.constant 0 : i32
      %dma_wait3A_19 = tpu.memref_slice %arg6[%arg0, %mul3A_2, %dma_wait3A] : memref<2x10240x128xf32, #tpu.memory_space<hbm>> -> memref<1x640x128xf32, #tpu.memory_space<hbm>>
      %dma_wait3A_20 = tpu.memref_squeeze %dma_wait3A_19 : memref<1x640x128xf32, #tpu.memory_space<hbm>> -> memref<640x128xf32, #tpu.memory_space<hbm>>
      %dma_wait3A_21 = arith.constant 0 : i32
      %dma_wait3A_22 = tpu.memref_slice %arg13[%mul3A_2, %dma_wait3A_21] : memref<10240x128xf32, #tpu.memory_space<vmem_shared>> -> memref<640x128xf32, #tpu.memory_space<vmem_shared>>
      tpu.wait_dma2 semaphore(%run_scoped3A : memref<!tpu.dma_semaphore, #tpu.memory_space<semaphore_mem>>) src(%dma_wait3A_22 : memref<640x128xf32, #tpu.memory_space<vmem_shared>>) dst(%dma_wait3A_20 : memref<640x128xf32, #tpu.memory_space<hbm>>)
      tpu.yield
    }) : () -> ()
    return
  }
}

#map = affine_map<(d0, d1) -> (0, 0, 0, 0)>
#map1 = affine_map<(d0, d1) -> (0, 0)>
#map2 = affine_map<(d0, d1) -> (0, 0, 0)>
module attributes {stable_mosaic.version = 14 : i64} {
  func.func @k(%arg0: i32, %arg1: i32, %arg2: memref<32x10x16x64xi32, #tpu.memory_space<hbm>>, %arg3: memref<32x10x16x64xi32, #tpu.memory_space<hbm>>, %arg4: memref<10240x128xf32, #tpu.memory_space<hbm>>, %arg5: memref<10240x128xf32, #tpu.memory_space<hbm>>, %arg6: memref<2x10240x128xf32, #tpu.memory_space<hbm>>, %arg7: memref<16x64xi32, #tpu.memory_space<vmem>>, %arg8: memref<16x64xi32, #tpu.memory_space<vmem>>, %arg9: memref<64x128xf32, #tpu.memory_space<vmem>>, %arg10: memref<64x128xf32, #tpu.memory_space<vmem>>, %arg11: memref<64x128xf32, #tpu.memory_space<vmem>>, %arg12: memref<64x128xf32, #tpu.memory_space<vmem>>, %arg13: memref<10240x128xf32, #tpu.memory_space<vmem_shared>>, %arg14: memref<!tpu.dma_semaphore, #tpu.memory_space<semaphore_mem>>, %arg15: memref<!tpu.dma_semaphore, #tpu.memory_space<semaphore_mem>>, %arg16: memref<!tpu.dma_semaphore, #tpu.memory_space<semaphore_mem>>, %arg17: memref<!tpu.dma_semaphore, #tpu.memory_space<semaphore_mem>>) attributes {dimension_semantics = [#tpu.dimension_semantics<core_parallel>, #tpu.dimension_semantics<subcore_parallel>], iteration_bounds = array<i64: 2, 16>, scalar_prefetch = 0 : i64, scratch_operands = 11 : i64, tpu.core_type = #tpu.core_type<sc_vector_subcore>, window_params = [{transform_indices = #map}, {transform_indices = #map}, {transform_indices = #map1}, {transform_indices = #map1}, {transform_indices = #map2}]} {
    %mul3A = arith.constant 2 : i32
    %mul3A_0 = arith.muli %arg1, %mul3A : i32
    %add3A = arith.addi %mul3A_0, %arg0 : i32
    %mul3A_1 = arith.constant 640 : i32
    %mul3A_2 = arith.muli %arg1, %mul3A_1 : i32
    %eq3A = arith.constant 0 : i32
    %eq3A_3 = arith.cmpi eq, %arg0, %eq3A : i32
    %jit3A = arith.constant 10 : i32
    %jit3A_4 = arith.constant 10 : i32
    %select_n3A = arith.select %eq3A_3, %jit3A, %jit3A_4 : i32
    "tpu.region"() ({
      %run_scoped3A = tpu.sem_alloc : memref<!tpu.dma_semaphore, #tpu.memory_space<semaphore_mem>>
      %dma_start3A = arith.constant 0 : i32
      %dma_start3A_15 = tpu.memref_slice %arg13[%mul3A_2, %dma_start3A] : memref<10240x128xf32, #tpu.memory_space<vmem_shared>> -> memref<640x128xf32, #tpu.memory_space<vmem_shared>>
      %dma_start3A_16 = arith.constant 0 : i32
      %dma_start3A_17 = tpu.memref_slice %arg5[%mul3A_2, %dma_start3A_16] : memref<10240x128xf32, #tpu.memory_space<hbm>> -> memref<640x128xf32, #tpu.memory_space<hbm>>
      tpu.enqueue_dma source(%dma_start3A_17 : memref<640x128xf32, #tpu.memory_space<hbm>>) target(%dma_start3A_15 : memref<640x128xf32, #tpu.memory_space<vmem_shared>>) target_semaphore(%run_scoped3A : memref<!tpu.dma_semaphore, #tpu.memory_space<semaphore_mem>>)
      %dma_wait3A = arith.constant 0 : i32
      %dma_wait3A_18 = tpu.memref_slice %arg13[%mul3A_2, %dma_wait3A] : memref<10240x128xf32, #tpu.memory_space<vmem_shared>> -> memref<640x128xf32, #tpu.memory_space<vmem_shared>>
      %dma_wait3A_19 = arith.constant 0 : i32
      %dma_wait3A_20 = tpu.memref_slice %arg5[%mul3A_2, %dma_wait3A_19] : memref<10240x128xf32, #tpu.memory_space<hbm>> -> memref<640x128xf32, #tpu.memory_space<hbm>>
      tpu.wait_dma2 semaphore(%run_scoped3A : memref<!tpu.dma_semaphore, #tpu.memory_space<semaphore_mem>>) src(%dma_wait3A_20 : memref<640x128xf32, #tpu.memory_space<hbm>>) dst(%dma_wait3A_18 : memref<640x128xf32, #tpu.memory_space<vmem_shared>>)
      tpu.yield
    }) : () -> ()
    %barrier3A = arith.constant 0 : index
    tpu.barrier barrier_id(%barrier3A)
    %while3A = arith.constant 0 : i32
    %while3A_5 = arith.constant 0 : i32
    %while3A_6 = arith.subi %select_n3A, %while3A_5 : i32
    %while3A_7 = arith.addi %while3A_5, %while3A_6 : i32
    %while3A_8 = arith.constant 1 : i32
    %while3A_9 = arith.divsi %while3A_6, %while3A_8 : i32
    %while3A_10 = arith.muli %while3A_9, %while3A_8 : i32
    %while3A_11 = arith.addi %while3A_5, %while3A_10 : i32
    %while3A_12 = arith.constant 1 : i32
    scf.for %while3A_15 = %while3A_5 to %while3A_11 step %while3A_12  : i32 {
      "tpu.region"() ({
        %run_scoped3A_253 = tpu.sem_alloc : memref<!tpu.dma_semaphore, #tpu.memory_space<semaphore_mem>>
        %dma_start3A_254 = arith.constant 0 : i32
        %dma_start3A_255 = arith.constant 0 : i32
        %dma_start3A_256 = tpu.memref_slice %arg2[%add3A, %while3A_15, %dma_start3A_254, %dma_start3A_255] : memref<32x10x16x64xi32, #tpu.memory_space<hbm>> -> memref<1x1x16x64xi32, #tpu.memory_space<hbm>>
        %dma_start3A_257 = tpu.memref_squeeze %dma_start3A_256 : memref<1x1x16x64xi32, #tpu.memory_space<hbm>> -> memref<16x64xi32, #tpu.memory_space<hbm>>
        %dma_start3A_258 = arith.constant 0 : i32
        %dma_start3A_259 = arith.constant 0 : i32
        %dma_start3A_260 = tpu.memref_slice %arg2[%add3A, %while3A_15, %dma_start3A_258, %dma_start3A_259] : memref<32x10x16x64xi32, #tpu.memory_space<hbm>> -> memref<1x1x16x64xi32, #tpu.memory_space<hbm>>
        %dma_start3A_261 = tpu.memref_squeeze %dma_start3A_260 : memref<1x1x16x64xi32, #tpu.memory_space<hbm>> -> memref<16x64xi32, #tpu.memory_space<hbm>>
        tpu.enqueue_dma source(%dma_start3A_261 : memref<16x64xi32, #tpu.memory_space<hbm>>) target(%arg7 : memref<16x64xi32, #tpu.memory_space<vmem>>) target_semaphore(%run_scoped3A_253 : memref<!tpu.dma_semaphore, #tpu.memory_space<semaphore_mem>>)
        %dma_wait3A_262 = arith.constant 0 : i32
        %dma_wait3A_263 = arith.constant 0 : i32
        %dma_wait3A_264 = tpu.memref_slice %arg2[%add3A, %while3A_15, %dma_wait3A_262, %dma_wait3A_263] : memref<32x10x16x64xi32, #tpu.memory_space<hbm>> -> memref<1x1x16x64xi32, #tpu.memory_space<hbm>>
        %dma_wait3A_265 = tpu.memref_squeeze %dma_wait3A_264 : memref<1x1x16x64xi32, #tpu.memory_space<hbm>> -> memref<16x64xi32, #tpu.memory_space<hbm>>
        %dma_wait3A_266 = arith.constant 0 : i32
        %dma_wait3A_267 = arith.constant 0 : i32
        %dma_wait3A_268 = tpu.memref_slice %arg2[%add3A, %while3A_15, %dma_wait3A_266, %dma_wait3A_267] : memref<32x10x16x64xi32, #tpu.memory_space<hbm>> -> memref<1x1x16x64xi32, #tpu.memory_space<hbm>>
        %dma_wait3A_269 = tpu.memref_squeeze %dma_wait3A_268 : memref<1x1x16x64xi32, #tpu.memory_space<hbm>> -> memref<16x64xi32, #tpu.memory_space<hbm>>
        tpu.wait_dma2 semaphore(%run_scoped3A_253 : memref<!tpu.dma_semaphore, #tpu.memory_space<semaphore_mem>>) src(%dma_wait3A_269 : memref<16x64xi32, #tpu.memory_space<hbm>>) dst(%arg7 : memref<16x64xi32, #tpu.memory_space<vmem>>)
        tpu.yield
      }) : () -> ()
      "tpu.region"() ({
        %run_scoped3A_253 = tpu.sem_alloc : memref<!tpu.dma_semaphore, #tpu.memory_space<semaphore_mem>>
        %dma_start3A_254 = arith.constant 0 : i32
        %dma_start3A_255 = arith.constant 0 : i32
        %dma_start3A_256 = tpu.memref_slice %arg3[%add3A, %while3A_15, %dma_start3A_254, %dma_start3A_255] : memref<32x10x16x64xi32, #tpu.memory_space<hbm>> -> memref<1x1x16x64xi32, #tpu.memory_space<hbm>>
        %dma_start3A_257 = tpu.memref_squeeze %dma_start3A_256 : memref<1x1x16x64xi32, #tpu.memory_space<hbm>> -> memref<16x64xi32, #tpu.memory_space<hbm>>
        %dma_start3A_258 = arith.constant 0 : i32
        %dma_start3A_259 = arith.constant 0 : i32
        %dma_start3A_260 = tpu.memref_slice %arg3[%add3A, %while3A_15, %dma_start3A_258, %dma_start3A_259] : memref<32x10x16x64xi32, #tpu.memory_space<hbm>> -> memref<1x1x16x64xi32, #tpu.memory_space<hbm>>
        %dma_start3A_261 = tpu.memref_squeeze %dma_start3A_260 : memref<1x1x16x64xi32, #tpu.memory_space<hbm>> -> memref<16x64xi32, #tpu.memory_space<hbm>>
        tpu.enqueue_dma source(%dma_start3A_261 : memref<16x64xi32, #tpu.memory_space<hbm>>) target(%arg8 : memref<16x64xi32, #tpu.memory_space<vmem>>) target_semaphore(%run_scoped3A_253 : memref<!tpu.dma_semaphore, #tpu.memory_space<semaphore_mem>>)
        %dma_wait3A_262 = arith.constant 0 : i32
        %dma_wait3A_263 = arith.constant 0 : i32
        %dma_wait3A_264 = tpu.memref_slice %arg3[%add3A, %while3A_15, %dma_wait3A_262, %dma_wait3A_263] : memref<32x10x16x64xi32, #tpu.memory_space<hbm>> -> memref<1x1x16x64xi32, #tpu.memory_space<hbm>>
        %dma_wait3A_265 = tpu.memref_squeeze %dma_wait3A_264 : memref<1x1x16x64xi32, #tpu.memory_space<hbm>> -> memref<16x64xi32, #tpu.memory_space<hbm>>
        %dma_wait3A_266 = arith.constant 0 : i32
        %dma_wait3A_267 = arith.constant 0 : i32
        %dma_wait3A_268 = tpu.memref_slice %arg3[%add3A, %while3A_15, %dma_wait3A_266, %dma_wait3A_267] : memref<32x10x16x64xi32, #tpu.memory_space<hbm>> -> memref<1x1x16x64xi32, #tpu.memory_space<hbm>>
        %dma_wait3A_269 = tpu.memref_squeeze %dma_wait3A_268 : memref<1x1x16x64xi32, #tpu.memory_space<hbm>> -> memref<16x64xi32, #tpu.memory_space<hbm>>
        tpu.wait_dma2 semaphore(%run_scoped3A_253 : memref<!tpu.dma_semaphore, #tpu.memory_space<semaphore_mem>>) src(%dma_wait3A_269 : memref<16x64xi32, #tpu.memory_space<hbm>>) dst(%arg8 : memref<16x64xi32, #tpu.memory_space<vmem>>)
        tpu.yield
      }) : () -> ()
      %dma_start3A = arith.constant 0 : i32
      %dma_start3A_16 = arith.constant 0 : i32
      %dma_start3A_17 = tpu.memref_slice %arg7[%dma_start3A, %dma_start3A_16] : memref<16x64xi32, #tpu.memory_space<vmem>> -> memref<1x64xi32, #tpu.memory_space<vmem>>
      %dma_start3A_18 = tpu.memref_squeeze %dma_start3A_17 : memref<1x64xi32, #tpu.memory_space<vmem>> -> memref<64xi32, #tpu.memory_space<vmem>>
      %dma_start3A_19 = arith.constant 0 : i32
      %dma_start3A_20 = arith.constant 0 : i32
      %dma_start3A_21 = tpu.memref_slice %arg4[%dma_start3A_19, %dma_start3A_20] : memref<10240x128xf32, #tpu.memory_space<hbm>> -> memref<10240x128xf32, #tpu.memory_space<hbm>>
      tpu.enqueue_indirect_dma source(%dma_start3A_21 : memref<10240x128xf32, #tpu.memory_space<hbm>>) target(%arg9 : memref<64x128xf32, #tpu.memory_space<vmem>>) offsets(%dma_start3A_18 : memref<64xi32, #tpu.memory_space<vmem>>) semaphore(%arg14 : memref<!tpu.dma_semaphore, #tpu.memory_space<semaphore_mem>>)
      %dma_start3A_22 = arith.constant 1 : i32
      %dma_start3A_23 = arith.constant 0 : i32
      %dma_start3A_24 = tpu.memref_slice %arg7[%dma_start3A_22, %dma_start3A_23] : memref<16x64xi32, #tpu.memory_space<vmem>> -> memref<1x64xi32, #tpu.memory_space<vmem>>
      %dma_start3A_25 = tpu.memref_squeeze %dma_start3A_24 : memref<1x64xi32, #tpu.memory_space<vmem>> -> memref<64xi32, #tpu.memory_space<vmem>>
      %dma_start3A_26 = arith.constant 0 : i32
      %dma_start3A_27 = arith.constant 0 : i32
      %dma_start3A_28 = tpu.memref_slice %arg4[%dma_start3A_26, %dma_start3A_27] : memref<10240x128xf32, #tpu.memory_space<hbm>> -> memref<10240x128xf32, #tpu.memory_space<hbm>>
      tpu.enqueue_indirect_dma source(%dma_start3A_28 : memref<10240x128xf32, #tpu.memory_space<hbm>>) target(%arg10 : memref<64x128xf32, #tpu.memory_space<vmem>>) offsets(%dma_start3A_25 : memref<64xi32, #tpu.memory_space<vmem>>) semaphore(%arg15 : memref<!tpu.dma_semaphore, #tpu.memory_space<semaphore_mem>>)
      %dma_start3A_29 = arith.constant 2 : i32
      %dma_start3A_30 = arith.constant 0 : i32
      %dma_start3A_31 = tpu.memref_slice %arg7[%dma_start3A_29, %dma_start3A_30] : memref<16x64xi32, #tpu.memory_space<vmem>> -> memref<1x64xi32, #tpu.memory_space<vmem>>
      %dma_start3A_32 = tpu.memref_squeeze %dma_start3A_31 : memref<1x64xi32, #tpu.memory_space<vmem>> -> memref<64xi32, #tpu.memory_space<vmem>>
      %dma_start3A_33 = arith.constant 0 : i32
      %dma_start3A_34 = arith.constant 0 : i32
      %dma_start3A_35 = tpu.memref_slice %arg4[%dma_start3A_33, %dma_start3A_34] : memref<10240x128xf32, #tpu.memory_space<hbm>> -> memref<10240x128xf32, #tpu.memory_space<hbm>>
      tpu.enqueue_indirect_dma source(%dma_start3A_35 : memref<10240x128xf32, #tpu.memory_space<hbm>>) target(%arg11 : memref<64x128xf32, #tpu.memory_space<vmem>>) offsets(%dma_start3A_32 : memref<64xi32, #tpu.memory_space<vmem>>) semaphore(%arg16 : memref<!tpu.dma_semaphore, #tpu.memory_space<semaphore_mem>>)
      %dma_start3A_36 = arith.constant 3 : i32
      %dma_start3A_37 = arith.constant 0 : i32
      %dma_start3A_38 = tpu.memref_slice %arg7[%dma_start3A_36, %dma_start3A_37] : memref<16x64xi32, #tpu.memory_space<vmem>> -> memref<1x64xi32, #tpu.memory_space<vmem>>
      %dma_start3A_39 = tpu.memref_squeeze %dma_start3A_38 : memref<1x64xi32, #tpu.memory_space<vmem>> -> memref<64xi32, #tpu.memory_space<vmem>>
      %dma_start3A_40 = arith.constant 0 : i32
      %dma_start3A_41 = arith.constant 0 : i32
      %dma_start3A_42 = tpu.memref_slice %arg4[%dma_start3A_40, %dma_start3A_41] : memref<10240x128xf32, #tpu.memory_space<hbm>> -> memref<10240x128xf32, #tpu.memory_space<hbm>>
      tpu.enqueue_indirect_dma source(%dma_start3A_42 : memref<10240x128xf32, #tpu.memory_space<hbm>>) target(%arg12 : memref<64x128xf32, #tpu.memory_space<vmem>>) offsets(%dma_start3A_39 : memref<64xi32, #tpu.memory_space<vmem>>) semaphore(%arg17 : memref<!tpu.dma_semaphore, #tpu.memory_space<semaphore_mem>>)
      %dma_wait3A = arith.constant 0 : i32
      %dma_wait3A_43 = arith.constant 0 : i32
      %dma_wait3A_44 = tpu.memref_slice %arg7[%dma_wait3A, %dma_wait3A_43] : memref<16x64xi32, #tpu.memory_space<vmem>> -> memref<1x64xi32, #tpu.memory_space<vmem>>
      %dma_wait3A_45 = tpu.memref_squeeze %dma_wait3A_44 : memref<1x64xi32, #tpu.memory_space<vmem>> -> memref<64xi32, #tpu.memory_space<vmem>>
      %dma_wait3A_46 = arith.constant 0 : i32
      %dma_wait3A_47 = arith.constant 0 : i32
      %dma_wait3A_48 = tpu.memref_slice %arg4[%dma_wait3A_46, %dma_wait3A_47] : memref<10240x128xf32, #tpu.memory_space<hbm>> -> memref<10240x128xf32, #tpu.memory_space<hbm>>
      tpu.wait_indirect_dma semaphore(%arg14 : memref<!tpu.dma_semaphore, #tpu.memory_space<semaphore_mem>>) src(%dma_wait3A_48 : memref<10240x128xf32, #tpu.memory_space<hbm>>) dst(%arg9 : memref<64x128xf32, #tpu.memory_space<vmem>>)
      %run_scoped3A = arith.constant 0 : i32
      "tpu.region"() ({
        %run_scoped3A_253 = tpu.sem_alloc : memref<!tpu.dma_semaphore, #tpu.memory_space<semaphore_mem>>
        %dma_start3A_254 = arith.constant 0 : i32
        %dma_start3A_255 = tpu.memref_slice %arg8[%run_scoped3A, %dma_start3A_254] : memref<16x64xi32, #tpu.memory_space<vmem>> -> memref<1x64xi32, #tpu.memory_space<vmem>>
        %dma_start3A_256 = tpu.memref_squeeze %dma_start3A_255 : memref<1x64xi32, #tpu.memory_space<vmem>> -> memref<64xi32, #tpu.memory_space<vmem>>
        %dma_start3A_257 = arith.constant 0 : i32
        %dma_start3A_258 = arith.constant 0 : i32
        %dma_start3A_259 = tpu.memref_slice %arg13[%dma_start3A_257, %dma_start3A_258] : memref<10240x128xf32, #tpu.memory_space<vmem_shared>> -> memref<10240x128xf32, #tpu.memory_space<vmem_shared>>
        tpu.enqueue_indirect_dma source(%arg9 : memref<64x128xf32, #tpu.memory_space<vmem>>) target(%dma_start3A_259 : memref<10240x128xf32, #tpu.memory_space<vmem_shared>>) offsets(%dma_start3A_256 : memref<64xi32, #tpu.memory_space<vmem>>) semaphore(%run_scoped3A_253 : memref<!tpu.dma_semaphore, #tpu.memory_space<semaphore_mem>>) {add = true}
        %dma_wait3A_260 = arith.constant 0 : i32
        %dma_wait3A_261 = tpu.memref_slice %arg8[%run_scoped3A, %dma_wait3A_260] : memref<16x64xi32, #tpu.memory_space<vmem>> -> memref<1x64xi32, #tpu.memory_space<vmem>>
        %dma_wait3A_262 = tpu.memref_squeeze %dma_wait3A_261 : memref<1x64xi32, #tpu.memory_space<vmem>> -> memref<64xi32, #tpu.memory_space<vmem>>
        %dma_wait3A_263 = arith.constant 0 : i32
        %dma_wait3A_264 = arith.constant 0 : i32
        %dma_wait3A_265 = tpu.memref_slice %arg13[%dma_wait3A_263, %dma_wait3A_264] : memref<10240x128xf32, #tpu.memory_space<vmem_shared>> -> memref<10240x128xf32, #tpu.memory_space<vmem_shared>>
        tpu.wait_indirect_dma semaphore(%run_scoped3A_253 : memref<!tpu.dma_semaphore, #tpu.memory_space<semaphore_mem>>) src(%arg9 : memref<64x128xf32, #tpu.memory_space<vmem>>) dst(%dma_wait3A_265 : memref<10240x128xf32, #tpu.memory_space<vmem_shared>>)
        tpu.yield
      }) : () -> ()
      %dma_start3A_49 = arith.constant 4 : i32
      %dma_start3A_50 = arith.constant 0 : i32
      %dma_start3A_51 = tpu.memref_slice %arg7[%dma_start3A_49, %dma_start3A_50] : memref<16x64xi32, #tpu.memory_space<vmem>> -> memref<1x64xi32, #tpu.memory_space<vmem>>
      %dma_start3A_52 = tpu.memref_squeeze %dma_start3A_51 : memref<1x64xi32, #tpu.memory_space<vmem>> -> memref<64xi32, #tpu.memory_space<vmem>>
      %dma_start3A_53 = arith.constant 0 : i32
      %dma_start3A_54 = arith.constant 0 : i32
      %dma_start3A_55 = tpu.memref_slice %arg4[%dma_start3A_53, %dma_start3A_54] : memref<10240x128xf32, #tpu.memory_space<hbm>> -> memref<10240x128xf32, #tpu.memory_space<hbm>>
      tpu.enqueue_indirect_dma source(%dma_start3A_55 : memref<10240x128xf32, #tpu.memory_space<hbm>>) target(%arg9 : memref<64x128xf32, #tpu.memory_space<vmem>>) offsets(%dma_start3A_52 : memref<64xi32, #tpu.memory_space<vmem>>) semaphore(%arg14 : memref<!tpu.dma_semaphore, #tpu.memory_space<semaphore_mem>>)
      %dma_wait3A_56 = arith.constant 1 : i32
      %dma_wait3A_57 = arith.constant 0 : i32
      %dma_wait3A_58 = tpu.memref_slice %arg7[%dma_wait3A_56, %dma_wait3A_57] : memref<16x64xi32, #tpu.memory_space<vmem>> -> memref<1x64xi32, #tpu.memory_space<vmem>>
      %dma_wait3A_59 = tpu.memref_squeeze %dma_wait3A_58 : memref<1x64xi32, #tpu.memory_space<vmem>> -> memref<64xi32, #tpu.memory_space<vmem>>
      %dma_wait3A_60 = arith.constant 0 : i32
      %dma_wait3A_61 = arith.constant 0 : i32
      %dma_wait3A_62 = tpu.memref_slice %arg4[%dma_wait3A_60, %dma_wait3A_61] : memref<10240x128xf32, #tpu.memory_space<hbm>> -> memref<10240x128xf32, #tpu.memory_space<hbm>>
      tpu.wait_indirect_dma semaphore(%arg15 : memref<!tpu.dma_semaphore, #tpu.memory_space<semaphore_mem>>) src(%dma_wait3A_62 : memref<10240x128xf32, #tpu.memory_space<hbm>>) dst(%arg10 : memref<64x128xf32, #tpu.memory_space<vmem>>)
      %run_scoped3A_63 = arith.constant 1 : i32
      "tpu.region"() ({
        %run_scoped3A_253 = tpu.sem_alloc : memref<!tpu.dma_semaphore, #tpu.memory_space<semaphore_mem>>
        %dma_start3A_254 = arith.constant 0 : i32
        %dma_start3A_255 = tpu.memref_slice %arg8[%run_scoped3A_63, %dma_start3A_254] : memref<16x64xi32, #tpu.memory_space<vmem>> -> memref<1x64xi32, #tpu.memory_space<vmem>>
        %dma_start3A_256 = tpu.memref_squeeze %dma_start3A_255 : memref<1x64xi32, #tpu.memory_space<vmem>> -> memref<64xi32, #tpu.memory_space<vmem>>
        %dma_start3A_257 = arith.constant 0 : i32
        %dma_start3A_258 = arith.constant 0 : i32
        %dma_start3A_259 = tpu.memref_slice %arg13[%dma_start3A_257, %dma_start3A_258] : memref<10240x128xf32, #tpu.memory_space<vmem_shared>> -> memref<10240x128xf32, #tpu.memory_space<vmem_shared>>
        tpu.enqueue_indirect_dma source(%arg10 : memref<64x128xf32, #tpu.memory_space<vmem>>) target(%dma_start3A_259 : memref<10240x128xf32, #tpu.memory_space<vmem_shared>>) offsets(%dma_start3A_256 : memref<64xi32, #tpu.memory_space<vmem>>) semaphore(%run_scoped3A_253 : memref<!tpu.dma_semaphore, #tpu.memory_space<semaphore_mem>>) {add = true}
        %dma_wait3A_260 = arith.constant 0 : i32
        %dma_wait3A_261 = tpu.memref_slice %arg8[%run_scoped3A_63, %dma_wait3A_260] : memref<16x64xi32, #tpu.memory_space<vmem>> -> memref<1x64xi32, #tpu.memory_space<vmem>>
        %dma_wait3A_262 = tpu.memref_squeeze %dma_wait3A_261 : memref<1x64xi32, #tpu.memory_space<vmem>> -> memref<64xi32, #tpu.memory_space<vmem>>
        %dma_wait3A_263 = arith.constant 0 : i32
        %dma_wait3A_264 = arith.constant 0 : i32
        %dma_wait3A_265 = tpu.memref_slice %arg13[%dma_wait3A_263, %dma_wait3A_264] : memref<10240x128xf32, #tpu.memory_space<vmem_shared>> -> memref<10240x128xf32, #tpu.memory_space<vmem_shared>>
        tpu.wait_indirect_dma semaphore(%run_scoped3A_253 : memref<!tpu.dma_semaphore, #tpu.memory_space<semaphore_mem>>) src(%arg10 : memref<64x128xf32, #tpu.memory_space<vmem>>) dst(%dma_wait3A_265 : memref<10240x128xf32, #tpu.memory_space<vmem_shared>>)
        tpu.yield
      }) : () -> ()
      %dma_start3A_64 = arith.constant 5 : i32
      %dma_start3A_65 = arith.constant 0 : i32
      %dma_start3A_66 = tpu.memref_slice %arg7[%dma_start3A_64, %dma_start3A_65] : memref<16x64xi32, #tpu.memory_space<vmem>> -> memref<1x64xi32, #tpu.memory_space<vmem>>
      %dma_start3A_67 = tpu.memref_squeeze %dma_start3A_66 : memref<1x64xi32, #tpu.memory_space<vmem>> -> memref<64xi32, #tpu.memory_space<vmem>>
      %dma_start3A_68 = arith.constant 0 : i32
      %dma_start3A_69 = arith.constant 0 : i32
      %dma_start3A_70 = tpu.memref_slice %arg4[%dma_start3A_68, %dma_start3A_69] : memref<10240x128xf32, #tpu.memory_space<hbm>> -> memref<10240x128xf32, #tpu.memory_space<hbm>>
      tpu.enqueue_indirect_dma source(%dma_start3A_70 : memref<10240x128xf32, #tpu.memory_space<hbm>>) target(%arg10 : memref<64x128xf32, #tpu.memory_space<vmem>>) offsets(%dma_start3A_67 : memref<64xi32, #tpu.memory_space<vmem>>) semaphore(%arg15 : memref<!tpu.dma_semaphore, #tpu.memory_space<semaphore_mem>>)
      %dma_wait3A_71 = arith.constant 2 : i32
      %dma_wait3A_72 = arith.constant 0 : i32
      %dma_wait3A_73 = tpu.memref_slice %arg7[%dma_wait3A_71, %dma_wait3A_72] : memref<16x64xi32, #tpu.memory_space<vmem>> -> memref<1x64xi32, #tpu.memory_space<vmem>>
      %dma_wait3A_74 = tpu.memref_squeeze %dma_wait3A_73 : memref<1x64xi32, #tpu.memory_space<vmem>> -> memref<64xi32, #tpu.memory_space<vmem>>
      %dma_wait3A_75 = arith.constant 0 : i32
      %dma_wait3A_76 = arith.constant 0 : i32
      %dma_wait3A_77 = tpu.memref_slice %arg4[%dma_wait3A_75, %dma_wait3A_76] : memref<10240x128xf32, #tpu.memory_space<hbm>> -> memref<10240x128xf32, #tpu.memory_space<hbm>>
      tpu.wait_indirect_dma semaphore(%arg16 : memref<!tpu.dma_semaphore, #tpu.memory_space<semaphore_mem>>) src(%dma_wait3A_77 : memref<10240x128xf32, #tpu.memory_space<hbm>>) dst(%arg11 : memref<64x128xf32, #tpu.memory_space<vmem>>)
      %run_scoped3A_78 = arith.constant 2 : i32
      "tpu.region"() ({
        %run_scoped3A_253 = tpu.sem_alloc : memref<!tpu.dma_semaphore, #tpu.memory_space<semaphore_mem>>
        %dma_start3A_254 = arith.constant 0 : i32
        %dma_start3A_255 = tpu.memref_slice %arg8[%run_scoped3A_78, %dma_start3A_254] : memref<16x64xi32, #tpu.memory_space<vmem>> -> memref<1x64xi32, #tpu.memory_space<vmem>>
        %dma_start3A_256 = tpu.memref_squeeze %dma_start3A_255 : memref<1x64xi32, #tpu.memory_space<vmem>> -> memref<64xi32, #tpu.memory_space<vmem>>
        %dma_start3A_257 = arith.constant 0 : i32
        %dma_start3A_258 = arith.constant 0 : i32
        %dma_start3A_259 = tpu.memref_slice %arg13[%dma_start3A_257, %dma_start3A_258] : memref<10240x128xf32, #tpu.memory_space<vmem_shared>> -> memref<10240x128xf32, #tpu.memory_space<vmem_shared>>
        tpu.enqueue_indirect_dma source(%arg11 : memref<64x128xf32, #tpu.memory_space<vmem>>) target(%dma_start3A_259 : memref<10240x128xf32, #tpu.memory_space<vmem_shared>>) offsets(%dma_start3A_256 : memref<64xi32, #tpu.memory_space<vmem>>) semaphore(%run_scoped3A_253 : memref<!tpu.dma_semaphore, #tpu.memory_space<semaphore_mem>>) {add = true}
        %dma_wait3A_260 = arith.constant 0 : i32
        %dma_wait3A_261 = tpu.memref_slice %arg8[%run_scoped3A_78, %dma_wait3A_260] : memref<16x64xi32, #tpu.memory_space<vmem>> -> memref<1x64xi32, #tpu.memory_space<vmem>>
        %dma_wait3A_262 = tpu.memref_squeeze %dma_wait3A_261 : memref<1x64xi32, #tpu.memory_space<vmem>> -> memref<64xi32, #tpu.memory_space<vmem>>
        %dma_wait3A_263 = arith.constant 0 : i32
        %dma_wait3A_264 = arith.constant 0 : i32
        %dma_wait3A_265 = tpu.memref_slice %arg13[%dma_wait3A_263, %dma_wait3A_264] : memref<10240x128xf32, #tpu.memory_space<vmem_shared>> -> memref<10240x128xf32, #tpu.memory_space<vmem_shared>>
        tpu.wait_indirect_dma semaphore(%run_scoped3A_253 : memref<!tpu.dma_semaphore, #tpu.memory_space<semaphore_mem>>) src(%arg11 : memref<64x128xf32, #tpu.memory_space<vmem>>) dst(%dma_wait3A_265 : memref<10240x128xf32, #tpu.memory_space<vmem_shared>>)
        tpu.yield
      }) : () -> ()
      %dma_start3A_79 = arith.constant 6 : i32
      %dma_start3A_80 = arith.constant 0 : i32
      %dma_start3A_81 = tpu.memref_slice %arg7[%dma_start3A_79, %dma_start3A_80] : memref<16x64xi32, #tpu.memory_space<vmem>> -> memref<1x64xi32, #tpu.memory_space<vmem>>
      %dma_start3A_82 = tpu.memref_squeeze %dma_start3A_81 : memref<1x64xi32, #tpu.memory_space<vmem>> -> memref<64xi32, #tpu.memory_space<vmem>>
      %dma_start3A_83 = arith.constant 0 : i32
      %dma_start3A_84 = arith.constant 0 : i32
      %dma_start3A_85 = tpu.memref_slice %arg4[%dma_start3A_83, %dma_start3A_84] : memref<10240x128xf32, #tpu.memory_space<hbm>> -> memref<10240x128xf32, #tpu.memory_space<hbm>>
      tpu.enqueue_indirect_dma source(%dma_start3A_85 : memref<10240x128xf32, #tpu.memory_space<hbm>>) target(%arg11 : memref<64x128xf32, #tpu.memory_space<vmem>>) offsets(%dma_start3A_82 : memref<64xi32, #tpu.memory_space<vmem>>) semaphore(%arg16 : memref<!tpu.dma_semaphore, #tpu.memory_space<semaphore_mem>>)
      %dma_wait3A_86 = arith.constant 3 : i32
      %dma_wait3A_87 = arith.constant 0 : i32
      %dma_wait3A_88 = tpu.memref_slice %arg7[%dma_wait3A_86, %dma_wait3A_87] : memref<16x64xi32, #tpu.memory_space<vmem>> -> memref<1x64xi32, #tpu.memory_space<vmem>>
      %dma_wait3A_89 = tpu.memref_squeeze %dma_wait3A_88 : memref<1x64xi32, #tpu.memory_space<vmem>> -> memref<64xi32, #tpu.memory_space<vmem>>
      %dma_wait3A_90 = arith.constant 0 : i32
      %dma_wait3A_91 = arith.constant 0 : i32
      %dma_wait3A_92 = tpu.memref_slice %arg4[%dma_wait3A_90, %dma_wait3A_91] : memref<10240x128xf32, #tpu.memory_space<hbm>> -> memref<10240x128xf32, #tpu.memory_space<hbm>>
      tpu.wait_indirect_dma semaphore(%arg17 : memref<!tpu.dma_semaphore, #tpu.memory_space<semaphore_mem>>) src(%dma_wait3A_92 : memref<10240x128xf32, #tpu.memory_space<hbm>>) dst(%arg12 : memref<64x128xf32, #tpu.memory_space<vmem>>)
      %run_scoped3A_93 = arith.constant 3 : i32
      "tpu.region"() ({
        %run_scoped3A_253 = tpu.sem_alloc : memref<!tpu.dma_semaphore, #tpu.memory_space<semaphore_mem>>
        %dma_start3A_254 = arith.constant 0 : i32
        %dma_start3A_255 = tpu.memref_slice %arg8[%run_scoped3A_93, %dma_start3A_254] : memref<16x64xi32, #tpu.memory_space<vmem>> -> memref<1x64xi32, #tpu.memory_space<vmem>>
        %dma_start3A_256 = tpu.memref_squeeze %dma_start3A_255 : memref<1x64xi32, #tpu.memory_space<vmem>> -> memref<64xi32, #tpu.memory_space<vmem>>
        %dma_start3A_257 = arith.constant 0 : i32
        %dma_start3A_258 = arith.constant 0 : i32
        %dma_start3A_259 = tpu.memref_slice %arg13[%dma_start3A_257, %dma_start3A_258] : memref<10240x128xf32, #tpu.memory_space<vmem_shared>> -> memref<10240x128xf32, #tpu.memory_space<vmem_shared>>
        tpu.enqueue_indirect_dma source(%arg12 : memref<64x128xf32, #tpu.memory_space<vmem>>) target(%dma_start3A_259 : memref<10240x128xf32, #tpu.memory_space<vmem_shared>>) offsets(%dma_start3A_256 : memref<64xi32, #tpu.memory_space<vmem>>) semaphore(%run_scoped3A_253 : memref<!tpu.dma_semaphore, #tpu.memory_space<semaphore_mem>>) {add = true}
        %dma_wait3A_260 = arith.constant 0 : i32
        %dma_wait3A_261 = tpu.memref_slice %arg8[%run_scoped3A_93, %dma_wait3A_260] : memref<16x64xi32, #tpu.memory_space<vmem>> -> memref<1x64xi32, #tpu.memory_space<vmem>>
        %dma_wait3A_262 = tpu.memref_squeeze %dma_wait3A_261 : memref<1x64xi32, #tpu.memory_space<vmem>> -> memref<64xi32, #tpu.memory_space<vmem>>
        %dma_wait3A_263 = arith.constant 0 : i32
        %dma_wait3A_264 = arith.constant 0 : i32
        %dma_wait3A_265 = tpu.memref_slice %arg13[%dma_wait3A_263, %dma_wait3A_264] : memref<10240x128xf32, #tpu.memory_space<vmem_shared>> -> memref<10240x128xf32, #tpu.memory_space<vmem_shared>>
        tpu.wait_indirect_dma semaphore(%run_scoped3A_253 : memref<!tpu.dma_semaphore, #tpu.memory_space<semaphore_mem>>) src(%arg12 : memref<64x128xf32, #tpu.memory_space<vmem>>) dst(%dma_wait3A_265 : memref<10240x128xf32, #tpu.memory_space<vmem_shared>>)
        tpu.yield
      }) : () -> ()
      %dma_start3A_94 = arith.constant 7 : i32
      %dma_start3A_95 = arith.constant 0 : i32
      %dma_start3A_96 = tpu.memref_slice %arg7[%dma_start3A_94, %dma_start3A_95] : memref<16x64xi32, #tpu.memory_space<vmem>> -> memref<1x64xi32, #tpu.memory_space<vmem>>
      %dma_start3A_97 = tpu.memref_squeeze %dma_start3A_96 : memref<1x64xi32, #tpu.memory_space<vmem>> -> memref<64xi32, #tpu.memory_space<vmem>>
      %dma_start3A_98 = arith.constant 0 : i32
      %dma_start3A_99 = arith.constant 0 : i32
      %dma_start3A_100 = tpu.memref_slice %arg4[%dma_start3A_98, %dma_start3A_99] : memref<10240x128xf32, #tpu.memory_space<hbm>> -> memref<10240x128xf32, #tpu.memory_space<hbm>>
      tpu.enqueue_indirect_dma source(%dma_start3A_100 : memref<10240x128xf32, #tpu.memory_space<hbm>>) target(%arg12 : memref<64x128xf32, #tpu.memory_space<vmem>>) offsets(%dma_start3A_97 : memref<64xi32, #tpu.memory_space<vmem>>) semaphore(%arg17 : memref<!tpu.dma_semaphore, #tpu.memory_space<semaphore_mem>>)
      %dma_wait3A_101 = arith.constant 4 : i32
      %dma_wait3A_102 = arith.constant 0 : i32
      %dma_wait3A_103 = tpu.memref_slice %arg7[%dma_wait3A_101, %dma_wait3A_102] : memref<16x64xi32, #tpu.memory_space<vmem>> -> memref<1x64xi32, #tpu.memory_space<vmem>>
      %dma_wait3A_104 = tpu.memref_squeeze %dma_wait3A_103 : memref<1x64xi32, #tpu.memory_space<vmem>> -> memref<64xi32, #tpu.memory_space<vmem>>
      %dma_wait3A_105 = arith.constant 0 : i32
      %dma_wait3A_106 = arith.constant 0 : i32
      %dma_wait3A_107 = tpu.memref_slice %arg4[%dma_wait3A_105, %dma_wait3A_106] : memref<10240x128xf32, #tpu.memory_space<hbm>> -> memref<10240x128xf32, #tpu.memory_space<hbm>>
      tpu.wait_indirect_dma semaphore(%arg14 : memref<!tpu.dma_semaphore, #tpu.memory_space<semaphore_mem>>) src(%dma_wait3A_107 : memref<10240x128xf32, #tpu.memory_space<hbm>>) dst(%arg9 : memref<64x128xf32, #tpu.memory_space<vmem>>)
      %run_scoped3A_108 = arith.constant 4 : i32
      "tpu.region"() ({
        %run_scoped3A_253 = tpu.sem_alloc : memref<!tpu.dma_semaphore, #tpu.memory_space<semaphore_mem>>
        %dma_start3A_254 = arith.constant 0 : i32
        %dma_start3A_255 = tpu.memref_slice %arg8[%run_scoped3A_108, %dma_start3A_254] : memref<16x64xi32, #tpu.memory_space<vmem>> -> memref<1x64xi32, #tpu.memory_space<vmem>>
        %dma_start3A_256 = tpu.memref_squeeze %dma_start3A_255 : memref<1x64xi32, #tpu.memory_space<vmem>> -> memref<64xi32, #tpu.memory_space<vmem>>
        %dma_start3A_257 = arith.constant 0 : i32
        %dma_start3A_258 = arith.constant 0 : i32
        %dma_start3A_259 = tpu.memref_slice %arg13[%dma_start3A_257, %dma_start3A_258] : memref<10240x128xf32, #tpu.memory_space<vmem_shared>> -> memref<10240x128xf32, #tpu.memory_space<vmem_shared>>
        tpu.enqueue_indirect_dma source(%arg9 : memref<64x128xf32, #tpu.memory_space<vmem>>) target(%dma_start3A_259 : memref<10240x128xf32, #tpu.memory_space<vmem_shared>>) offsets(%dma_start3A_256 : memref<64xi32, #tpu.memory_space<vmem>>) semaphore(%run_scoped3A_253 : memref<!tpu.dma_semaphore, #tpu.memory_space<semaphore_mem>>) {add = true}
        %dma_wait3A_260 = arith.constant 0 : i32
        %dma_wait3A_261 = tpu.memref_slice %arg8[%run_scoped3A_108, %dma_wait3A_260] : memref<16x64xi32, #tpu.memory_space<vmem>> -> memref<1x64xi32, #tpu.memory_space<vmem>>
        %dma_wait3A_262 = tpu.memref_squeeze %dma_wait3A_261 : memref<1x64xi32, #tpu.memory_space<vmem>> -> memref<64xi32, #tpu.memory_space<vmem>>
        %dma_wait3A_263 = arith.constant 0 : i32
        %dma_wait3A_264 = arith.constant 0 : i32
        %dma_wait3A_265 = tpu.memref_slice %arg13[%dma_wait3A_263, %dma_wait3A_264] : memref<10240x128xf32, #tpu.memory_space<vmem_shared>> -> memref<10240x128xf32, #tpu.memory_space<vmem_shared>>
        tpu.wait_indirect_dma semaphore(%run_scoped3A_253 : memref<!tpu.dma_semaphore, #tpu.memory_space<semaphore_mem>>) src(%arg9 : memref<64x128xf32, #tpu.memory_space<vmem>>) dst(%dma_wait3A_265 : memref<10240x128xf32, #tpu.memory_space<vmem_shared>>)
        tpu.yield
      }) : () -> ()
      %dma_start3A_109 = arith.constant 8 : i32
      %dma_start3A_110 = arith.constant 0 : i32
      %dma_start3A_111 = tpu.memref_slice %arg7[%dma_start3A_109, %dma_start3A_110] : memref<16x64xi32, #tpu.memory_space<vmem>> -> memref<1x64xi32, #tpu.memory_space<vmem>>
      %dma_start3A_112 = tpu.memref_squeeze %dma_start3A_111 : memref<1x64xi32, #tpu.memory_space<vmem>> -> memref<64xi32, #tpu.memory_space<vmem>>
      %dma_start3A_113 = arith.constant 0 : i32
      %dma_start3A_114 = arith.constant 0 : i32
      %dma_start3A_115 = tpu.memref_slice %arg4[%dma_start3A_113, %dma_start3A_114] : memref<10240x128xf32, #tpu.memory_space<hbm>> -> memref<10240x128xf32, #tpu.memory_space<hbm>>
      tpu.enqueue_indirect_dma source(%dma_start3A_115 : memref<10240x128xf32, #tpu.memory_space<hbm>>) target(%arg9 : memref<64x128xf32, #tpu.memory_space<vmem>>) offsets(%dma_start3A_112 : memref<64xi32, #tpu.memory_space<vmem>>) semaphore(%arg14 : memref<!tpu.dma_semaphore, #tpu.memory_space<semaphore_mem>>)
      %dma_wait3A_116 = arith.constant 5 : i32
      %dma_wait3A_117 = arith.constant 0 : i32
      %dma_wait3A_118 = tpu.memref_slice %arg7[%dma_wait3A_116, %dma_wait3A_117] : memref<16x64xi32, #tpu.memory_space<vmem>> -> memref<1x64xi32, #tpu.memory_space<vmem>>
      %dma_wait3A_119 = tpu.memref_squeeze %dma_wait3A_118 : memref<1x64xi32, #tpu.memory_space<vmem>> -> memref<64xi32, #tpu.memory_space<vmem>>
      %dma_wait3A_120 = arith.constant 0 : i32
      %dma_wait3A_121 = arith.constant 0 : i32
      %dma_wait3A_122 = tpu.memref_slice %arg4[%dma_wait3A_120, %dma_wait3A_121] : memref<10240x128xf32, #tpu.memory_space<hbm>> -> memref<10240x128xf32, #tpu.memory_space<hbm>>
      tpu.wait_indirect_dma semaphore(%arg15 : memref<!tpu.dma_semaphore, #tpu.memory_space<semaphore_mem>>) src(%dma_wait3A_122 : memref<10240x128xf32, #tpu.memory_space<hbm>>) dst(%arg10 : memref<64x128xf32, #tpu.memory_space<vmem>>)
      %run_scoped3A_123 = arith.constant 5 : i32
      "tpu.region"() ({
        %run_scoped3A_253 = tpu.sem_alloc : memref<!tpu.dma_semaphore, #tpu.memory_space<semaphore_mem>>
        %dma_start3A_254 = arith.constant 0 : i32
        %dma_start3A_255 = tpu.memref_slice %arg8[%run_scoped3A_123, %dma_start3A_254] : memref<16x64xi32, #tpu.memory_space<vmem>> -> memref<1x64xi32, #tpu.memory_space<vmem>>
        %dma_start3A_256 = tpu.memref_squeeze %dma_start3A_255 : memref<1x64xi32, #tpu.memory_space<vmem>> -> memref<64xi32, #tpu.memory_space<vmem>>
        %dma_start3A_257 = arith.constant 0 : i32
        %dma_start3A_258 = arith.constant 0 : i32
        %dma_start3A_259 = tpu.memref_slice %arg13[%dma_start3A_257, %dma_start3A_258] : memref<10240x128xf32, #tpu.memory_space<vmem_shared>> -> memref<10240x128xf32, #tpu.memory_space<vmem_shared>>
        tpu.enqueue_indirect_dma source(%arg10 : memref<64x128xf32, #tpu.memory_space<vmem>>) target(%dma_start3A_259 : memref<10240x128xf32, #tpu.memory_space<vmem_shared>>) offsets(%dma_start3A_256 : memref<64xi32, #tpu.memory_space<vmem>>) semaphore(%run_scoped3A_253 : memref<!tpu.dma_semaphore, #tpu.memory_space<semaphore_mem>>) {add = true}
        %dma_wait3A_260 = arith.constant 0 : i32
        %dma_wait3A_261 = tpu.memref_slice %arg8[%run_scoped3A_123, %dma_wait3A_260] : memref<16x64xi32, #tpu.memory_space<vmem>> -> memref<1x64xi32, #tpu.memory_space<vmem>>
        %dma_wait3A_262 = tpu.memref_squeeze %dma_wait3A_261 : memref<1x64xi32, #tpu.memory_space<vmem>> -> memref<64xi32, #tpu.memory_space<vmem>>
        %dma_wait3A_263 = arith.constant 0 : i32
        %dma_wait3A_264 = arith.constant 0 : i32
        %dma_wait3A_265 = tpu.memref_slice %arg13[%dma_wait3A_263, %dma_wait3A_264] : memref<10240x128xf32, #tpu.memory_space<vmem_shared>> -> memref<10240x128xf32, #tpu.memory_space<vmem_shared>>
        tpu.wait_indirect_dma semaphore(%run_scoped3A_253 : memref<!tpu.dma_semaphore, #tpu.memory_space<semaphore_mem>>) src(%arg10 : memref<64x128xf32, #tpu.memory_space<vmem>>) dst(%dma_wait3A_265 : memref<10240x128xf32, #tpu.memory_space<vmem_shared>>)
        tpu.yield
      }) : () -> ()
      %dma_start3A_124 = arith.constant 9 : i32
      %dma_start3A_125 = arith.constant 0 : i32
      %dma_start3A_126 = tpu.memref_slice %arg7[%dma_start3A_124, %dma_start3A_125] : memref<16x64xi32, #tpu.memory_space<vmem>> -> memref<1x64xi32, #tpu.memory_space<vmem>>
      %dma_start3A_127 = tpu.memref_squeeze %dma_start3A_126 : memref<1x64xi32, #tpu.memory_space<vmem>> -> memref<64xi32, #tpu.memory_space<vmem>>
      %dma_start3A_128 = arith.constant 0 : i32
      %dma_start3A_129 = arith.constant 0 : i32
      %dma_start3A_130 = tpu.memref_slice %arg4[%dma_start3A_128, %dma_start3A_129] : memref<10240x128xf32, #tpu.memory_space<hbm>> -> memref<10240x128xf32, #tpu.memory_space<hbm>>
      tpu.enqueue_indirect_dma source(%dma_start3A_130 : memref<10240x128xf32, #tpu.memory_space<hbm>>) target(%arg10 : memref<64x128xf32, #tpu.memory_space<vmem>>) offsets(%dma_start3A_127 : memref<64xi32, #tpu.memory_space<vmem>>) semaphore(%arg15 : memref<!tpu.dma_semaphore, #tpu.memory_space<semaphore_mem>>)
      %dma_wait3A_131 = arith.constant 6 : i32
      %dma_wait3A_132 = arith.constant 0 : i32
      %dma_wait3A_133 = tpu.memref_slice %arg7[%dma_wait3A_131, %dma_wait3A_132] : memref<16x64xi32, #tpu.memory_space<vmem>> -> memref<1x64xi32, #tpu.memory_space<vmem>>
      %dma_wait3A_134 = tpu.memref_squeeze %dma_wait3A_133 : memref<1x64xi32, #tpu.memory_space<vmem>> -> memref<64xi32, #tpu.memory_space<vmem>>
      %dma_wait3A_135 = arith.constant 0 : i32
      %dma_wait3A_136 = arith.constant 0 : i32
      %dma_wait3A_137 = tpu.memref_slice %arg4[%dma_wait3A_135, %dma_wait3A_136] : memref<10240x128xf32, #tpu.memory_space<hbm>> -> memref<10240x128xf32, #tpu.memory_space<hbm>>
      tpu.wait_indirect_dma semaphore(%arg16 : memref<!tpu.dma_semaphore, #tpu.memory_space<semaphore_mem>>) src(%dma_wait3A_137 : memref<10240x128xf32, #tpu.memory_space<hbm>>) dst(%arg11 : memref<64x128xf32, #tpu.memory_space<vmem>>)
      %run_scoped3A_138 = arith.constant 6 : i32
      "tpu.region"() ({
        %run_scoped3A_253 = tpu.sem_alloc : memref<!tpu.dma_semaphore, #tpu.memory_space<semaphore_mem>>
        %dma_start3A_254 = arith.constant 0 : i32
        %dma_start3A_255 = tpu.memref_slice %arg8[%run_scoped3A_138, %dma_start3A_254] : memref<16x64xi32, #tpu.memory_space<vmem>> -> memref<1x64xi32, #tpu.memory_space<vmem>>
        %dma_start3A_256 = tpu.memref_squeeze %dma_start3A_255 : memref<1x64xi32, #tpu.memory_space<vmem>> -> memref<64xi32, #tpu.memory_space<vmem>>
        %dma_start3A_257 = arith.constant 0 : i32
        %dma_start3A_258 = arith.constant 0 : i32
        %dma_start3A_259 = tpu.memref_slice %arg13[%dma_start3A_257, %dma_start3A_258] : memref<10240x128xf32, #tpu.memory_space<vmem_shared>> -> memref<10240x128xf32, #tpu.memory_space<vmem_shared>>
        tpu.enqueue_indirect_dma source(%arg11 : memref<64x128xf32, #tpu.memory_space<vmem>>) target(%dma_start3A_259 : memref<10240x128xf32, #tpu.memory_space<vmem_shared>>) offsets(%dma_start3A_256 : memref<64xi32, #tpu.memory_space<vmem>>) semaphore(%run_scoped3A_253 : memref<!tpu.dma_semaphore, #tpu.memory_space<semaphore_mem>>) {add = true}
        %dma_wait3A_260 = arith.constant 0 : i32
        %dma_wait3A_261 = tpu.memref_slice %arg8[%run_scoped3A_138, %dma_wait3A_260] : memref<16x64xi32, #tpu.memory_space<vmem>> -> memref<1x64xi32, #tpu.memory_space<vmem>>
        %dma_wait3A_262 = tpu.memref_squeeze %dma_wait3A_261 : memref<1x64xi32, #tpu.memory_space<vmem>> -> memref<64xi32, #tpu.memory_space<vmem>>
        %dma_wait3A_263 = arith.constant 0 : i32
        %dma_wait3A_264 = arith.constant 0 : i32
        %dma_wait3A_265 = tpu.memref_slice %arg13[%dma_wait3A_263, %dma_wait3A_264] : memref<10240x128xf32, #tpu.memory_space<vmem_shared>> -> memref<10240x128xf32, #tpu.memory_space<vmem_shared>>
        tpu.wait_indirect_dma semaphore(%run_scoped3A_253 : memref<!tpu.dma_semaphore, #tpu.memory_space<semaphore_mem>>) src(%arg11 : memref<64x128xf32, #tpu.memory_space<vmem>>) dst(%dma_wait3A_265 : memref<10240x128xf32, #tpu.memory_space<vmem_shared>>)
        tpu.yield
      }) : () -> ()
      %dma_start3A_139 = arith.constant 10 : i32
      %dma_start3A_140 = arith.constant 0 : i32
      %dma_start3A_141 = tpu.memref_slice %arg7[%dma_start3A_139, %dma_start3A_140] : memref<16x64xi32, #tpu.memory_space<vmem>> -> memref<1x64xi32, #tpu.memory_space<vmem>>
      %dma_start3A_142 = tpu.memref_squeeze %dma_start3A_141 : memref<1x64xi32, #tpu.memory_space<vmem>> -> memref<64xi32, #tpu.memory_space<vmem>>
      %dma_start3A_143 = arith.constant 0 : i32
      %dma_start3A_144 = arith.constant 0 : i32
      %dma_start3A_145 = tpu.memref_slice %arg4[%dma_start3A_143, %dma_start3A_144] : memref<10240x128xf32, #tpu.memory_space<hbm>> -> memref<10240x128xf32, #tpu.memory_space<hbm>>
      tpu.enqueue_indirect_dma source(%dma_start3A_145 : memref<10240x128xf32, #tpu.memory_space<hbm>>) target(%arg11 : memref<64x128xf32, #tpu.memory_space<vmem>>) offsets(%dma_start3A_142 : memref<64xi32, #tpu.memory_space<vmem>>) semaphore(%arg16 : memref<!tpu.dma_semaphore, #tpu.memory_space<semaphore_mem>>)
      %dma_wait3A_146 = arith.constant 7 : i32
      %dma_wait3A_147 = arith.constant 0 : i32
      %dma_wait3A_148 = tpu.memref_slice %arg7[%dma_wait3A_146, %dma_wait3A_147] : memref<16x64xi32, #tpu.memory_space<vmem>> -> memref<1x64xi32, #tpu.memory_space<vmem>>
      %dma_wait3A_149 = tpu.memref_squeeze %dma_wait3A_148 : memref<1x64xi32, #tpu.memory_space<vmem>> -> memref<64xi32, #tpu.memory_space<vmem>>
      %dma_wait3A_150 = arith.constant 0 : i32
      %dma_wait3A_151 = arith.constant 0 : i32
      %dma_wait3A_152 = tpu.memref_slice %arg4[%dma_wait3A_150, %dma_wait3A_151] : memref<10240x128xf32, #tpu.memory_space<hbm>> -> memref<10240x128xf32, #tpu.memory_space<hbm>>
      tpu.wait_indirect_dma semaphore(%arg17 : memref<!tpu.dma_semaphore, #tpu.memory_space<semaphore_mem>>) src(%dma_wait3A_152 : memref<10240x128xf32, #tpu.memory_space<hbm>>) dst(%arg12 : memref<64x128xf32, #tpu.memory_space<vmem>>)
      %run_scoped3A_153 = arith.constant 7 : i32
      "tpu.region"() ({
        %run_scoped3A_253 = tpu.sem_alloc : memref<!tpu.dma_semaphore, #tpu.memory_space<semaphore_mem>>
        %dma_start3A_254 = arith.constant 0 : i32
        %dma_start3A_255 = tpu.memref_slice %arg8[%run_scoped3A_153, %dma_start3A_254] : memref<16x64xi32, #tpu.memory_space<vmem>> -> memref<1x64xi32, #tpu.memory_space<vmem>>
        %dma_start3A_256 = tpu.memref_squeeze %dma_start3A_255 : memref<1x64xi32, #tpu.memory_space<vmem>> -> memref<64xi32, #tpu.memory_space<vmem>>
        %dma_start3A_257 = arith.constant 0 : i32
        %dma_start3A_258 = arith.constant 0 : i32
        %dma_start3A_259 = tpu.memref_slice %arg13[%dma_start3A_257, %dma_start3A_258] : memref<10240x128xf32, #tpu.memory_space<vmem_shared>> -> memref<10240x128xf32, #tpu.memory_space<vmem_shared>>
        tpu.enqueue_indirect_dma source(%arg12 : memref<64x128xf32, #tpu.memory_space<vmem>>) target(%dma_start3A_259 : memref<10240x128xf32, #tpu.memory_space<vmem_shared>>) offsets(%dma_start3A_256 : memref<64xi32, #tpu.memory_space<vmem>>) semaphore(%run_scoped3A_253 : memref<!tpu.dma_semaphore, #tpu.memory_space<semaphore_mem>>) {add = true}
        %dma_wait3A_260 = arith.constant 0 : i32
        %dma_wait3A_261 = tpu.memref_slice %arg8[%run_scoped3A_153, %dma_wait3A_260] : memref<16x64xi32, #tpu.memory_space<vmem>> -> memref<1x64xi32, #tpu.memory_space<vmem>>
        %dma_wait3A_262 = tpu.memref_squeeze %dma_wait3A_261 : memref<1x64xi32, #tpu.memory_space<vmem>> -> memref<64xi32, #tpu.memory_space<vmem>>
        %dma_wait3A_263 = arith.constant 0 : i32
        %dma_wait3A_264 = arith.constant 0 : i32
        %dma_wait3A_265 = tpu.memref_slice %arg13[%dma_wait3A_263, %dma_wait3A_264] : memref<10240x128xf32, #tpu.memory_space<vmem_shared>> -> memref<10240x128xf32, #tpu.memory_space<vmem_shared>>
        tpu.wait_indirect_dma semaphore(%run_scoped3A_253 : memref<!tpu.dma_semaphore, #tpu.memory_space<semaphore_mem>>) src(%arg12 : memref<64x128xf32, #tpu.memory_space<vmem>>) dst(%dma_wait3A_265 : memref<10240x128xf32, #tpu.memory_space<vmem_shared>>)
        tpu.yield
      }) : () -> ()
      %dma_start3A_154 = arith.constant 11 : i32
      %dma_start3A_155 = arith.constant 0 : i32
      %dma_start3A_156 = tpu.memref_slice %arg7[%dma_start3A_154, %dma_start3A_155] : memref<16x64xi32, #tpu.memory_space<vmem>> -> memref<1x64xi32, #tpu.memory_space<vmem>>
      %dma_start3A_157 = tpu.memref_squeeze %dma_start3A_156 : memref<1x64xi32, #tpu.memory_space<vmem>> -> memref<64xi32, #tpu.memory_space<vmem>>
      %dma_start3A_158 = arith.constant 0 : i32
      %dma_start3A_159 = arith.constant 0 : i32
      %dma_start3A_160 = tpu.memref_slice %arg4[%dma_start3A_158, %dma_start3A_159] : memref<10240x128xf32, #tpu.memory_space<hbm>> -> memref<10240x128xf32, #tpu.memory_space<hbm>>
      tpu.enqueue_indirect_dma source(%dma_start3A_160 : memref<10240x128xf32, #tpu.memory_space<hbm>>) target(%arg12 : memref<64x128xf32, #tpu.memory_space<vmem>>) offsets(%dma_start3A_157 : memref<64xi32, #tpu.memory_space<vmem>>) semaphore(%arg17 : memref<!tpu.dma_semaphore, #tpu.memory_space<semaphore_mem>>)
      %dma_wait3A_161 = arith.constant 8 : i32
      %dma_wait3A_162 = arith.constant 0 : i32
      %dma_wait3A_163 = tpu.memref_slice %arg7[%dma_wait3A_161, %dma_wait3A_162] : memref<16x64xi32, #tpu.memory_space<vmem>> -> memref<1x64xi32, #tpu.memory_space<vmem>>
      %dma_wait3A_164 = tpu.memref_squeeze %dma_wait3A_163 : memref<1x64xi32, #tpu.memory_space<vmem>> -> memref<64xi32, #tpu.memory_space<vmem>>
      %dma_wait3A_165 = arith.constant 0 : i32
      %dma_wait3A_166 = arith.constant 0 : i32
      %dma_wait3A_167 = tpu.memref_slice %arg4[%dma_wait3A_165, %dma_wait3A_166] : memref<10240x128xf32, #tpu.memory_space<hbm>> -> memref<10240x128xf32, #tpu.memory_space<hbm>>
      tpu.wait_indirect_dma semaphore(%arg14 : memref<!tpu.dma_semaphore, #tpu.memory_space<semaphore_mem>>) src(%dma_wait3A_167 : memref<10240x128xf32, #tpu.memory_space<hbm>>) dst(%arg9 : memref<64x128xf32, #tpu.memory_space<vmem>>)
      %run_scoped3A_168 = arith.constant 8 : i32
      "tpu.region"() ({
        %run_scoped3A_253 = tpu.sem_alloc : memref<!tpu.dma_semaphore, #tpu.memory_space<semaphore_mem>>
        %dma_start3A_254 = arith.constant 0 : i32
        %dma_start3A_255 = tpu.memref_slice %arg8[%run_scoped3A_168, %dma_start3A_254] : memref<16x64xi32, #tpu.memory_space<vmem>> -> memref<1x64xi32, #tpu.memory_space<vmem>>
        %dma_start3A_256 = tpu.memref_squeeze %dma_start3A_255 : memref<1x64xi32, #tpu.memory_space<vmem>> -> memref<64xi32, #tpu.memory_space<vmem>>
        %dma_start3A_257 = arith.constant 0 : i32
        %dma_start3A_258 = arith.constant 0 : i32
        %dma_start3A_259 = tpu.memref_slice %arg13[%dma_start3A_257, %dma_start3A_258] : memref<10240x128xf32, #tpu.memory_space<vmem_shared>> -> memref<10240x128xf32, #tpu.memory_space<vmem_shared>>
        tpu.enqueue_indirect_dma source(%arg9 : memref<64x128xf32, #tpu.memory_space<vmem>>) target(%dma_start3A_259 : memref<10240x128xf32, #tpu.memory_space<vmem_shared>>) offsets(%dma_start3A_256 : memref<64xi32, #tpu.memory_space<vmem>>) semaphore(%run_scoped3A_253 : memref<!tpu.dma_semaphore, #tpu.memory_space<semaphore_mem>>) {add = true}
        %dma_wait3A_260 = arith.constant 0 : i32
        %dma_wait3A_261 = tpu.memref_slice %arg8[%run_scoped3A_168, %dma_wait3A_260] : memref<16x64xi32, #tpu.memory_space<vmem>> -> memref<1x64xi32, #tpu.memory_space<vmem>>
        %dma_wait3A_262 = tpu.memref_squeeze %dma_wait3A_261 : memref<1x64xi32, #tpu.memory_space<vmem>> -> memref<64xi32, #tpu.memory_space<vmem>>
        %dma_wait3A_263 = arith.constant 0 : i32
        %dma_wait3A_264 = arith.constant 0 : i32
        %dma_wait3A_265 = tpu.memref_slice %arg13[%dma_wait3A_263, %dma_wait3A_264] : memref<10240x128xf32, #tpu.memory_space<vmem_shared>> -> memref<10240x128xf32, #tpu.memory_space<vmem_shared>>
        tpu.wait_indirect_dma semaphore(%run_scoped3A_253 : memref<!tpu.dma_semaphore, #tpu.memory_space<semaphore_mem>>) src(%arg9 : memref<64x128xf32, #tpu.memory_space<vmem>>) dst(%dma_wait3A_265 : memref<10240x128xf32, #tpu.memory_space<vmem_shared>>)
        tpu.yield
      }) : () -> ()
      %dma_start3A_169 = arith.constant 12 : i32
      %dma_start3A_170 = arith.constant 0 : i32
      %dma_start3A_171 = tpu.memref_slice %arg7[%dma_start3A_169, %dma_start3A_170] : memref<16x64xi32, #tpu.memory_space<vmem>> -> memref<1x64xi32, #tpu.memory_space<vmem>>
      %dma_start3A_172 = tpu.memref_squeeze %dma_start3A_171 : memref<1x64xi32, #tpu.memory_space<vmem>> -> memref<64xi32, #tpu.memory_space<vmem>>
      %dma_start3A_173 = arith.constant 0 : i32
      %dma_start3A_174 = arith.constant 0 : i32
      %dma_start3A_175 = tpu.memref_slice %arg4[%dma_start3A_173, %dma_start3A_174] : memref<10240x128xf32, #tpu.memory_space<hbm>> -> memref<10240x128xf32, #tpu.memory_space<hbm>>
      tpu.enqueue_indirect_dma source(%dma_start3A_175 : memref<10240x128xf32, #tpu.memory_space<hbm>>) target(%arg9 : memref<64x128xf32, #tpu.memory_space<vmem>>) offsets(%dma_start3A_172 : memref<64xi32, #tpu.memory_space<vmem>>) semaphore(%arg14 : memref<!tpu.dma_semaphore, #tpu.memory_space<semaphore_mem>>)
      %dma_wait3A_176 = arith.constant 9 : i32
      %dma_wait3A_177 = arith.constant 0 : i32
      %dma_wait3A_178 = tpu.memref_slice %arg7[%dma_wait3A_176, %dma_wait3A_177] : memref<16x64xi32, #tpu.memory_space<vmem>> -> memref<1x64xi32, #tpu.memory_space<vmem>>
      %dma_wait3A_179 = tpu.memref_squeeze %dma_wait3A_178 : memref<1x64xi32, #tpu.memory_space<vmem>> -> memref<64xi32, #tpu.memory_space<vmem>>
      %dma_wait3A_180 = arith.constant 0 : i32
      %dma_wait3A_181 = arith.constant 0 : i32
      %dma_wait3A_182 = tpu.memref_slice %arg4[%dma_wait3A_180, %dma_wait3A_181] : memref<10240x128xf32, #tpu.memory_space<hbm>> -> memref<10240x128xf32, #tpu.memory_space<hbm>>
      tpu.wait_indirect_dma semaphore(%arg15 : memref<!tpu.dma_semaphore, #tpu.memory_space<semaphore_mem>>) src(%dma_wait3A_182 : memref<10240x128xf32, #tpu.memory_space<hbm>>) dst(%arg10 : memref<64x128xf32, #tpu.memory_space<vmem>>)
      %run_scoped3A_183 = arith.constant 9 : i32
      "tpu.region"() ({
        %run_scoped3A_253 = tpu.sem_alloc : memref<!tpu.dma_semaphore, #tpu.memory_space<semaphore_mem>>
        %dma_start3A_254 = arith.constant 0 : i32
        %dma_start3A_255 = tpu.memref_slice %arg8[%run_scoped3A_183, %dma_start3A_254] : memref<16x64xi32, #tpu.memory_space<vmem>> -> memref<1x64xi32, #tpu.memory_space<vmem>>
        %dma_start3A_256 = tpu.memref_squeeze %dma_start3A_255 : memref<1x64xi32, #tpu.memory_space<vmem>> -> memref<64xi32, #tpu.memory_space<vmem>>
        %dma_start3A_257 = arith.constant 0 : i32
        %dma_start3A_258 = arith.constant 0 : i32
        %dma_start3A_259 = tpu.memref_slice %arg13[%dma_start3A_257, %dma_start3A_258] : memref<10240x128xf32, #tpu.memory_space<vmem_shared>> -> memref<10240x128xf32, #tpu.memory_space<vmem_shared>>
        tpu.enqueue_indirect_dma source(%arg10 : memref<64x128xf32, #tpu.memory_space<vmem>>) target(%dma_start3A_259 : memref<10240x128xf32, #tpu.memory_space<vmem_shared>>) offsets(%dma_start3A_256 : memref<64xi32, #tpu.memory_space<vmem>>) semaphore(%run_scoped3A_253 : memref<!tpu.dma_semaphore, #tpu.memory_space<semaphore_mem>>) {add = true}
        %dma_wait3A_260 = arith.constant 0 : i32
        %dma_wait3A_261 = tpu.memref_slice %arg8[%run_scoped3A_183, %dma_wait3A_260] : memref<16x64xi32, #tpu.memory_space<vmem>> -> memref<1x64xi32, #tpu.memory_space<vmem>>
        %dma_wait3A_262 = tpu.memref_squeeze %dma_wait3A_261 : memref<1x64xi32, #tpu.memory_space<vmem>> -> memref<64xi32, #tpu.memory_space<vmem>>
        %dma_wait3A_263 = arith.constant 0 : i32
        %dma_wait3A_264 = arith.constant 0 : i32
        %dma_wait3A_265 = tpu.memref_slice %arg13[%dma_wait3A_263, %dma_wait3A_264] : memref<10240x128xf32, #tpu.memory_space<vmem_shared>> -> memref<10240x128xf32, #tpu.memory_space<vmem_shared>>
        tpu.wait_indirect_dma semaphore(%run_scoped3A_253 : memref<!tpu.dma_semaphore, #tpu.memory_space<semaphore_mem>>) src(%arg10 : memref<64x128xf32, #tpu.memory_space<vmem>>) dst(%dma_wait3A_265 : memref<10240x128xf32, #tpu.memory_space<vmem_shared>>)
        tpu.yield
      }) : () -> ()
      %dma_start3A_184 = arith.constant 13 : i32
      %dma_start3A_185 = arith.constant 0 : i32
      %dma_start3A_186 = tpu.memref_slice %arg7[%dma_start3A_184, %dma_start3A_185] : memref<16x64xi32, #tpu.memory_space<vmem>> -> memref<1x64xi32, #tpu.memory_space<vmem>>
      %dma_start3A_187 = tpu.memref_squeeze %dma_start3A_186 : memref<1x64xi32, #tpu.memory_space<vmem>> -> memref<64xi32, #tpu.memory_space<vmem>>
      %dma_start3A_188 = arith.constant 0 : i32
      %dma_start3A_189 = arith.constant 0 : i32
      %dma_start3A_190 = tpu.memref_slice %arg4[%dma_start3A_188, %dma_start3A_189] : memref<10240x128xf32, #tpu.memory_space<hbm>> -> memref<10240x128xf32, #tpu.memory_space<hbm>>
      tpu.enqueue_indirect_dma source(%dma_start3A_190 : memref<10240x128xf32, #tpu.memory_space<hbm>>) target(%arg10 : memref<64x128xf32, #tpu.memory_space<vmem>>) offsets(%dma_start3A_187 : memref<64xi32, #tpu.memory_space<vmem>>) semaphore(%arg15 : memref<!tpu.dma_semaphore, #tpu.memory_space<semaphore_mem>>)
      %dma_wait3A_191 = arith.constant 10 : i32
      %dma_wait3A_192 = arith.constant 0 : i32
      %dma_wait3A_193 = tpu.memref_slice %arg7[%dma_wait3A_191, %dma_wait3A_192] : memref<16x64xi32, #tpu.memory_space<vmem>> -> memref<1x64xi32, #tpu.memory_space<vmem>>
      %dma_wait3A_194 = tpu.memref_squeeze %dma_wait3A_193 : memref<1x64xi32, #tpu.memory_space<vmem>> -> memref<64xi32, #tpu.memory_space<vmem>>
      %dma_wait3A_195 = arith.constant 0 : i32
      %dma_wait3A_196 = arith.constant 0 : i32
      %dma_wait3A_197 = tpu.memref_slice %arg4[%dma_wait3A_195, %dma_wait3A_196] : memref<10240x128xf32, #tpu.memory_space<hbm>> -> memref<10240x128xf32, #tpu.memory_space<hbm>>
      tpu.wait_indirect_dma semaphore(%arg16 : memref<!tpu.dma_semaphore, #tpu.memory_space<semaphore_mem>>) src(%dma_wait3A_197 : memref<10240x128xf32, #tpu.memory_space<hbm>>) dst(%arg11 : memref<64x128xf32, #tpu.memory_space<vmem>>)
      %run_scoped3A_198 = arith.constant 10 : i32
      "tpu.region"() ({
        %run_scoped3A_253 = tpu.sem_alloc : memref<!tpu.dma_semaphore, #tpu.memory_space<semaphore_mem>>
        %dma_start3A_254 = arith.constant 0 : i32
        %dma_start3A_255 = tpu.memref_slice %arg8[%run_scoped3A_198, %dma_start3A_254] : memref<16x64xi32, #tpu.memory_space<vmem>> -> memref<1x64xi32, #tpu.memory_space<vmem>>
        %dma_start3A_256 = tpu.memref_squeeze %dma_start3A_255 : memref<1x64xi32, #tpu.memory_space<vmem>> -> memref<64xi32, #tpu.memory_space<vmem>>
        %dma_start3A_257 = arith.constant 0 : i32
        %dma_start3A_258 = arith.constant 0 : i32
        %dma_start3A_259 = tpu.memref_slice %arg13[%dma_start3A_257, %dma_start3A_258] : memref<10240x128xf32, #tpu.memory_space<vmem_shared>> -> memref<10240x128xf32, #tpu.memory_space<vmem_shared>>
        tpu.enqueue_indirect_dma source(%arg11 : memref<64x128xf32, #tpu.memory_space<vmem>>) target(%dma_start3A_259 : memref<10240x128xf32, #tpu.memory_space<vmem_shared>>) offsets(%dma_start3A_256 : memref<64xi32, #tpu.memory_space<vmem>>) semaphore(%run_scoped3A_253 : memref<!tpu.dma_semaphore, #tpu.memory_space<semaphore_mem>>) {add = true}
        %dma_wait3A_260 = arith.constant 0 : i32
        %dma_wait3A_261 = tpu.memref_slice %arg8[%run_scoped3A_198, %dma_wait3A_260] : memref<16x64xi32, #tpu.memory_space<vmem>> -> memref<1x64xi32, #tpu.memory_space<vmem>>
        %dma_wait3A_262 = tpu.memref_squeeze %dma_wait3A_261 : memref<1x64xi32, #tpu.memory_space<vmem>> -> memref<64xi32, #tpu.memory_space<vmem>>
        %dma_wait3A_263 = arith.constant 0 : i32
        %dma_wait3A_264 = arith.constant 0 : i32
        %dma_wait3A_265 = tpu.memref_slice %arg13[%dma_wait3A_263, %dma_wait3A_264] : memref<10240x128xf32, #tpu.memory_space<vmem_shared>> -> memref<10240x128xf32, #tpu.memory_space<vmem_shared>>
        tpu.wait_indirect_dma semaphore(%run_scoped3A_253 : memref<!tpu.dma_semaphore, #tpu.memory_space<semaphore_mem>>) src(%arg11 : memref<64x128xf32, #tpu.memory_space<vmem>>) dst(%dma_wait3A_265 : memref<10240x128xf32, #tpu.memory_space<vmem_shared>>)
        tpu.yield
      }) : () -> ()
      %dma_start3A_199 = arith.constant 14 : i32
      %dma_start3A_200 = arith.constant 0 : i32
      %dma_start3A_201 = tpu.memref_slice %arg7[%dma_start3A_199, %dma_start3A_200] : memref<16x64xi32, #tpu.memory_space<vmem>> -> memref<1x64xi32, #tpu.memory_space<vmem>>
      %dma_start3A_202 = tpu.memref_squeeze %dma_start3A_201 : memref<1x64xi32, #tpu.memory_space<vmem>> -> memref<64xi32, #tpu.memory_space<vmem>>
      %dma_start3A_203 = arith.constant 0 : i32
      %dma_start3A_204 = arith.constant 0 : i32
      %dma_start3A_205 = tpu.memref_slice %arg4[%dma_start3A_203, %dma_start3A_204] : memref<10240x128xf32, #tpu.memory_space<hbm>> -> memref<10240x128xf32, #tpu.memory_space<hbm>>
      tpu.enqueue_indirect_dma source(%dma_start3A_205 : memref<10240x128xf32, #tpu.memory_space<hbm>>) target(%arg11 : memref<64x128xf32, #tpu.memory_space<vmem>>) offsets(%dma_start3A_202 : memref<64xi32, #tpu.memory_space<vmem>>) semaphore(%arg16 : memref<!tpu.dma_semaphore, #tpu.memory_space<semaphore_mem>>)
      %dma_wait3A_206 = arith.constant 11 : i32
      %dma_wait3A_207 = arith.constant 0 : i32
      %dma_wait3A_208 = tpu.memref_slice %arg7[%dma_wait3A_206, %dma_wait3A_207] : memref<16x64xi32, #tpu.memory_space<vmem>> -> memref<1x64xi32, #tpu.memory_space<vmem>>
      %dma_wait3A_209 = tpu.memref_squeeze %dma_wait3A_208 : memref<1x64xi32, #tpu.memory_space<vmem>> -> memref<64xi32, #tpu.memory_space<vmem>>
      %dma_wait3A_210 = arith.constant 0 : i32
      %dma_wait3A_211 = arith.constant 0 : i32
      %dma_wait3A_212 = tpu.memref_slice %arg4[%dma_wait3A_210, %dma_wait3A_211] : memref<10240x128xf32, #tpu.memory_space<hbm>> -> memref<10240x128xf32, #tpu.memory_space<hbm>>
      tpu.wait_indirect_dma semaphore(%arg17 : memref<!tpu.dma_semaphore, #tpu.memory_space<semaphore_mem>>) src(%dma_wait3A_212 : memref<10240x128xf32, #tpu.memory_space<hbm>>) dst(%arg12 : memref<64x128xf32, #tpu.memory_space<vmem>>)
      %run_scoped3A_213 = arith.constant 11 : i32
      "tpu.region"() ({
        %run_scoped3A_253 = tpu.sem_alloc : memref<!tpu.dma_semaphore, #tpu.memory_space<semaphore_mem>>
        %dma_start3A_254 = arith.constant 0 : i32
        %dma_start3A_255 = tpu.memref_slice %arg8[%run_scoped3A_213, %dma_start3A_254] : memref<16x64xi32, #tpu.memory_space<vmem>> -> memref<1x64xi32, #tpu.memory_space<vmem>>
        %dma_start3A_256 = tpu.memref_squeeze %dma_start3A_255 : memref<1x64xi32, #tpu.memory_space<vmem>> -> memref<64xi32, #tpu.memory_space<vmem>>
        %dma_start3A_257 = arith.constant 0 : i32
        %dma_start3A_258 = arith.constant 0 : i32
        %dma_start3A_259 = tpu.memref_slice %arg13[%dma_start3A_257, %dma_start3A_258] : memref<10240x128xf32, #tpu.memory_space<vmem_shared>> -> memref<10240x128xf32, #tpu.memory_space<vmem_shared>>
        tpu.enqueue_indirect_dma source(%arg12 : memref<64x128xf32, #tpu.memory_space<vmem>>) target(%dma_start3A_259 : memref<10240x128xf32, #tpu.memory_space<vmem_shared>>) offsets(%dma_start3A_256 : memref<64xi32, #tpu.memory_space<vmem>>) semaphore(%run_scoped3A_253 : memref<!tpu.dma_semaphore, #tpu.memory_space<semaphore_mem>>) {add = true}
        %dma_wait3A_260 = arith.constant 0 : i32
        %dma_wait3A_261 = tpu.memref_slice %arg8[%run_scoped3A_213, %dma_wait3A_260] : memref<16x64xi32, #tpu.memory_space<vmem>> -> memref<1x64xi32, #tpu.memory_space<vmem>>
        %dma_wait3A_262 = tpu.memref_squeeze %dma_wait3A_261 : memref<1x64xi32, #tpu.memory_space<vmem>> -> memref<64xi32, #tpu.memory_space<vmem>>
        %dma_wait3A_263 = arith.constant 0 : i32
        %dma_wait3A_264 = arith.constant 0 : i32
        %dma_wait3A_265 = tpu.memref_slice %arg13[%dma_wait3A_263, %dma_wait3A_264] : memref<10240x128xf32, #tpu.memory_space<vmem_shared>> -> memref<10240x128xf32, #tpu.memory_space<vmem_shared>>
        tpu.wait_indirect_dma semaphore(%run_scoped3A_253 : memref<!tpu.dma_semaphore, #tpu.memory_space<semaphore_mem>>) src(%arg12 : memref<64x128xf32, #tpu.memory_space<vmem>>) dst(%dma_wait3A_265 : memref<10240x128xf32, #tpu.memory_space<vmem_shared>>)
        tpu.yield
      }) : () -> ()
      %dma_start3A_214 = arith.constant 15 : i32
      %dma_start3A_215 = arith.constant 0 : i32
      %dma_start3A_216 = tpu.memref_slice %arg7[%dma_start3A_214, %dma_start3A_215] : memref<16x64xi32, #tpu.memory_space<vmem>> -> memref<1x64xi32, #tpu.memory_space<vmem>>
      %dma_start3A_217 = tpu.memref_squeeze %dma_start3A_216 : memref<1x64xi32, #tpu.memory_space<vmem>> -> memref<64xi32, #tpu.memory_space<vmem>>
      %dma_start3A_218 = arith.constant 0 : i32
      %dma_start3A_219 = arith.constant 0 : i32
      %dma_start3A_220 = tpu.memref_slice %arg4[%dma_start3A_218, %dma_start3A_219] : memref<10240x128xf32, #tpu.memory_space<hbm>> -> memref<10240x128xf32, #tpu.memory_space<hbm>>
      tpu.enqueue_indirect_dma source(%dma_start3A_220 : memref<10240x128xf32, #tpu.memory_space<hbm>>) target(%arg12 : memref<64x128xf32, #tpu.memory_space<vmem>>) offsets(%dma_start3A_217 : memref<64xi32, #tpu.memory_space<vmem>>) semaphore(%arg17 : memref<!tpu.dma_semaphore, #tpu.memory_space<semaphore_mem>>)
      %dma_wait3A_221 = arith.constant 12 : i32
      %dma_wait3A_222 = arith.constant 0 : i32
      %dma_wait3A_223 = tpu.memref_slice %arg7[%dma_wait3A_221, %dma_wait3A_222] : memref<16x64xi32, #tpu.memory_space<vmem>> -> memref<1x64xi32, #tpu.memory_space<vmem>>
      %dma_wait3A_224 = tpu.memref_squeeze %dma_wait3A_223 : memref<1x64xi32, #tpu.memory_space<vmem>> -> memref<64xi32, #tpu.memory_space<vmem>>
      %dma_wait3A_225 = arith.constant 0 : i32
      %dma_wait3A_226 = arith.constant 0 : i32
      %dma_wait3A_227 = tpu.memref_slice %arg4[%dma_wait3A_225, %dma_wait3A_226] : memref<10240x128xf32, #tpu.memory_space<hbm>> -> memref<10240x128xf32, #tpu.memory_space<hbm>>
      tpu.wait_indirect_dma semaphore(%arg14 : memref<!tpu.dma_semaphore, #tpu.memory_space<semaphore_mem>>) src(%dma_wait3A_227 : memref<10240x128xf32, #tpu.memory_space<hbm>>) dst(%arg9 : memref<64x128xf32, #tpu.memory_space<vmem>>)
      %run_scoped3A_228 = arith.constant 12 : i32
      "tpu.region"() ({
        %run_scoped3A_253 = tpu.sem_alloc : memref<!tpu.dma_semaphore, #tpu.memory_space<semaphore_mem>>
        %dma_start3A_254 = arith.constant 0 : i32
        %dma_start3A_255 = tpu.memref_slice %arg8[%run_scoped3A_228, %dma_start3A_254] : memref<16x64xi32, #tpu.memory_space<vmem>> -> memref<1x64xi32, #tpu.memory_space<vmem>>
        %dma_start3A_256 = tpu.memref_squeeze %dma_start3A_255 : memref<1x64xi32, #tpu.memory_space<vmem>> -> memref<64xi32, #tpu.memory_space<vmem>>
        %dma_start3A_257 = arith.constant 0 : i32
        %dma_start3A_258 = arith.constant 0 : i32
        %dma_start3A_259 = tpu.memref_slice %arg13[%dma_start3A_257, %dma_start3A_258] : memref<10240x128xf32, #tpu.memory_space<vmem_shared>> -> memref<10240x128xf32, #tpu.memory_space<vmem_shared>>
        tpu.enqueue_indirect_dma source(%arg9 : memref<64x128xf32, #tpu.memory_space<vmem>>) target(%dma_start3A_259 : memref<10240x128xf32, #tpu.memory_space<vmem_shared>>) offsets(%dma_start3A_256 : memref<64xi32, #tpu.memory_space<vmem>>) semaphore(%run_scoped3A_253 : memref<!tpu.dma_semaphore, #tpu.memory_space<semaphore_mem>>) {add = true}
        %dma_wait3A_260 = arith.constant 0 : i32
        %dma_wait3A_261 = tpu.memref_slice %arg8[%run_scoped3A_228, %dma_wait3A_260] : memref<16x64xi32, #tpu.memory_space<vmem>> -> memref<1x64xi32, #tpu.memory_space<vmem>>
        %dma_wait3A_262 = tpu.memref_squeeze %dma_wait3A_261 : memref<1x64xi32, #tpu.memory_space<vmem>> -> memref<64xi32, #tpu.memory_space<vmem>>
        %dma_wait3A_263 = arith.constant 0 : i32
        %dma_wait3A_264 = arith.constant 0 : i32
        %dma_wait3A_265 = tpu.memref_slice %arg13[%dma_wait3A_263, %dma_wait3A_264] : memref<10240x128xf32, #tpu.memory_space<vmem_shared>> -> memref<10240x128xf32, #tpu.memory_space<vmem_shared>>
        tpu.wait_indirect_dma semaphore(%run_scoped3A_253 : memref<!tpu.dma_semaphore, #tpu.memory_space<semaphore_mem>>) src(%arg9 : memref<64x128xf32, #tpu.memory_space<vmem>>) dst(%dma_wait3A_265 : memref<10240x128xf32, #tpu.memory_space<vmem_shared>>)
        tpu.yield
      }) : () -> ()
      %dma_wait3A_229 = arith.constant 13 : i32
      %dma_wait3A_230 = arith.constant 0 : i32
      %dma_wait3A_231 = tpu.memref_slice %arg7[%dma_wait3A_229, %dma_wait3A_230] : memref<16x64xi32, #tpu.memory_space<vmem>> -> memref<1x64xi32, #tpu.memory_space<vmem>>
      %dma_wait3A_232 = tpu.memref_squeeze %dma_wait3A_231 : memref<1x64xi32, #tpu.memory_space<vmem>> -> memref<64xi32, #tpu.memory_space<vmem>>
      %dma_wait3A_233 = arith.constant 0 : i32
      %dma_wait3A_234 = arith.constant 0 : i32
      %dma_wait3A_235 = tpu.memref_slice %arg4[%dma_wait3A_233, %dma_wait3A_234] : memref<10240x128xf32, #tpu.memory_space<hbm>> -> memref<10240x128xf32, #tpu.memory_space<hbm>>
      tpu.wait_indirect_dma semaphore(%arg15 : memref<!tpu.dma_semaphore, #tpu.memory_space<semaphore_mem>>) src(%dma_wait3A_235 : memref<10240x128xf32, #tpu.memory_space<hbm>>) dst(%arg10 : memref<64x128xf32, #tpu.memory_space<vmem>>)
      %run_scoped3A_236 = arith.constant 13 : i32
      "tpu.region"() ({
        %run_scoped3A_253 = tpu.sem_alloc : memref<!tpu.dma_semaphore, #tpu.memory_space<semaphore_mem>>
        %dma_start3A_254 = arith.constant 0 : i32
        %dma_start3A_255 = tpu.memref_slice %arg8[%run_scoped3A_236, %dma_start3A_254] : memref<16x64xi32, #tpu.memory_space<vmem>> -> memref<1x64xi32, #tpu.memory_space<vmem>>
        %dma_start3A_256 = tpu.memref_squeeze %dma_start3A_255 : memref<1x64xi32, #tpu.memory_space<vmem>> -> memref<64xi32, #tpu.memory_space<vmem>>
        %dma_start3A_257 = arith.constant 0 : i32
        %dma_start3A_258 = arith.constant 0 : i32
        %dma_start3A_259 = tpu.memref_slice %arg13[%dma_start3A_257, %dma_start3A_258] : memref<10240x128xf32, #tpu.memory_space<vmem_shared>> -> memref<10240x128xf32, #tpu.memory_space<vmem_shared>>
        tpu.enqueue_indirect_dma source(%arg10 : memref<64x128xf32, #tpu.memory_space<vmem>>) target(%dma_start3A_259 : memref<10240x128xf32, #tpu.memory_space<vmem_shared>>) offsets(%dma_start3A_256 : memref<64xi32, #tpu.memory_space<vmem>>) semaphore(%run_scoped3A_253 : memref<!tpu.dma_semaphore, #tpu.memory_space<semaphore_mem>>) {add = true}
        %dma_wait3A_260 = arith.constant 0 : i32
        %dma_wait3A_261 = tpu.memref_slice %arg8[%run_scoped3A_236, %dma_wait3A_260] : memref<16x64xi32, #tpu.memory_space<vmem>> -> memref<1x64xi32, #tpu.memory_space<vmem>>
        %dma_wait3A_262 = tpu.memref_squeeze %dma_wait3A_261 : memref<1x64xi32, #tpu.memory_space<vmem>> -> memref<64xi32, #tpu.memory_space<vmem>>
        %dma_wait3A_263 = arith.constant 0 : i32
        %dma_wait3A_264 = arith.constant 0 : i32
        %dma_wait3A_265 = tpu.memref_slice %arg13[%dma_wait3A_263, %dma_wait3A_264] : memref<10240x128xf32, #tpu.memory_space<vmem_shared>> -> memref<10240x128xf32, #tpu.memory_space<vmem_shared>>
        tpu.wait_indirect_dma semaphore(%run_scoped3A_253 : memref<!tpu.dma_semaphore, #tpu.memory_space<semaphore_mem>>) src(%arg10 : memref<64x128xf32, #tpu.memory_space<vmem>>) dst(%dma_wait3A_265 : memref<10240x128xf32, #tpu.memory_space<vmem_shared>>)
        tpu.yield
      }) : () -> ()
      %dma_wait3A_237 = arith.constant 14 : i32
      %dma_wait3A_238 = arith.constant 0 : i32
      %dma_wait3A_239 = tpu.memref_slice %arg7[%dma_wait3A_237, %dma_wait3A_238] : memref<16x64xi32, #tpu.memory_space<vmem>> -> memref<1x64xi32, #tpu.memory_space<vmem>>
      %dma_wait3A_240 = tpu.memref_squeeze %dma_wait3A_239 : memref<1x64xi32, #tpu.memory_space<vmem>> -> memref<64xi32, #tpu.memory_space<vmem>>
      %dma_wait3A_241 = arith.constant 0 : i32
      %dma_wait3A_242 = arith.constant 0 : i32
      %dma_wait3A_243 = tpu.memref_slice %arg4[%dma_wait3A_241, %dma_wait3A_242] : memref<10240x128xf32, #tpu.memory_space<hbm>> -> memref<10240x128xf32, #tpu.memory_space<hbm>>
      tpu.wait_indirect_dma semaphore(%arg16 : memref<!tpu.dma_semaphore, #tpu.memory_space<semaphore_mem>>) src(%dma_wait3A_243 : memref<10240x128xf32, #tpu.memory_space<hbm>>) dst(%arg11 : memref<64x128xf32, #tpu.memory_space<vmem>>)
      %run_scoped3A_244 = arith.constant 14 : i32
      "tpu.region"() ({
        %run_scoped3A_253 = tpu.sem_alloc : memref<!tpu.dma_semaphore, #tpu.memory_space<semaphore_mem>>
        %dma_start3A_254 = arith.constant 0 : i32
        %dma_start3A_255 = tpu.memref_slice %arg8[%run_scoped3A_244, %dma_start3A_254] : memref<16x64xi32, #tpu.memory_space<vmem>> -> memref<1x64xi32, #tpu.memory_space<vmem>>
        %dma_start3A_256 = tpu.memref_squeeze %dma_start3A_255 : memref<1x64xi32, #tpu.memory_space<vmem>> -> memref<64xi32, #tpu.memory_space<vmem>>
        %dma_start3A_257 = arith.constant 0 : i32
        %dma_start3A_258 = arith.constant 0 : i32
        %dma_start3A_259 = tpu.memref_slice %arg13[%dma_start3A_257, %dma_start3A_258] : memref<10240x128xf32, #tpu.memory_space<vmem_shared>> -> memref<10240x128xf32, #tpu.memory_space<vmem_shared>>
        tpu.enqueue_indirect_dma source(%arg11 : memref<64x128xf32, #tpu.memory_space<vmem>>) target(%dma_start3A_259 : memref<10240x128xf32, #tpu.memory_space<vmem_shared>>) offsets(%dma_start3A_256 : memref<64xi32, #tpu.memory_space<vmem>>) semaphore(%run_scoped3A_253 : memref<!tpu.dma_semaphore, #tpu.memory_space<semaphore_mem>>) {add = true}
        %dma_wait3A_260 = arith.constant 0 : i32
        %dma_wait3A_261 = tpu.memref_slice %arg8[%run_scoped3A_244, %dma_wait3A_260] : memref<16x64xi32, #tpu.memory_space<vmem>> -> memref<1x64xi32, #tpu.memory_space<vmem>>
        %dma_wait3A_262 = tpu.memref_squeeze %dma_wait3A_261 : memref<1x64xi32, #tpu.memory_space<vmem>> -> memref<64xi32, #tpu.memory_space<vmem>>
        %dma_wait3A_263 = arith.constant 0 : i32
        %dma_wait3A_264 = arith.constant 0 : i32
        %dma_wait3A_265 = tpu.memref_slice %arg13[%dma_wait3A_263, %dma_wait3A_264] : memref<10240x128xf32, #tpu.memory_space<vmem_shared>> -> memref<10240x128xf32, #tpu.memory_space<vmem_shared>>
        tpu.wait_indirect_dma semaphore(%run_scoped3A_253 : memref<!tpu.dma_semaphore, #tpu.memory_space<semaphore_mem>>) src(%arg11 : memref<64x128xf32, #tpu.memory_space<vmem>>) dst(%dma_wait3A_265 : memref<10240x128xf32, #tpu.memory_space<vmem_shared>>)
        tpu.yield
      }) : () -> ()
      %dma_wait3A_245 = arith.constant 15 : i32
      %dma_wait3A_246 = arith.constant 0 : i32
      %dma_wait3A_247 = tpu.memref_slice %arg7[%dma_wait3A_245, %dma_wait3A_246] : memref<16x64xi32, #tpu.memory_space<vmem>> -> memref<1x64xi32, #tpu.memory_space<vmem>>
      %dma_wait3A_248 = tpu.memref_squeeze %dma_wait3A_247 : memref<1x64xi32, #tpu.memory_space<vmem>> -> memref<64xi32, #tpu.memory_space<vmem>>
      %dma_wait3A_249 = arith.constant 0 : i32
      %dma_wait3A_250 = arith.constant 0 : i32
      %dma_wait3A_251 = tpu.memref_slice %arg4[%dma_wait3A_249, %dma_wait3A_250] : memref<10240x128xf32, #tpu.memory_space<hbm>> -> memref<10240x128xf32, #tpu.memory_space<hbm>>
      tpu.wait_indirect_dma semaphore(%arg17 : memref<!tpu.dma_semaphore, #tpu.memory_space<semaphore_mem>>) src(%dma_wait3A_251 : memref<10240x128xf32, #tpu.memory_space<hbm>>) dst(%arg12 : memref<64x128xf32, #tpu.memory_space<vmem>>)
      %run_scoped3A_252 = arith.constant 15 : i32
      "tpu.region"() ({
        %run_scoped3A_253 = tpu.sem_alloc : memref<!tpu.dma_semaphore, #tpu.memory_space<semaphore_mem>>
        %dma_start3A_254 = arith.constant 0 : i32
        %dma_start3A_255 = tpu.memref_slice %arg8[%run_scoped3A_252, %dma_start3A_254] : memref<16x64xi32, #tpu.memory_space<vmem>> -> memref<1x64xi32, #tpu.memory_space<vmem>>
        %dma_start3A_256 = tpu.memref_squeeze %dma_start3A_255 : memref<1x64xi32, #tpu.memory_space<vmem>> -> memref<64xi32, #tpu.memory_space<vmem>>
        %dma_start3A_257 = arith.constant 0 : i32
        %dma_start3A_258 = arith.constant 0 : i32
        %dma_start3A_259 = tpu.memref_slice %arg13[%dma_start3A_257, %dma_start3A_258] : memref<10240x128xf32, #tpu.memory_space<vmem_shared>> -> memref<10240x128xf32, #tpu.memory_space<vmem_shared>>
        tpu.enqueue_indirect_dma source(%arg12 : memref<64x128xf32, #tpu.memory_space<vmem>>) target(%dma_start3A_259 : memref<10240x128xf32, #tpu.memory_space<vmem_shared>>) offsets(%dma_start3A_256 : memref<64xi32, #tpu.memory_space<vmem>>) semaphore(%run_scoped3A_253 : memref<!tpu.dma_semaphore, #tpu.memory_space<semaphore_mem>>) {add = true}
        %dma_wait3A_260 = arith.constant 0 : i32
        %dma_wait3A_261 = tpu.memref_slice %arg8[%run_scoped3A_252, %dma_wait3A_260] : memref<16x64xi32, #tpu.memory_space<vmem>> -> memref<1x64xi32, #tpu.memory_space<vmem>>
        %dma_wait3A_262 = tpu.memref_squeeze %dma_wait3A_261 : memref<1x64xi32, #tpu.memory_space<vmem>> -> memref<64xi32, #tpu.memory_space<vmem>>
        %dma_wait3A_263 = arith.constant 0 : i32
        %dma_wait3A_264 = arith.constant 0 : i32
        %dma_wait3A_265 = tpu.memref_slice %arg13[%dma_wait3A_263, %dma_wait3A_264] : memref<10240x128xf32, #tpu.memory_space<vmem_shared>> -> memref<10240x128xf32, #tpu.memory_space<vmem_shared>>
        tpu.wait_indirect_dma semaphore(%run_scoped3A_253 : memref<!tpu.dma_semaphore, #tpu.memory_space<semaphore_mem>>) src(%arg12 : memref<64x128xf32, #tpu.memory_space<vmem>>) dst(%dma_wait3A_265 : memref<10240x128xf32, #tpu.memory_space<vmem_shared>>)
        tpu.yield
      }) : () -> ()
    }
    %while3A_13 = arith.constant 1 : i32
    scf.for %while3A_15 = %while3A_11 to %while3A_7 step %while3A_13  : i32 {
      "tpu.region"() ({
        %run_scoped3A_253 = tpu.sem_alloc : memref<!tpu.dma_semaphore, #tpu.memory_space<semaphore_mem>>
        %dma_start3A_254 = arith.constant 0 : i32
        %dma_start3A_255 = arith.constant 0 : i32
        %dma_start3A_256 = tpu.memref_slice %arg2[%add3A, %while3A_15, %dma_start3A_254, %dma_start3A_255] : memref<32x10x16x64xi32, #tpu.memory_space<hbm>> -> memref<1x1x16x64xi32, #tpu.memory_space<hbm>>
        %dma_start3A_257 = tpu.memref_squeeze %dma_start3A_256 : memref<1x1x16x64xi32, #tpu.memory_space<hbm>> -> memref<16x64xi32, #tpu.memory_space<hbm>>
        %dma_start3A_258 = arith.constant 0 : i32
        %dma_start3A_259 = arith.constant 0 : i32
        %dma_start3A_260 = tpu.memref_slice %arg2[%add3A, %while3A_15, %dma_start3A_258, %dma_start3A_259] : memref<32x10x16x64xi32, #tpu.memory_space<hbm>> -> memref<1x1x16x64xi32, #tpu.memory_space<hbm>>
        %dma_start3A_261 = tpu.memref_squeeze %dma_start3A_260 : memref<1x1x16x64xi32, #tpu.memory_space<hbm>> -> memref<16x64xi32, #tpu.memory_space<hbm>>
        tpu.enqueue_dma source(%dma_start3A_261 : memref<16x64xi32, #tpu.memory_space<hbm>>) target(%arg7 : memref<16x64xi32, #tpu.memory_space<vmem>>) target_semaphore(%run_scoped3A_253 : memref<!tpu.dma_semaphore, #tpu.memory_space<semaphore_mem>>)
        %dma_wait3A_262 = arith.constant 0 : i32
        %dma_wait3A_263 = arith.constant 0 : i32
        %dma_wait3A_264 = tpu.memref_slice %arg2[%add3A, %while3A_15, %dma_wait3A_262, %dma_wait3A_263] : memref<32x10x16x64xi32, #tpu.memory_space<hbm>> -> memref<1x1x16x64xi32, #tpu.memory_space<hbm>>
        %dma_wait3A_265 = tpu.memref_squeeze %dma_wait3A_264 : memref<1x1x16x64xi32, #tpu.memory_space<hbm>> -> memref<16x64xi32, #tpu.memory_space<hbm>>
        %dma_wait3A_266 = arith.constant 0 : i32
        %dma_wait3A_267 = arith.constant 0 : i32
        %dma_wait3A_268 = tpu.memref_slice %arg2[%add3A, %while3A_15, %dma_wait3A_266, %dma_wait3A_267] : memref<32x10x16x64xi32, #tpu.memory_space<hbm>> -> memref<1x1x16x64xi32, #tpu.memory_space<hbm>>
        %dma_wait3A_269 = tpu.memref_squeeze %dma_wait3A_268 : memref<1x1x16x64xi32, #tpu.memory_space<hbm>> -> memref<16x64xi32, #tpu.memory_space<hbm>>
        tpu.wait_dma2 semaphore(%run_scoped3A_253 : memref<!tpu.dma_semaphore, #tpu.memory_space<semaphore_mem>>) src(%dma_wait3A_269 : memref<16x64xi32, #tpu.memory_space<hbm>>) dst(%arg7 : memref<16x64xi32, #tpu.memory_space<vmem>>)
        tpu.yield
      }) : () -> ()
      "tpu.region"() ({
        %run_scoped3A_253 = tpu.sem_alloc : memref<!tpu.dma_semaphore, #tpu.memory_space<semaphore_mem>>
        %dma_start3A_254 = arith.constant 0 : i32
        %dma_start3A_255 = arith.constant 0 : i32
        %dma_start3A_256 = tpu.memref_slice %arg3[%add3A, %while3A_15, %dma_start3A_254, %dma_start3A_255] : memref<32x10x16x64xi32, #tpu.memory_space<hbm>> -> memref<1x1x16x64xi32, #tpu.memory_space<hbm>>
        %dma_start3A_257 = tpu.memref_squeeze %dma_start3A_256 : memref<1x1x16x64xi32, #tpu.memory_space<hbm>> -> memref<16x64xi32, #tpu.memory_space<hbm>>
        %dma_start3A_258 = arith.constant 0 : i32
        %dma_start3A_259 = arith.constant 0 : i32
        %dma_start3A_260 = tpu.memref_slice %arg3[%add3A, %while3A_15, %dma_start3A_258, %dma_start3A_259] : memref<32x10x16x64xi32, #tpu.memory_space<hbm>> -> memref<1x1x16x64xi32, #tpu.memory_space<hbm>>
        %dma_start3A_261 = tpu.memref_squeeze %dma_start3A_260 : memref<1x1x16x64xi32, #tpu.memory_space<hbm>> -> memref<16x64xi32, #tpu.memory_space<hbm>>
        tpu.enqueue_dma source(%dma_start3A_261 : memref<16x64xi32, #tpu.memory_space<hbm>>) target(%arg8 : memref<16x64xi32, #tpu.memory_space<vmem>>) target_semaphore(%run_scoped3A_253 : memref<!tpu.dma_semaphore, #tpu.memory_space<semaphore_mem>>)
        %dma_wait3A_262 = arith.constant 0 : i32
        %dma_wait3A_263 = arith.constant 0 : i32
        %dma_wait3A_264 = tpu.memref_slice %arg3[%add3A, %while3A_15, %dma_wait3A_262, %dma_wait3A_263] : memref<32x10x16x64xi32, #tpu.memory_space<hbm>> -> memref<1x1x16x64xi32, #tpu.memory_space<hbm>>
        %dma_wait3A_265 = tpu.memref_squeeze %dma_wait3A_264 : memref<1x1x16x64xi32, #tpu.memory_space<hbm>> -> memref<16x64xi32, #tpu.memory_space<hbm>>
        %dma_wait3A_266 = arith.constant 0 : i32
        %dma_wait3A_267 = arith.constant 0 : i32
        %dma_wait3A_268 = tpu.memref_slice %arg3[%add3A, %while3A_15, %dma_wait3A_266, %dma_wait3A_267] : memref<32x10x16x64xi32, #tpu.memory_space<hbm>> -> memref<1x1x16x64xi32, #tpu.memory_space<hbm>>
        %dma_wait3A_269 = tpu.memref_squeeze %dma_wait3A_268 : memref<1x1x16x64xi32, #tpu.memory_space<hbm>> -> memref<16x64xi32, #tpu.memory_space<hbm>>
        tpu.wait_dma2 semaphore(%run_scoped3A_253 : memref<!tpu.dma_semaphore, #tpu.memory_space<semaphore_mem>>) src(%dma_wait3A_269 : memref<16x64xi32, #tpu.memory_space<hbm>>) dst(%arg8 : memref<16x64xi32, #tpu.memory_space<vmem>>)
        tpu.yield
      }) : () -> ()
      %dma_start3A = arith.constant 0 : i32
      %dma_start3A_16 = arith.constant 0 : i32
      %dma_start3A_17 = tpu.memref_slice %arg7[%dma_start3A, %dma_start3A_16] : memref<16x64xi32, #tpu.memory_space<vmem>> -> memref<1x64xi32, #tpu.memory_space<vmem>>
      %dma_start3A_18 = tpu.memref_squeeze %dma_start3A_17 : memref<1x64xi32, #tpu.memory_space<vmem>> -> memref<64xi32, #tpu.memory_space<vmem>>
      %dma_start3A_19 = arith.constant 0 : i32
      %dma_start3A_20 = arith.constant 0 : i32
      %dma_start3A_21 = tpu.memref_slice %arg4[%dma_start3A_19, %dma_start3A_20] : memref<10240x128xf32, #tpu.memory_space<hbm>> -> memref<10240x128xf32, #tpu.memory_space<hbm>>
      tpu.enqueue_indirect_dma source(%dma_start3A_21 : memref<10240x128xf32, #tpu.memory_space<hbm>>) target(%arg9 : memref<64x128xf32, #tpu.memory_space<vmem>>) offsets(%dma_start3A_18 : memref<64xi32, #tpu.memory_space<vmem>>) semaphore(%arg14 : memref<!tpu.dma_semaphore, #tpu.memory_space<semaphore_mem>>)
      %dma_start3A_22 = arith.constant 1 : i32
      %dma_start3A_23 = arith.constant 0 : i32
      %dma_start3A_24 = tpu.memref_slice %arg7[%dma_start3A_22, %dma_start3A_23] : memref<16x64xi32, #tpu.memory_space<vmem>> -> memref<1x64xi32, #tpu.memory_space<vmem>>
      %dma_start3A_25 = tpu.memref_squeeze %dma_start3A_24 : memref<1x64xi32, #tpu.memory_space<vmem>> -> memref<64xi32, #tpu.memory_space<vmem>>
      %dma_start3A_26 = arith.constant 0 : i32
      %dma_start3A_27 = arith.constant 0 : i32
      %dma_start3A_28 = tpu.memref_slice %arg4[%dma_start3A_26, %dma_start3A_27] : memref<10240x128xf32, #tpu.memory_space<hbm>> -> memref<10240x128xf32, #tpu.memory_space<hbm>>
      tpu.enqueue_indirect_dma source(%dma_start3A_28 : memref<10240x128xf32, #tpu.memory_space<hbm>>) target(%arg10 : memref<64x128xf32, #tpu.memory_space<vmem>>) offsets(%dma_start3A_25 : memref<64xi32, #tpu.memory_space<vmem>>) semaphore(%arg15 : memref<!tpu.dma_semaphore, #tpu.memory_space<semaphore_mem>>)
      %dma_start3A_29 = arith.constant 2 : i32
      %dma_start3A_30 = arith.constant 0 : i32
      %dma_start3A_31 = tpu.memref_slice %arg7[%dma_start3A_29, %dma_start3A_30] : memref<16x64xi32, #tpu.memory_space<vmem>> -> memref<1x64xi32, #tpu.memory_space<vmem>>
      %dma_start3A_32 = tpu.memref_squeeze %dma_start3A_31 : memref<1x64xi32, #tpu.memory_space<vmem>> -> memref<64xi32, #tpu.memory_space<vmem>>
      %dma_start3A_33 = arith.constant 0 : i32
      %dma_start3A_34 = arith.constant 0 : i32
      %dma_start3A_35 = tpu.memref_slice %arg4[%dma_start3A_33, %dma_start3A_34] : memref<10240x128xf32, #tpu.memory_space<hbm>> -> memref<10240x128xf32, #tpu.memory_space<hbm>>
      tpu.enqueue_indirect_dma source(%dma_start3A_35 : memref<10240x128xf32, #tpu.memory_space<hbm>>) target(%arg11 : memref<64x128xf32, #tpu.memory_space<vmem>>) offsets(%dma_start3A_32 : memref<64xi32, #tpu.memory_space<vmem>>) semaphore(%arg16 : memref<!tpu.dma_semaphore, #tpu.memory_space<semaphore_mem>>)
      %dma_start3A_36 = arith.constant 3 : i32
      %dma_start3A_37 = arith.constant 0 : i32
      %dma_start3A_38 = tpu.memref_slice %arg7[%dma_start3A_36, %dma_start3A_37] : memref<16x64xi32, #tpu.memory_space<vmem>> -> memref<1x64xi32, #tpu.memory_space<vmem>>
      %dma_start3A_39 = tpu.memref_squeeze %dma_start3A_38 : memref<1x64xi32, #tpu.memory_space<vmem>> -> memref<64xi32, #tpu.memory_space<vmem>>
      %dma_start3A_40 = arith.constant 0 : i32
      %dma_start3A_41 = arith.constant 0 : i32
      %dma_start3A_42 = tpu.memref_slice %arg4[%dma_start3A_40, %dma_start3A_41] : memref<10240x128xf32, #tpu.memory_space<hbm>> -> memref<10240x128xf32, #tpu.memory_space<hbm>>
      tpu.enqueue_indirect_dma source(%dma_start3A_42 : memref<10240x128xf32, #tpu.memory_space<hbm>>) target(%arg12 : memref<64x128xf32, #tpu.memory_space<vmem>>) offsets(%dma_start3A_39 : memref<64xi32, #tpu.memory_space<vmem>>) semaphore(%arg17 : memref<!tpu.dma_semaphore, #tpu.memory_space<semaphore_mem>>)
      %dma_wait3A = arith.constant 0 : i32
      %dma_wait3A_43 = arith.constant 0 : i32
      %dma_wait3A_44 = tpu.memref_slice %arg7[%dma_wait3A, %dma_wait3A_43] : memref<16x64xi32, #tpu.memory_space<vmem>> -> memref<1x64xi32, #tpu.memory_space<vmem>>
      %dma_wait3A_45 = tpu.memref_squeeze %dma_wait3A_44 : memref<1x64xi32, #tpu.memory_space<vmem>> -> memref<64xi32, #tpu.memory_space<vmem>>
      %dma_wait3A_46 = arith.constant 0 : i32
      %dma_wait3A_47 = arith.constant 0 : i32
      %dma_wait3A_48 = tpu.memref_slice %arg4[%dma_wait3A_46, %dma_wait3A_47] : memref<10240x128xf32, #tpu.memory_space<hbm>> -> memref<10240x128xf32, #tpu.memory_space<hbm>>
      tpu.wait_indirect_dma semaphore(%arg14 : memref<!tpu.dma_semaphore, #tpu.memory_space<semaphore_mem>>) src(%dma_wait3A_48 : memref<10240x128xf32, #tpu.memory_space<hbm>>) dst(%arg9 : memref<64x128xf32, #tpu.memory_space<vmem>>)
      %run_scoped3A = arith.constant 0 : i32
      "tpu.region"() ({
        %run_scoped3A_253 = tpu.sem_alloc : memref<!tpu.dma_semaphore, #tpu.memory_space<semaphore_mem>>
        %dma_start3A_254 = arith.constant 0 : i32
        %dma_start3A_255 = tpu.memref_slice %arg8[%run_scoped3A, %dma_start3A_254] : memref<16x64xi32, #tpu.memory_space<vmem>> -> memref<1x64xi32, #tpu.memory_space<vmem>>
        %dma_start3A_256 = tpu.memref_squeeze %dma_start3A_255 : memref<1x64xi32, #tpu.memory_space<vmem>> -> memref<64xi32, #tpu.memory_space<vmem>>
        %dma_start3A_257 = arith.constant 0 : i32
        %dma_start3A_258 = arith.constant 0 : i32
        %dma_start3A_259 = tpu.memref_slice %arg13[%dma_start3A_257, %dma_start3A_258] : memref<10240x128xf32, #tpu.memory_space<vmem_shared>> -> memref<10240x128xf32, #tpu.memory_space<vmem_shared>>
        tpu.enqueue_indirect_dma source(%arg9 : memref<64x128xf32, #tpu.memory_space<vmem>>) target(%dma_start3A_259 : memref<10240x128xf32, #tpu.memory_space<vmem_shared>>) offsets(%dma_start3A_256 : memref<64xi32, #tpu.memory_space<vmem>>) semaphore(%run_scoped3A_253 : memref<!tpu.dma_semaphore, #tpu.memory_space<semaphore_mem>>) {add = true}
        %dma_wait3A_260 = arith.constant 0 : i32
        %dma_wait3A_261 = tpu.memref_slice %arg8[%run_scoped3A, %dma_wait3A_260] : memref<16x64xi32, #tpu.memory_space<vmem>> -> memref<1x64xi32, #tpu.memory_space<vmem>>
        %dma_wait3A_262 = tpu.memref_squeeze %dma_wait3A_261 : memref<1x64xi32, #tpu.memory_space<vmem>> -> memref<64xi32, #tpu.memory_space<vmem>>
        %dma_wait3A_263 = arith.constant 0 : i32
        %dma_wait3A_264 = arith.constant 0 : i32
        %dma_wait3A_265 = tpu.memref_slice %arg13[%dma_wait3A_263, %dma_wait3A_264] : memref<10240x128xf32, #tpu.memory_space<vmem_shared>> -> memref<10240x128xf32, #tpu.memory_space<vmem_shared>>
        tpu.wait_indirect_dma semaphore(%run_scoped3A_253 : memref<!tpu.dma_semaphore, #tpu.memory_space<semaphore_mem>>) src(%arg9 : memref<64x128xf32, #tpu.memory_space<vmem>>) dst(%dma_wait3A_265 : memref<10240x128xf32, #tpu.memory_space<vmem_shared>>)
        tpu.yield
      }) : () -> ()
      %dma_start3A_49 = arith.constant 4 : i32
      %dma_start3A_50 = arith.constant 0 : i32
      %dma_start3A_51 = tpu.memref_slice %arg7[%dma_start3A_49, %dma_start3A_50] : memref<16x64xi32, #tpu.memory_space<vmem>> -> memref<1x64xi32, #tpu.memory_space<vmem>>
      %dma_start3A_52 = tpu.memref_squeeze %dma_start3A_51 : memref<1x64xi32, #tpu.memory_space<vmem>> -> memref<64xi32, #tpu.memory_space<vmem>>
      %dma_start3A_53 = arith.constant 0 : i32
      %dma_start3A_54 = arith.constant 0 : i32
      %dma_start3A_55 = tpu.memref_slice %arg4[%dma_start3A_53, %dma_start3A_54] : memref<10240x128xf32, #tpu.memory_space<hbm>> -> memref<10240x128xf32, #tpu.memory_space<hbm>>
      tpu.enqueue_indirect_dma source(%dma_start3A_55 : memref<10240x128xf32, #tpu.memory_space<hbm>>) target(%arg9 : memref<64x128xf32, #tpu.memory_space<vmem>>) offsets(%dma_start3A_52 : memref<64xi32, #tpu.memory_space<vmem>>) semaphore(%arg14 : memref<!tpu.dma_semaphore, #tpu.memory_space<semaphore_mem>>)
      %dma_wait3A_56 = arith.constant 1 : i32
      %dma_wait3A_57 = arith.constant 0 : i32
      %dma_wait3A_58 = tpu.memref_slice %arg7[%dma_wait3A_56, %dma_wait3A_57] : memref<16x64xi32, #tpu.memory_space<vmem>> -> memref<1x64xi32, #tpu.memory_space<vmem>>
      %dma_wait3A_59 = tpu.memref_squeeze %dma_wait3A_58 : memref<1x64xi32, #tpu.memory_space<vmem>> -> memref<64xi32, #tpu.memory_space<vmem>>
      %dma_wait3A_60 = arith.constant 0 : i32
      %dma_wait3A_61 = arith.constant 0 : i32
      %dma_wait3A_62 = tpu.memref_slice %arg4[%dma_wait3A_60, %dma_wait3A_61] : memref<10240x128xf32, #tpu.memory_space<hbm>> -> memref<10240x128xf32, #tpu.memory_space<hbm>>
      tpu.wait_indirect_dma semaphore(%arg15 : memref<!tpu.dma_semaphore, #tpu.memory_space<semaphore_mem>>) src(%dma_wait3A_62 : memref<10240x128xf32, #tpu.memory_space<hbm>>) dst(%arg10 : memref<64x128xf32, #tpu.memory_space<vmem>>)
      %run_scoped3A_63 = arith.constant 1 : i32
      "tpu.region"() ({
        %run_scoped3A_253 = tpu.sem_alloc : memref<!tpu.dma_semaphore, #tpu.memory_space<semaphore_mem>>
        %dma_start3A_254 = arith.constant 0 : i32
        %dma_start3A_255 = tpu.memref_slice %arg8[%run_scoped3A_63, %dma_start3A_254] : memref<16x64xi32, #tpu.memory_space<vmem>> -> memref<1x64xi32, #tpu.memory_space<vmem>>
        %dma_start3A_256 = tpu.memref_squeeze %dma_start3A_255 : memref<1x64xi32, #tpu.memory_space<vmem>> -> memref<64xi32, #tpu.memory_space<vmem>>
        %dma_start3A_257 = arith.constant 0 : i32
        %dma_start3A_258 = arith.constant 0 : i32
        %dma_start3A_259 = tpu.memref_slice %arg13[%dma_start3A_257, %dma_start3A_258] : memref<10240x128xf32, #tpu.memory_space<vmem_shared>> -> memref<10240x128xf32, #tpu.memory_space<vmem_shared>>
        tpu.enqueue_indirect_dma source(%arg10 : memref<64x128xf32, #tpu.memory_space<vmem>>) target(%dma_start3A_259 : memref<10240x128xf32, #tpu.memory_space<vmem_shared>>) offsets(%dma_start3A_256 : memref<64xi32, #tpu.memory_space<vmem>>) semaphore(%run_scoped3A_253 : memref<!tpu.dma_semaphore, #tpu.memory_space<semaphore_mem>>) {add = true}
        %dma_wait3A_260 = arith.constant 0 : i32
        %dma_wait3A_261 = tpu.memref_slice %arg8[%run_scoped3A_63, %dma_wait3A_260] : memref<16x64xi32, #tpu.memory_space<vmem>> -> memref<1x64xi32, #tpu.memory_space<vmem>>
        %dma_wait3A_262 = tpu.memref_squeeze %dma_wait3A_261 : memref<1x64xi32, #tpu.memory_space<vmem>> -> memref<64xi32, #tpu.memory_space<vmem>>
        %dma_wait3A_263 = arith.constant 0 : i32
        %dma_wait3A_264 = arith.constant 0 : i32
        %dma_wait3A_265 = tpu.memref_slice %arg13[%dma_wait3A_263, %dma_wait3A_264] : memref<10240x128xf32, #tpu.memory_space<vmem_shared>> -> memref<10240x128xf32, #tpu.memory_space<vmem_shared>>
        tpu.wait_indirect_dma semaphore(%run_scoped3A_253 : memref<!tpu.dma_semaphore, #tpu.memory_space<semaphore_mem>>) src(%arg10 : memref<64x128xf32, #tpu.memory_space<vmem>>) dst(%dma_wait3A_265 : memref<10240x128xf32, #tpu.memory_space<vmem_shared>>)
        tpu.yield
      }) : () -> ()
      %dma_start3A_64 = arith.constant 5 : i32
      %dma_start3A_65 = arith.constant 0 : i32
      %dma_start3A_66 = tpu.memref_slice %arg7[%dma_start3A_64, %dma_start3A_65] : memref<16x64xi32, #tpu.memory_space<vmem>> -> memref<1x64xi32, #tpu.memory_space<vmem>>
      %dma_start3A_67 = tpu.memref_squeeze %dma_start3A_66 : memref<1x64xi32, #tpu.memory_space<vmem>> -> memref<64xi32, #tpu.memory_space<vmem>>
      %dma_start3A_68 = arith.constant 0 : i32
      %dma_start3A_69 = arith.constant 0 : i32
      %dma_start3A_70 = tpu.memref_slice %arg4[%dma_start3A_68, %dma_start3A_69] : memref<10240x128xf32, #tpu.memory_space<hbm>> -> memref<10240x128xf32, #tpu.memory_space<hbm>>
      tpu.enqueue_indirect_dma source(%dma_start3A_70 : memref<10240x128xf32, #tpu.memory_space<hbm>>) target(%arg10 : memref<64x128xf32, #tpu.memory_space<vmem>>) offsets(%dma_start3A_67 : memref<64xi32, #tpu.memory_space<vmem>>) semaphore(%arg15 : memref<!tpu.dma_semaphore, #tpu.memory_space<semaphore_mem>>)
      %dma_wait3A_71 = arith.constant 2 : i32
      %dma_wait3A_72 = arith.constant 0 : i32
      %dma_wait3A_73 = tpu.memref_slice %arg7[%dma_wait3A_71, %dma_wait3A_72] : memref<16x64xi32, #tpu.memory_space<vmem>> -> memref<1x64xi32, #tpu.memory_space<vmem>>
      %dma_wait3A_74 = tpu.memref_squeeze %dma_wait3A_73 : memref<1x64xi32, #tpu.memory_space<vmem>> -> memref<64xi32, #tpu.memory_space<vmem>>
      %dma_wait3A_75 = arith.constant 0 : i32
      %dma_wait3A_76 = arith.constant 0 : i32
      %dma_wait3A_77 = tpu.memref_slice %arg4[%dma_wait3A_75, %dma_wait3A_76] : memref<10240x128xf32, #tpu.memory_space<hbm>> -> memref<10240x128xf32, #tpu.memory_space<hbm>>
      tpu.wait_indirect_dma semaphore(%arg16 : memref<!tpu.dma_semaphore, #tpu.memory_space<semaphore_mem>>) src(%dma_wait3A_77 : memref<10240x128xf32, #tpu.memory_space<hbm>>) dst(%arg11 : memref<64x128xf32, #tpu.memory_space<vmem>>)
      %run_scoped3A_78 = arith.constant 2 : i32
      "tpu.region"() ({
        %run_scoped3A_253 = tpu.sem_alloc : memref<!tpu.dma_semaphore, #tpu.memory_space<semaphore_mem>>
        %dma_start3A_254 = arith.constant 0 : i32
        %dma_start3A_255 = tpu.memref_slice %arg8[%run_scoped3A_78, %dma_start3A_254] : memref<16x64xi32, #tpu.memory_space<vmem>> -> memref<1x64xi32, #tpu.memory_space<vmem>>
        %dma_start3A_256 = tpu.memref_squeeze %dma_start3A_255 : memref<1x64xi32, #tpu.memory_space<vmem>> -> memref<64xi32, #tpu.memory_space<vmem>>
        %dma_start3A_257 = arith.constant 0 : i32
        %dma_start3A_258 = arith.constant 0 : i32
        %dma_start3A_259 = tpu.memref_slice %arg13[%dma_start3A_257, %dma_start3A_258] : memref<10240x128xf32, #tpu.memory_space<vmem_shared>> -> memref<10240x128xf32, #tpu.memory_space<vmem_shared>>
        tpu.enqueue_indirect_dma source(%arg11 : memref<64x128xf32, #tpu.memory_space<vmem>>) target(%dma_start3A_259 : memref<10240x128xf32, #tpu.memory_space<vmem_shared>>) offsets(%dma_start3A_256 : memref<64xi32, #tpu.memory_space<vmem>>) semaphore(%run_scoped3A_253 : memref<!tpu.dma_semaphore, #tpu.memory_space<semaphore_mem>>) {add = true}
        %dma_wait3A_260 = arith.constant 0 : i32
        %dma_wait3A_261 = tpu.memref_slice %arg8[%run_scoped3A_78, %dma_wait3A_260] : memref<16x64xi32, #tpu.memory_space<vmem>> -> memref<1x64xi32, #tpu.memory_space<vmem>>
        %dma_wait3A_262 = tpu.memref_squeeze %dma_wait3A_261 : memref<1x64xi32, #tpu.memory_space<vmem>> -> memref<64xi32, #tpu.memory_space<vmem>>
        %dma_wait3A_263 = arith.constant 0 : i32
        %dma_wait3A_264 = arith.constant 0 : i32
        %dma_wait3A_265 = tpu.memref_slice %arg13[%dma_wait3A_263, %dma_wait3A_264] : memref<10240x128xf32, #tpu.memory_space<vmem_shared>> -> memref<10240x128xf32, #tpu.memory_space<vmem_shared>>
        tpu.wait_indirect_dma semaphore(%run_scoped3A_253 : memref<!tpu.dma_semaphore, #tpu.memory_space<semaphore_mem>>) src(%arg11 : memref<64x128xf32, #tpu.memory_space<vmem>>) dst(%dma_wait3A_265 : memref<10240x128xf32, #tpu.memory_space<vmem_shared>>)
        tpu.yield
      }) : () -> ()
      %dma_start3A_79 = arith.constant 6 : i32
      %dma_start3A_80 = arith.constant 0 : i32
      %dma_start3A_81 = tpu.memref_slice %arg7[%dma_start3A_79, %dma_start3A_80] : memref<16x64xi32, #tpu.memory_space<vmem>> -> memref<1x64xi32, #tpu.memory_space<vmem>>
      %dma_start3A_82 = tpu.memref_squeeze %dma_start3A_81 : memref<1x64xi32, #tpu.memory_space<vmem>> -> memref<64xi32, #tpu.memory_space<vmem>>
      %dma_start3A_83 = arith.constant 0 : i32
      %dma_start3A_84 = arith.constant 0 : i32
      %dma_start3A_85 = tpu.memref_slice %arg4[%dma_start3A_83, %dma_start3A_84] : memref<10240x128xf32, #tpu.memory_space<hbm>> -> memref<10240x128xf32, #tpu.memory_space<hbm>>
      tpu.enqueue_indirect_dma source(%dma_start3A_85 : memref<10240x128xf32, #tpu.memory_space<hbm>>) target(%arg11 : memref<64x128xf32, #tpu.memory_space<vmem>>) offsets(%dma_start3A_82 : memref<64xi32, #tpu.memory_space<vmem>>) semaphore(%arg16 : memref<!tpu.dma_semaphore, #tpu.memory_space<semaphore_mem>>)
      %dma_wait3A_86 = arith.constant 3 : i32
      %dma_wait3A_87 = arith.constant 0 : i32
      %dma_wait3A_88 = tpu.memref_slice %arg7[%dma_wait3A_86, %dma_wait3A_87] : memref<16x64xi32, #tpu.memory_space<vmem>> -> memref<1x64xi32, #tpu.memory_space<vmem>>
      %dma_wait3A_89 = tpu.memref_squeeze %dma_wait3A_88 : memref<1x64xi32, #tpu.memory_space<vmem>> -> memref<64xi32, #tpu.memory_space<vmem>>
      %dma_wait3A_90 = arith.constant 0 : i32
      %dma_wait3A_91 = arith.constant 0 : i32
      %dma_wait3A_92 = tpu.memref_slice %arg4[%dma_wait3A_90, %dma_wait3A_91] : memref<10240x128xf32, #tpu.memory_space<hbm>> -> memref<10240x128xf32, #tpu.memory_space<hbm>>
      tpu.wait_indirect_dma semaphore(%arg17 : memref<!tpu.dma_semaphore, #tpu.memory_space<semaphore_mem>>) src(%dma_wait3A_92 : memref<10240x128xf32, #tpu.memory_space<hbm>>) dst(%arg12 : memref<64x128xf32, #tpu.memory_space<vmem>>)
      %run_scoped3A_93 = arith.constant 3 : i32
      "tpu.region"() ({
        %run_scoped3A_253 = tpu.sem_alloc : memref<!tpu.dma_semaphore, #tpu.memory_space<semaphore_mem>>
        %dma_start3A_254 = arith.constant 0 : i32
        %dma_start3A_255 = tpu.memref_slice %arg8[%run_scoped3A_93, %dma_start3A_254] : memref<16x64xi32, #tpu.memory_space<vmem>> -> memref<1x64xi32, #tpu.memory_space<vmem>>
        %dma_start3A_256 = tpu.memref_squeeze %dma_start3A_255 : memref<1x64xi32, #tpu.memory_space<vmem>> -> memref<64xi32, #tpu.memory_space<vmem>>
        %dma_start3A_257 = arith.constant 0 : i32
        %dma_start3A_258 = arith.constant 0 : i32
        %dma_start3A_259 = tpu.memref_slice %arg13[%dma_start3A_257, %dma_start3A_258] : memref<10240x128xf32, #tpu.memory_space<vmem_shared>> -> memref<10240x128xf32, #tpu.memory_space<vmem_shared>>
        tpu.enqueue_indirect_dma source(%arg12 : memref<64x128xf32, #tpu.memory_space<vmem>>) target(%dma_start3A_259 : memref<10240x128xf32, #tpu.memory_space<vmem_shared>>) offsets(%dma_start3A_256 : memref<64xi32, #tpu.memory_space<vmem>>) semaphore(%run_scoped3A_253 : memref<!tpu.dma_semaphore, #tpu.memory_space<semaphore_mem>>) {add = true}
        %dma_wait3A_260 = arith.constant 0 : i32
        %dma_wait3A_261 = tpu.memref_slice %arg8[%run_scoped3A_93, %dma_wait3A_260] : memref<16x64xi32, #tpu.memory_space<vmem>> -> memref<1x64xi32, #tpu.memory_space<vmem>>
        %dma_wait3A_262 = tpu.memref_squeeze %dma_wait3A_261 : memref<1x64xi32, #tpu.memory_space<vmem>> -> memref<64xi32, #tpu.memory_space<vmem>>
        %dma_wait3A_263 = arith.constant 0 : i32
        %dma_wait3A_264 = arith.constant 0 : i32
        %dma_wait3A_265 = tpu.memref_slice %arg13[%dma_wait3A_263, %dma_wait3A_264] : memref<10240x128xf32, #tpu.memory_space<vmem_shared>> -> memref<10240x128xf32, #tpu.memory_space<vmem_shared>>
        tpu.wait_indirect_dma semaphore(%run_scoped3A_253 : memref<!tpu.dma_semaphore, #tpu.memory_space<semaphore_mem>>) src(%arg12 : memref<64x128xf32, #tpu.memory_space<vmem>>) dst(%dma_wait3A_265 : memref<10240x128xf32, #tpu.memory_space<vmem_shared>>)
        tpu.yield
      }) : () -> ()
      %dma_start3A_94 = arith.constant 7 : i32
      %dma_start3A_95 = arith.constant 0 : i32
      %dma_start3A_96 = tpu.memref_slice %arg7[%dma_start3A_94, %dma_start3A_95] : memref<16x64xi32, #tpu.memory_space<vmem>> -> memref<1x64xi32, #tpu.memory_space<vmem>>
      %dma_start3A_97 = tpu.memref_squeeze %dma_start3A_96 : memref<1x64xi32, #tpu.memory_space<vmem>> -> memref<64xi32, #tpu.memory_space<vmem>>
      %dma_start3A_98 = arith.constant 0 : i32
      %dma_start3A_99 = arith.constant 0 : i32
      %dma_start3A_100 = tpu.memref_slice %arg4[%dma_start3A_98, %dma_start3A_99] : memref<10240x128xf32, #tpu.memory_space<hbm>> -> memref<10240x128xf32, #tpu.memory_space<hbm>>
      tpu.enqueue_indirect_dma source(%dma_start3A_100 : memref<10240x128xf32, #tpu.memory_space<hbm>>) target(%arg12 : memref<64x128xf32, #tpu.memory_space<vmem>>) offsets(%dma_start3A_97 : memref<64xi32, #tpu.memory_space<vmem>>) semaphore(%arg17 : memref<!tpu.dma_semaphore, #tpu.memory_space<semaphore_mem>>)
      %dma_wait3A_101 = arith.constant 4 : i32
      %dma_wait3A_102 = arith.constant 0 : i32
      %dma_wait3A_103 = tpu.memref_slice %arg7[%dma_wait3A_101, %dma_wait3A_102] : memref<16x64xi32, #tpu.memory_space<vmem>> -> memref<1x64xi32, #tpu.memory_space<vmem>>
      %dma_wait3A_104 = tpu.memref_squeeze %dma_wait3A_103 : memref<1x64xi32, #tpu.memory_space<vmem>> -> memref<64xi32, #tpu.memory_space<vmem>>
      %dma_wait3A_105 = arith.constant 0 : i32
      %dma_wait3A_106 = arith.constant 0 : i32
      %dma_wait3A_107 = tpu.memref_slice %arg4[%dma_wait3A_105, %dma_wait3A_106] : memref<10240x128xf32, #tpu.memory_space<hbm>> -> memref<10240x128xf32, #tpu.memory_space<hbm>>
      tpu.wait_indirect_dma semaphore(%arg14 : memref<!tpu.dma_semaphore, #tpu.memory_space<semaphore_mem>>) src(%dma_wait3A_107 : memref<10240x128xf32, #tpu.memory_space<hbm>>) dst(%arg9 : memref<64x128xf32, #tpu.memory_space<vmem>>)
      %run_scoped3A_108 = arith.constant 4 : i32
      "tpu.region"() ({
        %run_scoped3A_253 = tpu.sem_alloc : memref<!tpu.dma_semaphore, #tpu.memory_space<semaphore_mem>>
        %dma_start3A_254 = arith.constant 0 : i32
        %dma_start3A_255 = tpu.memref_slice %arg8[%run_scoped3A_108, %dma_start3A_254] : memref<16x64xi32, #tpu.memory_space<vmem>> -> memref<1x64xi32, #tpu.memory_space<vmem>>
        %dma_start3A_256 = tpu.memref_squeeze %dma_start3A_255 : memref<1x64xi32, #tpu.memory_space<vmem>> -> memref<64xi32, #tpu.memory_space<vmem>>
        %dma_start3A_257 = arith.constant 0 : i32
        %dma_start3A_258 = arith.constant 0 : i32
        %dma_start3A_259 = tpu.memref_slice %arg13[%dma_start3A_257, %dma_start3A_258] : memref<10240x128xf32, #tpu.memory_space<vmem_shared>> -> memref<10240x128xf32, #tpu.memory_space<vmem_shared>>
        tpu.enqueue_indirect_dma source(%arg9 : memref<64x128xf32, #tpu.memory_space<vmem>>) target(%dma_start3A_259 : memref<10240x128xf32, #tpu.memory_space<vmem_shared>>) offsets(%dma_start3A_256 : memref<64xi32, #tpu.memory_space<vmem>>) semaphore(%run_scoped3A_253 : memref<!tpu.dma_semaphore, #tpu.memory_space<semaphore_mem>>) {add = true}
        %dma_wait3A_260 = arith.constant 0 : i32
        %dma_wait3A_261 = tpu.memref_slice %arg8[%run_scoped3A_108, %dma_wait3A_260] : memref<16x64xi32, #tpu.memory_space<vmem>> -> memref<1x64xi32, #tpu.memory_space<vmem>>
        %dma_wait3A_262 = tpu.memref_squeeze %dma_wait3A_261 : memref<1x64xi32, #tpu.memory_space<vmem>> -> memref<64xi32, #tpu.memory_space<vmem>>
        %dma_wait3A_263 = arith.constant 0 : i32
        %dma_wait3A_264 = arith.constant 0 : i32
        %dma_wait3A_265 = tpu.memref_slice %arg13[%dma_wait3A_263, %dma_wait3A_264] : memref<10240x128xf32, #tpu.memory_space<vmem_shared>> -> memref<10240x128xf32, #tpu.memory_space<vmem_shared>>
        tpu.wait_indirect_dma semaphore(%run_scoped3A_253 : memref<!tpu.dma_semaphore, #tpu.memory_space<semaphore_mem>>) src(%arg9 : memref<64x128xf32, #tpu.memory_space<vmem>>) dst(%dma_wait3A_265 : memref<10240x128xf32, #tpu.memory_space<vmem_shared>>)
        tpu.yield
      }) : () -> ()
      %dma_start3A_109 = arith.constant 8 : i32
      %dma_start3A_110 = arith.constant 0 : i32
      %dma_start3A_111 = tpu.memref_slice %arg7[%dma_start3A_109, %dma_start3A_110] : memref<16x64xi32, #tpu.memory_space<vmem>> -> memref<1x64xi32, #tpu.memory_space<vmem>>
      %dma_start3A_112 = tpu.memref_squeeze %dma_start3A_111 : memref<1x64xi32, #tpu.memory_space<vmem>> -> memref<64xi32, #tpu.memory_space<vmem>>
      %dma_start3A_113 = arith.constant 0 : i32
      %dma_start3A_114 = arith.constant 0 : i32
      %dma_start3A_115 = tpu.memref_slice %arg4[%dma_start3A_113, %dma_start3A_114] : memref<10240x128xf32, #tpu.memory_space<hbm>> -> memref<10240x128xf32, #tpu.memory_space<hbm>>
      tpu.enqueue_indirect_dma source(%dma_start3A_115 : memref<10240x128xf32, #tpu.memory_space<hbm>>) target(%arg9 : memref<64x128xf32, #tpu.memory_space<vmem>>) offsets(%dma_start3A_112 : memref<64xi32, #tpu.memory_space<vmem>>) semaphore(%arg14 : memref<!tpu.dma_semaphore, #tpu.memory_space<semaphore_mem>>)
      %dma_wait3A_116 = arith.constant 5 : i32
      %dma_wait3A_117 = arith.constant 0 : i32
      %dma_wait3A_118 = tpu.memref_slice %arg7[%dma_wait3A_116, %dma_wait3A_117] : memref<16x64xi32, #tpu.memory_space<vmem>> -> memref<1x64xi32, #tpu.memory_space<vmem>>
      %dma_wait3A_119 = tpu.memref_squeeze %dma_wait3A_118 : memref<1x64xi32, #tpu.memory_space<vmem>> -> memref<64xi32, #tpu.memory_space<vmem>>
      %dma_wait3A_120 = arith.constant 0 : i32
      %dma_wait3A_121 = arith.constant 0 : i32
      %dma_wait3A_122 = tpu.memref_slice %arg4[%dma_wait3A_120, %dma_wait3A_121] : memref<10240x128xf32, #tpu.memory_space<hbm>> -> memref<10240x128xf32, #tpu.memory_space<hbm>>
      tpu.wait_indirect_dma semaphore(%arg15 : memref<!tpu.dma_semaphore, #tpu.memory_space<semaphore_mem>>) src(%dma_wait3A_122 : memref<10240x128xf32, #tpu.memory_space<hbm>>) dst(%arg10 : memref<64x128xf32, #tpu.memory_space<vmem>>)
      %run_scoped3A_123 = arith.constant 5 : i32
      "tpu.region"() ({
        %run_scoped3A_253 = tpu.sem_alloc : memref<!tpu.dma_semaphore, #tpu.memory_space<semaphore_mem>>
        %dma_start3A_254 = arith.constant 0 : i32
        %dma_start3A_255 = tpu.memref_slice %arg8[%run_scoped3A_123, %dma_start3A_254] : memref<16x64xi32, #tpu.memory_space<vmem>> -> memref<1x64xi32, #tpu.memory_space<vmem>>
        %dma_start3A_256 = tpu.memref_squeeze %dma_start3A_255 : memref<1x64xi32, #tpu.memory_space<vmem>> -> memref<64xi32, #tpu.memory_space<vmem>>
        %dma_start3A_257 = arith.constant 0 : i32
        %dma_start3A_258 = arith.constant 0 : i32
        %dma_start3A_259 = tpu.memref_slice %arg13[%dma_start3A_257, %dma_start3A_258] : memref<10240x128xf32, #tpu.memory_space<vmem_shared>> -> memref<10240x128xf32, #tpu.memory_space<vmem_shared>>
        tpu.enqueue_indirect_dma source(%arg10 : memref<64x128xf32, #tpu.memory_space<vmem>>) target(%dma_start3A_259 : memref<10240x128xf32, #tpu.memory_space<vmem_shared>>) offsets(%dma_start3A_256 : memref<64xi32, #tpu.memory_space<vmem>>) semaphore(%run_scoped3A_253 : memref<!tpu.dma_semaphore, #tpu.memory_space<semaphore_mem>>) {add = true}
        %dma_wait3A_260 = arith.constant 0 : i32
        %dma_wait3A_261 = tpu.memref_slice %arg8[%run_scoped3A_123, %dma_wait3A_260] : memref<16x64xi32, #tpu.memory_space<vmem>> -> memref<1x64xi32, #tpu.memory_space<vmem>>
        %dma_wait3A_262 = tpu.memref_squeeze %dma_wait3A_261 : memref<1x64xi32, #tpu.memory_space<vmem>> -> memref<64xi32, #tpu.memory_space<vmem>>
        %dma_wait3A_263 = arith.constant 0 : i32
        %dma_wait3A_264 = arith.constant 0 : i32
        %dma_wait3A_265 = tpu.memref_slice %arg13[%dma_wait3A_263, %dma_wait3A_264] : memref<10240x128xf32, #tpu.memory_space<vmem_shared>> -> memref<10240x128xf32, #tpu.memory_space<vmem_shared>>
        tpu.wait_indirect_dma semaphore(%run_scoped3A_253 : memref<!tpu.dma_semaphore, #tpu.memory_space<semaphore_mem>>) src(%arg10 : memref<64x128xf32, #tpu.memory_space<vmem>>) dst(%dma_wait3A_265 : memref<10240x128xf32, #tpu.memory_space<vmem_shared>>)
        tpu.yield
      }) : () -> ()
      %dma_start3A_124 = arith.constant 9 : i32
      %dma_start3A_125 = arith.constant 0 : i32
      %dma_start3A_126 = tpu.memref_slice %arg7[%dma_start3A_124, %dma_start3A_125] : memref<16x64xi32, #tpu.memory_space<vmem>> -> memref<1x64xi32, #tpu.memory_space<vmem>>
      %dma_start3A_127 = tpu.memref_squeeze %dma_start3A_126 : memref<1x64xi32, #tpu.memory_space<vmem>> -> memref<64xi32, #tpu.memory_space<vmem>>
      %dma_start3A_128 = arith.constant 0 : i32
      %dma_start3A_129 = arith.constant 0 : i32
      %dma_start3A_130 = tpu.memref_slice %arg4[%dma_start3A_128, %dma_start3A_129] : memref<10240x128xf32, #tpu.memory_space<hbm>> -> memref<10240x128xf32, #tpu.memory_space<hbm>>
      tpu.enqueue_indirect_dma source(%dma_start3A_130 : memref<10240x128xf32, #tpu.memory_space<hbm>>) target(%arg10 : memref<64x128xf32, #tpu.memory_space<vmem>>) offsets(%dma_start3A_127 : memref<64xi32, #tpu.memory_space<vmem>>) semaphore(%arg15 : memref<!tpu.dma_semaphore, #tpu.memory_space<semaphore_mem>>)
      %dma_wait3A_131 = arith.constant 6 : i32
      %dma_wait3A_132 = arith.constant 0 : i32
      %dma_wait3A_133 = tpu.memref_slice %arg7[%dma_wait3A_131, %dma_wait3A_132] : memref<16x64xi32, #tpu.memory_space<vmem>> -> memref<1x64xi32, #tpu.memory_space<vmem>>
      %dma_wait3A_134 = tpu.memref_squeeze %dma_wait3A_133 : memref<1x64xi32, #tpu.memory_space<vmem>> -> memref<64xi32, #tpu.memory_space<vmem>>
      %dma_wait3A_135 = arith.constant 0 : i32
      %dma_wait3A_136 = arith.constant 0 : i32
      %dma_wait3A_137 = tpu.memref_slice %arg4[%dma_wait3A_135, %dma_wait3A_136] : memref<10240x128xf32, #tpu.memory_space<hbm>> -> memref<10240x128xf32, #tpu.memory_space<hbm>>
      tpu.wait_indirect_dma semaphore(%arg16 : memref<!tpu.dma_semaphore, #tpu.memory_space<semaphore_mem>>) src(%dma_wait3A_137 : memref<10240x128xf32, #tpu.memory_space<hbm>>) dst(%arg11 : memref<64x128xf32, #tpu.memory_space<vmem>>)
      %run_scoped3A_138 = arith.constant 6 : i32
      "tpu.region"() ({
        %run_scoped3A_253 = tpu.sem_alloc : memref<!tpu.dma_semaphore, #tpu.memory_space<semaphore_mem>>
        %dma_start3A_254 = arith.constant 0 : i32
        %dma_start3A_255 = tpu.memref_slice %arg8[%run_scoped3A_138, %dma_start3A_254] : memref<16x64xi32, #tpu.memory_space<vmem>> -> memref<1x64xi32, #tpu.memory_space<vmem>>
        %dma_start3A_256 = tpu.memref_squeeze %dma_start3A_255 : memref<1x64xi32, #tpu.memory_space<vmem>> -> memref<64xi32, #tpu.memory_space<vmem>>
        %dma_start3A_257 = arith.constant 0 : i32
        %dma_start3A_258 = arith.constant 0 : i32
        %dma_start3A_259 = tpu.memref_slice %arg13[%dma_start3A_257, %dma_start3A_258] : memref<10240x128xf32, #tpu.memory_space<vmem_shared>> -> memref<10240x128xf32, #tpu.memory_space<vmem_shared>>
        tpu.enqueue_indirect_dma source(%arg11 : memref<64x128xf32, #tpu.memory_space<vmem>>) target(%dma_start3A_259 : memref<10240x128xf32, #tpu.memory_space<vmem_shared>>) offsets(%dma_start3A_256 : memref<64xi32, #tpu.memory_space<vmem>>) semaphore(%run_scoped3A_253 : memref<!tpu.dma_semaphore, #tpu.memory_space<semaphore_mem>>) {add = true}
        %dma_wait3A_260 = arith.constant 0 : i32
        %dma_wait3A_261 = tpu.memref_slice %arg8[%run_scoped3A_138, %dma_wait3A_260] : memref<16x64xi32, #tpu.memory_space<vmem>> -> memref<1x64xi32, #tpu.memory_space<vmem>>
        %dma_wait3A_262 = tpu.memref_squeeze %dma_wait3A_261 : memref<1x64xi32, #tpu.memory_space<vmem>> -> memref<64xi32, #tpu.memory_space<vmem>>
        %dma_wait3A_263 = arith.constant 0 : i32
        %dma_wait3A_264 = arith.constant 0 : i32
        %dma_wait3A_265 = tpu.memref_slice %arg13[%dma_wait3A_263, %dma_wait3A_264] : memref<10240x128xf32, #tpu.memory_space<vmem_shared>> -> memref<10240x128xf32, #tpu.memory_space<vmem_shared>>
        tpu.wait_indirect_dma semaphore(%run_scoped3A_253 : memref<!tpu.dma_semaphore, #tpu.memory_space<semaphore_mem>>) src(%arg11 : memref<64x128xf32, #tpu.memory_space<vmem>>) dst(%dma_wait3A_265 : memref<10240x128xf32, #tpu.memory_space<vmem_shared>>)
        tpu.yield
      }) : () -> ()
      %dma_start3A_139 = arith.constant 10 : i32
      %dma_start3A_140 = arith.constant 0 : i32
      %dma_start3A_141 = tpu.memref_slice %arg7[%dma_start3A_139, %dma_start3A_140] : memref<16x64xi32, #tpu.memory_space<vmem>> -> memref<1x64xi32, #tpu.memory_space<vmem>>
      %dma_start3A_142 = tpu.memref_squeeze %dma_start3A_141 : memref<1x64xi32, #tpu.memory_space<vmem>> -> memref<64xi32, #tpu.memory_space<vmem>>
      %dma_start3A_143 = arith.constant 0 : i32
      %dma_start3A_144 = arith.constant 0 : i32
      %dma_start3A_145 = tpu.memref_slice %arg4[%dma_start3A_143, %dma_start3A_144] : memref<10240x128xf32, #tpu.memory_space<hbm>> -> memref<10240x128xf32, #tpu.memory_space<hbm>>
      tpu.enqueue_indirect_dma source(%dma_start3A_145 : memref<10240x128xf32, #tpu.memory_space<hbm>>) target(%arg11 : memref<64x128xf32, #tpu.memory_space<vmem>>) offsets(%dma_start3A_142 : memref<64xi32, #tpu.memory_space<vmem>>) semaphore(%arg16 : memref<!tpu.dma_semaphore, #tpu.memory_space<semaphore_mem>>)
      %dma_wait3A_146 = arith.constant 7 : i32
      %dma_wait3A_147 = arith.constant 0 : i32
      %dma_wait3A_148 = tpu.memref_slice %arg7[%dma_wait3A_146, %dma_wait3A_147] : memref<16x64xi32, #tpu.memory_space<vmem>> -> memref<1x64xi32, #tpu.memory_space<vmem>>
      %dma_wait3A_149 = tpu.memref_squeeze %dma_wait3A_148 : memref<1x64xi32, #tpu.memory_space<vmem>> -> memref<64xi32, #tpu.memory_space<vmem>>
      %dma_wait3A_150 = arith.constant 0 : i32
      %dma_wait3A_151 = arith.constant 0 : i32
      %dma_wait3A_152 = tpu.memref_slice %arg4[%dma_wait3A_150, %dma_wait3A_151] : memref<10240x128xf32, #tpu.memory_space<hbm>> -> memref<10240x128xf32, #tpu.memory_space<hbm>>
      tpu.wait_indirect_dma semaphore(%arg17 : memref<!tpu.dma_semaphore, #tpu.memory_space<semaphore_mem>>) src(%dma_wait3A_152 : memref<10240x128xf32, #tpu.memory_space<hbm>>) dst(%arg12 : memref<64x128xf32, #tpu.memory_space<vmem>>)
      %run_scoped3A_153 = arith.constant 7 : i32
      "tpu.region"() ({
        %run_scoped3A_253 = tpu.sem_alloc : memref<!tpu.dma_semaphore, #tpu.memory_space<semaphore_mem>>
        %dma_start3A_254 = arith.constant 0 : i32
        %dma_start3A_255 = tpu.memref_slice %arg8[%run_scoped3A_153, %dma_start3A_254] : memref<16x64xi32, #tpu.memory_space<vmem>> -> memref<1x64xi32, #tpu.memory_space<vmem>>
        %dma_start3A_256 = tpu.memref_squeeze %dma_start3A_255 : memref<1x64xi32, #tpu.memory_space<vmem>> -> memref<64xi32, #tpu.memory_space<vmem>>
        %dma_start3A_257 = arith.constant 0 : i32
        %dma_start3A_258 = arith.constant 0 : i32
        %dma_start3A_259 = tpu.memref_slice %arg13[%dma_start3A_257, %dma_start3A_258] : memref<10240x128xf32, #tpu.memory_space<vmem_shared>> -> memref<10240x128xf32, #tpu.memory_space<vmem_shared>>
        tpu.enqueue_indirect_dma source(%arg12 : memref<64x128xf32, #tpu.memory_space<vmem>>) target(%dma_start3A_259 : memref<10240x128xf32, #tpu.memory_space<vmem_shared>>) offsets(%dma_start3A_256 : memref<64xi32, #tpu.memory_space<vmem>>) semaphore(%run_scoped3A_253 : memref<!tpu.dma_semaphore, #tpu.memory_space<semaphore_mem>>) {add = true}
        %dma_wait3A_260 = arith.constant 0 : i32
        %dma_wait3A_261 = tpu.memref_slice %arg8[%run_scoped3A_153, %dma_wait3A_260] : memref<16x64xi32, #tpu.memory_space<vmem>> -> memref<1x64xi32, #tpu.memory_space<vmem>>
        %dma_wait3A_262 = tpu.memref_squeeze %dma_wait3A_261 : memref<1x64xi32, #tpu.memory_space<vmem>> -> memref<64xi32, #tpu.memory_space<vmem>>
        %dma_wait3A_263 = arith.constant 0 : i32
        %dma_wait3A_264 = arith.constant 0 : i32
        %dma_wait3A_265 = tpu.memref_slice %arg13[%dma_wait3A_263, %dma_wait3A_264] : memref<10240x128xf32, #tpu.memory_space<vmem_shared>> -> memref<10240x128xf32, #tpu.memory_space<vmem_shared>>
        tpu.wait_indirect_dma semaphore(%run_scoped3A_253 : memref<!tpu.dma_semaphore, #tpu.memory_space<semaphore_mem>>) src(%arg12 : memref<64x128xf32, #tpu.memory_space<vmem>>) dst(%dma_wait3A_265 : memref<10240x128xf32, #tpu.memory_space<vmem_shared>>)
        tpu.yield
      }) : () -> ()
      %dma_start3A_154 = arith.constant 11 : i32
      %dma_start3A_155 = arith.constant 0 : i32
      %dma_start3A_156 = tpu.memref_slice %arg7[%dma_start3A_154, %dma_start3A_155] : memref<16x64xi32, #tpu.memory_space<vmem>> -> memref<1x64xi32, #tpu.memory_space<vmem>>
      %dma_start3A_157 = tpu.memref_squeeze %dma_start3A_156 : memref<1x64xi32, #tpu.memory_space<vmem>> -> memref<64xi32, #tpu.memory_space<vmem>>
      %dma_start3A_158 = arith.constant 0 : i32
      %dma_start3A_159 = arith.constant 0 : i32
      %dma_start3A_160 = tpu.memref_slice %arg4[%dma_start3A_158, %dma_start3A_159] : memref<10240x128xf32, #tpu.memory_space<hbm>> -> memref<10240x128xf32, #tpu.memory_space<hbm>>
      tpu.enqueue_indirect_dma source(%dma_start3A_160 : memref<10240x128xf32, #tpu.memory_space<hbm>>) target(%arg12 : memref<64x128xf32, #tpu.memory_space<vmem>>) offsets(%dma_start3A_157 : memref<64xi32, #tpu.memory_space<vmem>>) semaphore(%arg17 : memref<!tpu.dma_semaphore, #tpu.memory_space<semaphore_mem>>)
      %dma_wait3A_161 = arith.constant 8 : i32
      %dma_wait3A_162 = arith.constant 0 : i32
      %dma_wait3A_163 = tpu.memref_slice %arg7[%dma_wait3A_161, %dma_wait3A_162] : memref<16x64xi32, #tpu.memory_space<vmem>> -> memref<1x64xi32, #tpu.memory_space<vmem>>
      %dma_wait3A_164 = tpu.memref_squeeze %dma_wait3A_163 : memref<1x64xi32, #tpu.memory_space<vmem>> -> memref<64xi32, #tpu.memory_space<vmem>>
      %dma_wait3A_165 = arith.constant 0 : i32
      %dma_wait3A_166 = arith.constant 0 : i32
      %dma_wait3A_167 = tpu.memref_slice %arg4[%dma_wait3A_165, %dma_wait3A_166] : memref<10240x128xf32, #tpu.memory_space<hbm>> -> memref<10240x128xf32, #tpu.memory_space<hbm>>
      tpu.wait_indirect_dma semaphore(%arg14 : memref<!tpu.dma_semaphore, #tpu.memory_space<semaphore_mem>>) src(%dma_wait3A_167 : memref<10240x128xf32, #tpu.memory_space<hbm>>) dst(%arg9 : memref<64x128xf32, #tpu.memory_space<vmem>>)
      %run_scoped3A_168 = arith.constant 8 : i32
      "tpu.region"() ({
        %run_scoped3A_253 = tpu.sem_alloc : memref<!tpu.dma_semaphore, #tpu.memory_space<semaphore_mem>>
        %dma_start3A_254 = arith.constant 0 : i32
        %dma_start3A_255 = tpu.memref_slice %arg8[%run_scoped3A_168, %dma_start3A_254] : memref<16x64xi32, #tpu.memory_space<vmem>> -> memref<1x64xi32, #tpu.memory_space<vmem>>
        %dma_start3A_256 = tpu.memref_squeeze %dma_start3A_255 : memref<1x64xi32, #tpu.memory_space<vmem>> -> memref<64xi32, #tpu.memory_space<vmem>>
        %dma_start3A_257 = arith.constant 0 : i32
        %dma_start3A_258 = arith.constant 0 : i32
        %dma_start3A_259 = tpu.memref_slice %arg13[%dma_start3A_257, %dma_start3A_258] : memref<10240x128xf32, #tpu.memory_space<vmem_shared>> -> memref<10240x128xf32, #tpu.memory_space<vmem_shared>>
        tpu.enqueue_indirect_dma source(%arg9 : memref<64x128xf32, #tpu.memory_space<vmem>>) target(%dma_start3A_259 : memref<10240x128xf32, #tpu.memory_space<vmem_shared>>) offsets(%dma_start3A_256 : memref<64xi32, #tpu.memory_space<vmem>>) semaphore(%run_scoped3A_253 : memref<!tpu.dma_semaphore, #tpu.memory_space<semaphore_mem>>) {add = true}
        %dma_wait3A_260 = arith.constant 0 : i32
        %dma_wait3A_261 = tpu.memref_slice %arg8[%run_scoped3A_168, %dma_wait3A_260] : memref<16x64xi32, #tpu.memory_space<vmem>> -> memref<1x64xi32, #tpu.memory_space<vmem>>
        %dma_wait3A_262 = tpu.memref_squeeze %dma_wait3A_261 : memref<1x64xi32, #tpu.memory_space<vmem>> -> memref<64xi32, #tpu.memory_space<vmem>>
        %dma_wait3A_263 = arith.constant 0 : i32
        %dma_wait3A_264 = arith.constant 0 : i32
        %dma_wait3A_265 = tpu.memref_slice %arg13[%dma_wait3A_263, %dma_wait3A_264] : memref<10240x128xf32, #tpu.memory_space<vmem_shared>> -> memref<10240x128xf32, #tpu.memory_space<vmem_shared>>
        tpu.wait_indirect_dma semaphore(%run_scoped3A_253 : memref<!tpu.dma_semaphore, #tpu.memory_space<semaphore_mem>>) src(%arg9 : memref<64x128xf32, #tpu.memory_space<vmem>>) dst(%dma_wait3A_265 : memref<10240x128xf32, #tpu.memory_space<vmem_shared>>)
        tpu.yield
      }) : () -> ()
      %dma_start3A_169 = arith.constant 12 : i32
      %dma_start3A_170 = arith.constant 0 : i32
      %dma_start3A_171 = tpu.memref_slice %arg7[%dma_start3A_169, %dma_start3A_170] : memref<16x64xi32, #tpu.memory_space<vmem>> -> memref<1x64xi32, #tpu.memory_space<vmem>>
      %dma_start3A_172 = tpu.memref_squeeze %dma_start3A_171 : memref<1x64xi32, #tpu.memory_space<vmem>> -> memref<64xi32, #tpu.memory_space<vmem>>
      %dma_start3A_173 = arith.constant 0 : i32
      %dma_start3A_174 = arith.constant 0 : i32
      %dma_start3A_175 = tpu.memref_slice %arg4[%dma_start3A_173, %dma_start3A_174] : memref<10240x128xf32, #tpu.memory_space<hbm>> -> memref<10240x128xf32, #tpu.memory_space<hbm>>
      tpu.enqueue_indirect_dma source(%dma_start3A_175 : memref<10240x128xf32, #tpu.memory_space<hbm>>) target(%arg9 : memref<64x128xf32, #tpu.memory_space<vmem>>) offsets(%dma_start3A_172 : memref<64xi32, #tpu.memory_space<vmem>>) semaphore(%arg14 : memref<!tpu.dma_semaphore, #tpu.memory_space<semaphore_mem>>)
      %dma_wait3A_176 = arith.constant 9 : i32
      %dma_wait3A_177 = arith.constant 0 : i32
      %dma_wait3A_178 = tpu.memref_slice %arg7[%dma_wait3A_176, %dma_wait3A_177] : memref<16x64xi32, #tpu.memory_space<vmem>> -> memref<1x64xi32, #tpu.memory_space<vmem>>
      %dma_wait3A_179 = tpu.memref_squeeze %dma_wait3A_178 : memref<1x64xi32, #tpu.memory_space<vmem>> -> memref<64xi32, #tpu.memory_space<vmem>>
      %dma_wait3A_180 = arith.constant 0 : i32
      %dma_wait3A_181 = arith.constant 0 : i32
      %dma_wait3A_182 = tpu.memref_slice %arg4[%dma_wait3A_180, %dma_wait3A_181] : memref<10240x128xf32, #tpu.memory_space<hbm>> -> memref<10240x128xf32, #tpu.memory_space<hbm>>
      tpu.wait_indirect_dma semaphore(%arg15 : memref<!tpu.dma_semaphore, #tpu.memory_space<semaphore_mem>>) src(%dma_wait3A_182 : memref<10240x128xf32, #tpu.memory_space<hbm>>) dst(%arg10 : memref<64x128xf32, #tpu.memory_space<vmem>>)
      %run_scoped3A_183 = arith.constant 9 : i32
      "tpu.region"() ({
        %run_scoped3A_253 = tpu.sem_alloc : memref<!tpu.dma_semaphore, #tpu.memory_space<semaphore_mem>>
        %dma_start3A_254 = arith.constant 0 : i32
        %dma_start3A_255 = tpu.memref_slice %arg8[%run_scoped3A_183, %dma_start3A_254] : memref<16x64xi32, #tpu.memory_space<vmem>> -> memref<1x64xi32, #tpu.memory_space<vmem>>
        %dma_start3A_256 = tpu.memref_squeeze %dma_start3A_255 : memref<1x64xi32, #tpu.memory_space<vmem>> -> memref<64xi32, #tpu.memory_space<vmem>>
        %dma_start3A_257 = arith.constant 0 : i32
        %dma_start3A_258 = arith.constant 0 : i32
        %dma_start3A_259 = tpu.memref_slice %arg13[%dma_start3A_257, %dma_start3A_258] : memref<10240x128xf32, #tpu.memory_space<vmem_shared>> -> memref<10240x128xf32, #tpu.memory_space<vmem_shared>>
        tpu.enqueue_indirect_dma source(%arg10 : memref<64x128xf32, #tpu.memory_space<vmem>>) target(%dma_start3A_259 : memref<10240x128xf32, #tpu.memory_space<vmem_shared>>) offsets(%dma_start3A_256 : memref<64xi32, #tpu.memory_space<vmem>>) semaphore(%run_scoped3A_253 : memref<!tpu.dma_semaphore, #tpu.memory_space<semaphore_mem>>) {add = true}
        %dma_wait3A_260 = arith.constant 0 : i32
        %dma_wait3A_261 = tpu.memref_slice %arg8[%run_scoped3A_183, %dma_wait3A_260] : memref<16x64xi32, #tpu.memory_space<vmem>> -> memref<1x64xi32, #tpu.memory_space<vmem>>
        %dma_wait3A_262 = tpu.memref_squeeze %dma_wait3A_261 : memref<1x64xi32, #tpu.memory_space<vmem>> -> memref<64xi32, #tpu.memory_space<vmem>>
        %dma_wait3A_263 = arith.constant 0 : i32
        %dma_wait3A_264 = arith.constant 0 : i32
        %dma_wait3A_265 = tpu.memref_slice %arg13[%dma_wait3A_263, %dma_wait3A_264] : memref<10240x128xf32, #tpu.memory_space<vmem_shared>> -> memref<10240x128xf32, #tpu.memory_space<vmem_shared>>
        tpu.wait_indirect_dma semaphore(%run_scoped3A_253 : memref<!tpu.dma_semaphore, #tpu.memory_space<semaphore_mem>>) src(%arg10 : memref<64x128xf32, #tpu.memory_space<vmem>>) dst(%dma_wait3A_265 : memref<10240x128xf32, #tpu.memory_space<vmem_shared>>)
        tpu.yield
      }) : () -> ()
      %dma_start3A_184 = arith.constant 13 : i32
      %dma_start3A_185 = arith.constant 0 : i32
      %dma_start3A_186 = tpu.memref_slice %arg7[%dma_start3A_184, %dma_start3A_185] : memref<16x64xi32, #tpu.memory_space<vmem>> -> memref<1x64xi32, #tpu.memory_space<vmem>>
      %dma_start3A_187 = tpu.memref_squeeze %dma_start3A_186 : memref<1x64xi32, #tpu.memory_space<vmem>> -> memref<64xi32, #tpu.memory_space<vmem>>
      %dma_start3A_188 = arith.constant 0 : i32
      %dma_start3A_189 = arith.constant 0 : i32
      %dma_start3A_190 = tpu.memref_slice %arg4[%dma_start3A_188, %dma_start3A_189] : memref<10240x128xf32, #tpu.memory_space<hbm>> -> memref<10240x128xf32, #tpu.memory_space<hbm>>
      tpu.enqueue_indirect_dma source(%dma_start3A_190 : memref<10240x128xf32, #tpu.memory_space<hbm>>) target(%arg10 : memref<64x128xf32, #tpu.memory_space<vmem>>) offsets(%dma_start3A_187 : memref<64xi32, #tpu.memory_space<vmem>>) semaphore(%arg15 : memref<!tpu.dma_semaphore, #tpu.memory_space<semaphore_mem>>)
      %dma_wait3A_191 = arith.constant 10 : i32
      %dma_wait3A_192 = arith.constant 0 : i32
      %dma_wait3A_193 = tpu.memref_slice %arg7[%dma_wait3A_191, %dma_wait3A_192] : memref<16x64xi32, #tpu.memory_space<vmem>> -> memref<1x64xi32, #tpu.memory_space<vmem>>
      %dma_wait3A_194 = tpu.memref_squeeze %dma_wait3A_193 : memref<1x64xi32, #tpu.memory_space<vmem>> -> memref<64xi32, #tpu.memory_space<vmem>>
      %dma_wait3A_195 = arith.constant 0 : i32
      %dma_wait3A_196 = arith.constant 0 : i32
      %dma_wait3A_197 = tpu.memref_slice %arg4[%dma_wait3A_195, %dma_wait3A_196] : memref<10240x128xf32, #tpu.memory_space<hbm>> -> memref<10240x128xf32, #tpu.memory_space<hbm>>
      tpu.wait_indirect_dma semaphore(%arg16 : memref<!tpu.dma_semaphore, #tpu.memory_space<semaphore_mem>>) src(%dma_wait3A_197 : memref<10240x128xf32, #tpu.memory_space<hbm>>) dst(%arg11 : memref<64x128xf32, #tpu.memory_space<vmem>>)
      %run_scoped3A_198 = arith.constant 10 : i32
      "tpu.region"() ({
        %run_scoped3A_253 = tpu.sem_alloc : memref<!tpu.dma_semaphore, #tpu.memory_space<semaphore_mem>>
        %dma_start3A_254 = arith.constant 0 : i32
        %dma_start3A_255 = tpu.memref_slice %arg8[%run_scoped3A_198, %dma_start3A_254] : memref<16x64xi32, #tpu.memory_space<vmem>> -> memref<1x64xi32, #tpu.memory_space<vmem>>
        %dma_start3A_256 = tpu.memref_squeeze %dma_start3A_255 : memref<1x64xi32, #tpu.memory_space<vmem>> -> memref<64xi32, #tpu.memory_space<vmem>>
        %dma_start3A_257 = arith.constant 0 : i32
        %dma_start3A_258 = arith.constant 0 : i32
        %dma_start3A_259 = tpu.memref_slice %arg13[%dma_start3A_257, %dma_start3A_258] : memref<10240x128xf32, #tpu.memory_space<vmem_shared>> -> memref<10240x128xf32, #tpu.memory_space<vmem_shared>>
        tpu.enqueue_indirect_dma source(%arg11 : memref<64x128xf32, #tpu.memory_space<vmem>>) target(%dma_start3A_259 : memref<10240x128xf32, #tpu.memory_space<vmem_shared>>) offsets(%dma_start3A_256 : memref<64xi32, #tpu.memory_space<vmem>>) semaphore(%run_scoped3A_253 : memref<!tpu.dma_semaphore, #tpu.memory_space<semaphore_mem>>) {add = true}
        %dma_wait3A_260 = arith.constant 0 : i32
        %dma_wait3A_261 = tpu.memref_slice %arg8[%run_scoped3A_198, %dma_wait3A_260] : memref<16x64xi32, #tpu.memory_space<vmem>> -> memref<1x64xi32, #tpu.memory_space<vmem>>
        %dma_wait3A_262 = tpu.memref_squeeze %dma_wait3A_261 : memref<1x64xi32, #tpu.memory_space<vmem>> -> memref<64xi32, #tpu.memory_space<vmem>>
        %dma_wait3A_263 = arith.constant 0 : i32
        %dma_wait3A_264 = arith.constant 0 : i32
        %dma_wait3A_265 = tpu.memref_slice %arg13[%dma_wait3A_263, %dma_wait3A_264] : memref<10240x128xf32, #tpu.memory_space<vmem_shared>> -> memref<10240x128xf32, #tpu.memory_space<vmem_shared>>
        tpu.wait_indirect_dma semaphore(%run_scoped3A_253 : memref<!tpu.dma_semaphore, #tpu.memory_space<semaphore_mem>>) src(%arg11 : memref<64x128xf32, #tpu.memory_space<vmem>>) dst(%dma_wait3A_265 : memref<10240x128xf32, #tpu.memory_space<vmem_shared>>)
        tpu.yield
      }) : () -> ()
      %dma_start3A_199 = arith.constant 14 : i32
      %dma_start3A_200 = arith.constant 0 : i32
      %dma_start3A_201 = tpu.memref_slice %arg7[%dma_start3A_199, %dma_start3A_200] : memref<16x64xi32, #tpu.memory_space<vmem>> -> memref<1x64xi32, #tpu.memory_space<vmem>>
      %dma_start3A_202 = tpu.memref_squeeze %dma_start3A_201 : memref<1x64xi32, #tpu.memory_space<vmem>> -> memref<64xi32, #tpu.memory_space<vmem>>
      %dma_start3A_203 = arith.constant 0 : i32
      %dma_start3A_204 = arith.constant 0 : i32
      %dma_start3A_205 = tpu.memref_slice %arg4[%dma_start3A_203, %dma_start3A_204] : memref<10240x128xf32, #tpu.memory_space<hbm>> -> memref<10240x128xf32, #tpu.memory_space<hbm>>
      tpu.enqueue_indirect_dma source(%dma_start3A_205 : memref<10240x128xf32, #tpu.memory_space<hbm>>) target(%arg11 : memref<64x128xf32, #tpu.memory_space<vmem>>) offsets(%dma_start3A_202 : memref<64xi32, #tpu.memory_space<vmem>>) semaphore(%arg16 : memref<!tpu.dma_semaphore, #tpu.memory_space<semaphore_mem>>)
      %dma_wait3A_206 = arith.constant 11 : i32
      %dma_wait3A_207 = arith.constant 0 : i32
      %dma_wait3A_208 = tpu.memref_slice %arg7[%dma_wait3A_206, %dma_wait3A_207] : memref<16x64xi32, #tpu.memory_space<vmem>> -> memref<1x64xi32, #tpu.memory_space<vmem>>
      %dma_wait3A_209 = tpu.memref_squeeze %dma_wait3A_208 : memref<1x64xi32, #tpu.memory_space<vmem>> -> memref<64xi32, #tpu.memory_space<vmem>>
      %dma_wait3A_210 = arith.constant 0 : i32
      %dma_wait3A_211 = arith.constant 0 : i32
      %dma_wait3A_212 = tpu.memref_slice %arg4[%dma_wait3A_210, %dma_wait3A_211] : memref<10240x128xf32, #tpu.memory_space<hbm>> -> memref<10240x128xf32, #tpu.memory_space<hbm>>
      tpu.wait_indirect_dma semaphore(%arg17 : memref<!tpu.dma_semaphore, #tpu.memory_space<semaphore_mem>>) src(%dma_wait3A_212 : memref<10240x128xf32, #tpu.memory_space<hbm>>) dst(%arg12 : memref<64x128xf32, #tpu.memory_space<vmem>>)
      %run_scoped3A_213 = arith.constant 11 : i32
      "tpu.region"() ({
        %run_scoped3A_253 = tpu.sem_alloc : memref<!tpu.dma_semaphore, #tpu.memory_space<semaphore_mem>>
        %dma_start3A_254 = arith.constant 0 : i32
        %dma_start3A_255 = tpu.memref_slice %arg8[%run_scoped3A_213, %dma_start3A_254] : memref<16x64xi32, #tpu.memory_space<vmem>> -> memref<1x64xi32, #tpu.memory_space<vmem>>
        %dma_start3A_256 = tpu.memref_squeeze %dma_start3A_255 : memref<1x64xi32, #tpu.memory_space<vmem>> -> memref<64xi32, #tpu.memory_space<vmem>>
        %dma_start3A_257 = arith.constant 0 : i32
        %dma_start3A_258 = arith.constant 0 : i32
        %dma_start3A_259 = tpu.memref_slice %arg13[%dma_start3A_257, %dma_start3A_258] : memref<10240x128xf32, #tpu.memory_space<vmem_shared>> -> memref<10240x128xf32, #tpu.memory_space<vmem_shared>>
        tpu.enqueue_indirect_dma source(%arg12 : memref<64x128xf32, #tpu.memory_space<vmem>>) target(%dma_start3A_259 : memref<10240x128xf32, #tpu.memory_space<vmem_shared>>) offsets(%dma_start3A_256 : memref<64xi32, #tpu.memory_space<vmem>>) semaphore(%run_scoped3A_253 : memref<!tpu.dma_semaphore, #tpu.memory_space<semaphore_mem>>) {add = true}
        %dma_wait3A_260 = arith.constant 0 : i32
        %dma_wait3A_261 = tpu.memref_slice %arg8[%run_scoped3A_213, %dma_wait3A_260] : memref<16x64xi32, #tpu.memory_space<vmem>> -> memref<1x64xi32, #tpu.memory_space<vmem>>
        %dma_wait3A_262 = tpu.memref_squeeze %dma_wait3A_261 : memref<1x64xi32, #tpu.memory_space<vmem>> -> memref<64xi32, #tpu.memory_space<vmem>>
        %dma_wait3A_263 = arith.constant 0 : i32
        %dma_wait3A_264 = arith.constant 0 : i32
        %dma_wait3A_265 = tpu.memref_slice %arg13[%dma_wait3A_263, %dma_wait3A_264] : memref<10240x128xf32, #tpu.memory_space<vmem_shared>> -> memref<10240x128xf32, #tpu.memory_space<vmem_shared>>
        tpu.wait_indirect_dma semaphore(%run_scoped3A_253 : memref<!tpu.dma_semaphore, #tpu.memory_space<semaphore_mem>>) src(%arg12 : memref<64x128xf32, #tpu.memory_space<vmem>>) dst(%dma_wait3A_265 : memref<10240x128xf32, #tpu.memory_space<vmem_shared>>)
        tpu.yield
      }) : () -> ()
      %dma_start3A_214 = arith.constant 15 : i32
      %dma_start3A_215 = arith.constant 0 : i32
      %dma_start3A_216 = tpu.memref_slice %arg7[%dma_start3A_214, %dma_start3A_215] : memref<16x64xi32, #tpu.memory_space<vmem>> -> memref<1x64xi32, #tpu.memory_space<vmem>>
      %dma_start3A_217 = tpu.memref_squeeze %dma_start3A_216 : memref<1x64xi32, #tpu.memory_space<vmem>> -> memref<64xi32, #tpu.memory_space<vmem>>
      %dma_start3A_218 = arith.constant 0 : i32
      %dma_start3A_219 = arith.constant 0 : i32
      %dma_start3A_220 = tpu.memref_slice %arg4[%dma_start3A_218, %dma_start3A_219] : memref<10240x128xf32, #tpu.memory_space<hbm>> -> memref<10240x128xf32, #tpu.memory_space<hbm>>
      tpu.enqueue_indirect_dma source(%dma_start3A_220 : memref<10240x128xf32, #tpu.memory_space<hbm>>) target(%arg12 : memref<64x128xf32, #tpu.memory_space<vmem>>) offsets(%dma_start3A_217 : memref<64xi32, #tpu.memory_space<vmem>>) semaphore(%arg17 : memref<!tpu.dma_semaphore, #tpu.memory_space<semaphore_mem>>)
      %dma_wait3A_221 = arith.constant 12 : i32
      %dma_wait3A_222 = arith.constant 0 : i32
      %dma_wait3A_223 = tpu.memref_slice %arg7[%dma_wait3A_221, %dma_wait3A_222] : memref<16x64xi32, #tpu.memory_space<vmem>> -> memref<1x64xi32, #tpu.memory_space<vmem>>
      %dma_wait3A_224 = tpu.memref_squeeze %dma_wait3A_223 : memref<1x64xi32, #tpu.memory_space<vmem>> -> memref<64xi32, #tpu.memory_space<vmem>>
      %dma_wait3A_225 = arith.constant 0 : i32
      %dma_wait3A_226 = arith.constant 0 : i32
      %dma_wait3A_227 = tpu.memref_slice %arg4[%dma_wait3A_225, %dma_wait3A_226] : memref<10240x128xf32, #tpu.memory_space<hbm>> -> memref<10240x128xf32, #tpu.memory_space<hbm>>
      tpu.wait_indirect_dma semaphore(%arg14 : memref<!tpu.dma_semaphore, #tpu.memory_space<semaphore_mem>>) src(%dma_wait3A_227 : memref<10240x128xf32, #tpu.memory_space<hbm>>) dst(%arg9 : memref<64x128xf32, #tpu.memory_space<vmem>>)
      %run_scoped3A_228 = arith.constant 12 : i32
      "tpu.region"() ({
        %run_scoped3A_253 = tpu.sem_alloc : memref<!tpu.dma_semaphore, #tpu.memory_space<semaphore_mem>>
        %dma_start3A_254 = arith.constant 0 : i32
        %dma_start3A_255 = tpu.memref_slice %arg8[%run_scoped3A_228, %dma_start3A_254] : memref<16x64xi32, #tpu.memory_space<vmem>> -> memref<1x64xi32, #tpu.memory_space<vmem>>
        %dma_start3A_256 = tpu.memref_squeeze %dma_start3A_255 : memref<1x64xi32, #tpu.memory_space<vmem>> -> memref<64xi32, #tpu.memory_space<vmem>>
        %dma_start3A_257 = arith.constant 0 : i32
        %dma_start3A_258 = arith.constant 0 : i32
        %dma_start3A_259 = tpu.memref_slice %arg13[%dma_start3A_257, %dma_start3A_258] : memref<10240x128xf32, #tpu.memory_space<vmem_shared>> -> memref<10240x128xf32, #tpu.memory_space<vmem_shared>>
        tpu.enqueue_indirect_dma source(%arg9 : memref<64x128xf32, #tpu.memory_space<vmem>>) target(%dma_start3A_259 : memref<10240x128xf32, #tpu.memory_space<vmem_shared>>) offsets(%dma_start3A_256 : memref<64xi32, #tpu.memory_space<vmem>>) semaphore(%run_scoped3A_253 : memref<!tpu.dma_semaphore, #tpu.memory_space<semaphore_mem>>) {add = true}
        %dma_wait3A_260 = arith.constant 0 : i32
        %dma_wait3A_261 = tpu.memref_slice %arg8[%run_scoped3A_228, %dma_wait3A_260] : memref<16x64xi32, #tpu.memory_space<vmem>> -> memref<1x64xi32, #tpu.memory_space<vmem>>
        %dma_wait3A_262 = tpu.memref_squeeze %dma_wait3A_261 : memref<1x64xi32, #tpu.memory_space<vmem>> -> memref<64xi32, #tpu.memory_space<vmem>>
        %dma_wait3A_263 = arith.constant 0 : i32
        %dma_wait3A_264 = arith.constant 0 : i32
        %dma_wait3A_265 = tpu.memref_slice %arg13[%dma_wait3A_263, %dma_wait3A_264] : memref<10240x128xf32, #tpu.memory_space<vmem_shared>> -> memref<10240x128xf32, #tpu.memory_space<vmem_shared>>
        tpu.wait_indirect_dma semaphore(%run_scoped3A_253 : memref<!tpu.dma_semaphore, #tpu.memory_space<semaphore_mem>>) src(%arg9 : memref<64x128xf32, #tpu.memory_space<vmem>>) dst(%dma_wait3A_265 : memref<10240x128xf32, #tpu.memory_space<vmem_shared>>)
        tpu.yield
      }) : () -> ()
      %dma_wait3A_229 = arith.constant 13 : i32
      %dma_wait3A_230 = arith.constant 0 : i32
      %dma_wait3A_231 = tpu.memref_slice %arg7[%dma_wait3A_229, %dma_wait3A_230] : memref<16x64xi32, #tpu.memory_space<vmem>> -> memref<1x64xi32, #tpu.memory_space<vmem>>
      %dma_wait3A_232 = tpu.memref_squeeze %dma_wait3A_231 : memref<1x64xi32, #tpu.memory_space<vmem>> -> memref<64xi32, #tpu.memory_space<vmem>>
      %dma_wait3A_233 = arith.constant 0 : i32
      %dma_wait3A_234 = arith.constant 0 : i32
      %dma_wait3A_235 = tpu.memref_slice %arg4[%dma_wait3A_233, %dma_wait3A_234] : memref<10240x128xf32, #tpu.memory_space<hbm>> -> memref<10240x128xf32, #tpu.memory_space<hbm>>
      tpu.wait_indirect_dma semaphore(%arg15 : memref<!tpu.dma_semaphore, #tpu.memory_space<semaphore_mem>>) src(%dma_wait3A_235 : memref<10240x128xf32, #tpu.memory_space<hbm>>) dst(%arg10 : memref<64x128xf32, #tpu.memory_space<vmem>>)
      %run_scoped3A_236 = arith.constant 13 : i32
      "tpu.region"() ({
        %run_scoped3A_253 = tpu.sem_alloc : memref<!tpu.dma_semaphore, #tpu.memory_space<semaphore_mem>>
        %dma_start3A_254 = arith.constant 0 : i32
        %dma_start3A_255 = tpu.memref_slice %arg8[%run_scoped3A_236, %dma_start3A_254] : memref<16x64xi32, #tpu.memory_space<vmem>> -> memref<1x64xi32, #tpu.memory_space<vmem>>
        %dma_start3A_256 = tpu.memref_squeeze %dma_start3A_255 : memref<1x64xi32, #tpu.memory_space<vmem>> -> memref<64xi32, #tpu.memory_space<vmem>>
        %dma_start3A_257 = arith.constant 0 : i32
        %dma_start3A_258 = arith.constant 0 : i32
        %dma_start3A_259 = tpu.memref_slice %arg13[%dma_start3A_257, %dma_start3A_258] : memref<10240x128xf32, #tpu.memory_space<vmem_shared>> -> memref<10240x128xf32, #tpu.memory_space<vmem_shared>>
        tpu.enqueue_indirect_dma source(%arg10 : memref<64x128xf32, #tpu.memory_space<vmem>>) target(%dma_start3A_259 : memref<10240x128xf32, #tpu.memory_space<vmem_shared>>) offsets(%dma_start3A_256 : memref<64xi32, #tpu.memory_space<vmem>>) semaphore(%run_scoped3A_253 : memref<!tpu.dma_semaphore, #tpu.memory_space<semaphore_mem>>) {add = true}
        %dma_wait3A_260 = arith.constant 0 : i32
        %dma_wait3A_261 = tpu.memref_slice %arg8[%run_scoped3A_236, %dma_wait3A_260] : memref<16x64xi32, #tpu.memory_space<vmem>> -> memref<1x64xi32, #tpu.memory_space<vmem>>
        %dma_wait3A_262 = tpu.memref_squeeze %dma_wait3A_261 : memref<1x64xi32, #tpu.memory_space<vmem>> -> memref<64xi32, #tpu.memory_space<vmem>>
        %dma_wait3A_263 = arith.constant 0 : i32
        %dma_wait3A_264 = arith.constant 0 : i32
        %dma_wait3A_265 = tpu.memref_slice %arg13[%dma_wait3A_263, %dma_wait3A_264] : memref<10240x128xf32, #tpu.memory_space<vmem_shared>> -> memref<10240x128xf32, #tpu.memory_space<vmem_shared>>
        tpu.wait_indirect_dma semaphore(%run_scoped3A_253 : memref<!tpu.dma_semaphore, #tpu.memory_space<semaphore_mem>>) src(%arg10 : memref<64x128xf32, #tpu.memory_space<vmem>>) dst(%dma_wait3A_265 : memref<10240x128xf32, #tpu.memory_space<vmem_shared>>)
        tpu.yield
      }) : () -> ()
      %dma_wait3A_237 = arith.constant 14 : i32
      %dma_wait3A_238 = arith.constant 0 : i32
      %dma_wait3A_239 = tpu.memref_slice %arg7[%dma_wait3A_237, %dma_wait3A_238] : memref<16x64xi32, #tpu.memory_space<vmem>> -> memref<1x64xi32, #tpu.memory_space<vmem>>
      %dma_wait3A_240 = tpu.memref_squeeze %dma_wait3A_239 : memref<1x64xi32, #tpu.memory_space<vmem>> -> memref<64xi32, #tpu.memory_space<vmem>>
      %dma_wait3A_241 = arith.constant 0 : i32
      %dma_wait3A_242 = arith.constant 0 : i32
      %dma_wait3A_243 = tpu.memref_slice %arg4[%dma_wait3A_241, %dma_wait3A_242] : memref<10240x128xf32, #tpu.memory_space<hbm>> -> memref<10240x128xf32, #tpu.memory_space<hbm>>
      tpu.wait_indirect_dma semaphore(%arg16 : memref<!tpu.dma_semaphore, #tpu.memory_space<semaphore_mem>>) src(%dma_wait3A_243 : memref<10240x128xf32, #tpu.memory_space<hbm>>) dst(%arg11 : memref<64x128xf32, #tpu.memory_space<vmem>>)
      %run_scoped3A_244 = arith.constant 14 : i32
      "tpu.region"() ({
        %run_scoped3A_253 = tpu.sem_alloc : memref<!tpu.dma_semaphore, #tpu.memory_space<semaphore_mem>>
        %dma_start3A_254 = arith.constant 0 : i32
        %dma_start3A_255 = tpu.memref_slice %arg8[%run_scoped3A_244, %dma_start3A_254] : memref<16x64xi32, #tpu.memory_space<vmem>> -> memref<1x64xi32, #tpu.memory_space<vmem>>
        %dma_start3A_256 = tpu.memref_squeeze %dma_start3A_255 : memref<1x64xi32, #tpu.memory_space<vmem>> -> memref<64xi32, #tpu.memory_space<vmem>>
        %dma_start3A_257 = arith.constant 0 : i32
        %dma_start3A_258 = arith.constant 0 : i32
        %dma_start3A_259 = tpu.memref_slice %arg13[%dma_start3A_257, %dma_start3A_258] : memref<10240x128xf32, #tpu.memory_space<vmem_shared>> -> memref<10240x128xf32, #tpu.memory_space<vmem_shared>>
        tpu.enqueue_indirect_dma source(%arg11 : memref<64x128xf32, #tpu.memory_space<vmem>>) target(%dma_start3A_259 : memref<10240x128xf32, #tpu.memory_space<vmem_shared>>) offsets(%dma_start3A_256 : memref<64xi32, #tpu.memory_space<vmem>>) semaphore(%run_scoped3A_253 : memref<!tpu.dma_semaphore, #tpu.memory_space<semaphore_mem>>) {add = true}
        %dma_wait3A_260 = arith.constant 0 : i32
        %dma_wait3A_261 = tpu.memref_slice %arg8[%run_scoped3A_244, %dma_wait3A_260] : memref<16x64xi32, #tpu.memory_space<vmem>> -> memref<1x64xi32, #tpu.memory_space<vmem>>
        %dma_wait3A_262 = tpu.memref_squeeze %dma_wait3A_261 : memref<1x64xi32, #tpu.memory_space<vmem>> -> memref<64xi32, #tpu.memory_space<vmem>>
        %dma_wait3A_263 = arith.constant 0 : i32
        %dma_wait3A_264 = arith.constant 0 : i32
        %dma_wait3A_265 = tpu.memref_slice %arg13[%dma_wait3A_263, %dma_wait3A_264] : memref<10240x128xf32, #tpu.memory_space<vmem_shared>> -> memref<10240x128xf32, #tpu.memory_space<vmem_shared>>
        tpu.wait_indirect_dma semaphore(%run_scoped3A_253 : memref<!tpu.dma_semaphore, #tpu.memory_space<semaphore_mem>>) src(%arg11 : memref<64x128xf32, #tpu.memory_space<vmem>>) dst(%dma_wait3A_265 : memref<10240x128xf32, #tpu.memory_space<vmem_shared>>)
        tpu.yield
      }) : () -> ()
      %dma_wait3A_245 = arith.constant 15 : i32
      %dma_wait3A_246 = arith.constant 0 : i32
      %dma_wait3A_247 = tpu.memref_slice %arg7[%dma_wait3A_245, %dma_wait3A_246] : memref<16x64xi32, #tpu.memory_space<vmem>> -> memref<1x64xi32, #tpu.memory_space<vmem>>
      %dma_wait3A_248 = tpu.memref_squeeze %dma_wait3A_247 : memref<1x64xi32, #tpu.memory_space<vmem>> -> memref<64xi32, #tpu.memory_space<vmem>>
      %dma_wait3A_249 = arith.constant 0 : i32
      %dma_wait3A_250 = arith.constant 0 : i32
      %dma_wait3A_251 = tpu.memref_slice %arg4[%dma_wait3A_249, %dma_wait3A_250] : memref<10240x128xf32, #tpu.memory_space<hbm>> -> memref<10240x128xf32, #tpu.memory_space<hbm>>
      tpu.wait_indirect_dma semaphore(%arg17 : memref<!tpu.dma_semaphore, #tpu.memory_space<semaphore_mem>>) src(%dma_wait3A_251 : memref<10240x128xf32, #tpu.memory_space<hbm>>) dst(%arg12 : memref<64x128xf32, #tpu.memory_space<vmem>>)
      %run_scoped3A_252 = arith.constant 15 : i32
      "tpu.region"() ({
        %run_scoped3A_253 = tpu.sem_alloc : memref<!tpu.dma_semaphore, #tpu.memory_space<semaphore_mem>>
        %dma_start3A_254 = arith.constant 0 : i32
        %dma_start3A_255 = tpu.memref_slice %arg8[%run_scoped3A_252, %dma_start3A_254] : memref<16x64xi32, #tpu.memory_space<vmem>> -> memref<1x64xi32, #tpu.memory_space<vmem>>
        %dma_start3A_256 = tpu.memref_squeeze %dma_start3A_255 : memref<1x64xi32, #tpu.memory_space<vmem>> -> memref<64xi32, #tpu.memory_space<vmem>>
        %dma_start3A_257 = arith.constant 0 : i32
        %dma_start3A_258 = arith.constant 0 : i32
        %dma_start3A_259 = tpu.memref_slice %arg13[%dma_start3A_257, %dma_start3A_258] : memref<10240x128xf32, #tpu.memory_space<vmem_shared>> -> memref<10240x128xf32, #tpu.memory_space<vmem_shared>>
        tpu.enqueue_indirect_dma source(%arg12 : memref<64x128xf32, #tpu.memory_space<vmem>>) target(%dma_start3A_259 : memref<10240x128xf32, #tpu.memory_space<vmem_shared>>) offsets(%dma_start3A_256 : memref<64xi32, #tpu.memory_space<vmem>>) semaphore(%run_scoped3A_253 : memref<!tpu.dma_semaphore, #tpu.memory_space<semaphore_mem>>) {add = true}
        %dma_wait3A_260 = arith.constant 0 : i32
        %dma_wait3A_261 = tpu.memref_slice %arg8[%run_scoped3A_252, %dma_wait3A_260] : memref<16x64xi32, #tpu.memory_space<vmem>> -> memref<1x64xi32, #tpu.memory_space<vmem>>
        %dma_wait3A_262 = tpu.memref_squeeze %dma_wait3A_261 : memref<1x64xi32, #tpu.memory_space<vmem>> -> memref<64xi32, #tpu.memory_space<vmem>>
        %dma_wait3A_263 = arith.constant 0 : i32
        %dma_wait3A_264 = arith.constant 0 : i32
        %dma_wait3A_265 = tpu.memref_slice %arg13[%dma_wait3A_263, %dma_wait3A_264] : memref<10240x128xf32, #tpu.memory_space<vmem_shared>> -> memref<10240x128xf32, #tpu.memory_space<vmem_shared>>
        tpu.wait_indirect_dma semaphore(%run_scoped3A_253 : memref<!tpu.dma_semaphore, #tpu.memory_space<semaphore_mem>>) src(%arg12 : memref<64x128xf32, #tpu.memory_space<vmem>>) dst(%dma_wait3A_265 : memref<10240x128xf32, #tpu.memory_space<vmem_shared>>)
        tpu.yield
      }) : () -> ()
    }
    %barrier3A_14 = arith.constant 0 : index
    tpu.barrier barrier_id(%barrier3A_14)
    "tpu.region"() ({
      %run_scoped3A = tpu.sem_alloc : memref<!tpu.dma_semaphore, #tpu.memory_space<semaphore_mem>>
      %dma_start3A = arith.constant 0 : i32
      %dma_start3A_15 = tpu.memref_slice %arg6[%arg0, %mul3A_2, %dma_start3A] : memref<2x10240x128xf32, #tpu.memory_space<hbm>> -> memref<1x640x128xf32, #tpu.memory_space<hbm>>
      %dma_start3A_16 = tpu.memref_squeeze %dma_start3A_15 : memref<1x640x128xf32, #tpu.memory_space<hbm>> -> memref<640x128xf32, #tpu.memory_space<hbm>>
      %dma_start3A_17 = arith.constant 0 : i32
      %dma_start3A_18 = tpu.memref_slice %arg13[%mul3A_2, %dma_start3A_17] : memref<10240x128xf32, #tpu.memory_space<vmem_shared>> -> memref<640x128xf32, #tpu.memory_space<vmem_shared>>
      tpu.enqueue_dma source(%dma_start3A_18 : memref<640x128xf32, #tpu.memory_space<vmem_shared>>) target(%dma_start3A_16 : memref<640x128xf32, #tpu.memory_space<hbm>>) target_semaphore(%run_scoped3A : memref<!tpu.dma_semaphore, #tpu.memory_space<semaphore_mem>>)
      %dma_wait3A = arith.constant 0 : i32
      %dma_wait3A_19 = tpu.memref_slice %arg6[%arg0, %mul3A_2, %dma_wait3A] : memref<2x10240x128xf32, #tpu.memory_space<hbm>> -> memref<1x640x128xf32, #tpu.memory_space<hbm>>
      %dma_wait3A_20 = tpu.memref_squeeze %dma_wait3A_19 : memref<1x640x128xf32, #tpu.memory_space<hbm>> -> memref<640x128xf32, #tpu.memory_space<hbm>>
      %dma_wait3A_21 = arith.constant 0 : i32
      %dma_wait3A_22 = tpu.memref_slice %arg13[%mul3A_2, %dma_wait3A_21] : memref<10240x128xf32, #tpu.memory_space<vmem_shared>> -> memref<640x128xf32, #tpu.memory_space<vmem_shared>>
      tpu.wait_dma2 semaphore(%run_scoped3A : memref<!tpu.dma_semaphore, #tpu.memory_space<semaphore_mem>>) src(%dma_wait3A_22 : memref<640x128xf32, #tpu.memory_space<vmem_shared>>) dst(%dma_wait3A_20 : memref<640x128xf32, #tpu.memory_space<hbm>>)
      tpu.yield
    }) : () -> ()
    return
  }
}

module attributes {stable_mosaic.version = 14 : i64} {
  func.func @_k2_body(%arg0: i32, %arg1: memref<2560x128xf32, #tpu.memory_space<vmem>>, %arg2: memref<128x128xf32, #tpu.memory_space<vmem>>, %arg3: memref<2x2560x1xf32, #tpu.memory_space<vmem>>, %arg4: memref<2560x128xf32, #tpu.memory_space<vmem>>, %arg5: memref<2560x128xf32, #tpu.memory_space<vmem>>, %arg6: memref<2560x1xf32, #tpu.memory_space<vmem>>) attributes {dimension_semantics = [#tpu.dimension_semantics<arbitrary>], iteration_bounds = array<i64: 4>, scalar_prefetch = 0 : i64, scratch_operands = 0 : i64, tpu.core_type = #tpu.core_type<tc>, window_params = [{transform_indices = @transform_0, window_bounds = array<i64: 2560, 128>}, {pipeline_mode = #tpu.pipeline_mode<synchronous>, transform_indices = @transform_1, window_bounds = array<i64: 128, 128>}, {transform_indices = @transform_2, window_bounds = array<i64: 2, 2560, 1>}, {transform_indices = @transform_3, window_bounds = array<i64: 2560, 128>}, {transform_indices = @transform_4, window_bounds = array<i64: 2560, 128>}, {transform_indices = @transform_5, window_bounds = array<i64: 2560, 1>}]} {
    %get3A = arith.constant 0 : index
    %get3A_0 = arith.constant 0 : index
    %get3A_1 = vector.load %arg1[%get3A, %get3A_0] : memref<2560x128xf32, #tpu.memory_space<vmem>>, vector<2560x128xf32>
    %get3A_2 = arith.constant 0 : index
    %get3A_3 = arith.constant 0 : index
    %get3A_4 = vector.load %arg2[%get3A_2, %get3A_3] : memref<128x128xf32, #tpu.memory_space<vmem>>, vector<128x128xf32>
    %dot_general3A = arith.constant dense<0.000000e+00> : vector<2560x128xf32>
    %dot_general3A_5 = tpu.matmul %get3A_1, %get3A_4, %dot_general3A {dimension_numbers = #tpu.dot_dimension_numbers<[1], [0], [0], [1], [0, 0, 1, 1], [], []>, transpose_lhs_hint = false} : vector<2560x128xf32>, vector<128x128xf32>, vector<2560x128xf32> -> vector<2560x128xf32>
    %get3A_6 = arith.constant 0 : index
    %get3A_7 = arith.constant 0 : index
    %get3A_8 = arith.constant 0 : index
    %get3A_9 = vector.load %arg3[%get3A_6, %get3A_7, %get3A_8] : memref<2x2560x1xf32, #tpu.memory_space<vmem>>, vector<1x2560x1xf32>
    %get3A_10 = vector.shape_cast %get3A_9 : vector<1x2560x1xf32> to vector<2560x1xf32>
    %get3A_11 = arith.constant 1 : index
    %get3A_12 = arith.constant 0 : index
    %get3A_13 = arith.constant 0 : index
    %get3A_14 = vector.load %arg3[%get3A_11, %get3A_12, %get3A_13] : memref<2x2560x1xf32, #tpu.memory_space<vmem>>, vector<1x2560x1xf32>
    %get3A_15 = vector.shape_cast %get3A_14 : vector<1x2560x1xf32> to vector<2560x1xf32>
    %add3A = arith.addf %get3A_10, %get3A_15 : vector<2560x1xf32>
    %add3A_16 = arith.constant 1.000000e+00 : f32
    %add3A_17 = vector.broadcast %add3A_16 : f32 to vector<2560x1xf32>
    %add3A_18 = arith.addf %add3A, %add3A_17 : vector<2560x1xf32>
    %rsqrt3A = math.rsqrt %add3A_18 : vector<2560x1xf32>
    %swap3A = arith.constant 0 : index
    %swap3A_19 = arith.constant 0 : index
    %swap3A_20 = vector.load %arg4[%swap3A, %swap3A_19] : memref<2560x128xf32, #tpu.memory_space<vmem>>, vector<2560x128xf32>
    tpu.vector_store %arg4[%swap3A, %swap3A_19], %dot_general3A_5 {strides = array<i32>} : memref<2560x128xf32, #tpu.memory_space<vmem>>, vector<2560x128xf32>,
    %mul3A = vector.broadcast %rsqrt3A : vector<2560x1xf32> to vector<2560x128xf32>
    %mul3A_21 = arith.mulf %dot_general3A_5, %mul3A : vector<2560x128xf32>
    %swap3A_22 = arith.constant 0 : index
    %swap3A_23 = arith.constant 0 : index
    %swap3A_24 = vector.load %arg5[%swap3A_22, %swap3A_23] : memref<2560x128xf32, #tpu.memory_space<vmem>>, vector<2560x128xf32>
    tpu.vector_store %arg5[%swap3A_22, %swap3A_23], %mul3A_21 {strides = array<i32>} : memref<2560x128xf32, #tpu.memory_space<vmem>>, vector<2560x128xf32>,
    %swap3A_25 = arith.constant 0 : index
    %swap3A_26 = arith.constant 0 : index
    %swap3A_27 = vector.load %arg6[%swap3A_25, %swap3A_26] : memref<2560x1xf32, #tpu.memory_space<vmem>>, vector<2560x1xf32>
    tpu.vector_store %arg6[%swap3A_25, %swap3A_26], %rsqrt3A {strides = array<i32>} : memref<2560x1xf32, #tpu.memory_space<vmem>>, vector<2560x1xf32>,
    return
  }
  func.func @transform_0(%arg0: i32) -> (i32, i32) {
    %c0_i32 = arith.constant 0 : i32
    %c0_i32_0 = arith.constant 0 : i32
    return %arg0, %c0_i32 : i32, i32
  }
  func.func @transform_1(%arg0: i32) -> (i32, i32) {
    %c0_i32 = arith.constant 0 : i32
    %c0_i32_0 = arith.constant 0 : i32
    %c0_i32_1 = arith.constant 0 : i32
    return %c0_i32, %c0_i32_0 : i32, i32
  }
  func.func @transform_2(%arg0: i32) -> (i32, i32, i32) {
    %c0_i32 = arith.constant 0 : i32
    %c0_i32_0 = arith.constant 0 : i32
    %c0_i32_1 = arith.constant 0 : i32
    return %c0_i32, %arg0, %c0_i32_0 : i32, i32, i32
  }
  func.func @transform_3(%arg0: i32) -> (i32, i32) {
    %c0_i32 = arith.constant 0 : i32
    %c0_i32_0 = arith.constant 0 : i32
    return %arg0, %c0_i32 : i32, i32
  }
  func.func @transform_4(%arg0: i32) -> (i32, i32) {
    %c0_i32 = arith.constant 0 : i32
    %c0_i32_0 = arith.constant 0 : i32
    return %arg0, %c0_i32 : i32, i32
  }
  func.func @transform_5(%arg0: i32) -> (i32, i32) {
    %c0_i32 = arith.constant 0 : i32
    %c0_i32_0 = arith.constant 0 : i32
    return %arg0, %c0_i32 : i32, i32
  }
}

module attributes {stable_mosaic.version = 14 : i64} {
  func.func @_k4_body(%arg0: i32, %arg1: memref<2x2560x128xf32, #tpu.memory_space<vmem>>, %arg2: memref<2560x128xf32, #tpu.memory_space<vmem>>, %arg3: memref<2560x1xf32, #tpu.memory_space<vmem>>, %arg4: memref<1x128xf32, #tpu.memory_space<vmem>>, %arg5: memref<2560x128xf32, #tpu.memory_space<vmem>>, %arg6: memref<2560x128xf32, #tpu.memory_space<vmem>>) attributes {dimension_semantics = [#tpu.dimension_semantics<arbitrary>], iteration_bounds = array<i64: 4>, scalar_prefetch = 0 : i64, scratch_operands = 0 : i64, tpu.core_type = #tpu.core_type<tc>, window_params = [{transform_indices = @transform_0, window_bounds = array<i64: 2, 2560, 128>}, {transform_indices = @transform_1, window_bounds = array<i64: 2560, 128>}, {transform_indices = @transform_2, window_bounds = array<i64: 2560, 1>}, {pipeline_mode = #tpu.pipeline_mode<synchronous>, transform_indices = @transform_3, window_bounds = array<i64: 1, 128>}, {transform_indices = @transform_4, window_bounds = array<i64: 2560, 128>}, {transform_indices = @transform_5, window_bounds = array<i64: 2560, 128>}]} {
    %get3A = arith.constant 0 : index
    %get3A_0 = arith.constant 0 : index
    %get3A_1 = arith.constant 0 : index
    %get3A_2 = vector.load %arg1[%get3A, %get3A_0, %get3A_1] : memref<2x2560x128xf32, #tpu.memory_space<vmem>>, vector<1x2560x128xf32>
    %get3A_3 = vector.shape_cast %get3A_2 : vector<1x2560x128xf32> to vector<2560x128xf32>
    %get3A_4 = arith.constant 1 : index
    %get3A_5 = arith.constant 0 : index
    %get3A_6 = arith.constant 0 : index
    %get3A_7 = vector.load %arg1[%get3A_4, %get3A_5, %get3A_6] : memref<2x2560x128xf32, #tpu.memory_space<vmem>>, vector<1x2560x128xf32>
    %get3A_8 = vector.shape_cast %get3A_7 : vector<1x2560x128xf32> to vector<2560x128xf32>
    %add3A = arith.addf %get3A_3, %get3A_8 : vector<2560x128xf32>
    %get3A_9 = arith.constant 0 : index
    %get3A_10 = arith.constant 0 : index
    %get3A_11 = vector.load %arg3[%get3A_9, %get3A_10] : memref<2560x1xf32, #tpu.memory_space<vmem>>, vector<2560x1xf32>
    %mul3A = vector.broadcast %get3A_11 : vector<2560x1xf32> to vector<2560x128xf32>
    %mul3A_12 = arith.mulf %mul3A, %add3A : vector<2560x128xf32>
    %mul3A_13 = arith.mulf %get3A_11, %get3A_11 : vector<2560x1xf32>
    %get3A_14 = arith.constant 0 : index
    %get3A_15 = arith.constant 0 : index
    %get3A_16 = vector.load %arg2[%get3A_14, %get3A_15] : memref<2560x128xf32, #tpu.memory_space<vmem>>, vector<2560x128xf32>
    %mul3A_17 = vector.broadcast %mul3A_13 : vector<2560x1xf32> to vector<2560x128xf32>
    %mul3A_18 = arith.mulf %mul3A_17, %get3A_16 : vector<2560x128xf32>
    %add3A_19 = arith.addf %mul3A_12, %mul3A_18 : vector<2560x128xf32>
    %get3A_20 = arith.constant 0 : index
    %get3A_21 = arith.constant 0 : index
    %get3A_22 = vector.load %arg4[%get3A_20, %get3A_21] : memref<1x128xf32, #tpu.memory_space<vmem>>, vector<1x128xf32>
    %add3A_23 = vector.broadcast %get3A_22 : vector<1x128xf32> to vector<2560x128xf32>
    %add3A_24 = arith.addf %add3A_19, %add3A_23 : vector<2560x128xf32>
    %max3A = arith.constant 0.000000e+00 : f32
    %max3A_25 = vector.broadcast %max3A : f32 to vector<2560x128xf32>
    %max3A_26 = arith.maximumf %add3A_24, %max3A_25 : vector<2560x128xf32>
    %swap3A = arith.constant 0 : index
    %swap3A_27 = arith.constant 0 : index
    %swap3A_28 = vector.load %arg5[%swap3A, %swap3A_27] : memref<2560x128xf32, #tpu.memory_space<vmem>>, vector<2560x128xf32>
    tpu.vector_store %arg5[%swap3A, %swap3A_27], %max3A_26 {strides = array<i32>} : memref<2560x128xf32, #tpu.memory_space<vmem>>, vector<2560x128xf32>,
    %mul3A_29 = vector.broadcast %get3A_11 : vector<2560x1xf32> to vector<2560x128xf32>
    %mul3A_30 = arith.mulf %mul3A_29, %max3A_26 : vector<2560x128xf32>
    %swap3A_31 = arith.constant 0 : index
    %swap3A_32 = arith.constant 0 : index
    %swap3A_33 = vector.load %arg6[%swap3A_31, %swap3A_32] : memref<2560x128xf32, #tpu.memory_space<vmem>>, vector<2560x128xf32>
    tpu.vector_store %arg6[%swap3A_31, %swap3A_32], %mul3A_30 {strides = array<i32>} : memref<2560x128xf32, #tpu.memory_space<vmem>>, vector<2560x128xf32>,
    return
  }
  func.func @transform_0(%arg0: i32) -> (i32, i32, i32) {
    %c0_i32 = arith.constant 0 : i32
    %c0_i32_0 = arith.constant 0 : i32
    %c0_i32_1 = arith.constant 0 : i32
    return %c0_i32, %arg0, %c0_i32_0 : i32, i32, i32
  }
  func.func @transform_1(%arg0: i32) -> (i32, i32) {
    %c0_i32 = arith.constant 0 : i32
    %c0_i32_0 = arith.constant 0 : i32
    return %arg0, %c0_i32 : i32, i32
  }
  func.func @transform_2(%arg0: i32) -> (i32, i32) {
    %c0_i32 = arith.constant 0 : i32
    %c0_i32_0 = arith.constant 0 : i32
    return %arg0, %c0_i32 : i32, i32
  }
  func.func @transform_3(%arg0: i32) -> (i32, i32) {
    %c0_i32 = arith.constant 0 : i32
    %c0_i32_0 = arith.constant 0 : i32
    %c0_i32_1 = arith.constant 0 : i32
    return %c0_i32, %c0_i32_0 : i32, i32
  }
  func.func @transform_4(%arg0: i32) -> (i32, i32) {
    %c0_i32 = arith.constant 0 : i32
    %c0_i32_0 = arith.constant 0 : i32
    return %arg0, %c0_i32 : i32, i32
  }
  func.func @transform_5(%arg0: i32) -> (i32, i32) {
    %c0_i32 = arith.constant 0 : i32
    %c0_i32_0 = arith.constant 0 : i32
    return %arg0, %c0_i32 : i32, i32
  }
}

module attributes {stable_mosaic.version = 14 : i64} {
  func.func @_k6_body(%arg0: i32, %arg1: memref<2x2000x128xf32, #tpu.memory_space<vmem>>, %arg2: memref<2000x128xf32, #tpu.memory_space<vmem>>, %arg3: memref<2000x1xf32, #tpu.memory_space<vmem>>, %arg4: memref<128x1000xf32, #tpu.memory_space<vmem>>, %arg5: memref<1x1000xf32, #tpu.memory_space<vmem>>, %arg6: memref<2000x1000xf32, #tpu.memory_space<vmem>>) attributes {dimension_semantics = [#tpu.dimension_semantics<arbitrary>], iteration_bounds = array<i64: 5>, scalar_prefetch = 0 : i64, scratch_operands = 0 : i64, tpu.core_type = #tpu.core_type<tc>, window_params = [{transform_indices = @transform_0, window_bounds = array<i64: 2, 2000, 128>}, {transform_indices = @transform_1, window_bounds = array<i64: 2000, 128>}, {transform_indices = @transform_2, window_bounds = array<i64: 2000, 1>}, {pipeline_mode = #tpu.pipeline_mode<synchronous>, transform_indices = @transform_3, window_bounds = array<i64: 128, 1000>}, {pipeline_mode = #tpu.pipeline_mode<synchronous>, transform_indices = @transform_4, window_bounds = array<i64: 1, 1000>}, {transform_indices = @transform_5, window_bounds = array<i64: 2000, 1000>}]} {
    %get3A = arith.constant 0 : index
    %get3A_0 = arith.constant 0 : index
    %get3A_1 = arith.constant 0 : index
    %get3A_2 = vector.load %arg1[%get3A, %get3A_0, %get3A_1] : memref<2x2000x128xf32, #tpu.memory_space<vmem>>, vector<1x2000x128xf32>
    %get3A_3 = vector.shape_cast %get3A_2 : vector<1x2000x128xf32> to vector<2000x128xf32>
    %get3A_4 = arith.constant 1 : index
    %get3A_5 = arith.constant 0 : index
    %get3A_6 = arith.constant 0 : index
    %get3A_7 = vector.load %arg1[%get3A_4, %get3A_5, %get3A_6] : memref<2x2000x128xf32, #tpu.memory_space<vmem>>, vector<1x2000x128xf32>
    %get3A_8 = vector.shape_cast %get3A_7 : vector<1x2000x128xf32> to vector<2000x128xf32>
    %add3A = arith.addf %get3A_3, %get3A_8 : vector<2000x128xf32>
    %get3A_9 = arith.constant 0 : index
    %get3A_10 = arith.constant 0 : index
    %get3A_11 = vector.load %arg3[%get3A_9, %get3A_10] : memref<2000x1xf32, #tpu.memory_space<vmem>>, vector<2000x1xf32>
    %mul3A = vector.broadcast %get3A_11 : vector<2000x1xf32> to vector<2000x128xf32>
    %mul3A_12 = arith.mulf %mul3A, %add3A : vector<2000x128xf32>
    %mul3A_13 = arith.mulf %get3A_11, %get3A_11 : vector<2000x1xf32>
    %get3A_14 = arith.constant 0 : index
    %get3A_15 = arith.constant 0 : index
    %get3A_16 = vector.load %arg2[%get3A_14, %get3A_15] : memref<2000x128xf32, #tpu.memory_space<vmem>>, vector<2000x128xf32>
    %mul3A_17 = vector.broadcast %mul3A_13 : vector<2000x1xf32> to vector<2000x128xf32>
    %mul3A_18 = arith.mulf %mul3A_17, %get3A_16 : vector<2000x128xf32>
    %add3A_19 = arith.addf %mul3A_12, %mul3A_18 : vector<2000x128xf32>
    %get3A_20 = arith.constant 0 : index
    %get3A_21 = arith.constant 0 : index
    %get3A_22 = vector.load %arg4[%get3A_20, %get3A_21] : memref<128x1000xf32, #tpu.memory_space<vmem>>, vector<128x1000xf32>
    %dot_general3A = arith.constant dense<0.000000e+00> : vector<2000x1000xf32>
    %dot_general3A_23 = tpu.matmul %add3A_19, %get3A_22, %dot_general3A {dimension_numbers = #tpu.dot_dimension_numbers<[1], [0], [0], [1], [0, 0, 1, 1], [], []>, transpose_lhs_hint = false} : vector<2000x128xf32>, vector<128x1000xf32>, vector<2000x1000xf32> -> vector<2000x1000xf32>
    %get3A_24 = arith.constant 0 : index
    %get3A_25 = arith.constant 0 : index
    %get3A_26 = vector.load %arg5[%get3A_24, %get3A_25] : memref<1x1000xf32, #tpu.memory_space<vmem>>, vector<1x1000xf32>
    %add3A_27 = vector.broadcast %get3A_26 : vector<1x1000xf32> to vector<2000x1000xf32>
    %add3A_28 = arith.addf %dot_general3A_23, %add3A_27 : vector<2000x1000xf32>
    %swap3A = arith.constant 0 : index
    %swap3A_29 = arith.constant 0 : index
    %swap3A_30 = vector.load %arg6[%swap3A, %swap3A_29] : memref<2000x1000xf32, #tpu.memory_space<vmem>>, vector<2000x1000xf32>
    tpu.vector_store %arg6[%swap3A, %swap3A_29], %add3A_28 {strides = array<i32>} : memref<2000x1000xf32, #tpu.memory_space<vmem>>, vector<2000x1000xf32>,
    return
  }
  func.func @transform_0(%arg0: i32) -> (i32, i32, i32) {
    %c0_i32 = arith.constant 0 : i32
    %c0_i32_0 = arith.constant 0 : i32
    %c0_i32_1 = arith.constant 0 : i32
    return %c0_i32, %arg0, %c0_i32_0 : i32, i32, i32
  }
  func.func @transform_1(%arg0: i32) -> (i32, i32) {
    %c0_i32 = arith.constant 0 : i32
    %c0_i32_0 = arith.constant 0 : i32
    return %arg0, %c0_i32 : i32, i32
  }
  func.func @transform_2(%arg0: i32) -> (i32, i32) {
    %c0_i32 = arith.constant 0 : i32
    %c0_i32_0 = arith.constant 0 : i32
    return %arg0, %c0_i32 : i32, i32
  }
  func.func @transform_3(%arg0: i32) -> (i32, i32) {
    %c0_i32 = arith.constant 0 : i32
    %c0_i32_0 = arith.constant 0 : i32
    %c0_i32_1 = arith.constant 0 : i32
    return %c0_i32, %c0_i32_0 : i32, i32
  }
  func.func @transform_4(%arg0: i32) -> (i32, i32) {
    %c0_i32 = arith.constant 0 : i32
    %c0_i32_0 = arith.constant 0 : i32
    %c0_i32_1 = arith.constant 0 : i32
    return %c0_i32, %c0_i32_0 : i32, i32
  }
  func.func @transform_5(%arg0: i32) -> (i32, i32) {
    %c0_i32 = arith.constant 0 : i32
    %c0_i32_0 = arith.constant 0 : i32
    return %arg0, %c0_i32 : i32, i32
  }
}

</mosaic_0001>

<sc_bundles>
// kernel: kernel.11.cloned.1.call-start
scs
__scs_entry_jumppad:
0x0: {  	(pc) =	sbr.rel $0x88, $3  }
0x1: {  	(tag) =	ssettag $0x0;
	lr =	simm.s32 $0x1  }
0x2: {  	[smem:$0x3F9B] =	sst lr;
	_ =	strace $0xD0000000  }
0x3: {  	_ = 	snop  }
0x4: {  	_ = 	snop  }
0x5: {  	_ = 	snop  }
0x6: {  	_ = 	snop  }
0x7: {  	_ = 	snop  }
__scs_overlays_trampoline_lowered:
0x8: {  	[smem:$0x3FAA] =	sst s0  }
0x9: {  	[smem:$0x3FAB] =	sst s1  }
0xa: {  	[smem:$0x3FAC] =	sst s2  }
0xb: {  	[smem:$0x3FAD] =	sst s3  }
0xc: {  	[smem:$0x3FAE] =	sst s4  }
0xd: {  	[smem:$0x3FAF] =	sst s5  }
0xe: {  	[smem:$0x3FB0] =	sst s6  }
0xf: {  	[smem:$0x3FB1] =	sst s7  }
0x10: {  	[smem:$0x3FB2] =	sst s8  }
0x11: {  	[smem:$0x3FB3] =	sst s9;
	s0 =	simm.s32 @!p0 $0x0  }
0x12: {  	s1 =	sld [smem:$0x3F99];
	s0 =	simm.s32 @p0 $0x1  }
0x13: {  	[smem:$0x3FB4] =	sst s0;
	s0 =	simm.s32 @!p1 $0x0  }
0x14: {  	s2 =	sld [smem:$0x3F98];
	s0 =	simm.s32 @p1 $0x1  }
0x15: {  	[smem:$0x3FB5] =	sst s0;
	s0 =	simm.s32 @!p2 $0x0  }
0x16: {  	s3 =	sld [smem:$0x3FDB];
	s0 =	simm.s32 @p2 $0x1  }
0x17: {  	s4 =	simm.s32 $0x1BF5;
	[smem:$0x3FB7] =	sst s0  }
0x18: {  	s0 =	sld [smem:$0x3F9A];
	_ =	swait.ge [sflag:s4], $0x0  }
0x19: {  	s7 =	sld [smem:$0x3F9B]  }
0x1a: {  	s8 =	sadd.s32 $0xFFFFE003, lr  }
0x1b: {  	s9 =	sadd.s32 $0xFFFFFEF7, lr;
	s5 =	simm.s32 $0xFFFFFFFF;
	p2 =	slt.u32 s8, $0xFFFFF086  }
0x1c: {  	p1 =	slt.u32 s9, $0xF7A;
	s5 =	simm.s32 @!p2 $0x0  }
0x1d: {  	s5 =	simm.s32 @p1 $0x1;
	p0 =	seq.s32 s7, s2  }
0x1e: {  	s7 =	smul.u32 @!p0 $0xF7A, s2;
	p2 =	seq.s32 @!p0 s5, $0x0  }
0x1f: {  	s9 =	smul.u32 $0xF7A, s1;
	s8 =	simm.s32 @!p0 $0x1BF5;
	p2 =	por !p2, p0  }
0x20: {  	[sflag:s8] =	ssyncset.s32 @!p0 $0xFFFFF086;
	s6 =	sadd.s32 @!p0 s3, s7;
	s7 =	simm.s32 @!p0 $0x108  }
0x21: {  	s3 =	sadd.s32 s3, s9;
	s6 =	sadd.s32 @!p0 $0x88, s6;
	s7 =	simm.s32 @p2 $0x1082  }
0x22: {  	[simem:s7], [sflag:s8] =	dma.local @!p0 [hbm:s6], $0xF7A  }
0x23: {  	s9 =	sor.u32 $0xD0000000, s2;
	s6 =	simm.s32 $0x108;
	_ =	swait.ge @!p0 [sflag:s8], $0x0  }
0x24: {  	s3 =	sadd.s32 $0x88, s3;
	s6 =	simm.s32 @!p1 $0x1082;
	[sflag:s4] =	ssyncset.s32 $0xFFFFF086  }
0x25: {  	[simem:s6], [sflag:s4] =	dma.local [hbm:s3], $0xF7A  }
0x26: {  	[smem:$0x3F9B] =	sst s1;
	(tag) =	ssettag s2;
	_ =	strace s9  }
0x27: {  	s1 =	sld [smem:$0x3FAB]  }
0x28: {  	s2 =	sld [smem:$0x3FAC]  }
0x29: {  	s4 =	sld [smem:$0x3FAE]  }
0x2a: {  	p0 =	seq.s32 s5, $0x0;
	s5 =	sld [smem:$0x3FAF]  }
0x2b: {  	s6 =	sld [smem:$0x3FB0]  }
0x2c: {  	s7 =	sld [smem:$0x3FB1]  }
0x2d: {  	s3 =	simm.s32 $0x108;
	s8 =	sld [smem:$0x3FB2]  }
0x2e: {  	s3 =	simm.s32 @!p0 $0x1082;
	s9 =	sld [smem:$0x3FB3]  }
0x2f: {  	lr =	sadd.s32 s0, s3;
	s0 =	sld [smem:$0x3FAA]  }
0x30: {  	s3 =	sld [smem:$0x3FAD]  }
0x31: {  	[smem:$0x3FB6] =	sst s10  }
0x32: {  	s10 =	sld [smem:$0x3FB4];
	_ =	sdelay $0x3  }
0x33: {  	p0 =	seq.s32 s10, $0x1;
	s10 =	sld [smem:$0x3FB6];
	_ =	sdelay $0x3  }
0x34: {  	[smem:$0x3FB6] =	sst s10  }
0x35: {  	s10 =	sld [smem:$0x3FB5];
	_ =	sdelay $0x3  }
0x36: {  	p1 =	seq.s32 s10, $0x1;
	s10 =	sld [smem:$0x3FB6];
	_ =	sdelay $0x3  }
0x37: {  	[smem:$0x3FB6] =	sst s10  }
0x38: {  	s10 =	sld [smem:$0x3FB7]  }
0x39: {  	_ = 	snop;
	(pc) =	sbr.ind lr, $3  }
0x3a: {  	_ = 	snop  }
0x3b: {  	_ = 	snop  }
0x3c: {  	p2 =	seq.s32 s10, $0x1;
	s10 =	sld [smem:$0x3FB6]  }
0x3d: {  	_ =	shalt  }
0x3e: {  	_ =	shalt  }
0x3f: {  	_ =	shalt  }
0x40: {  	_ =	shalt  }
0x41: {  	_ =	shalt  }
0x42: {  	_ =	shalt  }
0x43: {  	_ =	shalt  }
0x44: {  	_ =	shalt  }
0x45: {  	_ =	shalt  }
0x46: {  	_ =	shalt  }
0x47: {  	_ =	shalt  }
0x48: {  	_ =	shalt  }
0x49: {  	_ =	shalt  }
0x4a: {  	_ =	shalt  }
0x4b: {  	_ =	shalt  }
0x4c: {  	_ =	shalt  }
0x4d: {  	_ =	shalt  }
0x4e: {  	_ =	shalt  }
0x4f: {  	_ =	shalt  }
0x50: {  	_ =	shalt  }
0x51: {  	_ =	shalt  }
0x52: {  	_ =	shalt  }
0x53: {  	_ =	shalt  }
0x54: {  	_ =	shalt  }
0x55: {  	_ =	shalt  }
0x56: {  	_ =	shalt  }
0x57: {  	_ =	shalt  }
0x58: {  	_ =	shalt  }
0x59: {  	_ =	shalt  }
0x5a: {  	_ =	shalt  }
0x5b: {  	_ =	shalt  }
0x5c: {  	_ =	shalt  }
0x5d: {  	_ =	shalt  }
0x5e: {  	_ =	shalt  }
0x5f: {  	_ =	shalt  }
0x60: {  	_ =	shalt  }
0x61: {  	_ =	shalt  }
0x62: {  	_ =	shalt  }
0x63: {  	_ =	shalt  }
0x64: {  	_ =	shalt  }
0x65: {  	_ =	shalt  }
0x66: {  	_ =	shalt  }
0x67: {  	_ =	shalt  }
0x68: {  	_ =	shalt  }
0x69: {  	_ =	shalt  }
0x6a: {  	_ =	shalt  }
0x6b: {  	_ =	shalt  }
0x6c: {  	_ =	shalt  }
0x6d: {  	_ =	shalt  }
0x6e: {  	_ =	shalt  }
0x6f: {  	_ =	shalt  }
0x70: {  	_ =	shalt  }
0x71: {  	_ =	shalt  }
0x72: {  	_ =	shalt  }
0x73: {  	_ =	shalt  }
0x74: {  	_ =	shalt  }
0x75: {  	_ =	shalt  }
0x76: {  	_ =	shalt  }
0x77: {  	_ =	shalt  }
0x78: {  	_ =	shalt  }
0x79: {  	_ =	shalt  }
0x7a: {  	_ =	shalt  }
0x7b: {  	_ =	shalt  }
0x7c: {  	_ =	shalt  }
0x7d: {  	_ =	shalt  }
0x7e: {  	_ =	shalt  }
0x7f: {  	_ =	shalt  }
0x80: {  	_ =	shalt  }
0x81: {  	_ =	shalt  }
0x82: {  	_ =	shalt  }
0x83: {  	_ =	shalt  }
0x84: {  	_ =	shalt  }
0x85: {  	_ =	shalt  }
0x86: {  	_ =	shalt  }
0x87: {  	_ =	shalt  }
.Lfunc_end0:
.L_simem_size_0:
called_computation.1_lowered:
.L_overlay_start_0:
0x88: {  	s2 =	sld [smem:$0x3FD9]  }
0x89: {  	s3 =	sld [smem:$0x3FFE];
	_ =	sdelay $0x1  }
0x8a: {  	s1 =	srdreg.scid  }
0x8b: {  	s0 =	sand.u32 $0x1, s1  }
0x8c: {  	s17 =	sshll.u32 s0, $0xA;
	s2 =	sadd.s32 s3, s2  }
0x8d: {  	s2 =	sadd.s32 s2, s17  }
0x8e: {  	[smem:$0x3FC2] =	sst s2  }
0x8f: {  	_ = 	snop  }
0x90: {  	s2 =	sld [smem:$0x3FD0];
	(tm) =	ssettm $0x1  }
0x91: {  	s18 =	sld [smem:$0x3FFB];
	_ =	sdelay $0x3  }
0x92: {  	_ =	strace s18  }
0x93: {  	s3 =	sld [smem:$0x3FFC];
	_ =	sdelay $0x3  }
0x94: {  	_ =	strace s3  }
0x95: {  	s3 =	sld [smem:$0x3FFD];
	_ =	sdelay $0x3  }
0x96: {  	_ =	strace s3  }
0x97: {  	_ =	strace $0x8FFFFFFF  }
0x98: {  	s19 =	sld [smem:$0x3FDB];
	_ =	sdelay $0x1  }
0x99: {  	s4 =	simm.s32 $_scs_section_size  }
0x9a: {  	s5 =	simm.s32 $_size__tile_overlayer_lowered;
	s6 =	simm.s32 $_tile_overlayer_lowered  }
0x9b: {  	s22 =	simm.s32 $0x1BFF;
	s21 =	sshll.u32 s6, $0x1;
	s3 =	sadd.s32 s4, s19  }
0x9c: {  	s7 =	simm.s32 $0x0;
	s20 =	sshll.u32 s5, $0x1;
	s5 =	sadd.s32 s21, s3  }
0x9d: {  	[timem:s7], [sflag:s22] =	dma.local [hbm:s5], s20  }
0x9e: {  	_ =	swait.ge [sflag:s22], s20  }
0x9f: {  	s4 =	ssub.s32 $0x0, s20;
	[sflag:s22] =	ssyncset.done $0x0  }
0xa0: {  	[sflag:s22] =	ssyncadd.s32 s4;
	_ =	sdelay $0x1  }
0xa1: {  	s23 =	simm.s32 $0x1B8B  }
0xa2: {  	_ =	swait.ge [sflag:s23], $0x1  }
0xa3: {  	[sflag:s23] =	ssyncset.done $0x0  }
0xa4: {  	s25 =	simm.s32 $0x1B8E;
	s24 =	sld [smem:$0x3FFE];
	[sflag:s23] =	ssyncadd.s32 $0xFFFFFFFF  }
0xa5: {  	s26 =	simm.s32 $execute0_lowered;
	[smem:$0x3FD2] =	sst s25  }
0xa6: {  	s5 =	sshll.u32 s26, $0x1;
	_ =	strace $0x80000049;
	[dreg:$0x1] =	wrdreg $0xFFFFFFFF  }
0xa7: {  	s28 =	simm.s32 $_size_execute0_lowered;
	s3 =	sadd.s32 s3, s5;
	[dreg:$0x0] =	wrdreg $0x0  }
0xa8: {  	s5 =	sshll.u32 s28, $0x1;
	[dreg:$0x2] =	wrdreg s3  }
0xa9: {  	[dreg:$0x3] =	wrdreg s5  }
0xaa: {  	[dreg:$0x4] =	wrdreg $0xC0  }
0xab: {  	_ =	task [dreg:s7], $0x5FFFF  }
0xac: {  	[dreg:$0x1] =	wrdreg $0xFFFFFFFF  }
0xad: {  	[dreg:$0x0] =	wrdreg $0x60  }
0xae: {  	[dreg:$0x2] =	wrdreg s24  }
0xaf: {  	[dreg:$0x3] =	wrdreg s2  }
0xb0: {  	[dreg:$0x4] =	wrdreg $0x90000  }
0xb1: {  	[dreg:$0x5] =	wrdreg $0x9  }
0xb2: {  	_ =	task.clear_ibuf [dreg:s7], $0x6FFFF;
	_ =	strace $0x90000049  }
0xb3: {  	s29 =	simm.s32 $0x9;
	_ =	strace $0x8000004B  }
0xb4: {  	_ =	swait.ge [sflag:s29], $0x1  }
0xb5: {  	[sflag:s29] =	ssyncadd.s32 $0xFFFFFFFF  }
0xb6: {  	_ =	strace $0x9000004B  }
0xb7: {  	_ =	sfence  }
0xb8: {  	s30 =	sld [smem:$0x0];
	_ =	sdelay $0x2  }
0xb9: {  	s31 =	sshll.u32 s1, $0xD;
	s1 =	sshrl.u32 s1, $0x2  }
0xba: {  	s3 =	sand.u32 $0x4000, s31;
	s1 =	sadd.s32 s1, s30  }
0xbb: {  	s0 =	sor.u32 s3, s0;
	s1 =	sshll.u32 s1, $0x11  }
0xbc: {  	s0 =	sor.u32 s1, s0  }
0xbd: {  	s0 =	sadd.s32 $0x8F2B, s0  }
0xbe: {  	[sflag:s0] =	ssyncadd.remote.s32 $0x1  }
0xbf: {  	_ =	sfence.sel $0xFFFF  }
0xc0: {  	[dreg:$0x0] =	wrdreg $0xFFFFFFFF;
	(pc) =	sbr.abs _section_cstart, $3  }
0xc1: {  	[dreg:$0x1] =	wrdreg $0xFFFFFFFF  }
0xc2: {  	_ =	task.clear_ibuf [dreg:s7], $0x2FFFF;
	_ =	strace $0x9FFFFFFF  }
0xc3: {  	(tm) =	ssettm $0x7FFFFFFF  }
tec
execute0_lowered:
.L_overlay_start_1:
0x0: {  	(tag) =	ssettag $0x1  }
0x1: {  	s0 =	rddreg [dreg:$0x0]  }
0x2: {  	s1 =	srdreg.scid;
	s5 =	rddreg [dreg:$0x1]  }
0x3: {  	s12 =	stileid.u32;
	s2 =	rddreg [dreg:$0x2];
	s3 =	simm.s32 $0x0  }
0x4: {  	s26 =	simm.s32 $0x80;
	s14 =	simm.s32 $0x880;
	s4 =	smul.u32 $0xA000, s12  }
0x5: {  	s15 =	simm.s32 $0x280;
	s16 =	simm.s32 $0x900;
	s22 =	smul.u32 $0x14000, s12  }
0x6: {  	[smem:$0x7FF] =	sst s3;
	s7 =	smul.u32 $0x50000, s12;
	s23 =	sshll.u32 s12, $0x6  }
0x7: {  	s12 =	simm.s32 $0x200;
	_ =	strace $0x8000004A;
	[dreg:$0x6] =	wrdreg s26  }
0x8: {  	s17 =	simm.s32 $0x300;
	s18 =	simm.s32 $0x980;
	[dreg:$0x9] =	wrdreg s12  }
0x9: {  	s19 =	simm.s32 $0x380;
	s20 =	simm.s32 $0xA00;
	[dreg:$0xa] =	wrdreg s14  }
0xa: {  	s21 =	simm.s32 $0x400;
	s28 =	simm.s32 $0x700;
	[dreg:$0xb] =	wrdreg s15  }
0xb: {  	s29 =	simm.s32 $0xD80;
	s30 =	simm.s32 $0x780;
	[dreg:$0xc] =	wrdreg s16  }
0xc: {  	s31 =	simm.s32 $0xE00;
	s1 =	sand.u32 $0x1, s1;
	[dreg:$0xd] =	wrdreg s17  }
0xd: {  	s6 =	smul.u32 $0x5000, s1;
	s9 =	ssub.s32 $0x2, s1;
	[dreg:$0xe] =	wrdreg s18  }
0xe: {  	s1 =	smul.u32 $0x140000, s1;
	s25 =	sor.u32 $0x1C05, s23;
	[dreg:$0xf] =	wrdreg s19  }
0xf: {  	s12 =	simm.s32 $0x40;
	s14 =	simm.s32 $0x3000;
	[dreg:$0x10] =	wrdreg s20  }
0x10: {  	s15 =	simm.s32 $0x5000;
	s16 =	simm.s32 $0x7000;
	[dreg:$0x11] =	wrdreg s21  }
0x11: {  	s17 =	simm.s32 $0x1;
	s23 =	simm.s32 $0x480;
	s18 =	simm.s32 $0x2  }
0x12: {  	s19 =	simm.s32 $0x3;
	s20 =	simm.s32 $0x4;
	s26 =	simm.s32 $0xB80  }
0x13: {  	s21 =	simm.s32 $0x580;
	s10 =	sshrl.u32 s22, $0x3;
	[dreg:$0x13] =	wrdreg s23  }
0x14: {  	s11 =	sshrl.u32 s9, $0x1;
	s7 =	sshrl.u32 s7, $0x2;
	[dreg:$0x16] =	wrdreg s26  }
0x15: {  	s23 =	simm.s32 $0x600;
	s26 =	simm.s32 $0xD00;
	s4 =	sadd.s32 s6, s4  }
0x16: {  	s9 =	ssub.s32 s9, s11;
	s7 =	sadd.s32 s7, s2;
	s1 =	sadd.s32 s22, s1  }
0x17: {  	s11 =	simm.s32 $0x180;
	s22 =	simm.s32 $0xA80;
	s4 =	sshrl.u32 s4, $0x3  }
0x18: {  	s1 =	sshrl.u32 s1, $0x3;
	[dreg:$0x8] =	wrdreg s11;
	s13 =	smax.u32 s9, $0x1  }
0x19: {  	[dreg:$0x12] =	wrdreg s22;
	s8 =	sadd.s32 s4, s0;
	s4 =	sadd.s32 $0x2B600, s0  }
0x1a: {  	s0 =	sadd.s32 s10, s0;
	s1 =	sadd.s32 s5, s1;
	[dreg:$0x1a] =	wrdreg s13  }
0x1b: {  	s11 =	simm.s32 $0x800;
	s0 =	sadd.s32 $0x53600, s0;
	[dreg:$0x19] =	wrdreg s1  }
0x1c: {  	s22 =	simm.s32 $0xC00;
	s24 =	sadd.s32 $0x17600, s8;
	[dreg:$0x17] =	wrdreg s0  }
0x1d: {  	s9 =	simm.s32 $0x0;
	s8 =	sadd.s32 $0x3600, s8;
	[dreg:$0x4] =	wrdreg s24  }
0x1e: {  	s10 =	simm.s32 $0x5;
	[dreg:$0x5] =	wrdreg s8;
	s8 =	simm.s32 $0x100  }
0x1f: {  	s24 =	simm.s32 $0xB00;
	[dreg:$0x7] =	wrdreg s8;
	s8 =	sshrl.u32 s7, $0x3  }
0x20: {  	s7 =	smov.u32 s25;
	[dreg:$0x14] =	wrdreg s24;
	s25 =	simm.s32 $0x500  }
0x21: {  	s13 =	simm.s32 $0x1000;
	s5 =	simm.s32 $0xF80;
	[dreg:$0x15] =	wrdreg s25  }
0x22: {  	s1 =	simm.s32 $0xE80;
	s0 =	simm.s32 $0xF00;
	[dreg:$0x18] =	wrdreg s7  }
0x23: {  	s24 =	simm.s32 $0xC80;
	s25 =	simm.s32 $0x680;
	[dreg:$0x1b] =	wrdreg s8  }
.LBB2_1:
0x24: {  	[dreg:$0x1c] =	wrdreg s9  }
0x25: {  	s6 =	rddreg [dreg:$0x17]  }
0x26: {  	[spmem:s8], [sflag:s7] =	dma.local [hbm:s6], $0x2800  }
0x27: {  	_ =	swait.ge [sflag:s10], $0x2800  }
0x28: {  	[sflag:s10] =	ssyncset.done $0x0  }
0x29: {  	[sflag:s10] =	ssyncadd.s32 $0xFFFFD800  }
0x2a: {  	[bflag:$0x0] =	sbarrier.arrive $0xFFFF  }
0x2b: {  	s9 =	rddreg [dreg:$0x5]  }
0x2c: {  	s6 =	sadd.s32 $0x0, s9  }
0x2d: {  	[tilespmem:s3], [sflag:$0x5] =	stream.linear.gather [hbm4b:s6+s3], $0x800, $0x38;
	[tilespmem:$0x1D000] =	vst v63  }
0x2e: {  	_ =	swait.ge [sflag:s10], $0x800  }
0x2f: {  	s7 =	rddreg [dreg:$0x4];
	[sflag:s10] =	ssyncset.done $0x0  }
0x30: {  	[sflag:s10] =	ssyncadd.s32 $0xFFFFF800;
	s6 =	sadd.s32 $0x0, s7  }
0x31: {  	[tilespmem:s11], [sflag:$0x5] =	stream.linear.gather [hbm4b:s6+s3], $0x800, $0x38;
	[tilespmem:$0x1D000] =	vst v63  }
0x32: {  	_ =	swait.ge [sflag:s10], $0x800  }
0x33: {  	[sflag:s10] =	ssyncset.done $0x0  }
0x34: {  	[sflag:s10] =	ssyncadd.s32 $0xFFFFF800  }
0x35: {  	[tilespmem:s13], [sflag:$0x1] =	stream.indirect.gather [hbm4b:s4+s12], $0x80, s3, s12, $0xb8;
	[tilespmem:$0x1D000] =	vst v63  }
0x36: {  	s8 =	rddreg [dreg:$0x6]  }
0x37: {  	[tilespmem:s14], [sflag:$0x2] =	stream.indirect.gather [hbm4b:s4+s12], $0x80, s8, s12, $0xb8;
	[tilespmem:$0x1D000] =	vst v63  }
0x38: {  	s9 =	rddreg [dreg:$0x7]  }
0x39: {  	[tilespmem:s15], [sflag:$0x3] =	stream.indirect.gather [hbm4b:s4+s12], $0x80, s9, s12, $0xb8;
	[tilespmem:$0x1D000] =	vst v63  }
0x3a: {  	s7 =	rddreg [dreg:$0x8]  }
0x3b: {  	[tilespmem:s16], [sflag:$0x4] =	stream.indirect.gather [hbm4b:s4+s12], $0x80, s7, s12, $0xb8;
	[tilespmem:$0x1D000] =	vst v63  }
0x3c: {  	_ =	swait.ge [sflag:s17], $0x2000  }
0x3d: {  	[sflag:s17] =	ssyncset.done $0x0  }
0x3e: {  	[sflag:s17] =	ssyncadd.s32 $0xFFFFE000  }
0x3f: {  	[spmem:s2] =	stream.indirect.scatter.add.f32 [tilespmem:s13], [sflag:$0x5], $0x80, s11, s12, $0xb8;
	[tilespmem:$0x1D000] =	vst v63  }
0x40: {  	_ =	swait.ge [sflag:s10], $0x2000  }
0x41: {  	[sflag:s10] =	ssyncset.done $0x0  }
0x42: {  	s8 =	rddreg [dreg:$0x9];
	[sflag:s10] =	ssyncadd.s32 $0xFFFFE000  }
0x43: {  	[tilespmem:s13], [sflag:$0x1] =	stream.indirect.gather [hbm4b:s4+s12], $0x80, s8, s12, $0xb8;
	[tilespmem:$0x1D000] =	vst v63  }
0x44: {  	_ =	swait.ge [sflag:s18], $0x2000  }
0x45: {  	[sflag:s18] =	ssyncset.done $0x0  }
0x46: {  	s9 =	rddreg [dreg:$0xa];
	[sflag:s18] =	ssyncadd.s32 $0xFFFFE000  }
0x47: {  	[spmem:s2] =	stream.indirect.scatter.add.f32 [tilespmem:s14], [sflag:$0x5], $0x80, s9, s12, $0xb8;
	[tilespmem:$0x1D000] =	vst v63  }
0x48: {  	_ =	swait.ge [sflag:s10], $0x2000  }
0x49: {  	[sflag:s10] =	ssyncset.done $0x0  }
0x4a: {  	s7 =	rddreg [dreg:$0xb];
	[sflag:s10] =	ssyncadd.s32 $0xFFFFE000  }
0x4b: {  	[tilespmem:s14], [sflag:$0x2] =	stream.indirect.gather [hbm4b:s4+s12], $0x80, s7, s12, $0xb8;
	[tilespmem:$0x1D000] =	vst v63  }
0x4c: {  	_ =	swait.ge [sflag:s19], $0x2000  }
0x4d: {  	[sflag:s19] =	ssyncset.done $0x0  }
0x4e: {  	s8 =	rddreg [dreg:$0xc];
	[sflag:s19] =	ssyncadd.s32 $0xFFFFE000  }
0x4f: {  	[spmem:s2] =	stream.indirect.scatter.add.f32 [tilespmem:s15], [sflag:$0x5], $0x80, s8, s12, $0xb8;
	[tilespmem:$0x1D000] =	vst v63  }
0x50: {  	_ =	swait.ge [sflag:s10], $0x2000  }
0x51: {  	[sflag:s10] =	ssyncset.done $0x0  }
0x52: {  	s9 =	rddreg [dreg:$0xd];
	[sflag:s10] =	ssyncadd.s32 $0xFFFFE000  }
0x53: {  	[tilespmem:s15], [sflag:$0x3] =	stream.indirect.gather [hbm4b:s4+s12], $0x80, s9, s12, $0xb8;
	[tilespmem:$0x1D000] =	vst v63  }
0x54: {  	_ =	swait.ge [sflag:s20], $0x2000  }
0x55: {  	[sflag:s20] =	ssyncset.done $0x0  }
0x56: {  	s7 =	rddreg [dreg:$0xe];
	[sflag:s20] =	ssyncadd.s32 $0xFFFFE000  }
0x57: {  	[spmem:s2] =	stream.indirect.scatter.add.f32 [tilespmem:s16], [sflag:$0x5], $0x80, s7, s12, $0xb8;
	[tilespmem:$0x1D000] =	vst v63  }
0x58: {  	_ =	swait.ge [sflag:s10], $0x2000  }
0x59: {  	[sflag:s10] =	ssyncset.done $0x0  }
0x5a: {  	s8 =	rddreg [dreg:$0xf];
	[sflag:s10] =	ssyncadd.s32 $0xFFFFE000  }
0x5b: {  	[tilespmem:s16], [sflag:$0x4] =	stream.indirect.gather [hbm4b:s4+s12], $0x80, s8, s12, $0xb8;
	[tilespmem:$0x1D000] =	vst v63  }
0x5c: {  	_ =	swait.ge [sflag:s17], $0x2000  }
0x5d: {  	[sflag:s17] =	ssyncset.done $0x0  }
0x5e: {  	s9 =	rddreg [dreg:$0x10];
	[sflag:s17] =	ssyncadd.s32 $0xFFFFE000  }
0x5f: {  	[spmem:s2] =	stream.indirect.scatter.add.f32 [tilespmem:s13], [sflag:$0x5], $0x80, s9, s12, $0xb8;
	[tilespmem:$0x1D000] =	vst v63  }
0x60: {  	_ =	swait.ge [sflag:s10], $0x2000  }
0x61: {  	[sflag:s10] =	ssyncset.done $0x0  }
0x62: {  	s7 =	rddreg [dreg:$0x11];
	[sflag:s10] =	ssyncadd.s32 $0xFFFFE000  }
0x63: {  	[tilespmem:s13], [sflag:$0x1] =	stream.indirect.gather [hbm4b:s4+s12], $0x80, s7, s12, $0xb8;
	[tilespmem:$0x1D000] =	vst v63  }
0x64: {  	_ =	swait.ge [sflag:s18], $0x2000  }
0x65: {  	[sflag:s18] =	ssyncset.done $0x0  }
0x66: {  	s8 =	rddreg [dreg:$0x12];
	[sflag:s18] =	ssyncadd.s32 $0xFFFFE000  }
0x67: {  	[spmem:s2] =	stream.indirect.scatter.add.f32 [tilespmem:s14], [sflag:$0x5], $0x80, s8, s12, $0xb8;
	[tilespmem:$0x1D000] =	vst v63  }
0x68: {  	_ =	swait.ge [sflag:s10], $0x2000  }
0x69: {  	[sflag:s10] =	ssyncset.done $0x0  }
0x6a: {  	s9 =	rddreg [dreg:$0x13];
	[sflag:s10] =	ssyncadd.s32 $0xFFFFE000  }
0x6b: {  	[tilespmem:s14], [sflag:$0x2] =	stream.indirect.gather [hbm4b:s4+s12], $0x80, s9, s12, $0xb8;
	[tilespmem:$0x1D000] =	vst v63  }
0x6c: {  	_ =	swait.ge [sflag:s19], $0x2000  }
0x6d: {  	[sflag:s19] =	ssyncset.done $0x0  }
0x6e: {  	s7 =	rddreg [dreg:$0x14];
	[sflag:s19] =	ssyncadd.s32 $0xFFFFE000  }
0x6f: {  	[spmem:s2] =	stream.indirect.scatter.add.f32 [tilespmem:s15], [sflag:$0x5], $0x80, s7, s12, $0xb8;
	[tilespmem:$0x1D000] =	vst v63  }
0x70: {  	_ =	swait.ge [sflag:s10], $0x2000  }
0x71: {  	[sflag:s10] =	ssyncset.done $0x0  }
0x72: {  	s8 =	rddreg [dreg:$0x15];
	[sflag:s10] =	ssyncadd.s32 $0xFFFFE000  }
0x73: {  	[tilespmem:s15], [sflag:$0x3] =	stream.indirect.gather [hbm4b:s4+s12], $0x80, s8, s12, $0xb8;
	[tilespmem:$0x1D000] =	vst v63  }
0x74: {  	_ =	swait.ge [sflag:s20], $0x2000  }
0x75: {  	[sflag:s20] =	ssyncset.done $0x0  }
0x76: {  	s9 =	rddreg [dreg:$0x16];
	[sflag:s20] =	ssyncadd.s32 $0xFFFFE000  }
0x77: {  	[spmem:s2] =	stream.indirect.scatter.add.f32 [tilespmem:s16], [sflag:$0x5], $0x80, s9, s12, $0xb8;
	[tilespmem:$0x1D000] =	vst v63  }
0x78: {  	_ =	swait.ge [sflag:s10], $0x2000  }
0x79: {  	[sflag:s10] =	ssyncset.done $0x0  }
0x7a: {  	[sflag:s10] =	ssyncadd.s32 $0xFFFFE000  }
0x7b: {  	[tilespmem:s16], [sflag:$0x4] =	stream.indirect.gather [hbm4b:s4+s12], $0x80, s21, s12, $0xb8;
	[tilespmem:$0x1D000] =	vst v63  }
0x7c: {  	_ =	swait.ge [sflag:s17], $0x2000  }
0x7d: {  	[sflag:s17] =	ssyncset.done $0x0  }
0x7e: {  	[sflag:s17] =	ssyncadd.s32 $0xFFFFE000  }
0x7f: {  	[spmem:s2] =	stream.indirect.scatter.add.f32 [tilespmem:s13], [sflag:$0x5], $0x80, s22, s12, $0xb8;
	[tilespmem:$0x1D000] =	vst v63  }
0x80: {  	_ =	swait.ge [sflag:s10], $0x2000  }
0x81: {  	[sflag:s10] =	ssyncset.done $0x0  }
0x82: {  	[sflag:s10] =	ssyncadd.s32 $0xFFFFE000  }
0x83: {  	[tilespmem:s13], [sflag:$0x1] =	stream.indirect.gather [hbm4b:s4+s12], $0x80, s23, s12, $0xb8;
	[tilespmem:$0x1D000] =	vst v63  }
0x84: {  	_ =	swait.ge [sflag:s18], $0x2000  }
0x85: {  	[sflag:s18] =	ssyncset.done $0x0  }
0x86: {  	[sflag:s18] =	ssyncadd.s32 $0xFFFFE000  }
0x87: {  	[spmem:s2] =	stream.indirect.scatter.add.f32 [tilespmem:s14], [sflag:$0x5], $0x80, s24, s12, $0xb8;
	[tilespmem:$0x1D000] =	vst v63  }
0x88: {  	_ =	swait.ge [sflag:s10], $0x2000  }
0x89: {  	[sflag:s10] =	ssyncset.done $0x0  }
0x8a: {  	[sflag:s10] =	ssyncadd.s32 $0xFFFFE000  }
0x8b: {  	[tilespmem:s14], [sflag:$0x2] =	stream.indirect.gather [hbm4b:s4+s12], $0x80, s25, s12, $0xb8;
	[tilespmem:$0x1D000] =	vst v63  }
0x8c: {  	_ =	swait.ge [sflag:s19], $0x2000  }
0x8d: {  	[sflag:s19] =	ssyncset.done $0x0  }
0x8e: {  	[sflag:s19] =	ssyncadd.s32 $0xFFFFE000  }
0x8f: {  	[spmem:s2] =	stream.indirect.scatter.add.f32 [tilespmem:s15], [sflag:$0x5], $0x80, s26, s12, $0xb8;
	[tilespmem:$0x1D000] =	vst v63  }
0x90: {  	_ =	swait.ge [sflag:s10], $0x2000  }
0x91: {  	[sflag:s10] =	ssyncset.done $0x0  }
0x92: {  	[sflag:s10] =	ssyncadd.s32 $0xFFFFE000  }
0x93: {  	[tilespmem:s15], [sflag:$0x3] =	stream.indirect.gather [hbm4b:s4+s12], $0x80, s28, s12, $0xb8;
	[tilespmem:$0x1D000] =	vst v63  }
0x94: {  	_ =	swait.ge [sflag:s20], $0x2000  }
0x95: {  	[sflag:s20] =	ssyncset.done $0x0  }
0x96: {  	[sflag:s20] =	ssyncadd.s32 $0xFFFFE000  }
0x97: {  	[spmem:s2] =	stream.indirect.scatter.add.f32 [tilespmem:s16], [sflag:$0x5], $0x80, s29, s12, $0xb8;
	[tilespmem:$0x1D000] =	vst v63  }
0x98: {  	_ =	swait.ge [sflag:s10], $0x2000  }
0x99: {  	[sflag:s10] =	ssyncset.done $0x0  }
0x9a: {  	[sflag:s10] =	ssyncadd.s32 $0xFFFFE000  }
0x9b: {  	[tilespmem:s16], [sflag:$0x4] =	stream.indirect.gather [hbm4b:s4+s12], $0x80, s30, s12, $0xb8;
	[tilespmem:$0x1D000] =	vst v63  }
0x9c: {  	_ =	swait.ge [sflag:s17], $0x2000  }
0x9d: {  	[sflag:s17] =	ssyncset.done $0x0  }
0x9e: {  	[sflag:s17] =	ssyncadd.s32 $0xFFFFE000  }
0x9f: {  	[spmem:s2] =	stream.indirect.scatter.add.f32 [tilespmem:s13], [sflag:$0x5], $0x80, s31, s12, $0xb8;
	[tilespmem:$0x1D000] =	vst v63  }
0xa0: {  	_ =	swait.ge [sflag:s10], $0x2000  }
0xa1: {  	[sflag:s10] =	ssyncset.done $0x0  }
0xa2: {  	[sflag:s10] =	ssyncadd.s32 $0xFFFFE000  }
0xa3: {  	_ =	swait.ge [sflag:s18], $0x2000  }
0xa4: {  	[sflag:s18] =	ssyncset.done $0x0  }
0xa5: {  	[sflag:s18] =	ssyncadd.s32 $0xFFFFE000  }
0xa6: {  	[spmem:s2] =	stream.indirect.scatter.add.f32 [tilespmem:s14], [sflag:$0x5], $0x80, s1, s12, $0xb8;
	[tilespmem:$0x1D000] =	vst v63  }
0xa7: {  	_ =	swait.ge [sflag:s10], $0x2000  }
0xa8: {  	[sflag:s10] =	ssyncset.done $0x0  }
0xa9: {  	[sflag:s10] =	ssyncadd.s32 $0xFFFFE000  }
0xaa: {  	_ =	swait.ge [sflag:s19], $0x2000  }
0xab: {  	[sflag:s19] =	ssyncset.done $0x0  }
0xac: {  	[sflag:s19] =	ssyncadd.s32 $0xFFFFE000  }
0xad: {  	[spmem:s2] =	stream.indirect.scatter.add.f32 [tilespmem:s15], [sflag:$0x5], $0x80, s0, s12, $0xb8;
	[tilespmem:$0x1D000] =	vst v63  }
0xae: {  	_ =	swait.ge [sflag:s10], $0x2000  }
0xaf: {  	[sflag:s10] =	ssyncset.done $0x0  }
0xb0: {  	[sflag:s10] =	ssyncadd.s32 $0xFFFFE000  }
0xb1: {  	_ =	swait.ge [sflag:s20], $0x2000  }
0xb2: {  	[sflag:s20] =	ssyncset.done $0x0  }
0xb3: {  	[sflag:s20] =	ssyncadd.s32 $0xFFFFE000  }
0xb4: {  	[spmem:s2] =	stream.indirect.scatter.add.f32 [tilespmem:s16], [sflag:$0x5], $0x80, s5, s12, $0xb8;
	[tilespmem:$0x1D000] =	vst v63  }
0xb5: {  	s6 =	simm.s32 $0x200;
	_ =	swait.ge [sflag:s10], $0x2000  }
0xb6: {  	s8 =	simm.s32 $0x100;
	s9 =	rddreg [dreg:$0x5];
	[sflag:s10] =	ssyncset.done $0x0  }
.LBB2_2:
0xb7: {  	[sflag:s10] =	ssyncadd.s32 $0xFFFFE000;
	s9 =	sadd.s32 s8, s9  }
0xb8: {  	[tilespmem:s3], [sflag:$0x5] =	stream.linear.gather [hbm4b:s9+s3], $0x800, $0x38;
	[tilespmem:$0x1D000] =	vst v63  }
0xb9: {  	_ =	swait.ge [sflag:s10], $0x800  }
0xba: {  	s9 =	rddreg [dreg:$0x4];
	[sflag:s10] =	ssyncset.done $0x0  }
0xbb: {  	[sflag:s10] =	ssyncadd.s32 $0xFFFFF800;
	s9 =	sadd.s32 s8, s9  }
0xbc: {  	[tilespmem:s11], [sflag:$0x5] =	stream.linear.gather [hbm4b:s9+s3], $0x800, $0x38;
	[tilespmem:$0x1D000] =	vst v63  }
0xbd: {  	_ =	swait.ge [sflag:s10], $0x800  }
0xbe: {  	[sflag:s10] =	ssyncset.done $0x0  }
0xbf: {  	s7 =	smov.u32 s6;
	[sflag:s10] =	ssyncadd.s32 $0xFFFFF800  }
0xc0: {  	[tilespmem:s13], [sflag:$0x1] =	stream.indirect.gather [hbm4b:s4+s12], $0x80, s3, s12, $0xb8;
	[tilespmem:$0x1D000] =	vst v63  }
0xc1: {  	s8 =	smov.u32 s7;
	s7 =	rddreg [dreg:$0x6]  }
0xc2: {  	[tilespmem:s14], [sflag:$0x2] =	stream.indirect.gather [hbm4b:s4+s12], $0x80, s7, s12, $0xb8;
	[tilespmem:$0x1D000] =	vst v63  }
0xc3: {  	s9 =	rddreg [dreg:$0x7]  }
0xc4: {  	[tilespmem:s15], [sflag:$0x3] =	stream.indirect.gather [hbm4b:s4+s12], $0x80, s9, s12, $0xb8;
	[tilespmem:$0x1D000] =	vst v63  }
0xc5: {  	s7 =	rddreg [dreg:$0x8]  }
0xc6: {  	[tilespmem:s16], [sflag:$0x4] =	stream.indirect.gather [hbm4b:s4+s12], $0x80, s7, s12, $0xb8;
	[tilespmem:$0x1D000] =	vst v63  }
0xc7: {  	_ =	swait.ge [sflag:s17], $0x2000  }
0xc8: {  	[sflag:s17] =	ssyncset.done $0x0  }
0xc9: {  	[sflag:s17] =	ssyncadd.s32 $0xFFFFE000  }
0xca: {  	[spmem:s2] =	stream.indirect.scatter.add.f32 [tilespmem:s13], [sflag:$0x5], $0x80, s11, s12, $0xb8;
	[tilespmem:$0x1D000] =	vst v63  }
0xcb: {  	_ =	swait.ge [sflag:s10], $0x2000  }
0xcc: {  	[sflag:s10] =	ssyncset.done $0x0  }
0xcd: {  	s9 =	rddreg [dreg:$0x9];
	[sflag:s10] =	ssyncadd.s32 $0xFFFFE000  }
0xce: {  	[tilespmem:s13], [sflag:$0x1] =	stream.indirect.gather [hbm4b:s4+s12], $0x80, s9, s12, $0xb8;
	[tilespmem:$0x1D000] =	vst v63  }
0xcf: {  	_ =	swait.ge [sflag:s18], $0x2000  }
0xd0: {  	[sflag:s18] =	ssyncset.done $0x0  }
0xd1: {  	s9 =	rddreg [dreg:$0xa];
	[sflag:s18] =	ssyncadd.s32 $0xFFFFE000  }
0xd2: {  	[spmem:s2] =	stream.indirect.scatter.add.f32 [tilespmem:s14], [sflag:$0x5], $0x80, s9, s12, $0xb8;
	[tilespmem:$0x1D000] =	vst v63  }
0xd3: {  	_ =	swait.ge [sflag:s10], $0x2000  }
0xd4: {  	[sflag:s10] =	ssyncset.done $0x0  }
0xd5: {  	s9 =	rddreg [dreg:$0xb];
	[sflag:s10] =	ssyncadd.s32 $0xFFFFE000  }
0xd6: {  	[tilespmem:s14], [sflag:$0x2] =	stream.indirect.gather [hbm4b:s4+s12], $0x80, s9, s12, $0xb8;
	[tilespmem:$0x1D000] =	vst v63  }
0xd7: {  	_ =	swait.ge [sflag:s19], $0x2000  }
0xd8: {  	[sflag:s19] =	ssyncset.done $0x0  }
0xd9: {  	s9 =	rddreg [dreg:$0xc];
	[sflag:s19] =	ssyncadd.s32 $0xFFFFE000  }
0xda: {  	[spmem:s2] =	stream.indirect.scatter.add.f32 [tilespmem:s15], [sflag:$0x5], $0x80, s9, s12, $0xb8;
	[tilespmem:$0x1D000] =	vst v63  }
0xdb: {  	_ =	swait.ge [sflag:s10], $0x2000  }
0xdc: {  	[sflag:s10] =	ssyncset.done $0x0  }
0xdd: {  	s9 =	rddreg [dreg:$0xd];
	[sflag:s10] =	ssyncadd.s32 $0xFFFFE000  }
0xde: {  	[tilespmem:s15], [sflag:$0x3] =	stream.indirect.gather [hbm4b:s4+s12], $0x80, s9, s12, $0xb8;
	[tilespmem:$0x1D000] =	vst v63  }
0xdf: {  	_ =	swait.ge [sflag:s20], $0x2000  }
0xe0: {  	[sflag:s20] =	ssyncset.done $0x0  }
0xe1: {  	s9 =	rddreg [dreg:$0xe];
	[sflag:s20] =	ssyncadd.s32 $0xFFFFE000  }
0xe2: {  	[spmem:s2] =	stream.indirect.scatter.add.f32 [tilespmem:s16], [sflag:$0x5], $0x80, s9, s12, $0xb8;
	[tilespmem:$0x1D000] =	vst v63  }
0xe3: {  	_ =	swait.ge [sflag:s10], $0x2000  }
0xe4: {  	[sflag:s10] =	ssyncset.done $0x0  }
0xe5: {  	s9 =	rddreg [dreg:$0xf];
	[sflag:s10] =	ssyncadd.s32 $0xFFFFE000  }
0xe6: {  	[tilespmem:s16], [sflag:$0x4] =	stream.indirect.gather [hbm4b:s4+s12], $0x80, s9, s12, $0xb8;
	[tilespmem:$0x1D000] =	vst v63  }
0xe7: {  	_ =	swait.ge [sflag:s17], $0x2000  }
0xe8: {  	[sflag:s17] =	ssyncset.done $0x0  }
0xe9: {  	s9 =	rddreg [dreg:$0x10];
	[sflag:s17] =	ssyncadd.s32 $0xFFFFE000  }
0xea: {  	[spmem:s2] =	stream.indirect.scatter.add.f32 [tilespmem:s13], [sflag:$0x5], $0x80, s9, s12, $0xb8;
	[tilespmem:$0x1D000] =	vst v63  }
0xeb: {  	_ =	swait.ge [sflag:s10], $0x2000  }
0xec: {  	[sflag:s10] =	ssyncset.done $0x0  }
0xed: {  	s9 =	rddreg [dreg:$0x11];
	[sflag:s10] =	ssyncadd.s32 $0xFFFFE000  }
0xee: {  	[tilespmem:s13], [sflag:$0x1] =	stream.indirect.gather [hbm4b:s4+s12], $0x80, s9, s12, $0xb8;
	[tilespmem:$0x1D000] =	vst v63  }
0xef: {  	_ =	swait.ge [sflag:s18], $0x2000  }
0xf0: {  	[sflag:s18] =	ssyncset.done $0x0  }
0xf1: {  	s9 =	rddreg [dreg:$0x12];
	[sflag:s18] =	ssyncadd.s32 $0xFFFFE000  }
0xf2: {  	[spmem:s2] =	stream.indirect.scatter.add.f32 [tilespmem:s14], [sflag:$0x5], $0x80, s9, s12, $0xb8;
	[tilespmem:$0x1D000] =	vst v63  }
0xf3: {  	_ =	swait.ge [sflag:s10], $0x2000  }
0xf4: {  	[sflag:s10] =	ssyncset.done $0x0  }
0xf5: {  	s9 =	rddreg [dreg:$0x13];
	[sflag:s10] =	ssyncadd.s32 $0xFFFFE000  }
0xf6: {  	[tilespmem:s14], [sflag:$0x2] =	stream.indirect.gather [hbm4b:s4+s12], $0x80, s9, s12, $0xb8;
	[tilespmem:$0x1D000] =	vst v63  }
0xf7: {  	_ =	swait.ge [sflag:s19], $0x2000  }
0xf8: {  	[sflag:s19] =	ssyncset.done $0x0  }
0xf9: {  	s9 =	rddreg [dreg:$0x14];
	[sflag:s19] =	ssyncadd.s32 $0xFFFFE000  }
0xfa: {  	[spmem:s2] =	stream.indirect.scatter.add.f32 [tilespmem:s15], [sflag:$0x5], $0x80, s9, s12, $0xb8;
	[tilespmem:$0x1D000] =	vst v63  }
0xfb: {  	_ =	swait.ge [sflag:s10], $0x2000  }
0xfc: {  	[sflag:s10] =	ssyncset.done $0x0  }
0xfd: {  	s9 =	rddreg [dreg:$0x15];
	[sflag:s10] =	ssyncadd.s32 $0xFFFFE000  }
0xfe: {  	[tilespmem:s15], [sflag:$0x3] =	stream.indirect.gather [hbm4b:s4+s12], $0x80, s9, s12, $0xb8;
	[tilespmem:$0x1D000] =	vst v63  }
0xff: {  	_ =	swait.ge [sflag:s20], $0x2000  }
0x100: {  	[sflag:s20] =	ssyncset.done $0x0  }
0x101: {  	s9 =	rddreg [dreg:$0x16];
	[sflag:s20] =	ssyncadd.s32 $0xFFFFE000  }
0x102: {  	[spmem:s2] =	stream.indirect.scatter.add.f32 [tilespmem:s16], [sflag:$0x5], $0x80, s9, s12, $0xb8;
	[tilespmem:$0x1D000] =	vst v63  }
0x103: {  	_ =	swait.ge [sflag:s10], $0x2000  }
0x104: {  	[sflag:s10] =	ssyncset.done $0x0  }
0x105: {  	[sflag:s10] =	ssyncadd.s32 $0xFFFFE000  }
0x106: {  	[tilespmem:s16], [sflag:$0x4] =	stream.indirect.gather [hbm4b:s4+s12], $0x80, s21, s12, $0xb8;
	[tilespmem:$0x1D000] =	vst v63  }
0x107: {  	_ =	swait.ge [sflag:s17], $0x2000  }
0x108: {  	[sflag:s17] =	ssyncset.done $0x0  }
0x109: {  	[sflag:s17] =	ssyncadd.s32 $0xFFFFE000  }
0x10a: {  	[spmem:s2] =	stream.indirect.scatter.add.f32 [tilespmem:s13], [sflag:$0x5], $0x80, s22, s12, $0xb8;
	[tilespmem:$0x1D000] =	vst v63  }
0x10b: {  	_ =	swait.ge [sflag:s10], $0x2000  }
0x10c: {  	[sflag:s10] =	ssyncset.done $0x0  }
0x10d: {  	[sflag:s10] =	ssyncadd.s32 $0xFFFFE000  }
0x10e: {  	[tilespmem:s13], [sflag:$0x1] =	stream.indirect.gather [hbm4b:s4+s12], $0x80, s23, s12, $0xb8;
	[tilespmem:$0x1D000] =	vst v63  }
0x10f: {  	_ =	swait.ge [sflag:s18], $0x2000  }
0x110: {  	[sflag:s18] =	ssyncset.done $0x0  }
0x111: {  	[sflag:s18] =	ssyncadd.s32 $0xFFFFE000  }
0x112: {  	[spmem:s2] =	stream.indirect.scatter.add.f32 [tilespmem:s14], [sflag:$0x5], $0x80, s24, s12, $0xb8;
	[tilespmem:$0x1D000] =	vst v63  }
0x113: {  	_ =	swait.ge [sflag:s10], $0x2000  }
0x114: {  	[sflag:s10] =	ssyncset.done $0x0  }
0x115: {  	[sflag:s10] =	ssyncadd.s32 $0xFFFFE000  }
0x116: {  	[tilespmem:s14], [sflag:$0x2] =	stream.indirect.gather [hbm4b:s4+s12], $0x80, s25, s12, $0xb8;
	[tilespmem:$0x1D000] =	vst v63  }
0x117: {  	_ =	swait.ge [sflag:s19], $0x2000  }
0x118: {  	[sflag:s19] =	ssyncset.done $0x0  }
0x119: {  	[sflag:s19] =	ssyncadd.s32 $0xFFFFE000  }
0x11a: {  	[spmem:s2] =	stream.indirect.scatter.add.f32 [tilespmem:s15], [sflag:$0x5], $0x80, s26, s12, $0xb8;
	[tilespmem:$0x1D000] =	vst v63  }
0x11b: {  	_ =	swait.ge [sflag:s10], $0x2000  }
0x11c: {  	[sflag:s10] =	ssyncset.done $0x0  }
0x11d: {  	[sflag:s10] =	ssyncadd.s32 $0xFFFFE000  }
0x11e: {  	[tilespmem:s15], [sflag:$0x3] =	stream.indirect.gather [hbm4b:s4+s12], $0x80, s28, s12, $0xb8;
	[tilespmem:$0x1D000] =	vst v63  }
0x11f: {  	_ =	swait.ge [sflag:s20], $0x2000  }
0x120: {  	[sflag:s20] =	ssyncset.done $0x0  }
0x121: {  	[sflag:s20] =	ssyncadd.s32 $0xFFFFE000  }
0x122: {  	[spmem:s2] =	stream.indirect.scatter.add.f32 [tilespmem:s16], [sflag:$0x5], $0x80, s29, s12, $0xb8;
	[tilespmem:$0x1D000] =	vst v63  }
0x123: {  	_ =	swait.ge [sflag:s10], $0x2000  }
0x124: {  	[sflag:s10] =	ssyncset.done $0x0  }
0x125: {  	[sflag:s10] =	ssyncadd.s32 $0xFFFFE000  }
0x126: {  	[tilespmem:s16], [sflag:$0x4] =	stream.indirect.gather [hbm4b:s4+s12], $0x80, s30, s12, $0xb8;
	[tilespmem:$0x1D000] =	vst v63  }
0x127: {  	_ =	swait.ge [sflag:s17], $0x2000  }
0x128: {  	[sflag:s17] =	ssyncset.done $0x0  }
0x129: {  	[sflag:s17] =	ssyncadd.s32 $0xFFFFE000  }
0x12a: {  	[spmem:s2] =	stream.indirect.scatter.add.f32 [tilespmem:s13], [sflag:$0x5], $0x80, s31, s12, $0xb8;
	[tilespmem:$0x1D000] =	vst v63  }
0x12b: {  	_ =	swait.ge [sflag:s10], $0x2000  }
0x12c: {  	[sflag:s10] =	ssyncset.done $0x0  }
0x12d: {  	[sflag:s10] =	ssyncadd.s32 $0xFFFFE000  }
0x12e: {  	_ =	swait.ge [sflag:s18], $0x2000  }
0x12f: {  	[sflag:s18] =	ssyncset.done $0x0  }
0x130: {  	[sflag:s18] =	ssyncadd.s32 $0xFFFFE000  }
0x131: {  	[spmem:s2] =	stream.indirect.scatter.add.f32 [tilespmem:s14], [sflag:$0x5], $0x80, s1, s12, $0xb8;
	[tilespmem:$0x1D000] =	vst v63  }
0x132: {  	_ =	swait.ge [sflag:s10], $0x2000  }
0x133: {  	[sflag:s10] =	ssyncset.done $0x0  }
0x134: {  	[sflag:s10] =	ssyncadd.s32 $0xFFFFE000  }
0x135: {  	_ =	swait.ge [sflag:s19], $0x2000  }
0x136: {  	[sflag:s19] =	ssyncset.done $0x0  }
0x137: {  	[sflag:s19] =	ssyncadd.s32 $0xFFFFE000  }
0x138: {  	[spmem:s2] =	stream.indirect.scatter.add.f32 [tilespmem:s15], [sflag:$0x5], $0x80, s0, s12, $0xb8;
	[tilespmem:$0x1D000] =	vst v63  }
0x139: {  	_ =	swait.ge [sflag:s10], $0x2000  }
0x13a: {  	[sflag:s10] =	ssyncset.done $0x0  }
0x13b: {  	[sflag:s10] =	ssyncadd.s32 $0xFFFFE000  }
0x13c: {  	p0 =	sne.s32 s6, $0x900;
	_ =	swait.ge [sflag:s20], $0x2000  }
.Ltmp0:
0x13d: {  	[sflag:s20] =	ssyncset.done $0x0;
	(pc) =	sbr.rel @p0 .LBB2_2-.Ltmp0, $4  }
0x13e: {  	[sflag:s20] =	ssyncadd.s32 $0xFFFFE000  }
0x13f: {  	[spmem:s2] =	stream.indirect.scatter.add.f32 [tilespmem:s16], [sflag:$0x5], $0x80, s5, s12, $0xb8;
	[tilespmem:$0x1D000] =	vst v63  }
0x140: {  	_ =	swait.ge [sflag:s10], $0x2000  }
0x141: {  	s6 =	sadd.s32 $0x100, s6;
	s9 =	rddreg [dreg:$0x5];
	[sflag:s10] =	ssyncset.done $0x0  }
0x142: {  	[sflag:s10] =	ssyncadd.s32 $0xFFFFE000;
	s6 =	sadd.s32 s8, s9  }
0x143: {  	[tilespmem:s3], [sflag:$0x5] =	stream.linear.gather [hbm4b:s6+s3], $0x800, $0x38;
	[tilespmem:$0x1D000] =	vst v63  }
0x144: {  	_ =	swait.ge [sflag:s10], $0x800  }
0x145: {  	s7 =	rddreg [dreg:$0x4];
	[sflag:s10] =	ssyncset.done $0x0  }
0x146: {  	[sflag:s10] =	ssyncadd.s32 $0xFFFFF800;
	s6 =	sadd.s32 s8, s7  }
0x147: {  	[tilespmem:s11], [sflag:$0x5] =	stream.linear.gather [hbm4b:s6+s3], $0x800, $0x38;
	[tilespmem:$0x1D000] =	vst v63  }
0x148: {  	_ =	swait.ge [sflag:s10], $0x800  }
0x149: {  	[sflag:s10] =	ssyncset.done $0x0  }
0x14a: {  	[sflag:s10] =	ssyncadd.s32 $0xFFFFF800  }
0x14b: {  	[tilespmem:s13], [sflag:$0x1] =	stream.indirect.gather [hbm4b:s4+s12], $0x80, s3, s12, $0xb8;
	[tilespmem:$0x1D000] =	vst v63  }
0x14c: {  	s8 =	rddreg [dreg:$0x6]  }
0x14d: {  	[tilespmem:s14], [sflag:$0x2] =	stream.indirect.gather [hbm4b:s4+s12], $0x80, s8, s12, $0xb8;
	[tilespmem:$0x1D000] =	vst v63  }
0x14e: {  	s7 =	rddreg [dreg:$0x7]  }
0x14f: {  	[tilespmem:s15], [sflag:$0x3] =	stream.indirect.gather [hbm4b:s4+s12], $0x80, s7, s12, $0xb8;
	[tilespmem:$0x1D000] =	vst v63  }
0x150: {  	s9 =	rddreg [dreg:$0x8]  }
0x151: {  	[tilespmem:s16], [sflag:$0x4] =	stream.indirect.gather [hbm4b:s4+s12], $0x80, s9, s12, $0xb8;
	[tilespmem:$0x1D000] =	vst v63  }
0x152: {  	_ =	swait.ge [sflag:s17], $0x2000  }
0x153: {  	[sflag:s17] =	ssyncset.done $0x0  }
0x154: {  	[sflag:s17] =	ssyncadd.s32 $0xFFFFE000  }
0x155: {  	[spmem:s2] =	stream.indirect.scatter.add.f32 [tilespmem:s13], [sflag:$0x5], $0x80, s11, s12, $0xb8;
	[tilespmem:$0x1D000] =	vst v63  }
0x156: {  	_ =	swait.ge [sflag:s10], $0x2000  }
0x157: {  	[sflag:s10] =	ssyncset.done $0x0  }
0x158: {  	s7 =	rddreg [dreg:$0x9];
	[sflag:s10] =	ssyncadd.s32 $0xFFFFE000  }
0x159: {  	[tilespmem:s13], [sflag:$0x1] =	stream.indirect.gather [hbm4b:s4+s12], $0x80, s7, s12, $0xb8;
	[tilespmem:$0x1D000] =	vst v63  }
0x15a: {  	_ =	swait.ge [sflag:s18], $0x2000  }
0x15b: {  	[sflag:s18] =	ssyncset.done $0x0  }
0x15c: {  	s8 =	rddreg [dreg:$0xa];
	[sflag:s18] =	ssyncadd.s32 $0xFFFFE000  }
0x15d: {  	[spmem:s2] =	stream.indirect.scatter.add.f32 [tilespmem:s14], [sflag:$0x5], $0x80, s8, s12, $0xb8;
	[tilespmem:$0x1D000] =	vst v63  }
0x15e: {  	_ =	swait.ge [sflag:s10], $0x2000  }
0x15f: {  	[sflag:s10] =	ssyncset.done $0x0  }
0x160: {  	s9 =	rddreg [dreg:$0xb];
	[sflag:s10] =	ssyncadd.s32 $0xFFFFE000  }
0x161: {  	[tilespmem:s14], [sflag:$0x2] =	stream.indirect.gather [hbm4b:s4+s12], $0x80, s9, s12, $0xb8;
	[tilespmem:$0x1D000] =	vst v63  }
0x162: {  	_ =	swait.ge [sflag:s19], $0x2000  }
0x163: {  	[sflag:s19] =	ssyncset.done $0x0  }
0x164: {  	s7 =	rddreg [dreg:$0xc];
	[sflag:s19] =	ssyncadd.s32 $0xFFFFE000  }
0x165: {  	[spmem:s2] =	stream.indirect.scatter.add.f32 [tilespmem:s15], [sflag:$0x5], $0x80, s7, s12, $0xb8;
	[tilespmem:$0x1D000] =	vst v63  }
0x166: {  	_ =	swait.ge [sflag:s10], $0x2000  }
0x167: {  	[sflag:s10] =	ssyncset.done $0x0  }
0x168: {  	s8 =	rddreg [dreg:$0xd];
	[sflag:s10] =	ssyncadd.s32 $0xFFFFE000  }
0x169: {  	[tilespmem:s15], [sflag:$0x3] =	stream.indirect.gather [hbm4b:s4+s12], $0x80, s8, s12, $0xb8;
	[tilespmem:$0x1D000] =	vst v63  }
0x16a: {  	_ =	swait.ge [sflag:s20], $0x2000  }
0x16b: {  	[sflag:s20] =	ssyncset.done $0x0  }
0x16c: {  	s9 =	rddreg [dreg:$0xe];
	[sflag:s20] =	ssyncadd.s32 $0xFFFFE000  }
0x16d: {  	[spmem:s2] =	stream.indirect.scatter.add.f32 [tilespmem:s16], [sflag:$0x5], $0x80, s9, s12, $0xb8;
	[tilespmem:$0x1D000] =	vst v63  }
0x16e: {  	_ =	swait.ge [sflag:s10], $0x2000  }
0x16f: {  	[sflag:s10] =	ssyncset.done $0x0  }
0x170: {  	s7 =	rddreg [dreg:$0xf];
	[sflag:s10] =	ssyncadd.s32 $0xFFFFE000  }
0x171: {  	[tilespmem:s16], [sflag:$0x4] =	stream.indirect.gather [hbm4b:s4+s12], $0x80, s7, s12, $0xb8;
	[tilespmem:$0x1D000] =	vst v63  }
0x172: {  	_ =	swait.ge [sflag:s17], $0x2000  }
0x173: {  	[sflag:s17] =	ssyncset.done $0x0  }
0x174: {  	s8 =	rddreg [dreg:$0x10];
	[sflag:s17] =	ssyncadd.s32 $0xFFFFE000  }
0x175: {  	[spmem:s2] =	stream.indirect.scatter.add.f32 [tilespmem:s13], [sflag:$0x5], $0x80, s8, s12, $0xb8;
	[tilespmem:$0x1D000] =	vst v63  }
0x176: {  	_ =	swait.ge [sflag:s10], $0x2000  }
0x177: {  	[sflag:s10] =	ssyncset.done $0x0  }
0x178: {  	s9 =	rddreg [dreg:$0x11];
	[sflag:s10] =	ssyncadd.s32 $0xFFFFE000  }
0x179: {  	[tilespmem:s13], [sflag:$0x1] =	stream.indirect.gather [hbm4b:s4+s12], $0x80, s9, s12, $0xb8;
	[tilespmem:$0x1D000] =	vst v63  }
0x17a: {  	_ =	swait.ge [sflag:s18], $0x2000  }
0x17b: {  	[sflag:s18] =	ssyncset.done $0x0  }
0x17c: {  	s7 =	rddreg [dreg:$0x12];
	[sflag:s18] =	ssyncadd.s32 $0xFFFFE000  }
0x17d: {  	[spmem:s2] =	stream.indirect.scatter.add.f32 [tilespmem:s14], [sflag:$0x5], $0x80, s7, s12, $0xb8;
	[tilespmem:$0x1D000] =	vst v63  }
0x17e: {  	_ =	swait.ge [sflag:s10], $0x2000  }
0x17f: {  	[sflag:s10] =	ssyncset.done $0x0  }
0x180: {  	s8 =	rddreg [dreg:$0x13];
	[sflag:s10] =	ssyncadd.s32 $0xFFFFE000  }
0x181: {  	[tilespmem:s14], [sflag:$0x2] =	stream.indirect.gather [hbm4b:s4+s12], $0x80, s8, s12, $0xb8;
	[tilespmem:$0x1D000] =	vst v63  }
0x182: {  	_ =	swait.ge [sflag:s19], $0x2000  }
0x183: {  	[sflag:s19] =	ssyncset.done $0x0  }
0x184: {  	s9 =	rddreg [dreg:$0x14];
	[sflag:s19] =	ssyncadd.s32 $0xFFFFE000  }
0x185: {  	[spmem:s2] =	stream.indirect.scatter.add.f32 [tilespmem:s15], [sflag:$0x5], $0x80, s9, s12, $0xb8;
	[tilespmem:$0x1D000] =	vst v63  }
0x186: {  	_ =	swait.ge [sflag:s10], $0x2000  }
0x187: {  	[sflag:s10] =	ssyncset.done $0x0  }
0x188: {  	s7 =	rddreg [dreg:$0x15];
	[sflag:s10] =	ssyncadd.s32 $0xFFFFE000  }
0x189: {  	[tilespmem:s15], [sflag:$0x3] =	stream.indirect.gather [hbm4b:s4+s12], $0x80, s7, s12, $0xb8;
	[tilespmem:$0x1D000] =	vst v63  }
0x18a: {  	_ =	swait.ge [sflag:s20], $0x2000  }
0x18b: {  	[sflag:s20] =	ssyncset.done $0x0  }
0x18c: {  	s8 =	rddreg [dreg:$0x16];
	[sflag:s20] =	ssyncadd.s32 $0xFFFFE000  }
0x18d: {  	[spmem:s2] =	stream.indirect.scatter.add.f32 [tilespmem:s16], [sflag:$0x5], $0x80, s8, s12, $0xb8;
	[tilespmem:$0x1D000] =	vst v63  }
0x18e: {  	_ =	swait.ge [sflag:s10], $0x2000  }
0x18f: {  	[sflag:s10] =	ssyncset.done $0x0  }
0x190: {  	[sflag:s10] =	ssyncadd.s32 $0xFFFFE000  }
0x191: {  	[tilespmem:s16], [sflag:$0x4] =	stream.indirect.gather [hbm4b:s4+s12], $0x80, s21, s12, $0xb8;
	[tilespmem:$0x1D000] =	vst v63  }
0x192: {  	_ =	swait.ge [sflag:s17], $0x2000  }
0x193: {  	[sflag:s17] =	ssyncset.done $0x0  }
0x194: {  	[sflag:s17] =	ssyncadd.s32 $0xFFFFE000  }
0x195: {  	[spmem:s2] =	stream.indirect.scatter.add.f32 [tilespmem:s13], [sflag:$0x5], $0x80, s22, s12, $0xb8;
	[tilespmem:$0x1D000] =	vst v63  }
0x196: {  	_ =	swait.ge [sflag:s10], $0x2000  }
0x197: {  	[sflag:s10] =	ssyncset.done $0x0  }
0x198: {  	[sflag:s10] =	ssyncadd.s32 $0xFFFFE000  }
0x199: {  	[tilespmem:s13], [sflag:$0x1] =	stream.indirect.gather [hbm4b:s4+s12], $0x80, s23, s12, $0xb8;
	[tilespmem:$0x1D000] =	vst v63  }
0x19a: {  	_ =	swait.ge [sflag:s18], $0x2000  }
0x19b: {  	[sflag:s18] =	ssyncset.done $0x0  }
0x19c: {  	[sflag:s18] =	ssyncadd.s32 $0xFFFFE000  }
0x19d: {  	[spmem:s2] =	stream.indirect.scatter.add.f32 [tilespmem:s14], [sflag:$0x5], $0x80, s24, s12, $0xb8;
	[tilespmem:$0x1D000] =	vst v63  }
0x19e: {  	_ =	swait.ge [sflag:s10], $0x2000  }
0x19f: {  	[sflag:s10] =	ssyncset.done $0x0  }
0x1a0: {  	[sflag:s10] =	ssyncadd.s32 $0xFFFFE000  }
0x1a1: {  	[tilespmem:s14], [sflag:$0x2] =	stream.indirect.gather [hbm4b:s4+s12], $0x80, s25, s12, $0xb8;
	[tilespmem:$0x1D000] =	vst v63  }
0x1a2: {  	_ =	swait.ge [sflag:s19], $0x2000  }
0x1a3: {  	[sflag:s19] =	ssyncset.done $0x0  }
0x1a4: {  	[sflag:s19] =	ssyncadd.s32 $0xFFFFE000  }
0x1a5: {  	[spmem:s2] =	stream.indirect.scatter.add.f32 [tilespmem:s15], [sflag:$0x5], $0x80, s26, s12, $0xb8;
	[tilespmem:$0x1D000] =	vst v63  }
0x1a6: {  	_ =	swait.ge [sflag:s10], $0x2000  }
0x1a7: {  	[sflag:s10] =	ssyncset.done $0x0  }
0x1a8: {  	[sflag:s10] =	ssyncadd.s32 $0xFFFFE000  }
0x1a9: {  	[tilespmem:s15], [sflag:$0x3] =	stream.indirect.gather [hbm4b:s4+s12], $0x80, s28, s12, $0xb8;
	[tilespmem:$0x1D000] =	vst v63  }
0x1aa: {  	_ =	swait.ge [sflag:s20], $0x2000  }
0x1ab: {  	[sflag:s20] =	ssyncset.done $0x0  }
0x1ac: {  	[sflag:s20] =	ssyncadd.s32 $0xFFFFE000  }
0x1ad: {  	[spmem:s2] =	stream.indirect.scatter.add.f32 [tilespmem:s16], [sflag:$0x5], $0x80, s29, s12, $0xb8;
	[tilespmem:$0x1D000] =	vst v63  }
0x1ae: {  	_ =	swait.ge [sflag:s10], $0x2000  }
0x1af: {  	[sflag:s10] =	ssyncset.done $0x0  }
0x1b0: {  	[sflag:s10] =	ssyncadd.s32 $0xFFFFE000  }
0x1b1: {  	[tilespmem:s16], [sflag:$0x4] =	stream.indirect.gather [hbm4b:s4+s12], $0x80, s30, s12, $0xb8;
	[tilespmem:$0x1D000] =	vst v63  }
0x1b2: {  	_ =	swait.ge [sflag:s17], $0x2000  }
0x1b3: {  	[sflag:s17] =	ssyncset.done $0x0  }
0x1b4: {  	[sflag:s17] =	ssyncadd.s32 $0xFFFFE000  }
0x1b5: {  	[spmem:s2] =	stream.indirect.scatter.add.f32 [tilespmem:s13], [sflag:$0x5], $0x80, s31, s12, $0xb8;
	[tilespmem:$0x1D000] =	vst v63  }
0x1b6: {  	_ =	swait.ge [sflag:s10], $0x2000  }
0x1b7: {  	[sflag:s10] =	ssyncset.done $0x0  }
0x1b8: {  	[sflag:s10] =	ssyncadd.s32 $0xFFFFE000  }
0x1b9: {  	_ =	swait.ge [sflag:s18], $0x2000  }
0x1ba: {  	[sflag:s18] =	ssyncset.done $0x0  }
0x1bb: {  	[sflag:s18] =	ssyncadd.s32 $0xFFFFE000  }
0x1bc: {  	[spmem:s2] =	stream.indirect.scatter.add.f32 [tilespmem:s14], [sflag:$0x5], $0x80, s1, s12, $0xb8;
	[tilespmem:$0x1D000] =	vst v63  }
0x1bd: {  	_ =	swait.ge [sflag:s10], $0x2000  }
0x1be: {  	[sflag:s10] =	ssyncset.done $0x0  }
0x1bf: {  	[sflag:s10] =	ssyncadd.s32 $0xFFFFE000  }
0x1c0: {  	_ =	swait.ge [sflag:s19], $0x2000  }
0x1c1: {  	[sflag:s19] =	ssyncset.done $0x0  }
0x1c2: {  	[sflag:s19] =	ssyncadd.s32 $0xFFFFE000  }
0x1c3: {  	[spmem:s2] =	stream.indirect.scatter.add.f32 [tilespmem:s15], [sflag:$0x5], $0x80, s0, s12, $0xb8;
	[tilespmem:$0x1D000] =	vst v63  }
0x1c4: {  	_ =	swait.ge [sflag:s10], $0x2000  }
0x1c5: {  	[sflag:s10] =	ssyncset.done $0x0  }
0x1c6: {  	[sflag:s10] =	ssyncadd.s32 $0xFFFFE000  }
0x1c7: {  	_ =	swait.ge [sflag:s20], $0x2000  }
0x1c8: {  	[sflag:s20] =	ssyncset.done $0x0  }
0x1c9: {  	[sflag:s20] =	ssyncadd.s32 $0xFFFFE000  }
0x1ca: {  	[spmem:s2] =	stream.indirect.scatter.add.f32 [tilespmem:s16], [sflag:$0x5], $0x80, s5, s12, $0xb8;
	[tilespmem:$0x1D000] =	vst v63  }
0x1cb: {  	_ =	swait.ge [sflag:s10], $0x2000  }
0x1cc: {  	[sflag:s10] =	ssyncset.done $0x0  }
0x1cd: {  	[sflag:s10] =	ssyncadd.s32 $0xFFFFE000  }
0x1ce: {  	[bflag:$0x0] =	sbarrier.arrive $0xFFFF  }
0x1cf: {  	s7 =	rddreg [dreg:$0x18]  }
0x1d0: {  	s9 =	rddreg [dreg:$0x19]  }
0x1d1: {  	s8 =	rddreg [dreg:$0x1b]  }
0x1d2: {  	[hbm:s9], [sflag:s7] =	dma.local [spmem:s8], $0x2800  }
0x1d3: {  	_ =	swait.ge [sflag:s10], $0x2800  }
0x1d4: {  	s6 =	rddreg [dreg:$0x1c]  }
0x1d5: {  	s9 =	sadd.s32 $0x1, s6;
	s6 =	rddreg [dreg:$0x1a]  }
0x1d6: {  	p0 =	sne.s32 s9, s6  }
.Ltmp1:
0x1d7: {  	_ = 	snop;
	(pc) =	sbr.rel @p0 .LBB2_1-.Ltmp1, $3  }
0x1d8: {  	_ =	sdelay $0x1  }
0x1d9: {  	[sflag:s10] =	ssyncset.done $0x0  }
0x1da: {  	[sflag:s10] =	ssyncadd.s32 $0xFFFFD800  }
0x1db: {  	_ =	sfence.sel $0x180000  }
0x1dc: {  	[bflag:$0x0] =	sbarrier.arrive $0xFFFF  }
0x1dd: {  	_ =	strace $0x9000004A  }
0x1de: {  	s0 =	stileid.u32;
	[bflag:$0x2] =	sbarrier.arrive $0xFFFF  }
0x1df: {  	p0 =	sne.s32 s0, $0x0;
	s0 =	rddreg [dreg:$0x3]  }
0x1e0: {  	s0 =	sadd.s32 @!p0 $0x100000, s0  }
0x1e1: {  	[sflag:s0] =	ssyncadd.tile.s32 @!p0 $0x1;
	_ =	shalt  }
.Lfunc_end2:
_tile_overlayer_lowered:
.L_overlay_start_2:
0x1e2: {  	(tag) =	ssettag $0x2  }
0x1e3: {  	s0 =	rddreg [dreg:$0x0];
	s2 =	stileid.u32  }
0x1e4: {  	s1 =	rddreg [dreg:$0x1];
	p0 =	sne.s32 s2, $0x0  }
0x1e5: {  	s3 =	rddreg [dreg:$0x2];
	[bflag:$0x3] =	sbarrier.arrive $0xFFFF;
	s2 =	simm.s32 @!p0 $0x1C05  }
0x1e6: {  	[timem:s3], [sflag:s2] =	dma.local @!p0 [hbm:s0], s1  }
0x1e7: {  	s0 =	simm.s32 @!p0 $0x5  }
0x1e8: {  	_ =	swait.ge @!p0 [sflag:s0], s1  }
0x1e9: {  	s1 =	ssub.s32 @!p0 $0x0, s1;
	[sflag:s0] =	ssyncset.done @!p0 $0x0  }
0x1ea: {  	[sflag:s0] =	ssyncadd.s32 @!p0 s1  }
0x1eb: {  	[bflag:$0x3] =	sbarrier.arrive $0xFFFF  }
0x1ec: {  	_ =	shalt  }

// kernel: kernel.14.cloned.1.call-start
scs
__scs_entry_jumppad:
0x0: {  	(pc) =	sbr.rel $0x88, $3  }
0x1: {  	(tag) =	ssettag $0x0;
	lr =	simm.s32 $0x1  }
0x2: {  	[smem:$0x3F9B] =	sst lr;
	_ =	strace $0xD0000000  }
0x3: {  	_ = 	snop  }
0x4: {  	_ = 	snop  }
0x5: {  	_ = 	snop  }
0x6: {  	_ = 	snop  }
0x7: {  	_ = 	snop  }
__scs_overlays_trampoline_lowered:
0x8: {  	[smem:$0x3FAA] =	sst s0  }
0x9: {  	[smem:$0x3FAB] =	sst s1  }
0xa: {  	[smem:$0x3FAC] =	sst s2  }
0xb: {  	[smem:$0x3FAD] =	sst s3  }
0xc: {  	[smem:$0x3FAE] =	sst s4  }
0xd: {  	[smem:$0x3FAF] =	sst s5  }
0xe: {  	[smem:$0x3FB0] =	sst s6  }
0xf: {  	[smem:$0x3FB1] =	sst s7  }
0x10: {  	[smem:$0x3FB2] =	sst s8  }
0x11: {  	[smem:$0x3FB3] =	sst s9;
	s0 =	simm.s32 @!p0 $0x0  }
0x12: {  	s1 =	sld [smem:$0x3F99];
	s0 =	simm.s32 @p0 $0x1  }
0x13: {  	[smem:$0x3FB4] =	sst s0;
	s0 =	simm.s32 @!p1 $0x0  }
0x14: {  	s2 =	sld [smem:$0x3F98];
	s0 =	simm.s32 @p1 $0x1  }
0x15: {  	[smem:$0x3FB5] =	sst s0;
	s0 =	simm.s32 @!p2 $0x0  }
0x16: {  	s3 =	sld [smem:$0x3FDB];
	s0 =	simm.s32 @p2 $0x1  }
0x17: {  	s4 =	simm.s32 $0x1BF5;
	[smem:$0x3FB7] =	sst s0  }
0x18: {  	s0 =	sld [smem:$0x3F9A];
	_ =	swait.ge [sflag:s4], $0x0  }
0x19: {  	s7 =	sld [smem:$0x3F9B]  }
0x1a: {  	s8 =	sadd.s32 $0xFFFFE003, lr  }
0x1b: {  	s9 =	sadd.s32 $0xFFFFFEF7, lr;
	s5 =	simm.s32 $0xFFFFFFFF;
	p2 =	slt.u32 s8, $0xFFFFF086  }
0x1c: {  	p1 =	slt.u32 s9, $0xF7A;
	s5 =	simm.s32 @!p2 $0x0  }
0x1d: {  	s5 =	simm.s32 @p1 $0x1;
	p0 =	seq.s32 s7, s2  }
0x1e: {  	s7 =	smul.u32 @!p0 $0xF7A, s2;
	p2 =	seq.s32 @!p0 s5, $0x0  }
0x1f: {  	s9 =	smul.u32 $0xF7A, s1;
	s8 =	simm.s32 @!p0 $0x1BF5;
	p2 =	por !p2, p0  }
0x20: {  	[sflag:s8] =	ssyncset.s32 @!p0 $0xFFFFF086;
	s6 =	sadd.s32 @!p0 s3, s7;
	s7 =	simm.s32 @!p0 $0x108  }
0x21: {  	s3 =	sadd.s32 s3, s9;
	s6 =	sadd.s32 @!p0 $0x88, s6;
	s7 =	simm.s32 @p2 $0x1082  }
0x22: {  	[simem:s7], [sflag:s8] =	dma.local @!p0 [hbm:s6], $0xF7A  }
0x23: {  	s9 =	sor.u32 $0xD0000000, s2;
	s6 =	simm.s32 $0x108;
	_ =	swait.ge @!p0 [sflag:s8], $0x0  }
0x24: {  	s3 =	sadd.s32 $0x88, s3;
	s6 =	simm.s32 @!p1 $0x1082;
	[sflag:s4] =	ssyncset.s32 $0xFFFFF086  }
0x25: {  	[simem:s6], [sflag:s4] =	dma.local [hbm:s3], $0xF7A  }
0x26: {  	[smem:$0x3F9B] =	sst s1;
	(tag) =	ssettag s2;
	_ =	strace s9  }
0x27: {  	s1 =	sld [smem:$0x3FAB]  }
0x28: {  	s2 =	sld [smem:$0x3FAC]  }
0x29: {  	s4 =	sld [smem:$0x3FAE]  }
0x2a: {  	p0 =	seq.s32 s5, $0x0;
	s5 =	sld [smem:$0x3FAF]  }
0x2b: {  	s6 =	sld [smem:$0x3FB0]  }
0x2c: {  	s7 =	sld [smem:$0x3FB1]  }
0x2d: {  	s3 =	simm.s32 $0x108;
	s8 =	sld [smem:$0x3FB2]  }
0x2e: {  	s3 =	simm.s32 @!p0 $0x1082;
	s9 =	sld [smem:$0x3FB3]  }
0x2f: {  	lr =	sadd.s32 s0, s3;
	s0 =	sld [smem:$0x3FAA]  }
0x30: {  	s3 =	sld [smem:$0x3FAD]  }
0x31: {  	[smem:$0x3FB6] =	sst s10  }
0x32: {  	s10 =	sld [smem:$0x3FB4];
	_ =	sdelay $0x3  }
0x33: {  	p0 =	seq.s32 s10, $0x1;
	s10 =	sld [smem:$0x3FB6];
	_ =	sdelay $0x3  }
0x34: {  	[smem:$0x3FB6] =	sst s10  }
0x35: {  	s10 =	sld [smem:$0x3FB5];
	_ =	sdelay $0x3  }
0x36: {  	p1 =	seq.s32 s10, $0x1;
	s10 =	sld [smem:$0x3FB6];
	_ =	sdelay $0x3  }
0x37: {  	[smem:$0x3FB6] =	sst s10  }
0x38: {  	s10 =	sld [smem:$0x3FB7]  }
0x39: {  	_ = 	snop;
	(pc) =	sbr.ind lr, $3  }
0x3a: {  	_ = 	snop  }
0x3b: {  	_ = 	snop  }
0x3c: {  	p2 =	seq.s32 s10, $0x1;
	s10 =	sld [smem:$0x3FB6]  }
0x3d: {  	_ =	shalt  }
0x3e: {  	_ =	shalt  }
0x3f: {  	_ =	shalt  }
0x40: {  	_ =	shalt  }
0x41: {  	_ =	shalt  }
0x42: {  	_ =	shalt  }
0x43: {  	_ =	shalt  }
0x44: {  	_ =	shalt  }
0x45: {  	_ =	shalt  }
0x46: {  	_ =	shalt  }
0x47: {  	_ =	shalt  }
0x48: {  	_ =	shalt  }
0x49: {  	_ =	shalt  }
0x4a: {  	_ =	shalt  }
0x4b: {  	_ =	shalt  }
0x4c: {  	_ =	shalt  }
0x4d: {  	_ =	shalt  }
0x4e: {  	_ =	shalt  }
0x4f: {  	_ =	shalt  }
0x50: {  	_ =	shalt  }
0x51: {  	_ =	shalt  }
0x52: {  	_ =	shalt  }
0x53: {  	_ =	shalt  }
0x54: {  	_ =	shalt  }
0x55: {  	_ =	shalt  }
0x56: {  	_ =	shalt  }
0x57: {  	_ =	shalt  }
0x58: {  	_ =	shalt  }
0x59: {  	_ =	shalt  }
0x5a: {  	_ =	shalt  }
0x5b: {  	_ =	shalt  }
0x5c: {  	_ =	shalt  }
0x5d: {  	_ =	shalt  }
0x5e: {  	_ =	shalt  }
0x5f: {  	_ =	shalt  }
0x60: {  	_ =	shalt  }
0x61: {  	_ =	shalt  }
0x62: {  	_ =	shalt  }
0x63: {  	_ =	shalt  }
0x64: {  	_ =	shalt  }
0x65: {  	_ =	shalt  }
0x66: {  	_ =	shalt  }
0x67: {  	_ =	shalt  }
0x68: {  	_ =	shalt  }
0x69: {  	_ =	shalt  }
0x6a: {  	_ =	shalt  }
0x6b: {  	_ =	shalt  }
0x6c: {  	_ =	shalt  }
0x6d: {  	_ =	shalt  }
0x6e: {  	_ =	shalt  }
0x6f: {  	_ =	shalt  }
0x70: {  	_ =	shalt  }
0x71: {  	_ =	shalt  }
0x72: {  	_ =	shalt  }
0x73: {  	_ =	shalt  }
0x74: {  	_ =	shalt  }
0x75: {  	_ =	shalt  }
0x76: {  	_ =	shalt  }
0x77: {  	_ =	shalt  }
0x78: {  	_ =	shalt  }
0x79: {  	_ =	shalt  }
0x7a: {  	_ =	shalt  }
0x7b: {  	_ =	shalt  }
0x7c: {  	_ =	shalt  }
0x7d: {  	_ =	shalt  }
0x7e: {  	_ =	shalt  }
0x7f: {  	_ =	shalt  }
0x80: {  	_ =	shalt  }
0x81: {  	_ =	shalt  }
0x82: {  	_ =	shalt  }
0x83: {  	_ =	shalt  }
0x84: {  	_ =	shalt  }
0x85: {  	_ =	shalt  }
0x86: {  	_ =	shalt  }
0x87: {  	_ =	shalt  }
.Lfunc_end0:
.L_simem_size_0:
called_computation.2_lowered:
.L_overlay_start_0:
0x88: {  	s2 =	sld [smem:$0x3FD9]  }
0x89: {  	s3 =	sld [smem:$0x3FFE];
	_ =	sdelay $0x1  }
0x8a: {  	s1 =	srdreg.scid  }
0x8b: {  	s0 =	sand.u32 $0x1, s1  }
0x8c: {  	s17 =	sshll.u32 s0, $0xA;
	s2 =	sadd.s32 s3, s2  }
0x8d: {  	s2 =	sadd.s32 s2, s17  }
0x8e: {  	[smem:$0x3FC2] =	sst s2  }
0x8f: {  	_ = 	snop  }
0x90: {  	s2 =	sld [smem:$0x3FD0];
	(tm) =	ssettm $0x1  }
0x91: {  	s18 =	sld [smem:$0x3FFB];
	_ =	sdelay $0x3  }
0x92: {  	_ =	strace s18  }
0x93: {  	s3 =	sld [smem:$0x3FFC];
	_ =	sdelay $0x3  }
0x94: {  	_ =	strace s3  }
0x95: {  	s3 =	sld [smem:$0x3FFD];
	_ =	sdelay $0x3  }
0x96: {  	_ =	strace s3  }
0x97: {  	_ =	strace $0x8FFFFFFF  }
0x98: {  	s19 =	sld [smem:$0x3FDB];
	_ =	sdelay $0x1  }
0x99: {  	s4 =	simm.s32 $_scs_section_size  }
0x9a: {  	s5 =	simm.s32 $_size__tile_overlayer_lowered;
	s6 =	simm.s32 $_tile_overlayer_lowered  }
0x9b: {  	s22 =	simm.s32 $0x1BFF;
	s21 =	sshll.u32 s6, $0x1;
	s3 =	sadd.s32 s4, s19  }
0x9c: {  	s7 =	simm.s32 $0x0;
	s20 =	sshll.u32 s5, $0x1;
	s5 =	sadd.s32 s21, s3  }
0x9d: {  	[timem:s7], [sflag:s22] =	dma.local [hbm:s5], s20  }
0x9e: {  	_ =	swait.ge [sflag:s22], s20  }
0x9f: {  	s4 =	ssub.s32 $0x0, s20;
	[sflag:s22] =	ssyncset.done $0x0  }
0xa0: {  	[sflag:s22] =	ssyncadd.s32 s4;
	_ =	sdelay $0x1  }
0xa1: {  	s23 =	simm.s32 $0x1B8B  }
0xa2: {  	_ =	swait.ge [sflag:s23], $0x1  }
0xa3: {  	[sflag:s23] =	ssyncset.done $0x0  }
0xa4: {  	s25 =	simm.s32 $0x1B8E;
	s24 =	sld [smem:$0x3FFE];
	[sflag:s23] =	ssyncadd.s32 $0xFFFFFFFF  }
0xa5: {  	s26 =	simm.s32 $execute0_lowered;
	[smem:$0x3FD2] =	sst s25  }
0xa6: {  	s5 =	sshll.u32 s26, $0x1;
	_ =	strace $0x8000004C;
	[dreg:$0x1] =	wrdreg $0xFFFFFFFF  }
0xa7: {  	s28 =	simm.s32 $_size_execute0_lowered;
	s3 =	sadd.s32 s3, s5;
	[dreg:$0x0] =	wrdreg $0x0  }
0xa8: {  	s5 =	sshll.u32 s28, $0x1;
	[dreg:$0x2] =	wrdreg s3  }
0xa9: {  	[dreg:$0x3] =	wrdreg s5  }
0xaa: {  	[dreg:$0x4] =	wrdreg $0xC0  }
0xab: {  	_ =	task [dreg:s7], $0x5FFFF  }
0xac: {  	[dreg:$0x1] =	wrdreg $0xFFFFFFFF  }
0xad: {  	[dreg:$0x0] =	wrdreg $0x60  }
0xae: {  	[dreg:$0x2] =	wrdreg s24  }
0xaf: {  	[dreg:$0x3] =	wrdreg s2  }
0xb0: {  	[dreg:$0x4] =	wrdreg $0x90000  }
0xb1: {  	[dreg:$0x5] =	wrdreg $0x9  }
0xb2: {  	_ =	task.clear_ibuf [dreg:s7], $0x6FFFF;
	_ =	strace $0x9000004C  }
0xb3: {  	s29 =	simm.s32 $0x9;
	_ =	strace $0x8000004E  }
0xb4: {  	_ =	swait.ge [sflag:s29], $0x1  }
0xb5: {  	[sflag:s29] =	ssyncadd.s32 $0xFFFFFFFF  }
0xb6: {  	_ =	strace $0x9000004E  }
0xb7: {  	_ =	sfence  }
0xb8: {  	s30 =	sld [smem:$0x0];
	_ =	sdelay $0x2  }
0xb9: {  	s31 =	sshll.u32 s1, $0xD;
	s1 =	sshrl.u32 s1, $0x2  }
0xba: {  	s3 =	sand.u32 $0x4000, s31;
	s1 =	sadd.s32 s1, s30  }
0xbb: {  	s0 =	sor.u32 s3, s0;
	s1 =	sshll.u32 s1, $0x11  }
0xbc: {  	s0 =	sor.u32 s1, s0  }
0xbd: {  	s0 =	sadd.s32 $0x8F2B, s0  }
0xbe: {  	[sflag:s0] =	ssyncadd.remote.s32 $0x1  }
0xbf: {  	_ =	sfence.sel $0xFFFF  }
0xc0: {  	[dreg:$0x0] =	wrdreg $0xFFFFFFFF;
	(pc) =	sbr.abs _section_cstart, $3  }
0xc1: {  	[dreg:$0x1] =	wrdreg $0xFFFFFFFF  }
0xc2: {  	_ =	task.clear_ibuf [dreg:s7], $0x2FFFF;
	_ =	strace $0x9FFFFFFF  }
0xc3: {  	(tm) =	ssettm $0x7FFFFFFF  }
tec
execute0_lowered:
.L_overlay_start_1:
0x0: {  	(tag) =	ssettag $0x1  }
0x1: {  	s0 =	rddreg [dreg:$0x0]  }
0x2: {  	s1 =	srdreg.scid;
	s5 =	rddreg [dreg:$0x1]  }
0x3: {  	s12 =	stileid.u32;
	s2 =	rddreg [dreg:$0x2];
	s3 =	simm.s32 $0x0  }
0x4: {  	s26 =	simm.s32 $0x80;
	s14 =	simm.s32 $0x880;
	s4 =	smul.u32 $0xA000, s12  }
0x5: {  	s15 =	simm.s32 $0x280;
	s16 =	simm.s32 $0x900;
	s22 =	smul.u32 $0x14000, s12  }
0x6: {  	[smem:$0x7FF] =	sst s3;
	s7 =	smul.u32 $0x50000, s12;
	s23 =	sshll.u32 s12, $0x6  }
0x7: {  	s12 =	simm.s32 $0x200;
	_ =	strace $0x8000004D;
	[dreg:$0x6] =	wrdreg s26  }
0x8: {  	s17 =	simm.s32 $0x300;
	s18 =	simm.s32 $0x980;
	[dreg:$0x9] =	wrdreg s12  }
0x9: {  	s19 =	simm.s32 $0x380;
	s20 =	simm.s32 $0xA00;
	[dreg:$0xa] =	wrdreg s14  }
0xa: {  	s21 =	simm.s32 $0x400;
	s28 =	simm.s32 $0x700;
	[dreg:$0xb] =	wrdreg s15  }
0xb: {  	s29 =	simm.s32 $0xD80;
	s30 =	simm.s32 $0x780;
	[dreg:$0xc] =	wrdreg s16  }
0xc: {  	s31 =	simm.s32 $0xE00;
	s1 =	sand.u32 $0x1, s1;
	[dreg:$0xd] =	wrdreg s17  }
0xd: {  	s6 =	smul.u32 $0x5000, s1;
	s9 =	ssub.s32 $0x2, s1;
	[dreg:$0xe] =	wrdreg s18  }
0xe: {  	s1 =	smul.u32 $0x140000, s1;
	s25 =	sor.u32 $0x1C05, s23;
	[dreg:$0xf] =	wrdreg s19  }
0xf: {  	s12 =	simm.s32 $0x40;
	s14 =	simm.s32 $0x3000;
	[dreg:$0x10] =	wrdreg s20  }
0x10: {  	s15 =	simm.s32 $0x5000;
	s16 =	simm.s32 $0x7000;
	[dreg:$0x11] =	wrdreg s21  }
0x11: {  	s17 =	simm.s32 $0x1;
	s23 =	simm.s32 $0x480;
	s18 =	simm.s32 $0x2  }
0x12: {  	s19 =	simm.s32 $0x3;
	s20 =	simm.s32 $0x4;
	s26 =	simm.s32 $0xB80  }
0x13: {  	s21 =	simm.s32 $0x580;
	s10 =	sshrl.u32 s22, $0x3;
	[dreg:$0x13] =	wrdreg s23  }
0x14: {  	s11 =	sshrl.u32 s9, $0x1;
	s7 =	sshrl.u32 s7, $0x2;
	[dreg:$0x16] =	wrdreg s26  }
0x15: {  	s23 =	simm.s32 $0x600;
	s26 =	simm.s32 $0xD00;
	s4 =	sadd.s32 s6, s4  }
0x16: {  	s9 =	ssub.s32 s9, s11;
	s7 =	sadd.s32 s7, s2;
	s1 =	sadd.s32 s22, s1  }
0x17: {  	s11 =	simm.s32 $0x180;
	s22 =	simm.s32 $0xA80;
	s4 =	sshrl.u32 s4, $0x3  }
0x18: {  	s1 =	sshrl.u32 s1, $0x3;
	[dreg:$0x8] =	wrdreg s11;
	s13 =	smax.u32 s9, $0x1  }
0x19: {  	[dreg:$0x12] =	wrdreg s22;
	s8 =	sadd.s32 s4, s0;
	s4 =	sadd.s32 $0x2B600, s0  }
0x1a: {  	s0 =	sadd.s32 s10, s0;
	s1 =	sadd.s32 s5, s1;
	[dreg:$0x1a] =	wrdreg s13  }
0x1b: {  	s11 =	simm.s32 $0x800;
	s0 =	sadd.s32 $0x53600, s0;
	[dreg:$0x19] =	wrdreg s1  }
0x1c: {  	s22 =	simm.s32 $0xC00;
	s24 =	sadd.s32 $0x17600, s8;
	[dreg:$0x17] =	wrdreg s0  }
0x1d: {  	s9 =	simm.s32 $0x0;
	s8 =	sadd.s32 $0x3600, s8;
	[dreg:$0x4] =	wrdreg s24  }
0x1e: {  	s10 =	simm.s32 $0x5;
	[dreg:$0x5] =	wrdreg s8;
	s8 =	simm.s32 $0x100  }
0x1f: {  	s24 =	simm.s32 $0xB00;
	[dreg:$0x7] =	wrdreg s8;
	s8 =	sshrl.u32 s7, $0x3  }
0x20: {  	s7 =	smov.u32 s25;
	[dreg:$0x14] =	wrdreg s24;
	s25 =	simm.s32 $0x500  }
0x21: {  	s13 =	simm.s32 $0x1000;
	s5 =	simm.s32 $0xF80;
	[dreg:$0x15] =	wrdreg s25  }
0x22: {  	s1 =	simm.s32 $0xE80;
	s0 =	simm.s32 $0xF00;
	[dreg:$0x18] =	wrdreg s7  }
0x23: {  	s24 =	simm.s32 $0xC80;
	s25 =	simm.s32 $0x680;
	[dreg:$0x1b] =	wrdreg s8  }
.LBB2_1:
0x24: {  	[dreg:$0x1c] =	wrdreg s9  }
0x25: {  	s6 =	rddreg [dreg:$0x17]  }
0x26: {  	[spmem:s8], [sflag:s7] =	dma.local [hbm:s6], $0x2800  }
0x27: {  	_ =	swait.ge [sflag:s10], $0x2800  }
0x28: {  	[sflag:s10] =	ssyncset.done $0x0  }
0x29: {  	[sflag:s10] =	ssyncadd.s32 $0xFFFFD800  }
0x2a: {  	[bflag:$0x0] =	sbarrier.arrive $0xFFFF  }
0x2b: {  	s9 =	rddreg [dreg:$0x5]  }
0x2c: {  	s6 =	sadd.s32 $0x0, s9  }
0x2d: {  	[tilespmem:s3], [sflag:$0x5] =	stream.linear.gather [hbm4b:s6+s3], $0x800, $0x38;
	[tilespmem:$0x1D000] =	vst v63  }
0x2e: {  	_ =	swait.ge [sflag:s10], $0x800  }
0x2f: {  	s7 =	rddreg [dreg:$0x4];
	[sflag:s10] =	ssyncset.done $0x0  }
0x30: {  	[sflag:s10] =	ssyncadd.s32 $0xFFFFF800;
	s6 =	sadd.s32 $0x0, s7  }
0x31: {  	[tilespmem:s11], [sflag:$0x5] =	stream.linear.gather [hbm4b:s6+s3], $0x800, $0x38;
	[tilespmem:$0x1D000] =	vst v63  }
0x32: {  	_ =	swait.ge [sflag:s10], $0x800  }
0x33: {  	[sflag:s10] =	ssyncset.done $0x0  }
0x34: {  	[sflag:s10] =	ssyncadd.s32 $0xFFFFF800  }
0x35: {  	[tilespmem:s13], [sflag:$0x1] =	stream.indirect.gather [hbm4b:s4+s12], $0x80, s3, s12, $0xb8;
	[tilespmem:$0x1D000] =	vst v63  }
0x36: {  	s8 =	rddreg [dreg:$0x6]  }
0x37: {  	[tilespmem:s14], [sflag:$0x2] =	stream.indirect.gather [hbm4b:s4+s12], $0x80, s8, s12, $0xb8;
	[tilespmem:$0x1D000] =	vst v63  }
0x38: {  	s9 =	rddreg [dreg:$0x7]  }
0x39: {  	[tilespmem:s15], [sflag:$0x3] =	stream.indirect.gather [hbm4b:s4+s12], $0x80, s9, s12, $0xb8;
	[tilespmem:$0x1D000] =	vst v63  }
0x3a: {  	s7 =	rddreg [dreg:$0x8]  }
0x3b: {  	[tilespmem:s16], [sflag:$0x4] =	stream.indirect.gather [hbm4b:s4+s12], $0x80, s7, s12, $0xb8;
	[tilespmem:$0x1D000] =	vst v63  }
0x3c: {  	_ =	swait.ge [sflag:s17], $0x2000  }
0x3d: {  	[sflag:s17] =	ssyncset.done $0x0  }
0x3e: {  	[sflag:s17] =	ssyncadd.s32 $0xFFFFE000  }
0x3f: {  	[spmem:s2] =	stream.indirect.scatter.add.f32 [tilespmem:s13], [sflag:$0x5], $0x80, s11, s12, $0xb8;
	[tilespmem:$0x1D000] =	vst v63  }
0x40: {  	_ =	swait.ge [sflag:s10], $0x2000  }
0x41: {  	[sflag:s10] =	ssyncset.done $0x0  }
0x42: {  	s8 =	rddreg [dreg:$0x9];
	[sflag:s10] =	ssyncadd.s32 $0xFFFFE000  }
0x43: {  	[tilespmem:s13], [sflag:$0x1] =	stream.indirect.gather [hbm4b:s4+s12], $0x80, s8, s12, $0xb8;
	[tilespmem:$0x1D000] =	vst v63  }
0x44: {  	_ =	swait.ge [sflag:s18], $0x2000  }
0x45: {  	[sflag:s18] =	ssyncset.done $0x0  }
0x46: {  	s9 =	rddreg [dreg:$0xa];
	[sflag:s18] =	ssyncadd.s32 $0xFFFFE000  }
0x47: {  	[spmem:s2] =	stream.indirect.scatter.add.f32 [tilespmem:s14], [sflag:$0x5], $0x80, s9, s12, $0xb8;
	[tilespmem:$0x1D000] =	vst v63  }
0x48: {  	_ =	swait.ge [sflag:s10], $0x2000  }
0x49: {  	[sflag:s10] =	ssyncset.done $0x0  }
0x4a: {  	s7 =	rddreg [dreg:$0xb];
	[sflag:s10] =	ssyncadd.s32 $0xFFFFE000  }
0x4b: {  	[tilespmem:s14], [sflag:$0x2] =	stream.indirect.gather [hbm4b:s4+s12], $0x80, s7, s12, $0xb8;
	[tilespmem:$0x1D000] =	vst v63  }
0x4c: {  	_ =	swait.ge [sflag:s19], $0x2000  }
0x4d: {  	[sflag:s19] =	ssyncset.done $0x0  }
0x4e: {  	s8 =	rddreg [dreg:$0xc];
	[sflag:s19] =	ssyncadd.s32 $0xFFFFE000  }
0x4f: {  	[spmem:s2] =	stream.indirect.scatter.add.f32 [tilespmem:s15], [sflag:$0x5], $0x80, s8, s12, $0xb8;
	[tilespmem:$0x1D000] =	vst v63  }
0x50: {  	_ =	swait.ge [sflag:s10], $0x2000  }
0x51: {  	[sflag:s10] =	ssyncset.done $0x0  }
0x52: {  	s9 =	rddreg [dreg:$0xd];
	[sflag:s10] =	ssyncadd.s32 $0xFFFFE000  }
0x53: {  	[tilespmem:s15], [sflag:$0x3] =	stream.indirect.gather [hbm4b:s4+s12], $0x80, s9, s12, $0xb8;
	[tilespmem:$0x1D000] =	vst v63  }
0x54: {  	_ =	swait.ge [sflag:s20], $0x2000  }
0x55: {  	[sflag:s20] =	ssyncset.done $0x0  }
0x56: {  	s7 =	rddreg [dreg:$0xe];
	[sflag:s20] =	ssyncadd.s32 $0xFFFFE000  }
0x57: {  	[spmem:s2] =	stream.indirect.scatter.add.f32 [tilespmem:s16], [sflag:$0x5], $0x80, s7, s12, $0xb8;
	[tilespmem:$0x1D000] =	vst v63  }
0x58: {  	_ =	swait.ge [sflag:s10], $0x2000  }
0x59: {  	[sflag:s10] =	ssyncset.done $0x0  }
0x5a: {  	s8 =	rddreg [dreg:$0xf];
	[sflag:s10] =	ssyncadd.s32 $0xFFFFE000  }
0x5b: {  	[tilespmem:s16], [sflag:$0x4] =	stream.indirect.gather [hbm4b:s4+s12], $0x80, s8, s12, $0xb8;
	[tilespmem:$0x1D000] =	vst v63  }
0x5c: {  	_ =	swait.ge [sflag:s17], $0x2000  }
0x5d: {  	[sflag:s17] =	ssyncset.done $0x0  }
0x5e: {  	s9 =	rddreg [dreg:$0x10];
	[sflag:s17] =	ssyncadd.s32 $0xFFFFE000  }
0x5f: {  	[spmem:s2] =	stream.indirect.scatter.add.f32 [tilespmem:s13], [sflag:$0x5], $0x80, s9, s12, $0xb8;
	[tilespmem:$0x1D000] =	vst v63  }
0x60: {  	_ =	swait.ge [sflag:s10], $0x2000  }
0x61: {  	[sflag:s10] =	ssyncset.done $0x0  }
0x62: {  	s7 =	rddreg [dreg:$0x11];
	[sflag:s10] =	ssyncadd.s32 $0xFFFFE000  }
0x63: {  	[tilespmem:s13], [sflag:$0x1] =	stream.indirect.gather [hbm4b:s4+s12], $0x80, s7, s12, $0xb8;
	[tilespmem:$0x1D000] =	vst v63  }
0x64: {  	_ =	swait.ge [sflag:s18], $0x2000  }
0x65: {  	[sflag:s18] =	ssyncset.done $0x0  }
0x66: {  	s8 =	rddreg [dreg:$0x12];
	[sflag:s18] =	ssyncadd.s32 $0xFFFFE000  }
0x67: {  	[spmem:s2] =	stream.indirect.scatter.add.f32 [tilespmem:s14], [sflag:$0x5], $0x80, s8, s12, $0xb8;
	[tilespmem:$0x1D000] =	vst v63  }
0x68: {  	_ =	swait.ge [sflag:s10], $0x2000  }
0x69: {  	[sflag:s10] =	ssyncset.done $0x0  }
0x6a: {  	s9 =	rddreg [dreg:$0x13];
	[sflag:s10] =	ssyncadd.s32 $0xFFFFE000  }
0x6b: {  	[tilespmem:s14], [sflag:$0x2] =	stream.indirect.gather [hbm4b:s4+s12], $0x80, s9, s12, $0xb8;
	[tilespmem:$0x1D000] =	vst v63  }
0x6c: {  	_ =	swait.ge [sflag:s19], $0x2000  }
0x6d: {  	[sflag:s19] =	ssyncset.done $0x0  }
0x6e: {  	s7 =	rddreg [dreg:$0x14];
	[sflag:s19] =	ssyncadd.s32 $0xFFFFE000  }
0x6f: {  	[spmem:s2] =	stream.indirect.scatter.add.f32 [tilespmem:s15], [sflag:$0x5], $0x80, s7, s12, $0xb8;
	[tilespmem:$0x1D000] =	vst v63  }
0x70: {  	_ =	swait.ge [sflag:s10], $0x2000  }
0x71: {  	[sflag:s10] =	ssyncset.done $0x0  }
0x72: {  	s8 =	rddreg [dreg:$0x15];
	[sflag:s10] =	ssyncadd.s32 $0xFFFFE000  }
0x73: {  	[tilespmem:s15], [sflag:$0x3] =	stream.indirect.gather [hbm4b:s4+s12], $0x80, s8, s12, $0xb8;
	[tilespmem:$0x1D000] =	vst v63  }
0x74: {  	_ =	swait.ge [sflag:s20], $0x2000  }
0x75: {  	[sflag:s20] =	ssyncset.done $0x0  }
0x76: {  	s9 =	rddreg [dreg:$0x16];
	[sflag:s20] =	ssyncadd.s32 $0xFFFFE000  }
0x77: {  	[spmem:s2] =	stream.indirect.scatter.add.f32 [tilespmem:s16], [sflag:$0x5], $0x80, s9, s12, $0xb8;
	[tilespmem:$0x1D000] =	vst v63  }
0x78: {  	_ =	swait.ge [sflag:s10], $0x2000  }
0x79: {  	[sflag:s10] =	ssyncset.done $0x0  }
0x7a: {  	[sflag:s10] =	ssyncadd.s32 $0xFFFFE000  }
0x7b: {  	[tilespmem:s16], [sflag:$0x4] =	stream.indirect.gather [hbm4b:s4+s12], $0x80, s21, s12, $0xb8;
	[tilespmem:$0x1D000] =	vst v63  }
0x7c: {  	_ =	swait.ge [sflag:s17], $0x2000  }
0x7d: {  	[sflag:s17] =	ssyncset.done $0x0  }
0x7e: {  	[sflag:s17] =	ssyncadd.s32 $0xFFFFE000  }
0x7f: {  	[spmem:s2] =	stream.indirect.scatter.add.f32 [tilespmem:s13], [sflag:$0x5], $0x80, s22, s12, $0xb8;
	[tilespmem:$0x1D000] =	vst v63  }
0x80: {  	_ =	swait.ge [sflag:s10], $0x2000  }
0x81: {  	[sflag:s10] =	ssyncset.done $0x0  }
0x82: {  	[sflag:s10] =	ssyncadd.s32 $0xFFFFE000  }
0x83: {  	[tilespmem:s13], [sflag:$0x1] =	stream.indirect.gather [hbm4b:s4+s12], $0x80, s23, s12, $0xb8;
	[tilespmem:$0x1D000] =	vst v63  }
0x84: {  	_ =	swait.ge [sflag:s18], $0x2000  }
0x85: {  	[sflag:s18] =	ssyncset.done $0x0  }
0x86: {  	[sflag:s18] =	ssyncadd.s32 $0xFFFFE000  }
0x87: {  	[spmem:s2] =	stream.indirect.scatter.add.f32 [tilespmem:s14], [sflag:$0x5], $0x80, s24, s12, $0xb8;
	[tilespmem:$0x1D000] =	vst v63  }
0x88: {  	_ =	swait.ge [sflag:s10], $0x2000  }
0x89: {  	[sflag:s10] =	ssyncset.done $0x0  }
0x8a: {  	[sflag:s10] =	ssyncadd.s32 $0xFFFFE000  }
0x8b: {  	[tilespmem:s14], [sflag:$0x2] =	stream.indirect.gather [hbm4b:s4+s12], $0x80, s25, s12, $0xb8;
	[tilespmem:$0x1D000] =	vst v63  }
0x8c: {  	_ =	swait.ge [sflag:s19], $0x2000  }
0x8d: {  	[sflag:s19] =	ssyncset.done $0x0  }
0x8e: {  	[sflag:s19] =	ssyncadd.s32 $0xFFFFE000  }
0x8f: {  	[spmem:s2] =	stream.indirect.scatter.add.f32 [tilespmem:s15], [sflag:$0x5], $0x80, s26, s12, $0xb8;
	[tilespmem:$0x1D000] =	vst v63  }
0x90: {  	_ =	swait.ge [sflag:s10], $0x2000  }
0x91: {  	[sflag:s10] =	ssyncset.done $0x0  }
0x92: {  	[sflag:s10] =	ssyncadd.s32 $0xFFFFE000  }
0x93: {  	[tilespmem:s15], [sflag:$0x3] =	stream.indirect.gather [hbm4b:s4+s12], $0x80, s28, s12, $0xb8;
	[tilespmem:$0x1D000] =	vst v63  }
0x94: {  	_ =	swait.ge [sflag:s20], $0x2000  }
0x95: {  	[sflag:s20] =	ssyncset.done $0x0  }
0x96: {  	[sflag:s20] =	ssyncadd.s32 $0xFFFFE000  }
0x97: {  	[spmem:s2] =	stream.indirect.scatter.add.f32 [tilespmem:s16], [sflag:$0x5], $0x80, s29, s12, $0xb8;
	[tilespmem:$0x1D000] =	vst v63  }
0x98: {  	_ =	swait.ge [sflag:s10], $0x2000  }
0x99: {  	[sflag:s10] =	ssyncset.done $0x0  }
0x9a: {  	[sflag:s10] =	ssyncadd.s32 $0xFFFFE000  }
0x9b: {  	[tilespmem:s16], [sflag:$0x4] =	stream.indirect.gather [hbm4b:s4+s12], $0x80, s30, s12, $0xb8;
	[tilespmem:$0x1D000] =	vst v63  }
0x9c: {  	_ =	swait.ge [sflag:s17], $0x2000  }
0x9d: {  	[sflag:s17] =	ssyncset.done $0x0  }
0x9e: {  	[sflag:s17] =	ssyncadd.s32 $0xFFFFE000  }
0x9f: {  	[spmem:s2] =	stream.indirect.scatter.add.f32 [tilespmem:s13], [sflag:$0x5], $0x80, s31, s12, $0xb8;
	[tilespmem:$0x1D000] =	vst v63  }
0xa0: {  	_ =	swait.ge [sflag:s10], $0x2000  }
0xa1: {  	[sflag:s10] =	ssyncset.done $0x0  }
0xa2: {  	[sflag:s10] =	ssyncadd.s32 $0xFFFFE000  }
0xa3: {  	_ =	swait.ge [sflag:s18], $0x2000  }
0xa4: {  	[sflag:s18] =	ssyncset.done $0x0  }
0xa5: {  	[sflag:s18] =	ssyncadd.s32 $0xFFFFE000  }
0xa6: {  	[spmem:s2] =	stream.indirect.scatter.add.f32 [tilespmem:s14], [sflag:$0x5], $0x80, s1, s12, $0xb8;
	[tilespmem:$0x1D000] =	vst v63  }
0xa7: {  	_ =	swait.ge [sflag:s10], $0x2000  }
0xa8: {  	[sflag:s10] =	ssyncset.done $0x0  }
0xa9: {  	[sflag:s10] =	ssyncadd.s32 $0xFFFFE000  }
0xaa: {  	_ =	swait.ge [sflag:s19], $0x2000  }
0xab: {  	[sflag:s19] =	ssyncset.done $0x0  }
0xac: {  	[sflag:s19] =	ssyncadd.s32 $0xFFFFE000  }
0xad: {  	[spmem:s2] =	stream.indirect.scatter.add.f32 [tilespmem:s15], [sflag:$0x5], $0x80, s0, s12, $0xb8;
	[tilespmem:$0x1D000] =	vst v63  }
0xae: {  	_ =	swait.ge [sflag:s10], $0x2000  }
0xaf: {  	[sflag:s10] =	ssyncset.done $0x0  }
0xb0: {  	[sflag:s10] =	ssyncadd.s32 $0xFFFFE000  }
0xb1: {  	_ =	swait.ge [sflag:s20], $0x2000  }
0xb2: {  	[sflag:s20] =	ssyncset.done $0x0  }
0xb3: {  	[sflag:s20] =	ssyncadd.s32 $0xFFFFE000  }
0xb4: {  	[spmem:s2] =	stream.indirect.scatter.add.f32 [tilespmem:s16], [sflag:$0x5], $0x80, s5, s12, $0xb8;
	[tilespmem:$0x1D000] =	vst v63  }
0xb5: {  	s6 =	simm.s32 $0x200;
	_ =	swait.ge [sflag:s10], $0x2000  }
0xb6: {  	s8 =	simm.s32 $0x100;
	s9 =	rddreg [dreg:$0x5];
	[sflag:s10] =	ssyncset.done $0x0  }
.LBB2_2:
0xb7: {  	[sflag:s10] =	ssyncadd.s32 $0xFFFFE000;
	s9 =	sadd.s32 s8, s9  }
0xb8: {  	[tilespmem:s3], [sflag:$0x5] =	stream.linear.gather [hbm4b:s9+s3], $0x800, $0x38;
	[tilespmem:$0x1D000] =	vst v63  }
0xb9: {  	_ =	swait.ge [sflag:s10], $0x800  }
0xba: {  	s9 =	rddreg [dreg:$0x4];
	[sflag:s10] =	ssyncset.done $0x0  }
0xbb: {  	[sflag:s10] =	ssyncadd.s32 $0xFFFFF800;
	s9 =	sadd.s32 s8, s9  }
0xbc: {  	[tilespmem:s11], [sflag:$0x5] =	stream.linear.gather [hbm4b:s9+s3], $0x800, $0x38;
	[tilespmem:$0x1D000] =	vst v63  }
0xbd: {  	_ =	swait.ge [sflag:s10], $0x800  }
0xbe: {  	[sflag:s10] =	ssyncset.done $0x0  }
0xbf: {  	s7 =	smov.u32 s6;
	[sflag:s10] =	ssyncadd.s32 $0xFFFFF800  }
0xc0: {  	[tilespmem:s13], [sflag:$0x1] =	stream.indirect.gather [hbm4b:s4+s12], $0x80, s3, s12, $0xb8;
	[tilespmem:$0x1D000] =	vst v63  }
0xc1: {  	s8 =	smov.u32 s7;
	s7 =	rddreg [dreg:$0x6]  }
0xc2: {  	[tilespmem:s14], [sflag:$0x2] =	stream.indirect.gather [hbm4b:s4+s12], $0x80, s7, s12, $0xb8;
	[tilespmem:$0x1D000] =	vst v63  }
0xc3: {  	s9 =	rddreg [dreg:$0x7]  }
0xc4: {  	[tilespmem:s15], [sflag:$0x3] =	stream.indirect.gather [hbm4b:s4+s12], $0x80, s9, s12, $0xb8;
	[tilespmem:$0x1D000] =	vst v63  }
0xc5: {  	s7 =	rddreg [dreg:$0x8]  }
0xc6: {  	[tilespmem:s16], [sflag:$0x4] =	stream.indirect.gather [hbm4b:s4+s12], $0x80, s7, s12, $0xb8;
	[tilespmem:$0x1D000] =	vst v63  }
0xc7: {  	_ =	swait.ge [sflag:s17], $0x2000  }
0xc8: {  	[sflag:s17] =	ssyncset.done $0x0  }
0xc9: {  	[sflag:s17] =	ssyncadd.s32 $0xFFFFE000  }
0xca: {  	[spmem:s2] =	stream.indirect.scatter.add.f32 [tilespmem:s13], [sflag:$0x5], $0x80, s11, s12, $0xb8;
	[tilespmem:$0x1D000] =	vst v63  }
0xcb: {  	_ =	swait.ge [sflag:s10], $0x2000  }
0xcc: {  	[sflag:s10] =	ssyncset.done $0x0  }
0xcd: {  	s9 =	rddreg [dreg:$0x9];
	[sflag:s10] =	ssyncadd.s32 $0xFFFFE000  }
0xce: {  	[tilespmem:s13], [sflag:$0x1] =	stream.indirect.gather [hbm4b:s4+s12], $0x80, s9, s12, $0xb8;
	[tilespmem:$0x1D000] =	vst v63  }
0xcf: {  	_ =	swait.ge [sflag:s18], $0x2000  }
0xd0: {  	[sflag:s18] =	ssyncset.done $0x0  }
0xd1: {  	s9 =	rddreg [dreg:$0xa];
	[sflag:s18] =	ssyncadd.s32 $0xFFFFE000  }
0xd2: {  	[spmem:s2] =	stream.indirect.scatter.add.f32 [tilespmem:s14], [sflag:$0x5], $0x80, s9, s12, $0xb8;
	[tilespmem:$0x1D000] =	vst v63  }
0xd3: {  	_ =	swait.ge [sflag:s10], $0x2000  }
0xd4: {  	[sflag:s10] =	ssyncset.done $0x0  }
0xd5: {  	s9 =	rddreg [dreg:$0xb];
	[sflag:s10] =	ssyncadd.s32 $0xFFFFE000  }
0xd6: {  	[tilespmem:s14], [sflag:$0x2] =	stream.indirect.gather [hbm4b:s4+s12], $0x80, s9, s12, $0xb8;
	[tilespmem:$0x1D000] =	vst v63  }
0xd7: {  	_ =	swait.ge [sflag:s19], $0x2000  }
0xd8: {  	[sflag:s19] =	ssyncset.done $0x0  }
0xd9: {  	s9 =	rddreg [dreg:$0xc];
	[sflag:s19] =	ssyncadd.s32 $0xFFFFE000  }
0xda: {  	[spmem:s2] =	stream.indirect.scatter.add.f32 [tilespmem:s15], [sflag:$0x5], $0x80, s9, s12, $0xb8;
	[tilespmem:$0x1D000] =	vst v63  }
0xdb: {  	_ =	swait.ge [sflag:s10], $0x2000  }
0xdc: {  	[sflag:s10] =	ssyncset.done $0x0  }
0xdd: {  	s9 =	rddreg [dreg:$0xd];
	[sflag:s10] =	ssyncadd.s32 $0xFFFFE000  }
0xde: {  	[tilespmem:s15], [sflag:$0x3] =	stream.indirect.gather [hbm4b:s4+s12], $0x80, s9, s12, $0xb8;
	[tilespmem:$0x1D000] =	vst v63  }
0xdf: {  	_ =	swait.ge [sflag:s20], $0x2000  }
0xe0: {  	[sflag:s20] =	ssyncset.done $0x0  }
0xe1: {  	s9 =	rddreg [dreg:$0xe];
	[sflag:s20] =	ssyncadd.s32 $0xFFFFE000  }
0xe2: {  	[spmem:s2] =	stream.indirect.scatter.add.f32 [tilespmem:s16], [sflag:$0x5], $0x80, s9, s12, $0xb8;
	[tilespmem:$0x1D000] =	vst v63  }
0xe3: {  	_ =	swait.ge [sflag:s10], $0x2000  }
0xe4: {  	[sflag:s10] =	ssyncset.done $0x0  }
0xe5: {  	s9 =	rddreg [dreg:$0xf];
	[sflag:s10] =	ssyncadd.s32 $0xFFFFE000  }
0xe6: {  	[tilespmem:s16], [sflag:$0x4] =	stream.indirect.gather [hbm4b:s4+s12], $0x80, s9, s12, $0xb8;
	[tilespmem:$0x1D000] =	vst v63  }
0xe7: {  	_ =	swait.ge [sflag:s17], $0x2000  }
0xe8: {  	[sflag:s17] =	ssyncset.done $0x0  }
0xe9: {  	s9 =	rddreg [dreg:$0x10];
	[sflag:s17] =	ssyncadd.s32 $0xFFFFE000  }
0xea: {  	[spmem:s2] =	stream.indirect.scatter.add.f32 [tilespmem:s13], [sflag:$0x5], $0x80, s9, s12, $0xb8;
	[tilespmem:$0x1D000] =	vst v63  }
0xeb: {  	_ =	swait.ge [sflag:s10], $0x2000  }
0xec: {  	[sflag:s10] =	ssyncset.done $0x0  }
0xed: {  	s9 =	rddreg [dreg:$0x11];
	[sflag:s10] =	ssyncadd.s32 $0xFFFFE000  }
0xee: {  	[tilespmem:s13], [sflag:$0x1] =	stream.indirect.gather [hbm4b:s4+s12], $0x80, s9, s12, $0xb8;
	[tilespmem:$0x1D000] =	vst v63  }
0xef: {  	_ =	swait.ge [sflag:s18], $0x2000  }
0xf0: {  	[sflag:s18] =	ssyncset.done $0x0  }
0xf1: {  	s9 =	rddreg [dreg:$0x12];
	[sflag:s18] =	ssyncadd.s32 $0xFFFFE000  }
0xf2: {  	[spmem:s2] =	stream.indirect.scatter.add.f32 [tilespmem:s14], [sflag:$0x5], $0x80, s9, s12, $0xb8;
	[tilespmem:$0x1D000] =	vst v63  }
0xf3: {  	_ =	swait.ge [sflag:s10], $0x2000  }
0xf4: {  	[sflag:s10] =	ssyncset.done $0x0  }
0xf5: {  	s9 =	rddreg [dreg:$0x13];
	[sflag:s10] =	ssyncadd.s32 $0xFFFFE000  }
0xf6: {  	[tilespmem:s14], [sflag:$0x2] =	stream.indirect.gather [hbm4b:s4+s12], $0x80, s9, s12, $0xb8;
	[tilespmem:$0x1D000] =	vst v63  }
0xf7: {  	_ =	swait.ge [sflag:s19], $0x2000  }
0xf8: {  	[sflag:s19] =	ssyncset.done $0x0  }
0xf9: {  	s9 =	rddreg [dreg:$0x14];
	[sflag:s19] =	ssyncadd.s32 $0xFFFFE000  }
0xfa: {  	[spmem:s2] =	stream.indirect.scatter.add.f32 [tilespmem:s15], [sflag:$0x5], $0x80, s9, s12, $0xb8;
	[tilespmem:$0x1D000] =	vst v63  }
0xfb: {  	_ =	swait.ge [sflag:s10], $0x2000  }
0xfc: {  	[sflag:s10] =	ssyncset.done $0x0  }
0xfd: {  	s9 =	rddreg [dreg:$0x15];
	[sflag:s10] =	ssyncadd.s32 $0xFFFFE000  }
0xfe: {  	[tilespmem:s15], [sflag:$0x3] =	stream.indirect.gather [hbm4b:s4+s12], $0x80, s9, s12, $0xb8;
	[tilespmem:$0x1D000] =	vst v63  }
0xff: {  	_ =	swait.ge [sflag:s20], $0x2000  }
0x100: {  	[sflag:s20] =	ssyncset.done $0x0  }
0x101: {  	s9 =	rddreg [dreg:$0x16];
	[sflag:s20] =	ssyncadd.s32 $0xFFFFE000  }
0x102: {  	[spmem:s2] =	stream.indirect.scatter.add.f32 [tilespmem:s16], [sflag:$0x5], $0x80, s9, s12, $0xb8;
	[tilespmem:$0x1D000] =	vst v63  }
0x103: {  	_ =	swait.ge [sflag:s10], $0x2000  }
0x104: {  	[sflag:s10] =	ssyncset.done $0x0  }
0x105: {  	[sflag:s10] =	ssyncadd.s32 $0xFFFFE000  }
0x106: {  	[tilespmem:s16], [sflag:$0x4] =	stream.indirect.gather [hbm4b:s4+s12], $0x80, s21, s12, $0xb8;
	[tilespmem:$0x1D000] =	vst v63  }
0x107: {  	_ =	swait.ge [sflag:s17], $0x2000  }
0x108: {  	[sflag:s17] =	ssyncset.done $0x0  }
0x109: {  	[sflag:s17] =	ssyncadd.s32 $0xFFFFE000  }
0x10a: {  	[spmem:s2] =	stream.indirect.scatter.add.f32 [tilespmem:s13], [sflag:$0x5], $0x80, s22, s12, $0xb8;
	[tilespmem:$0x1D000] =	vst v63  }
0x10b: {  	_ =	swait.ge [sflag:s10], $0x2000  }
0x10c: {  	[sflag:s10] =	ssyncset.done $0x0  }
0x10d: {  	[sflag:s10] =	ssyncadd.s32 $0xFFFFE000  }
0x10e: {  	[tilespmem:s13], [sflag:$0x1] =	stream.indirect.gather [hbm4b:s4+s12], $0x80, s23, s12, $0xb8;
	[tilespmem:$0x1D000] =	vst v63  }
0x10f: {  	_ =	swait.ge [sflag:s18], $0x2000  }
0x110: {  	[sflag:s18] =	ssyncset.done $0x0  }
0x111: {  	[sflag:s18] =	ssyncadd.s32 $0xFFFFE000  }
0x112: {  	[spmem:s2] =	stream.indirect.scatter.add.f32 [tilespmem:s14], [sflag:$0x5], $0x80, s24, s12, $0xb8;
	[tilespmem:$0x1D000] =	vst v63  }
0x113: {  	_ =	swait.ge [sflag:s10], $0x2000  }
0x114: {  	[sflag:s10] =	ssyncset.done $0x0  }
0x115: {  	[sflag:s10] =	ssyncadd.s32 $0xFFFFE000  }
0x116: {  	[tilespmem:s14], [sflag:$0x2] =	stream.indirect.gather [hbm4b:s4+s12], $0x80, s25, s12, $0xb8;
	[tilespmem:$0x1D000] =	vst v63  }
0x117: {  	_ =	swait.ge [sflag:s19], $0x2000  }
0x118: {  	[sflag:s19] =	ssyncset.done $0x0  }
0x119: {  	[sflag:s19] =	ssyncadd.s32 $0xFFFFE000  }
0x11a: {  	[spmem:s2] =	stream.indirect.scatter.add.f32 [tilespmem:s15], [sflag:$0x5], $0x80, s26, s12, $0xb8;
	[tilespmem:$0x1D000] =	vst v63  }
0x11b: {  	_ =	swait.ge [sflag:s10], $0x2000  }
0x11c: {  	[sflag:s10] =	ssyncset.done $0x0  }
0x11d: {  	[sflag:s10] =	ssyncadd.s32 $0xFFFFE000  }
0x11e: {  	[tilespmem:s15], [sflag:$0x3] =	stream.indirect.gather [hbm4b:s4+s12], $0x80, s28, s12, $0xb8;
	[tilespmem:$0x1D000] =	vst v63  }
0x11f: {  	_ =	swait.ge [sflag:s20], $0x2000  }
0x120: {  	[sflag:s20] =	ssyncset.done $0x0  }
0x121: {  	[sflag:s20] =	ssyncadd.s32 $0xFFFFE000  }
0x122: {  	[spmem:s2] =	stream.indirect.scatter.add.f32 [tilespmem:s16], [sflag:$0x5], $0x80, s29, s12, $0xb8;
	[tilespmem:$0x1D000] =	vst v63  }
0x123: {  	_ =	swait.ge [sflag:s10], $0x2000  }
0x124: {  	[sflag:s10] =	ssyncset.done $0x0  }
0x125: {  	[sflag:s10] =	ssyncadd.s32 $0xFFFFE000  }
0x126: {  	[tilespmem:s16], [sflag:$0x4] =	stream.indirect.gather [hbm4b:s4+s12], $0x80, s30, s12, $0xb8;
	[tilespmem:$0x1D000] =	vst v63  }
0x127: {  	_ =	swait.ge [sflag:s17], $0x2000  }
0x128: {  	[sflag:s17] =	ssyncset.done $0x0  }
0x129: {  	[sflag:s17] =	ssyncadd.s32 $0xFFFFE000  }
0x12a: {  	[spmem:s2] =	stream.indirect.scatter.add.f32 [tilespmem:s13], [sflag:$0x5], $0x80, s31, s12, $0xb8;
	[tilespmem:$0x1D000] =	vst v63  }
0x12b: {  	_ =	swait.ge [sflag:s10], $0x2000  }
0x12c: {  	[sflag:s10] =	ssyncset.done $0x0  }
0x12d: {  	[sflag:s10] =	ssyncadd.s32 $0xFFFFE000  }
0x12e: {  	_ =	swait.ge [sflag:s18], $0x2000  }
0x12f: {  	[sflag:s18] =	ssyncset.done $0x0  }
0x130: {  	[sflag:s18] =	ssyncadd.s32 $0xFFFFE000  }
0x131: {  	[spmem:s2] =	stream.indirect.scatter.add.f32 [tilespmem:s14], [sflag:$0x5], $0x80, s1, s12, $0xb8;
	[tilespmem:$0x1D000] =	vst v63  }
0x132: {  	_ =	swait.ge [sflag:s10], $0x2000  }
0x133: {  	[sflag:s10] =	ssyncset.done $0x0  }
0x134: {  	[sflag:s10] =	ssyncadd.s32 $0xFFFFE000  }
0x135: {  	_ =	swait.ge [sflag:s19], $0x2000  }
0x136: {  	[sflag:s19] =	ssyncset.done $0x0  }
0x137: {  	[sflag:s19] =	ssyncadd.s32 $0xFFFFE000  }
0x138: {  	[spmem:s2] =	stream.indirect.scatter.add.f32 [tilespmem:s15], [sflag:$0x5], $0x80, s0, s12, $0xb8;
	[tilespmem:$0x1D000] =	vst v63  }
0x139: {  	_ =	swait.ge [sflag:s10], $0x2000  }
0x13a: {  	[sflag:s10] =	ssyncset.done $0x0  }
0x13b: {  	[sflag:s10] =	ssyncadd.s32 $0xFFFFE000  }
0x13c: {  	p0 =	sne.s32 s6, $0x900;
	_ =	swait.ge [sflag:s20], $0x2000  }
.Ltmp0:
0x13d: {  	[sflag:s20] =	ssyncset.done $0x0;
	(pc) =	sbr.rel @p0 .LBB2_2-.Ltmp0, $4  }
0x13e: {  	[sflag:s20] =	ssyncadd.s32 $0xFFFFE000  }
0x13f: {  	[spmem:s2] =	stream.indirect.scatter.add.f32 [tilespmem:s16], [sflag:$0x5], $0x80, s5, s12, $0xb8;
	[tilespmem:$0x1D000] =	vst v63  }
0x140: {  	_ =	swait.ge [sflag:s10], $0x2000  }
0x141: {  	s6 =	sadd.s32 $0x100, s6;
	s9 =	rddreg [dreg:$0x5];
	[sflag:s10] =	ssyncset.done $0x0  }
0x142: {  	[sflag:s10] =	ssyncadd.s32 $0xFFFFE000;
	s6 =	sadd.s32 s8, s9  }
0x143: {  	[tilespmem:s3], [sflag:$0x5] =	stream.linear.gather [hbm4b:s6+s3], $0x800, $0x38;
	[tilespmem:$0x1D000] =	vst v63  }
0x144: {  	_ =	swait.ge [sflag:s10], $0x800  }
0x145: {  	s7 =	rddreg [dreg:$0x4];
	[sflag:s10] =	ssyncset.done $0x0  }
0x146: {  	[sflag:s10] =	ssyncadd.s32 $0xFFFFF800;
	s6 =	sadd.s32 s8, s7  }
0x147: {  	[tilespmem:s11], [sflag:$0x5] =	stream.linear.gather [hbm4b:s6+s3], $0x800, $0x38;
	[tilespmem:$0x1D000] =	vst v63  }
0x148: {  	_ =	swait.ge [sflag:s10], $0x800  }
0x149: {  	[sflag:s10] =	ssyncset.done $0x0  }
0x14a: {  	[sflag:s10] =	ssyncadd.s32 $0xFFFFF800  }
0x14b: {  	[tilespmem:s13], [sflag:$0x1] =	stream.indirect.gather [hbm4b:s4+s12], $0x80, s3, s12, $0xb8;
	[tilespmem:$0x1D000] =	vst v63  }
0x14c: {  	s8 =	rddreg [dreg:$0x6]  }
0x14d: {  	[tilespmem:s14], [sflag:$0x2] =	stream.indirect.gather [hbm4b:s4+s12], $0x80, s8, s12, $0xb8;
	[tilespmem:$0x1D000] =	vst v63  }
0x14e: {  	s7 =	rddreg [dreg:$0x7]  }
0x14f: {  	[tilespmem:s15], [sflag:$0x3] =	stream.indirect.gather [hbm4b:s4+s12], $0x80, s7, s12, $0xb8;
	[tilespmem:$0x1D000] =	vst v63  }
0x150: {  	s9 =	rddreg [dreg:$0x8]  }
0x151: {  	[tilespmem:s16], [sflag:$0x4] =	stream.indirect.gather [hbm4b:s4+s12], $0x80, s9, s12, $0xb8;
	[tilespmem:$0x1D000] =	vst v63  }
0x152: {  	_ =	swait.ge [sflag:s17], $0x2000  }
0x153: {  	[sflag:s17] =	ssyncset.done $0x0  }
0x154: {  	[sflag:s17] =	ssyncadd.s32 $0xFFFFE000  }
0x155: {  	[spmem:s2] =	stream.indirect.scatter.add.f32 [tilespmem:s13], [sflag:$0x5], $0x80, s11, s12, $0xb8;
	[tilespmem:$0x1D000] =	vst v63  }
0x156: {  	_ =	swait.ge [sflag:s10], $0x2000  }
0x157: {  	[sflag:s10] =	ssyncset.done $0x0  }
0x158: {  	s7 =	rddreg [dreg:$0x9];
	[sflag:s10] =	ssyncadd.s32 $0xFFFFE000  }
0x159: {  	[tilespmem:s13], [sflag:$0x1] =	stream.indirect.gather [hbm4b:s4+s12], $0x80, s7, s12, $0xb8;
	[tilespmem:$0x1D000] =	vst v63  }
0x15a: {  	_ =	swait.ge [sflag:s18], $0x2000  }
0x15b: {  	[sflag:s18] =	ssyncset.done $0x0  }
0x15c: {  	s8 =	rddreg [dreg:$0xa];
	[sflag:s18] =	ssyncadd.s32 $0xFFFFE000  }
0x15d: {  	[spmem:s2] =	stream.indirect.scatter.add.f32 [tilespmem:s14], [sflag:$0x5], $0x80, s8, s12, $0xb8;
	[tilespmem:$0x1D000] =	vst v63  }
0x15e: {  	_ =	swait.ge [sflag:s10], $0x2000  }
0x15f: {  	[sflag:s10] =	ssyncset.done $0x0  }
0x160: {  	s9 =	rddreg [dreg:$0xb];
	[sflag:s10] =	ssyncadd.s32 $0xFFFFE000  }
0x161: {  	[tilespmem:s14], [sflag:$0x2] =	stream.indirect.gather [hbm4b:s4+s12], $0x80, s9, s12, $0xb8;
	[tilespmem:$0x1D000] =	vst v63  }
0x162: {  	_ =	swait.ge [sflag:s19], $0x2000  }
0x163: {  	[sflag:s19] =	ssyncset.done $0x0  }
0x164: {  	s7 =	rddreg [dreg:$0xc];
	[sflag:s19] =	ssyncadd.s32 $0xFFFFE000  }
0x165: {  	[spmem:s2] =	stream.indirect.scatter.add.f32 [tilespmem:s15], [sflag:$0x5], $0x80, s7, s12, $0xb8;
	[tilespmem:$0x1D000] =	vst v63  }
0x166: {  	_ =	swait.ge [sflag:s10], $0x2000  }
0x167: {  	[sflag:s10] =	ssyncset.done $0x0  }
0x168: {  	s8 =	rddreg [dreg:$0xd];
	[sflag:s10] =	ssyncadd.s32 $0xFFFFE000  }
0x169: {  	[tilespmem:s15], [sflag:$0x3] =	stream.indirect.gather [hbm4b:s4+s12], $0x80, s8, s12, $0xb8;
	[tilespmem:$0x1D000] =	vst v63  }
0x16a: {  	_ =	swait.ge [sflag:s20], $0x2000  }
0x16b: {  	[sflag:s20] =	ssyncset.done $0x0  }
0x16c: {  	s9 =	rddreg [dreg:$0xe];
	[sflag:s20] =	ssyncadd.s32 $0xFFFFE000  }
0x16d: {  	[spmem:s2] =	stream.indirect.scatter.add.f32 [tilespmem:s16], [sflag:$0x5], $0x80, s9, s12, $0xb8;
	[tilespmem:$0x1D000] =	vst v63  }
0x16e: {  	_ =	swait.ge [sflag:s10], $0x2000  }
0x16f: {  	[sflag:s10] =	ssyncset.done $0x0  }
0x170: {  	s7 =	rddreg [dreg:$0xf];
	[sflag:s10] =	ssyncadd.s32 $0xFFFFE000  }
0x171: {  	[tilespmem:s16], [sflag:$0x4] =	stream.indirect.gather [hbm4b:s4+s12], $0x80, s7, s12, $0xb8;
	[tilespmem:$0x1D000] =	vst v63  }
0x172: {  	_ =	swait.ge [sflag:s17], $0x2000  }
0x173: {  	[sflag:s17] =	ssyncset.done $0x0  }
0x174: {  	s8 =	rddreg [dreg:$0x10];
	[sflag:s17] =	ssyncadd.s32 $0xFFFFE000  }
0x175: {  	[spmem:s2] =	stream.indirect.scatter.add.f32 [tilespmem:s13], [sflag:$0x5], $0x80, s8, s12, $0xb8;
	[tilespmem:$0x1D000] =	vst v63  }
0x176: {  	_ =	swait.ge [sflag:s10], $0x2000  }
0x177: {  	[sflag:s10] =	ssyncset.done $0x0  }
0x178: {  	s9 =	rddreg [dreg:$0x11];
	[sflag:s10] =	ssyncadd.s32 $0xFFFFE000  }
0x179: {  	[tilespmem:s13], [sflag:$0x1] =	stream.indirect.gather [hbm4b:s4+s12], $0x80, s9, s12, $0xb8;
	[tilespmem:$0x1D000] =	vst v63  }
0x17a: {  	_ =	swait.ge [sflag:s18], $0x2000  }
0x17b: {  	[sflag:s18] =	ssyncset.done $0x0  }
0x17c: {  	s7 =	rddreg [dreg:$0x12];
	[sflag:s18] =	ssyncadd.s32 $0xFFFFE000  }
0x17d: {  	[spmem:s2] =	stream.indirect.scatter.add.f32 [tilespmem:s14], [sflag:$0x5], $0x80, s7, s12, $0xb8;
	[tilespmem:$0x1D000] =	vst v63  }
0x17e: {  	_ =	swait.ge [sflag:s10], $0x2000  }
0x17f: {  	[sflag:s10] =	ssyncset.done $0x0  }
0x180: {  	s8 =	rddreg [dreg:$0x13];
	[sflag:s10] =	ssyncadd.s32 $0xFFFFE000  }
0x181: {  	[tilespmem:s14], [sflag:$0x2] =	stream.indirect.gather [hbm4b:s4+s12], $0x80, s8, s12, $0xb8;
	[tilespmem:$0x1D000] =	vst v63  }
0x182: {  	_ =	swait.ge [sflag:s19], $0x2000  }
0x183: {  	[sflag:s19] =	ssyncset.done $0x0  }
0x184: {  	s9 =	rddreg [dreg:$0x14];
	[sflag:s19] =	ssyncadd.s32 $0xFFFFE000  }
0x185: {  	[spmem:s2] =	stream.indirect.scatter.add.f32 [tilespmem:s15], [sflag:$0x5], $0x80, s9, s12, $0xb8;
	[tilespmem:$0x1D000] =	vst v63  }
0x186: {  	_ =	swait.ge [sflag:s10], $0x2000  }
0x187: {  	[sflag:s10] =	ssyncset.done $0x0  }
0x188: {  	s7 =	rddreg [dreg:$0x15];
	[sflag:s10] =	ssyncadd.s32 $0xFFFFE000  }
0x189: {  	[tilespmem:s15], [sflag:$0x3] =	stream.indirect.gather [hbm4b:s4+s12], $0x80, s7, s12, $0xb8;
	[tilespmem:$0x1D000] =	vst v63  }
0x18a: {  	_ =	swait.ge [sflag:s20], $0x2000  }
0x18b: {  	[sflag:s20] =	ssyncset.done $0x0  }
0x18c: {  	s8 =	rddreg [dreg:$0x16];
	[sflag:s20] =	ssyncadd.s32 $0xFFFFE000  }
0x18d: {  	[spmem:s2] =	stream.indirect.scatter.add.f32 [tilespmem:s16], [sflag:$0x5], $0x80, s8, s12, $0xb8;
	[tilespmem:$0x1D000] =	vst v63  }
0x18e: {  	_ =	swait.ge [sflag:s10], $0x2000  }
0x18f: {  	[sflag:s10] =	ssyncset.done $0x0  }
0x190: {  	[sflag:s10] =	ssyncadd.s32 $0xFFFFE000  }
0x191: {  	[tilespmem:s16], [sflag:$0x4] =	stream.indirect.gather [hbm4b:s4+s12], $0x80, s21, s12, $0xb8;
	[tilespmem:$0x1D000] =	vst v63  }
0x192: {  	_ =	swait.ge [sflag:s17], $0x2000  }
0x193: {  	[sflag:s17] =	ssyncset.done $0x0  }
0x194: {  	[sflag:s17] =	ssyncadd.s32 $0xFFFFE000  }
0x195: {  	[spmem:s2] =	stream.indirect.scatter.add.f32 [tilespmem:s13], [sflag:$0x5], $0x80, s22, s12, $0xb8;
	[tilespmem:$0x1D000] =	vst v63  }
0x196: {  	_ =	swait.ge [sflag:s10], $0x2000  }
0x197: {  	[sflag:s10] =	ssyncset.done $0x0  }
0x198: {  	[sflag:s10] =	ssyncadd.s32 $0xFFFFE000  }
0x199: {  	[tilespmem:s13], [sflag:$0x1] =	stream.indirect.gather [hbm4b:s4+s12], $0x80, s23, s12, $0xb8;
	[tilespmem:$0x1D000] =	vst v63  }
0x19a: {  	_ =	swait.ge [sflag:s18], $0x2000  }
0x19b: {  	[sflag:s18] =	ssyncset.done $0x0  }
0x19c: {  	[sflag:s18] =	ssyncadd.s32 $0xFFFFE000  }
0x19d: {  	[spmem:s2] =	stream.indirect.scatter.add.f32 [tilespmem:s14], [sflag:$0x5], $0x80, s24, s12, $0xb8;
	[tilespmem:$0x1D000] =	vst v63  }
0x19e: {  	_ =	swait.ge [sflag:s10], $0x2000  }
0x19f: {  	[sflag:s10] =	ssyncset.done $0x0  }
0x1a0: {  	[sflag:s10] =	ssyncadd.s32 $0xFFFFE000  }
0x1a1: {  	[tilespmem:s14], [sflag:$0x2] =	stream.indirect.gather [hbm4b:s4+s12], $0x80, s25, s12, $0xb8;
	[tilespmem:$0x1D000] =	vst v63  }
0x1a2: {  	_ =	swait.ge [sflag:s19], $0x2000  }
0x1a3: {  	[sflag:s19] =	ssyncset.done $0x0  }
0x1a4: {  	[sflag:s19] =	ssyncadd.s32 $0xFFFFE000  }
0x1a5: {  	[spmem:s2] =	stream.indirect.scatter.add.f32 [tilespmem:s15], [sflag:$0x5], $0x80, s26, s12, $0xb8;
	[tilespmem:$0x1D000] =	vst v63  }
0x1a6: {  	_ =	swait.ge [sflag:s10], $0x2000  }
0x1a7: {  	[sflag:s10] =	ssyncset.done $0x0  }
0x1a8: {  	[sflag:s10] =	ssyncadd.s32 $0xFFFFE000  }
0x1a9: {  	[tilespmem:s15], [sflag:$0x3] =	stream.indirect.gather [hbm4b:s4+s12], $0x80, s28, s12, $0xb8;
	[tilespmem:$0x1D000] =	vst v63  }
0x1aa: {  	_ =	swait.ge [sflag:s20], $0x2000  }
0x1ab: {  	[sflag:s20] =	ssyncset.done $0x0  }
0x1ac: {  	[sflag:s20] =	ssyncadd.s32 $0xFFFFE000  }
0x1ad: {  	[spmem:s2] =	stream.indirect.scatter.add.f32 [tilespmem:s16], [sflag:$0x5], $0x80, s29, s12, $0xb8;
	[tilespmem:$0x1D000] =	vst v63  }
0x1ae: {  	_ =	swait.ge [sflag:s10], $0x2000  }
0x1af: {  	[sflag:s10] =	ssyncset.done $0x0  }
0x1b0: {  	[sflag:s10] =	ssyncadd.s32 $0xFFFFE000  }
0x1b1: {  	[tilespmem:s16], [sflag:$0x4] =	stream.indirect.gather [hbm4b:s4+s12], $0x80, s30, s12, $0xb8;
	[tilespmem:$0x1D000] =	vst v63  }
0x1b2: {  	_ =	swait.ge [sflag:s17], $0x2000  }
0x1b3: {  	[sflag:s17] =	ssyncset.done $0x0  }
0x1b4: {  	[sflag:s17] =	ssyncadd.s32 $0xFFFFE000  }
0x1b5: {  	[spmem:s2] =	stream.indirect.scatter.add.f32 [tilespmem:s13], [sflag:$0x5], $0x80, s31, s12, $0xb8;
	[tilespmem:$0x1D000] =	vst v63  }
0x1b6: {  	_ =	swait.ge [sflag:s10], $0x2000  }
0x1b7: {  	[sflag:s10] =	ssyncset.done $0x0  }
0x1b8: {  	[sflag:s10] =	ssyncadd.s32 $0xFFFFE000  }
0x1b9: {  	_ =	swait.ge [sflag:s18], $0x2000  }
0x1ba: {  	[sflag:s18] =	ssyncset.done $0x0  }
0x1bb: {  	[sflag:s18] =	ssyncadd.s32 $0xFFFFE000  }
0x1bc: {  	[spmem:s2] =	stream.indirect.scatter.add.f32 [tilespmem:s14], [sflag:$0x5], $0x80, s1, s12, $0xb8;
	[tilespmem:$0x1D000] =	vst v63  }
0x1bd: {  	_ =	swait.ge [sflag:s10], $0x2000  }
0x1be: {  	[sflag:s10] =	ssyncset.done $0x0  }
0x1bf: {  	[sflag:s10] =	ssyncadd.s32 $0xFFFFE000  }
0x1c0: {  	_ =	swait.ge [sflag:s19], $0x2000  }
0x1c1: {  	[sflag:s19] =	ssyncset.done $0x0  }
0x1c2: {  	[sflag:s19] =	ssyncadd.s32 $0xFFFFE000  }
0x1c3: {  	[spmem:s2] =	stream.indirect.scatter.add.f32 [tilespmem:s15], [sflag:$0x5], $0x80, s0, s12, $0xb8;
	[tilespmem:$0x1D000] =	vst v63  }
0x1c4: {  	_ =	swait.ge [sflag:s10], $0x2000  }
0x1c5: {  	[sflag:s10] =	ssyncset.done $0x0  }
0x1c6: {  	[sflag:s10] =	ssyncadd.s32 $0xFFFFE000  }
0x1c7: {  	_ =	swait.ge [sflag:s20], $0x2000  }
0x1c8: {  	[sflag:s20] =	ssyncset.done $0x0  }
0x1c9: {  	[sflag:s20] =	ssyncadd.s32 $0xFFFFE000  }
0x1ca: {  	[spmem:s2] =	stream.indirect.scatter.add.f32 [tilespmem:s16], [sflag:$0x5], $0x80, s5, s12, $0xb8;
	[tilespmem:$0x1D000] =	vst v63  }
0x1cb: {  	_ =	swait.ge [sflag:s10], $0x2000  }
0x1cc: {  	[sflag:s10] =	ssyncset.done $0x0  }
0x1cd: {  	[sflag:s10] =	ssyncadd.s32 $0xFFFFE000  }
0x1ce: {  	[bflag:$0x0] =	sbarrier.arrive $0xFFFF  }
0x1cf: {  	s7 =	rddreg [dreg:$0x18]  }
0x1d0: {  	s9 =	rddreg [dreg:$0x19]  }
0x1d1: {  	s8 =	rddreg [dreg:$0x1b]  }
0x1d2: {  	[hbm:s9], [sflag:s7] =	dma.local [spmem:s8], $0x2800  }
0x1d3: {  	_ =	swait.ge [sflag:s10], $0x2800  }
0x1d4: {  	s6 =	rddreg [dreg:$0x1c]  }
0x1d5: {  	s9 =	sadd.s32 $0x1, s6;
	s6 =	rddreg [dreg:$0x1a]  }
0x1d6: {  	p0 =	sne.s32 s9, s6  }
.Ltmp1:
0x1d7: {  	_ = 	snop;
	(pc) =	sbr.rel @p0 .LBB2_1-.Ltmp1, $3  }
0x1d8: {  	_ =	sdelay $0x1  }
0x1d9: {  	[sflag:s10] =	ssyncset.done $0x0  }
0x1da: {  	[sflag:s10] =	ssyncadd.s32 $0xFFFFD800  }
0x1db: {  	_ =	sfence.sel $0x180000  }
0x1dc: {  	[bflag:$0x0] =	sbarrier.arrive $0xFFFF  }
0x1dd: {  	_ =	strace $0x9000004D  }
0x1de: {  	s0 =	stileid.u32;
	[bflag:$0x2] =	sbarrier.arrive $0xFFFF  }
0x1df: {  	p0 =	sne.s32 s0, $0x0;
	s0 =	rddreg [dreg:$0x3]  }
0x1e0: {  	s0 =	sadd.s32 @!p0 $0x100000, s0  }
0x1e1: {  	[sflag:s0] =	ssyncadd.tile.s32 @!p0 $0x1;
	_ =	shalt  }
.Lfunc_end2:
_tile_overlayer_lowered:
.L_overlay_start_2:
0x1e2: {  	(tag) =	ssettag $0x2  }
0x1e3: {  	s0 =	rddreg [dreg:$0x0];
	s2 =	stileid.u32  }
0x1e4: {  	s1 =	rddreg [dreg:$0x1];
	p0 =	sne.s32 s2, $0x0  }
0x1e5: {  	s3 =	rddreg [dreg:$0x2];
	[bflag:$0x3] =	sbarrier.arrive $0xFFFF;
	s2 =	simm.s32 @!p0 $0x1C05  }
0x1e6: {  	[timem:s3], [sflag:s2] =	dma.local @!p0 [hbm:s0], s1  }
0x1e7: {  	s0 =	simm.s32 @!p0 $0x5  }
0x1e8: {  	_ =	swait.ge @!p0 [sflag:s0], s1  }
0x1e9: {  	s1 =	ssub.s32 @!p0 $0x0, s1;
	[sflag:s0] =	ssyncset.done @!p0 $0x0  }
0x1ea: {  	[sflag:s0] =	ssyncadd.s32 @!p0 s1  }
0x1eb: {  	[bflag:$0x3] =	sbarrier.arrive $0xFFFF  }
0x1ec: {  	_ =	shalt  }

// kernel: kernel.8.cloned.1.call-start
scs
__scs_entry_jumppad:
0x0: {  	(pc) =	sbr.rel $0x88, $3  }
0x1: {  	(tag) =	ssettag $0x0;
	lr =	simm.s32 $0x1  }
0x2: {  	[smem:$0x3F9B] =	sst lr;
	_ =	strace $0xD0000000  }
0x3: {  	_ = 	snop  }
0x4: {  	_ = 	snop  }
0x5: {  	_ = 	snop  }
0x6: {  	_ = 	snop  }
0x7: {  	_ = 	snop  }
__scs_overlays_trampoline_lowered:
0x8: {  	[smem:$0x3FAA] =	sst s0  }
0x9: {  	[smem:$0x3FAB] =	sst s1  }
0xa: {  	[smem:$0x3FAC] =	sst s2  }
0xb: {  	[smem:$0x3FAD] =	sst s3  }
0xc: {  	[smem:$0x3FAE] =	sst s4  }
0xd: {  	[smem:$0x3FAF] =	sst s5  }
0xe: {  	[smem:$0x3FB0] =	sst s6  }
0xf: {  	[smem:$0x3FB1] =	sst s7  }
0x10: {  	[smem:$0x3FB2] =	sst s8  }
0x11: {  	[smem:$0x3FB3] =	sst s9;
	s0 =	simm.s32 @!p0 $0x0  }
0x12: {  	s1 =	sld [smem:$0x3F99];
	s0 =	simm.s32 @p0 $0x1  }
0x13: {  	[smem:$0x3FB4] =	sst s0;
	s0 =	simm.s32 @!p1 $0x0  }
0x14: {  	s2 =	sld [smem:$0x3F98];
	s0 =	simm.s32 @p1 $0x1  }
0x15: {  	[smem:$0x3FB5] =	sst s0;
	s0 =	simm.s32 @!p2 $0x0  }
0x16: {  	s3 =	sld [smem:$0x3FDB];
	s0 =	simm.s32 @p2 $0x1  }
0x17: {  	s4 =	simm.s32 $0x1BF5;
	[smem:$0x3FB7] =	sst s0  }
0x18: {  	s0 =	sld [smem:$0x3F9A];
	_ =	swait.ge [sflag:s4], $0x0  }
0x19: {  	s7 =	sld [smem:$0x3F9B]  }
0x1a: {  	s8 =	sadd.s32 $0xFFFFE003, lr  }
0x1b: {  	s9 =	sadd.s32 $0xFFFFFEF7, lr;
	s5 =	simm.s32 $0xFFFFFFFF;
	p2 =	slt.u32 s8, $0xFFFFF086  }
0x1c: {  	p1 =	slt.u32 s9, $0xF7A;
	s5 =	simm.s32 @!p2 $0x0  }
0x1d: {  	s5 =	simm.s32 @p1 $0x1;
	p0 =	seq.s32 s7, s2  }
0x1e: {  	s7 =	smul.u32 @!p0 $0xF7A, s2;
	p2 =	seq.s32 @!p0 s5, $0x0  }
0x1f: {  	s9 =	smul.u32 $0xF7A, s1;
	s8 =	simm.s32 @!p0 $0x1BF5;
	p2 =	por !p2, p0  }
0x20: {  	[sflag:s8] =	ssyncset.s32 @!p0 $0xFFFFF086;
	s6 =	sadd.s32 @!p0 s3, s7;
	s7 =	simm.s32 @!p0 $0x108  }
0x21: {  	s3 =	sadd.s32 s3, s9;
	s6 =	sadd.s32 @!p0 $0x88, s6;
	s7 =	simm.s32 @p2 $0x1082  }
0x22: {  	[simem:s7], [sflag:s8] =	dma.local @!p0 [hbm:s6], $0xF7A  }
0x23: {  	s9 =	sor.u32 $0xD0000000, s2;
	s6 =	simm.s32 $0x108;
	_ =	swait.ge @!p0 [sflag:s8], $0x0  }
0x24: {  	s3 =	sadd.s32 $0x88, s3;
	s6 =	simm.s32 @!p1 $0x1082;
	[sflag:s4] =	ssyncset.s32 $0xFFFFF086  }
0x25: {  	[simem:s6], [sflag:s4] =	dma.local [hbm:s3], $0xF7A  }
0x26: {  	[smem:$0x3F9B] =	sst s1;
	(tag) =	ssettag s2;
	_ =	strace s9  }
0x27: {  	s1 =	sld [smem:$0x3FAB]  }
0x28: {  	s2 =	sld [smem:$0x3FAC]  }
0x29: {  	s4 =	sld [smem:$0x3FAE]  }
0x2a: {  	p0 =	seq.s32 s5, $0x0;
	s5 =	sld [smem:$0x3FAF]  }
0x2b: {  	s6 =	sld [smem:$0x3FB0]  }
0x2c: {  	s7 =	sld [smem:$0x3FB1]  }
0x2d: {  	s3 =	simm.s32 $0x108;
	s8 =	sld [smem:$0x3FB2]  }
0x2e: {  	s3 =	simm.s32 @!p0 $0x1082;
	s9 =	sld [smem:$0x3FB3]  }
0x2f: {  	lr =	sadd.s32 s0, s3;
	s0 =	sld [smem:$0x3FAA]  }
0x30: {  	s3 =	sld [smem:$0x3FAD]  }
0x31: {  	[smem:$0x3FB6] =	sst s10  }
0x32: {  	s10 =	sld [smem:$0x3FB4];
	_ =	sdelay $0x3  }
0x33: {  	p0 =	seq.s32 s10, $0x1;
	s10 =	sld [smem:$0x3FB6];
	_ =	sdelay $0x3  }
0x34: {  	[smem:$0x3FB6] =	sst s10  }
0x35: {  	s10 =	sld [smem:$0x3FB5];
	_ =	sdelay $0x3  }
0x36: {  	p1 =	seq.s32 s10, $0x1;
	s10 =	sld [smem:$0x3FB6];
	_ =	sdelay $0x3  }
0x37: {  	[smem:$0x3FB6] =	sst s10  }
0x38: {  	s10 =	sld [smem:$0x3FB7]  }
0x39: {  	_ = 	snop;
	(pc) =	sbr.ind lr, $3  }
0x3a: {  	_ = 	snop  }
0x3b: {  	_ = 	snop  }
0x3c: {  	p2 =	seq.s32 s10, $0x1;
	s10 =	sld [smem:$0x3FB6]  }
0x3d: {  	_ =	shalt  }
0x3e: {  	_ =	shalt  }
0x3f: {  	_ =	shalt  }
0x40: {  	_ =	shalt  }
0x41: {  	_ =	shalt  }
0x42: {  	_ =	shalt  }
0x43: {  	_ =	shalt  }
0x44: {  	_ =	shalt  }
0x45: {  	_ =	shalt  }
0x46: {  	_ =	shalt  }
0x47: {  	_ =	shalt  }
0x48: {  	_ =	shalt  }
0x49: {  	_ =	shalt  }
0x4a: {  	_ =	shalt  }
0x4b: {  	_ =	shalt  }
0x4c: {  	_ =	shalt  }
0x4d: {  	_ =	shalt  }
0x4e: {  	_ =	shalt  }
0x4f: {  	_ =	shalt  }
0x50: {  	_ =	shalt  }
0x51: {  	_ =	shalt  }
0x52: {  	_ =	shalt  }
0x53: {  	_ =	shalt  }
0x54: {  	_ =	shalt  }
0x55: {  	_ =	shalt  }
0x56: {  	_ =	shalt  }
0x57: {  	_ =	shalt  }
0x58: {  	_ =	shalt  }
0x59: {  	_ =	shalt  }
0x5a: {  	_ =	shalt  }
0x5b: {  	_ =	shalt  }
0x5c: {  	_ =	shalt  }
0x5d: {  	_ =	shalt  }
0x5e: {  	_ =	shalt  }
0x5f: {  	_ =	shalt  }
0x60: {  	_ =	shalt  }
0x61: {  	_ =	shalt  }
0x62: {  	_ =	shalt  }
0x63: {  	_ =	shalt  }
0x64: {  	_ =	shalt  }
0x65: {  	_ =	shalt  }
0x66: {  	_ =	shalt  }
0x67: {  	_ =	shalt  }
0x68: {  	_ =	shalt  }
0x69: {  	_ =	shalt  }
0x6a: {  	_ =	shalt  }
0x6b: {  	_ =	shalt  }
0x6c: {  	_ =	shalt  }
0x6d: {  	_ =	shalt  }
0x6e: {  	_ =	shalt  }
0x6f: {  	_ =	shalt  }
0x70: {  	_ =	shalt  }
0x71: {  	_ =	shalt  }
0x72: {  	_ =	shalt  }
0x73: {  	_ =	shalt  }
0x74: {  	_ =	shalt  }
0x75: {  	_ =	shalt  }
0x76: {  	_ =	shalt  }
0x77: {  	_ =	shalt  }
0x78: {  	_ =	shalt  }
0x79: {  	_ =	shalt  }
0x7a: {  	_ =	shalt  }
0x7b: {  	_ =	shalt  }
0x7c: {  	_ =	shalt  }
0x7d: {  	_ =	shalt  }
0x7e: {  	_ =	shalt  }
0x7f: {  	_ =	shalt  }
0x80: {  	_ =	shalt  }
0x81: {  	_ =	shalt  }
0x82: {  	_ =	shalt  }
0x83: {  	_ =	shalt  }
0x84: {  	_ =	shalt  }
0x85: {  	_ =	shalt  }
0x86: {  	_ =	shalt  }
0x87: {  	_ =	shalt  }
.Lfunc_end0:
.L_simem_size_0:
called_computation_lowered:
.L_overlay_start_0:
0x88: {  	s2 =	sld [smem:$0x3FD9]  }
0x89: {  	s3 =	sld [smem:$0x3FFE];
	_ =	sdelay $0x1  }
0x8a: {  	s1 =	srdreg.scid  }
0x8b: {  	s0 =	sand.u32 $0x1, s1  }
0x8c: {  	s17 =	sshll.u32 s0, $0xA;
	s2 =	sadd.s32 s3, s2  }
0x8d: {  	s2 =	sadd.s32 s2, s17  }
0x8e: {  	[smem:$0x3FC2] =	sst s2  }
0x8f: {  	_ = 	snop  }
0x90: {  	s2 =	sld [smem:$0x3FD0];
	(tm) =	ssettm $0x1  }
0x91: {  	s18 =	sld [smem:$0x3FFB];
	_ =	sdelay $0x3  }
0x92: {  	_ =	strace s18  }
0x93: {  	s3 =	sld [smem:$0x3FFC];
	_ =	sdelay $0x3  }
0x94: {  	_ =	strace s3  }
0x95: {  	s3 =	sld [smem:$0x3FFD];
	_ =	sdelay $0x3  }
0x96: {  	_ =	strace s3  }
0x97: {  	_ =	strace $0x8FFFFFFF  }
0x98: {  	s19 =	sld [smem:$0x3FDB];
	_ =	sdelay $0x1  }
0x99: {  	s4 =	simm.s32 $_scs_section_size  }
0x9a: {  	s5 =	simm.s32 $_size__tile_overlayer_lowered;
	s6 =	simm.s32 $_tile_overlayer_lowered  }
0x9b: {  	s22 =	simm.s32 $0x1BFF;
	s21 =	sshll.u32 s6, $0x1;
	s3 =	sadd.s32 s4, s19  }
0x9c: {  	s7 =	simm.s32 $0x0;
	s20 =	sshll.u32 s5, $0x1;
	s5 =	sadd.s32 s21, s3  }
0x9d: {  	[timem:s7], [sflag:s22] =	dma.local [hbm:s5], s20  }
0x9e: {  	_ =	swait.ge [sflag:s22], s20  }
0x9f: {  	s4 =	ssub.s32 $0x0, s20;
	[sflag:s22] =	ssyncset.done $0x0  }
0xa0: {  	[sflag:s22] =	ssyncadd.s32 s4;
	_ =	sdelay $0x1  }
0xa1: {  	s23 =	simm.s32 $0x1B8B  }
0xa2: {  	_ =	swait.ge [sflag:s23], $0x1  }
0xa3: {  	[sflag:s23] =	ssyncset.done $0x0  }
0xa4: {  	s25 =	simm.s32 $0x1B8E;
	s24 =	sld [smem:$0x3FFE];
	[sflag:s23] =	ssyncadd.s32 $0xFFFFFFFF  }
0xa5: {  	s26 =	simm.s32 $execute0_lowered;
	[smem:$0x3FD2] =	sst s25  }
0xa6: {  	s5 =	sshll.u32 s26, $0x1;
	_ =	strace $0x80000046;
	[dreg:$0x1] =	wrdreg $0xFFFFFFFF  }
0xa7: {  	s28 =	simm.s32 $_size_execute0_lowered;
	s3 =	sadd.s32 s3, s5;
	[dreg:$0x0] =	wrdreg $0x0  }
0xa8: {  	s5 =	sshll.u32 s28, $0x1;
	[dreg:$0x2] =	wrdreg s3  }
0xa9: {  	[dreg:$0x3] =	wrdreg s5  }
0xaa: {  	[dreg:$0x4] =	wrdreg $0xC0  }
0xab: {  	_ =	task [dreg:s7], $0x5FFFF  }
0xac: {  	[dreg:$0x1] =	wrdreg $0xFFFFFFFF  }
0xad: {  	[dreg:$0x0] =	wrdreg $0x60  }
0xae: {  	[dreg:$0x2] =	wrdreg s2  }
0xaf: {  	[dreg:$0x3] =	wrdreg s24  }
0xb0: {  	[dreg:$0x4] =	wrdreg $0x28800  }
0xb1: {  	[dreg:$0x5] =	wrdreg $0x9  }
0xb2: {  	_ =	task.clear_ibuf [dreg:s7], $0x6FFFF;
	_ =	strace $0x90000046  }
0xb3: {  	s29 =	simm.s32 $0x9;
	_ =	strace $0x80000048  }
0xb4: {  	_ =	swait.ge [sflag:s29], $0x1  }
0xb5: {  	[sflag:s29] =	ssyncadd.s32 $0xFFFFFFFF  }
0xb6: {  	_ =	strace $0x90000048  }
0xb7: {  	_ =	sfence  }
0xb8: {  	s30 =	sld [smem:$0x0];
	_ =	sdelay $0x2  }
0xb9: {  	s31 =	sshll.u32 s1, $0xD;
	s1 =	sshrl.u32 s1, $0x2  }
0xba: {  	s3 =	sand.u32 $0x4000, s31;
	s1 =	sadd.s32 s1, s30  }
0xbb: {  	s0 =	sor.u32 s3, s0;
	s1 =	sshll.u32 s1, $0x11  }
0xbc: {  	s0 =	sor.u32 s1, s0  }
0xbd: {  	s0 =	sadd.s32 $0x8F2B, s0  }
0xbe: {  	[sflag:s0] =	ssyncadd.remote.s32 $0x1  }
0xbf: {  	_ =	sfence.sel $0xFFFF  }
0xc0: {  	[dreg:$0x0] =	wrdreg $0xFFFFFFFF;
	(pc) =	sbr.abs _section_cstart, $3  }
0xc1: {  	[dreg:$0x1] =	wrdreg $0xFFFFFFFF  }
0xc2: {  	_ =	task.clear_ibuf [dreg:s7], $0x2FFFF;
	_ =	strace $0x9FFFFFFF  }
0xc3: {  	(tm) =	ssettm $0x7FFFFFFF  }
tec
execute0_lowered:
.L_overlay_start_1:
0x0: {  	(tag) =	ssettag $0x1  }
0x1: {  	s4 =	rddreg [dreg:$0x0]  }
0x2: {  	s5 =	rddreg [dreg:$0x1]  }
0x3: {  	s1 =	rddreg [dreg:$0x2]  }
0x4: {  	s0 =	rddreg [dreg:$0x3]  }
0x5: {  	s2 =	simm.s32 $0x0;
	s3 =	srdreg.scid;
	s6 =	stileid.u32  }
0x6: {  	s11 =	simm.s32 $0x0;
	[smem:$0x7FF] =	sst s2;
	s3 =	sand.u32 $0x1, s3  }
0x7: {  	s7 =	sshll.u32 s6, $0x1;
	p0 =	sne.s32 s6, $0x0;
	_ =	strace $0x80000047  }
0x8: {  	s8 =	ssub.s32 $0x2, s3;
	s7 =	sor.u32 s3, s7;
	s9 =	sshll.u32 s3, $0x4  }
0x9: {  	s3 =	sadd.s32 $0x2600, s5;
	s10 =	sshrl.u32 s8, $0x1;
	s7 =	smul.u32 $0x500, s7  }
0xa: {  	s5 =	sadd.s32 s9, s5;
	s9 =	simm.s32 $0x80;
	s8 =	ssub.s32 s8, s10  }
0xb: {  	s5 =	sadd.s32 $0x2C00, s5;
	s10 =	simm.s32 $0x2800;
	s4 =	sadd.s32 s4, s7  }
0xc: {  	v0 =	vimm.f32 $1.000000000e+00;
	s6 =	smax.u32 s8, $0x1;
	s7 =	sshrl.u32 @!p0 s1, $0x3;
	s8 =	simm.s32 $0x1  }
.LBB2_1:
0xd: {  	s12 =	simm.s32 @!p0 $0x1C01  }
0xe: {  	[spmem:s7], [sflag:s12] =	dma.local @!p0 [hbm:s3], $0x500  }
0xf: {  	s12 =	simm.s32 @!p0 $0x1  }
0x10: {  	_ =	swait.ge @!p0 [sflag:s12], $0x500  }
0x11: {  	[sflag:s12] =	ssyncset.done @!p0 $0x0  }
0x12: {  	[sflag:s12] =	ssyncadd.s32 @!p0 $0xFFFFFB00  }
0x13: {  	[tilespmem:$0x2800] =	vst v0  }
0x14: {  	[tilespmem:$0x2810] =	vst v0  }
0x15: {  	[tilespmem:$0x2820] =	vst v0  }
0x16: {  	[tilespmem:$0x2830] =	vst v0  }
0x17: {  	[tilespmem:$0x2840] =	vst v0  }
0x18: {  	[tilespmem:$0x2850] =	vst v0  }
0x19: {  	[tilespmem:$0x2860] =	vst v0  }
0x1a: {  	[tilespmem:$0x2870] =	vst v0  }
0x1b: {  	[tilespmem:s2], [sflag:$0x1] =	stream.linear.gather [hbm4b:s4+s2], $0x2800, $0x38;
	[tilespmem:$0x2B00] =	vst v63  }
0x1c: {  	_ =	swait.ge [sflag:s8], $0x2800  }
0x1d: {  	[sflag:s8] =	ssyncset.done $0x0  }
0x1e: {  	[sflag:s8] =	ssyncadd.s32 $0xFFFFD800  }
0x1f: {  	s31 =	simm.s32 $0x0;
	[bflag:$0x0] =	sbarrier.arrive $0xFFFF  }
0x20: {  	[spmem:s1] =	stream.indirect.scatter.add.f32 [tilespmem:s10], [sflag:$0x1], $0x1, s31, s9, $0xb8;
	[tilespmem:$0x2B00] =	vst v63  }
0x21: {  	_ =	swait.ge [sflag:s8], $0x80  }
0x22: {  	s12 =	simm.s32 $0x200;
	[sflag:s8] =	ssyncset.done $0x0  }
.LBB2_2:
0x23: {  	s13 =	sshra.s32 s12, $0x2;
	[sflag:s8] =	ssyncadd.s32 $0xFFFFFF80;
	p1 =	sne.s32 s12, $0x9E00  }
0x24: {  	[spmem:s1] =	stream.indirect.scatter.add.f32 [tilespmem:s10], [sflag:$0x1], $0x1, s13, s9, $0xb8;
	[tilespmem:$0x2B00] =	vst v63  }
.Ltmp0:
0x25: {  	_ = 	snop;
	(pc) =	sbr.rel @p1 .LBB2_2-.Ltmp0, $4  }
0x26: {  	_ = 	snop  }
0x27: {  	s12 =	sadd.s32 $0x200, s12  }
0x28: {  	_ =	swait.ge [sflag:s8], $0x80  }
0x29: {  	[sflag:s8] =	ssyncset.done $0x0  }
0x2a: {  	[sflag:s8] =	ssyncadd.s32 $0xFFFFFF80;
	s12 =	simm.s32 @!p0 $0x1;
	s11 =	sadd.s32 $0x1, s11  }
0x2b: {  	s13 =	simm.s32 @!p0 $0x20;
	s14 =	simm.s32 @!p0 $0x10;
	p1 =	sne.s32 s11, s6  }
.Ltmp1:
0x2c: {  	s15 =	simm.s32 @!p0 $0x1C01;
	[bflag:$0x0] =	sbarrier.arrive $0xFFFF;
	(pc) =	sbr.rel @p1 .LBB2_1-.Ltmp1, $4  }
0x2d: {  	[hbm:s5@s13], [sflag:s15] =	dma.strided @!p0 [spmem:s7@s14], $0x500, s12, $0x10   }
0x2e: {  	_ =	swait.ge @!p0 [sflag:s12], $0x500  }
0x2f: {  	[sflag:s12] =	ssyncset.done @!p0 $0x0  }
0x30: {  	[sflag:s12] =	ssyncadd.s32 @!p0 $0xFFFFFB00  }
0x31: {  	_ =	sfence.sel $0x180000  }
0x32: {  	[bflag:$0x0] =	sbarrier.arrive $0xFFFF  }
0x33: {  	_ =	strace $0x90000047  }
0x34: {  	s0 =	sadd.s32 @!p0 $0x100000, s0;
	[bflag:$0x2] =	sbarrier.arrive $0xFFFF  }
0x35: {  	[sflag:s0] =	ssyncadd.tile.s32 @!p0 $0x1;
	_ =	shalt  }
.Lfunc_end2:
_tile_overlayer_lowered:
.L_overlay_start_2:
0x36: {  	(tag) =	ssettag $0x2  }
0x37: {  	s0 =	rddreg [dreg:$0x0];
	s2 =	stileid.u32  }
0x38: {  	s1 =	rddreg [dreg:$0x1];
	p0 =	sne.s32 s2, $0x0  }
0x39: {  	s3 =	rddreg [dreg:$0x2];
	[bflag:$0x3] =	sbarrier.arrive $0xFFFF;
	s2 =	simm.s32 @!p0 $0x1C01  }
0x3a: {  	[timem:s3], [sflag:s2] =	dma.local @!p0 [hbm:s0], s1  }
0x3b: {  	s0 =	simm.s32 @!p0 $0x1  }
0x3c: {  	_ =	swait.ge @!p0 [sflag:s0], s1  }
0x3d: {  	s1 =	ssub.s32 @!p0 $0x0, s1;
	[sflag:s0] =	ssyncset.done @!p0 $0x0  }
0x3e: {  	[sflag:s0] =	ssyncadd.s32 @!p0 s1  }
0x3f: {  	[bflag:$0x3] =	sbarrier.arrive $0xFFFF  }
0x40: {  	_ =	shalt  }

</sc_bundles>
